<compile_context>
chip_gen: v7x
topology: tpu7x:2x2x1
jax: 0.10.2.dev20260603
libtpu: 0.0.44.dev20260713+nightly
codegen_flags: <defaults>
</compile_context>

<pallas_src>
import functools

import jax
import jax.numpy as jnp
from jax import lax
from jax.experimental import pallas as pl
from jax.experimental.pallas import tpu as pltpu
from jax.experimental.pallas import tpu_sc as plsc

NC, NS, LANES = 2, 16, 16
NW = NC * NS
CHUNK = 80


def _logits_body(x_ref, w1_ref, att2_ref, es_ref, m_ref):
    wcat_t = lax.dot_general(
        att2_ref[...], w1_ref[...],
        dimension_numbers=(((0,), (1,)), ((), ())),
        preferred_element_type=jnp.float32,
    )
    es_t = lax.dot_general(
        wcat_t, x_ref[...],
        dimension_numbers=(((1,), (1,)), ((), ())),
        preferred_element_type=jnp.float32,
    )
    es_ref[...] = es_t
    m = jnp.maximum(jnp.max(es_t[0]) + jnp.max(es_t[1]), 0.0)
    m_ref[...] = jnp.full(m_ref.shape, m, jnp.float32)


def _node_logits(x, w1, att2):
    n = x.shape[0]
    return pl.pallas_call(
        _logits_body,
        out_shape=[
            jax.ShapeDtypeStruct((2, n), jnp.float32),
            jax.ShapeDtypeStruct((8, 128), jnp.float32),
        ],
    )(x, w1, att2)


def _sc_edge_body(src_hbm, dst_hbm, esrc_hbm, edst_hbm, m_hbm, x_hbm,
                  agg_out, den_out,
                  srcv, dstv, pv, rows_v, esrc_v, edst_v, den_v, m_v,
                  agg_s, sem):
    n = esrc_v.shape[0]
    npad = agg_s.shape[0]
    e_total = src_hbm.shape[0]
    epw = e_total // NW
    nchunk = epw // CHUNK
    rows_per_tile = npad // NS

    cid = lax.axis_index("c")
    sid = lax.axis_index("s")
    wid = sid * NC + cid

    pltpu.sync_copy(esrc_hbm, esrc_v)
    pltpu.sync_copy(edst_hbm, edst_v)
    pltpu.sync_copy(m_hbm, m_v)
    mvec = m_v[0, pl.ds(0, LANES)]

    def _zero_den(i, _):
        den_v[pl.ds(i * LANES, LANES)] = jnp.zeros((LANES,), jnp.float32)
        return _
    lax.fori_loop(0, n // LANES, _zero_den, None)

    def _zero_rows(j, _):
        for c in range(128 // LANES):
            rows_v[j, pl.ds(c * LANES, LANES)] = jnp.zeros((LANES,), jnp.float32)
        return _
    lax.fori_loop(0, CHUNK, _zero_rows, None)

    for b in range(rows_per_tile // CHUNK):
        pltpu.sync_copy(rows_v, agg_s.at[pl.ds(sid * rows_per_tile + b * CHUNK, CHUNK)])
    plsc.subcore_barrier()

    def _chunk(i, _):
        off = wid * epw + i * CHUNK
        pltpu.sync_copy(src_hbm.at[pl.ds(off, CHUNK)], srcv)
        pltpu.sync_copy(dst_hbm.at[pl.ds(off, CHUNK)], dstv)

        for g in range(CHUNK // LANES):
            i_s = srcv[pl.ds(g * LANES, LANES)]
            i_d = dstv[pl.ds(g * LANES, LANES)]
            u = plsc.load_gather(esrc_v, [i_s]) + plsc.load_gather(edst_v, [i_d])
            p = jnp.exp(jnp.maximum(u, 0.2 * u) - mvec)
            pv[pl.ds(g * LANES, LANES)] = p
            plsc.addupdate_scatter(den_v, [i_d], p)

        pltpu.async_copy(x_hbm.at[srcv], rows_v, sem).wait()

        def _scale(gg, _):
            sv = pv[pl.ds(gg * LANES, LANES)]
            for j in range(LANES):
                s = sv[j]
                row = gg * LANES + j
                for c in range(128 // LANES):
                    sl = pl.ds(c * LANES, LANES)
                    rows_v[row, sl] = rows_v[row, sl] * s
            return _
        lax.fori_loop(0, CHUNK // LANES, _scale, None)

        pltpu.sync_copy(rows_v, agg_s.at[dstv], add=True)
        return _

    lax.fori_loop(0, nchunk, _chunk, None)
    plsc.subcore_barrier()

    pltpu.sync_copy(den_v, den_out.at[wid])
    row0 = sid * rows_per_tile
    pltpu.sync_copy(agg_s.at[pl.ds(row0, rows_per_tile)],
                    agg_out.at[cid, pl.ds(row0, rows_per_tile)])


def _sc_edge_aggregate(src, dst, esrc, edst, m8, x):
    n, in_dim = x.shape
    npad = ((n + NW * CHUNK - 1) // (NW * CHUNK)) * NW * CHUNK
    mesh = plsc.VectorSubcoreMesh(
        core_axis_name="c", subcore_axis_name="s",
        num_cores=NC, num_subcores=NS,
    )
    run = pl.kernel(
        _sc_edge_body,
        out_type=[
            jax.ShapeDtypeStruct((NC, npad, in_dim), jnp.float32),
            jax.ShapeDtypeStruct((NW, n), jnp.float32),
        ],
        mesh=mesh,
        compiler_params=pltpu.CompilerParams(needs_layout_passes=False),
        scratch_types=[
            pltpu.VMEM((CHUNK,), jnp.int32),
            pltpu.VMEM((CHUNK,), jnp.int32),
            pltpu.VMEM((CHUNK,), jnp.float32),
            pltpu.VMEM((CHUNK, in_dim), jnp.float32),
            pltpu.VMEM((n,), jnp.float32),
            pltpu.VMEM((n,), jnp.float32),
            pltpu.VMEM((n,), jnp.float32),
            pltpu.VMEM((8, 128), jnp.float32),
            pltpu.VMEM_SHARED((npad, in_dim), jnp.float32),
            pltpu.SemaphoreType.DMA,
        ],
    )
    return run(src, dst, esrc, edst, m8, x)


def _tail_body(agg0_ref, agg1_ref, den_ref, w1_ref, w2_ref, out_ref):
    agg = agg0_ref[...] + agg1_ref[...]
    den = jnp.sum(den_ref[...], axis=1)
    a = agg / (den + 1e-16)[:, None]
    h = jnp.dot(a, w1_ref[...], preferred_element_type=jnp.float32)
    h1 = jnp.where(h > 0, h, jnp.exp(h) - 1.0)
    o = jnp.dot(h1, w2_ref[...], preferred_element_type=jnp.float32)
    nrm = jnp.sqrt(jnp.sum(o * o, axis=-1, keepdims=True))
    out_ref[...] = o / (nrm + 1e-12)


def _tail(agg0, agg1, den, w1, w2):
    n, in_dim = agg0.shape
    out_dim = w2.shape[1]
    blk = 1000
    grid = n // blk
    return pl.pallas_call(
        _tail_body,
        grid=(grid,),
        in_specs=[
            pl.BlockSpec((blk, in_dim), lambda i: (i, 0)),
            pl.BlockSpec((blk, in_dim), lambda i: (i, 0)),
            pl.BlockSpec((blk, NW), lambda i: (i, 0)),
            pl.BlockSpec(w1.shape, lambda i: (0, 0)),
            pl.BlockSpec(w2.shape, lambda i: (0, 0)),
        ],
        out_specs=pl.BlockSpec((blk, out_dim), lambda i: (i, 0)),
        out_shape=jax.ShapeDtypeStruct((n, out_dim), jnp.float32),
    )(agg0, agg1, den, w1, w2)


def _encode(g, x, w1, att2, w2):
    n = x.shape[0]
    es, m8 = _node_logits(x, w1, att2)
    aggp, denp = _sc_edge_aggregate(
        g[0], g[1], es[0], es[1], m8, x)
    return _tail(aggp[0, :n], aggp[1, :n], denp.T, w1, w2)


@jax.jit
def kernel(g_omics1, features_omics1, g_omics2, features_omics2,
           W1, att_src, att_dst, W2):
    att2 = jnp.stack([att_src, att_dst], axis=1)
    z1 = _encode(g_omics1, features_omics1, W1, att2, W2)
    z2 = _encode(g_omics2, features_omics2, W1, att2, W2)
    return (z1, z2)

# --- scband reference (transcript-rebuilt; emitter-appended) ---
"""Pipeline reference for scband-encoder-shared-30932354465911 (READ-ONLY COPY).

The authoritative reference and input builder live on the scoring server;
editing this copy changes nothing except your own understanding.
"""

import jax, jax.numpy as jnp
import numpy as np

N = 10000
E = 320000
IN_DIM, HID_DIM, OUT_DIM = 128, 512, 128


def setup_inputs(seed: int = 0) -> dict:
    key = jax.random.key(seed)
    ks = jax.random.split(key, 10)
    g1 = jax.random.randint(ks[0], (2, E), 0, N, dtype=jnp.int32)
    f1 = jax.random.normal(ks[1], (N, IN_DIM), dtype=jnp.float32)
    g2 = jax.random.randint(ks[2], (2, E), 0, N, dtype=jnp.int32)
    f2 = jax.random.normal(ks[3], (N, IN_DIM), dtype=jnp.float32)
    # shared encoder parameters (glorot-ish scaling)
    W1 = jax.random.normal(ks[4], (IN_DIM, HID_DIM), dtype=jnp.float32) * (1.0 / np.sqrt(IN_DIM))
    att_src = jax.random.normal(ks[5], (HID_DIM,), dtype=jnp.float32) * (1.0 / np.sqrt(HID_DIM))
    att_dst = jax.random.normal(ks[6], (HID_DIM,), dtype=jnp.float32) * (1.0 / np.sqrt(HID_DIM))
    W2 = jax.random.normal(ks[7], (HID_DIM, OUT_DIM), dtype=jnp.float32) * (1.0 / np.sqrt(HID_DIM))
    return {"g_omics1": g1, "features_omics1": f1, "g_omics2": g2, "features_omics2": f2,
            "W1": W1, "att_src": att_src, "att_dst": att_dst, "W2": W2}


def _gat_conv_attn(x, edge_index, W, a_src, a_dst):
    # GATConv, heads=1, concat=False, no self loops, no bias
    h = x @ W  # [N, C]
    src = edge_index[0]
    dst = edge_index[1]
    n = h.shape[0]
    e_src = (h * a_src[None, :]).sum(axis=-1)  # [N]
    e_dst = (h * a_dst[None, :]).sum(axis=-1)  # [N]
    e = jax.nn.leaky_relu(e_src[src] + e_dst[dst], negative_slope=0.2)  # [E]
    # numerically-stable softmax over incoming edges of each dst node
    m = jax.ops.segment_max(e, dst, num_segments=n)
    m = jnp.where(jnp.isfinite(m), m, 0.0)
    p = jnp.exp(e - m[dst])
    denom = jax.ops.segment_sum(p, dst, num_segments=n)
    attn = p / (denom[dst] + 1e-16)
    out = jax.ops.segment_sum(h[src] * attn[:, None], dst, num_segments=n)
    return out


def _encoder(edge_index, features, W1, a_src, a_dst, W2):
    h1 = jax.nn.elu(_gat_conv_attn(features, edge_index, W1, a_src, a_dst))
    # conv2 called with attention=False -> pure linear transform (STAGATE-style GATConv)
    h2 = h1 @ W2
    return h2


def _normalize_tensor(h, eps=1e-12):
    norm = jnp.linalg.norm(h, axis=-1, keepdims=True)
    return h / (norm + eps)


def reference(g_omics1, features_omics1, g_omics2, features_omics2, W1, att_src, att_dst, W2):
    h1 = _encoder(g_omics1, features_omics1, W1, att_src, att_dst, W2)
    h2 = _encoder(g_omics2, features_omics2, W1, att_src, att_dst, W2)
    z1 = _normalize_tensor(h1)
    z2 = _normalize_tensor(h2)
    return (z1, z2)

if __name__ == "__main__":
    import jax
    _d = setup_inputs()
    print(jax.jit(kernel)(*tuple(_d.values())))

</pallas_src>

<mosaic_0001>
#map = affine_map<(d0, d1) -> (0)>
#map1 = affine_map<(d0, d1) -> (0, 0)>
#map2 = affine_map<(d0, d1) -> (0, 0, 0)>
module attributes {stable_mosaic.version = 14 : i64} {
  func.func @_sc_edge_body(%arg0: i32, %arg1: i32, %arg2: memref<320000xi32, #tpu.memory_space<hbm>>, %arg3: memref<320000xi32, #tpu.memory_space<hbm>>, %arg4: memref<10000xf32, #tpu.memory_space<hbm>>, %arg5: memref<10000xf32, #tpu.memory_space<hbm>>, %arg6: memref<8x128xf32, #tpu.memory_space<hbm>>, %arg7: memref<10000x128xf32, #tpu.memory_space<hbm>>, %arg8: memref<2x10240x128xf32, #tpu.memory_space<hbm>>, %arg9: memref<32x10000xf32, #tpu.memory_space<hbm>>, %arg10: memref<80xi32, #tpu.memory_space<vmem>>, %arg11: memref<80xi32, #tpu.memory_space<vmem>>, %arg12: memref<80xf32, #tpu.memory_space<vmem>>, %arg13: memref<80x128xf32, #tpu.memory_space<vmem>>, %arg14: memref<10000xf32, #tpu.memory_space<vmem>>, %arg15: memref<10000xf32, #tpu.memory_space<vmem>>, %arg16: memref<10000xf32, #tpu.memory_space<vmem>>, %arg17: memref<8x128xf32, #tpu.memory_space<vmem>>, %arg18: memref<10240x128xf32, #tpu.memory_space<vmem_shared>>, %arg19: memref<!tpu.dma_semaphore, #tpu.memory_space<semaphore_mem>>) attributes {dimension_semantics = [#tpu.dimension_semantics<core_parallel>, #tpu.dimension_semantics<subcore_parallel>], iteration_bounds = array<i64: 2, 16>, scalar_prefetch = 0 : i64, scratch_operands = 10 : i64, tpu.core_type = #tpu.core_type<sc_vector_subcore>, window_params = [{transform_indices = #map}, {transform_indices = #map}, {transform_indices = #map}, {transform_indices = #map}, {transform_indices = #map1}, {transform_indices = #map1}, {transform_indices = #map2}, {transform_indices = #map1}]} {
    %mul3A = arith.constant 2 : i32
    %mul3A_0 = arith.muli %arg1, %mul3A : i32
    %add3A = arith.addi %mul3A_0, %arg0 : i32
    "tpu.region"() ({
      %run_scoped3A = tpu.sem_alloc : memref<!tpu.dma_semaphore, #tpu.memory_space<semaphore_mem>>
      tpu.enqueue_dma source(%arg4 : memref<10000xf32, #tpu.memory_space<hbm>>) target(%arg14 : memref<10000xf32, #tpu.memory_space<vmem>>) target_semaphore(%run_scoped3A : memref<!tpu.dma_semaphore, #tpu.memory_space<semaphore_mem>>)
      tpu.wait_dma2 semaphore(%run_scoped3A : memref<!tpu.dma_semaphore, #tpu.memory_space<semaphore_mem>>) src(%arg4 : memref<10000xf32, #tpu.memory_space<hbm>>) dst(%arg14 : memref<10000xf32, #tpu.memory_space<vmem>>)
      tpu.yield
    }) : () -> ()
    "tpu.region"() ({
      %run_scoped3A = tpu.sem_alloc : memref<!tpu.dma_semaphore, #tpu.memory_space<semaphore_mem>>
      tpu.enqueue_dma source(%arg5 : memref<10000xf32, #tpu.memory_space<hbm>>) target(%arg15 : memref<10000xf32, #tpu.memory_space<vmem>>) target_semaphore(%run_scoped3A : memref<!tpu.dma_semaphore, #tpu.memory_space<semaphore_mem>>)
      tpu.wait_dma2 semaphore(%run_scoped3A : memref<!tpu.dma_semaphore, #tpu.memory_space<semaphore_mem>>) src(%arg5 : memref<10000xf32, #tpu.memory_space<hbm>>) dst(%arg15 : memref<10000xf32, #tpu.memory_space<vmem>>)
      tpu.yield
    }) : () -> ()
    "tpu.region"() ({
      %run_scoped3A = tpu.sem_alloc : memref<!tpu.dma_semaphore, #tpu.memory_space<semaphore_mem>>
      tpu.enqueue_dma source(%arg6 : memref<8x128xf32, #tpu.memory_space<hbm>>) target(%arg17 : memref<8x128xf32, #tpu.memory_space<vmem>>) target_semaphore(%run_scoped3A : memref<!tpu.dma_semaphore, #tpu.memory_space<semaphore_mem>>)
      tpu.wait_dma2 semaphore(%run_scoped3A : memref<!tpu.dma_semaphore, #tpu.memory_space<semaphore_mem>>) src(%arg6 : memref<8x128xf32, #tpu.memory_space<hbm>>) dst(%arg17 : memref<8x128xf32, #tpu.memory_space<vmem>>)
      tpu.yield
    }) : () -> ()
    %get3A = arith.constant 0 : i32
    %get3A_1 = arith.index_cast %get3A : i32 to index
    %get3A_2 = arith.constant 0 : index
    %get3A_3 = tpu.vector_load %arg17[%get3A_1, %get3A_2] {strides = array<i32>} : memref<8x128xf32, #tpu.memory_space<vmem>>, vector<16xf32>,
    %scan3A = arith.constant 0 : i32
    %scan3A_4 = arith.constant 625 : i32
    %scan3A_5 = arith.addi %scan3A, %scan3A_4 : i32
    %scan3A_6 = arith.constant 1 : i32
    scf.for %scan3A_53 = %scan3A to %scan3A_5 step %scan3A_6  : i32 {
      %broadcast_in_dim3A = arith.constant 0.000000e+00 : f32
      %broadcast_in_dim3A_54 = vector.broadcast %broadcast_in_dim3A : f32 to vector<16xf32>
      %mul3A_55 = arith.constant 16 : i32
      %mul3A_56 = arith.muli %scan3A_53, %mul3A_55 : i32
      %swap3A = arith.index_cast %mul3A_56 : i32 to index
      %swap3A_57 = tpu.vector_load %arg16[%swap3A] {strides = array<i32>} : memref<10000xf32, #tpu.memory_space<vmem>>, vector<16xf32>,
      tpu.vector_store %arg16[%swap3A], %broadcast_in_dim3A_54 {strides = array<i32>} : memref<10000xf32, #tpu.memory_space<vmem>>, vector<16xf32>,
    }
    %scan3A_7 = arith.constant 625 : i32
    %scan3A_8 = arith.constant 0 : i32
    %scan3A_9 = arith.constant 80 : i32
    %scan3A_10 = arith.addi %scan3A_8, %scan3A_9 : i32
    %scan3A_11 = arith.constant 1 : i32
    scf.for %scan3A_53 = %scan3A_8 to %scan3A_10 step %scan3A_11  : i32 {
      %broadcast_in_dim3A = arith.constant 0.000000e+00 : f32
      %broadcast_in_dim3A_54 = vector.broadcast %broadcast_in_dim3A : f32 to vector<16xf32>
      %swap3A = arith.index_cast %scan3A_53 : i32 to index
      %swap3A_55 = arith.constant 0 : index
      %swap3A_56 = tpu.vector_load %arg13[%swap3A, %swap3A_55] {strides = array<i32>} : memref<80x128xf32, #tpu.memory_space<vmem>>, vector<16xf32>,
      tpu.vector_store %arg13[%swap3A, %swap3A_55], %broadcast_in_dim3A_54 {strides = array<i32>} : memref<80x128xf32, #tpu.memory_space<vmem>>, vector<16xf32>,
      %broadcast_in_dim3A_57 = arith.constant 0.000000e+00 : f32
      %broadcast_in_dim3A_58 = vector.broadcast %broadcast_in_dim3A_57 : f32 to vector<16xf32>
      %swap3A_59 = arith.index_cast %scan3A_53 : i32 to index
      %swap3A_60 = arith.constant 16 : index
      %swap3A_61 = tpu.vector_load %arg13[%swap3A_59, %swap3A_60] {strides = array<i32>} : memref<80x128xf32, #tpu.memory_space<vmem>>, vector<16xf32>,
      tpu.vector_store %arg13[%swap3A_59, %swap3A_60], %broadcast_in_dim3A_58 {strides = array<i32>} : memref<80x128xf32, #tpu.memory_space<vmem>>, vector<16xf32>,
      %broadcast_in_dim3A_62 = arith.constant 0.000000e+00 : f32
      %broadcast_in_dim3A_63 = vector.broadcast %broadcast_in_dim3A_62 : f32 to vector<16xf32>
      %swap3A_64 = arith.index_cast %scan3A_53 : i32 to index
      %swap3A_65 = arith.constant 32 : index
      %swap3A_66 = tpu.vector_load %arg13[%swap3A_64, %swap3A_65] {strides = array<i32>} : memref<80x128xf32, #tpu.memory_space<vmem>>, vector<16xf32>,
      tpu.vector_store %arg13[%swap3A_64, %swap3A_65], %broadcast_in_dim3A_63 {strides = array<i32>} : memref<80x128xf32, #tpu.memory_space<vmem>>, vector<16xf32>,
      %broadcast_in_dim3A_67 = arith.constant 0.000000e+00 : f32
      %broadcast_in_dim3A_68 = vector.broadcast %broadcast_in_dim3A_67 : f32 to vector<16xf32>
      %swap3A_69 = arith.index_cast %scan3A_53 : i32 to index
      %swap3A_70 = arith.constant 48 : index
      %swap3A_71 = tpu.vector_load %arg13[%swap3A_69, %swap3A_70] {strides = array<i32>} : memref<80x128xf32, #tpu.memory_space<vmem>>, vector<16xf32>,
      tpu.vector_store %arg13[%swap3A_69, %swap3A_70], %broadcast_in_dim3A_68 {strides = array<i32>} : memref<80x128xf32, #tpu.memory_space<vmem>>, vector<16xf32>,
      %broadcast_in_dim3A_72 = arith.constant 0.000000e+00 : f32
      %broadcast_in_dim3A_73 = vector.broadcast %broadcast_in_dim3A_72 : f32 to vector<16xf32>
      %swap3A_74 = arith.index_cast %scan3A_53 : i32 to index
      %swap3A_75 = arith.constant 64 : index
      %swap3A_76 = tpu.vector_load %arg13[%swap3A_74, %swap3A_75] {strides = array<i32>} : memref<80x128xf32, #tpu.memory_space<vmem>>, vector<16xf32>,
      tpu.vector_store %arg13[%swap3A_74, %swap3A_75], %broadcast_in_dim3A_73 {strides = array<i32>} : memref<80x128xf32, #tpu.memory_space<vmem>>, vector<16xf32>,
      %broadcast_in_dim3A_77 = arith.constant 0.000000e+00 : f32
      %broadcast_in_dim3A_78 = vector.broadcast %broadcast_in_dim3A_77 : f32 to vector<16xf32>
      %swap3A_79 = arith.index_cast %scan3A_53 : i32 to index
      %swap3A_80 = arith.constant 80 : index
      %swap3A_81 = tpu.vector_load %arg13[%swap3A_79, %swap3A_80] {strides = array<i32>} : memref<80x128xf32, #tpu.memory_space<vmem>>, vector<16xf32>,
      tpu.vector_store %arg13[%swap3A_79, %swap3A_80], %broadcast_in_dim3A_78 {strides = array<i32>} : memref<80x128xf32, #tpu.memory_space<vmem>>, vector<16xf32>,
      %broadcast_in_dim3A_82 = arith.constant 0.000000e+00 : f32
      %broadcast_in_dim3A_83 = vector.broadcast %broadcast_in_dim3A_82 : f32 to vector<16xf32>
      %swap3A_84 = arith.index_cast %scan3A_53 : i32 to index
      %swap3A_85 = arith.constant 96 : index
      %swap3A_86 = tpu.vector_load %arg13[%swap3A_84, %swap3A_85] {strides = array<i32>} : memref<80x128xf32, #tpu.memory_space<vmem>>, vector<16xf32>,
      tpu.vector_store %arg13[%swap3A_84, %swap3A_85], %broadcast_in_dim3A_83 {strides = array<i32>} : memref<80x128xf32, #tpu.memory_space<vmem>>, vector<16xf32>,
      %broadcast_in_dim3A_87 = arith.constant 0.000000e+00 : f32
      %broadcast_in_dim3A_88 = vector.broadcast %broadcast_in_dim3A_87 : f32 to vector<16xf32>
      %swap3A_89 = arith.index_cast %scan3A_53 : i32 to index
      %swap3A_90 = arith.constant 112 : index
      %swap3A_91 = tpu.vector_load %arg13[%swap3A_89, %swap3A_90] {strides = array<i32>} : memref<80x128xf32, #tpu.memory_space<vmem>>, vector<16xf32>,
      tpu.vector_store %arg13[%swap3A_89, %swap3A_90], %broadcast_in_dim3A_88 {strides = array<i32>} : memref<80x128xf32, #tpu.memory_space<vmem>>, vector<16xf32>,
    }
    %scan3A_12 = arith.constant 80 : i32
    %mul3A_13 = arith.constant 640 : i32
    %mul3A_14 = arith.muli %arg1, %mul3A_13 : i32
    %add3A_15 = arith.constant 0 : i32
    %add3A_16 = arith.addi %mul3A_14, %add3A_15 : i32
    "tpu.region"() ({
      %run_scoped3A = tpu.sem_alloc : memref<!tpu.dma_semaphore, #tpu.memory_space<semaphore_mem>>
      %dma_start3A = arith.constant 0 : i32
      %dma_start3A_53 = tpu.memref_slice %arg18[%add3A_16, %dma_start3A] : memref<10240x128xf32, #tpu.memory_space<vmem_shared>> -> memref<80x128xf32, #tpu.memory_space<vmem_shared>>
      %dma_start3A_54 = arith.constant 0 : i32
      %dma_start3A_55 = tpu.memref_slice %arg18[%add3A_16, %dma_start3A_54] : memref<10240x128xf32, #tpu.memory_space<vmem_shared>> -> memref<80x128xf32, #tpu.memory_space<vmem_shared>>
      tpu.enqueue_dma source(%arg13 : memref<80x128xf32, #tpu.memory_space<vmem>>) target(%dma_start3A_55 : memref<80x128xf32, #tpu.memory_space<vmem_shared>>) target_semaphore(%run_scoped3A : memref<!tpu.dma_semaphore, #tpu.memory_space<semaphore_mem>>)
      %dma_wait3A = arith.constant 0 : i32
      %dma_wait3A_56 = tpu.memref_slice %arg18[%add3A_16, %dma_wait3A] : memref<10240x128xf32, #tpu.memory_space<vmem_shared>> -> memref<80x128xf32, #tpu.memory_space<vmem_shared>>
      %dma_wait3A_57 = arith.constant 0 : i32
      %dma_wait3A_58 = tpu.memref_slice %arg18[%add3A_16, %dma_wait3A_57] : memref<10240x128xf32, #tpu.memory_space<vmem_shared>> -> memref<80x128xf32, #tpu.memory_space<vmem_shared>>
      tpu.wait_dma2 semaphore(%run_scoped3A : memref<!tpu.dma_semaphore, #tpu.memory_space<semaphore_mem>>) src(%arg13 : memref<80x128xf32, #tpu.memory_space<vmem>>) dst(%dma_wait3A_58 : memref<80x128xf32, #tpu.memory_space<vmem_shared>>)
      tpu.yield
    }) : () -> ()
    %mul3A_17 = arith.constant 640 : i32
    %mul3A_18 = arith.muli %arg1, %mul3A_17 : i32
    %add3A_19 = arith.constant 80 : i32
    %add3A_20 = arith.addi %mul3A_18, %add3A_19 : i32
    "tpu.region"() ({
      %run_scoped3A = tpu.sem_alloc : memref<!tpu.dma_semaphore, #tpu.memory_space<semaphore_mem>>
      %dma_start3A = arith.constant 0 : i32
      %dma_start3A_53 = tpu.memref_slice %arg18[%add3A_20, %dma_start3A] : memref<10240x128xf32, #tpu.memory_space<vmem_shared>> -> memref<80x128xf32, #tpu.memory_space<vmem_shared>>
      %dma_start3A_54 = arith.constant 0 : i32
      %dma_start3A_55 = tpu.memref_slice %arg18[%add3A_20, %dma_start3A_54] : memref<10240x128xf32, #tpu.memory_space<vmem_shared>> -> memref<80x128xf32, #tpu.memory_space<vmem_shared>>
      tpu.enqueue_dma source(%arg13 : memref<80x128xf32, #tpu.memory_space<vmem>>) target(%dma_start3A_55 : memref<80x128xf32, #tpu.memory_space<vmem_shared>>) target_semaphore(%run_scoped3A : memref<!tpu.dma_semaphore, #tpu.memory_space<semaphore_mem>>)
      %dma_wait3A = arith.constant 0 : i32
      %dma_wait3A_56 = tpu.memref_slice %arg18[%add3A_20, %dma_wait3A] : memref<10240x128xf32, #tpu.memory_space<vmem_shared>> -> memref<80x128xf32, #tpu.memory_space<vmem_shared>>
      %dma_wait3A_57 = arith.constant 0 : i32
      %dma_wait3A_58 = tpu.memref_slice %arg18[%add3A_20, %dma_wait3A_57] : memref<10240x128xf32, #tpu.memory_space<vmem_shared>> -> memref<80x128xf32, #tpu.memory_space<vmem_shared>>
      tpu.wait_dma2 semaphore(%run_scoped3A : memref<!tpu.dma_semaphore, #tpu.memory_space<semaphore_mem>>) src(%arg13 : memref<80x128xf32, #tpu.memory_space<vmem>>) dst(%dma_wait3A_58 : memref<80x128xf32, #tpu.memory_space<vmem_shared>>)
      tpu.yield
    }) : () -> ()
    %mul3A_21 = arith.constant 640 : i32
    %mul3A_22 = arith.muli %arg1, %mul3A_21 : i32
    %add3A_23 = arith.constant 160 : i32
    %add3A_24 = arith.addi %mul3A_22, %add3A_23 : i32
    "tpu.region"() ({
      %run_scoped3A = tpu.sem_alloc : memref<!tpu.dma_semaphore, #tpu.memory_space<semaphore_mem>>
      %dma_start3A = arith.constant 0 : i32
      %dma_start3A_53 = tpu.memref_slice %arg18[%add3A_24, %dma_start3A] : memref<10240x128xf32, #tpu.memory_space<vmem_shared>> -> memref<80x128xf32, #tpu.memory_space<vmem_shared>>
      %dma_start3A_54 = arith.constant 0 : i32
      %dma_start3A_55 = tpu.memref_slice %arg18[%add3A_24, %dma_start3A_54] : memref<10240x128xf32, #tpu.memory_space<vmem_shared>> -> memref<80x128xf32, #tpu.memory_space<vmem_shared>>
      tpu.enqueue_dma source(%arg13 : memref<80x128xf32, #tpu.memory_space<vmem>>) target(%dma_start3A_55 : memref<80x128xf32, #tpu.memory_space<vmem_shared>>) target_semaphore(%run_scoped3A : memref<!tpu.dma_semaphore, #tpu.memory_space<semaphore_mem>>)
      %dma_wait3A = arith.constant 0 : i32
      %dma_wait3A_56 = tpu.memref_slice %arg18[%add3A_24, %dma_wait3A] : memref<10240x128xf32, #tpu.memory_space<vmem_shared>> -> memref<80x128xf32, #tpu.memory_space<vmem_shared>>
      %dma_wait3A_57 = arith.constant 0 : i32
      %dma_wait3A_58 = tpu.memref_slice %arg18[%add3A_24, %dma_wait3A_57] : memref<10240x128xf32, #tpu.memory_space<vmem_shared>> -> memref<80x128xf32, #tpu.memory_space<vmem_shared>>
      tpu.wait_dma2 semaphore(%run_scoped3A : memref<!tpu.dma_semaphore, #tpu.memory_space<semaphore_mem>>) src(%arg13 : memref<80x128xf32, #tpu.memory_space<vmem>>) dst(%dma_wait3A_58 : memref<80x128xf32, #tpu.memory_space<vmem_shared>>)
      tpu.yield
    }) : () -> ()
    %mul3A_25 = arith.constant 640 : i32
    %mul3A_26 = arith.muli %arg1, %mul3A_25 : i32
    %add3A_27 = arith.constant 240 : i32
    %add3A_28 = arith.addi %mul3A_26, %add3A_27 : i32
    "tpu.region"() ({
      %run_scoped3A = tpu.sem_alloc : memref<!tpu.dma_semaphore, #tpu.memory_space<semaphore_mem>>
      %dma_start3A = arith.constant 0 : i32
      %dma_start3A_53 = tpu.memref_slice %arg18[%add3A_28, %dma_start3A] : memref<10240x128xf32, #tpu.memory_space<vmem_shared>> -> memref<80x128xf32, #tpu.memory_space<vmem_shared>>
      %dma_start3A_54 = arith.constant 0 : i32
      %dma_start3A_55 = tpu.memref_slice %arg18[%add3A_28, %dma_start3A_54] : memref<10240x128xf32, #tpu.memory_space<vmem_shared>> -> memref<80x128xf32, #tpu.memory_space<vmem_shared>>
      tpu.enqueue_dma source(%arg13 : memref<80x128xf32, #tpu.memory_space<vmem>>) target(%dma_start3A_55 : memref<80x128xf32, #tpu.memory_space<vmem_shared>>) target_semaphore(%run_scoped3A : memref<!tpu.dma_semaphore, #tpu.memory_space<semaphore_mem>>)
      %dma_wait3A = arith.constant 0 : i32
      %dma_wait3A_56 = tpu.memref_slice %arg18[%add3A_28, %dma_wait3A] : memref<10240x128xf32, #tpu.memory_space<vmem_shared>> -> memref<80x128xf32, #tpu.memory_space<vmem_shared>>
      %dma_wait3A_57 = arith.constant 0 : i32
      %dma_wait3A_58 = tpu.memref_slice %arg18[%add3A_28, %dma_wait3A_57] : memref<10240x128xf32, #tpu.memory_space<vmem_shared>> -> memref<80x128xf32, #tpu.memory_space<vmem_shared>>
      tpu.wait_dma2 semaphore(%run_scoped3A : memref<!tpu.dma_semaphore, #tpu.memory_space<semaphore_mem>>) src(%arg13 : memref<80x128xf32, #tpu.memory_space<vmem>>) dst(%dma_wait3A_58 : memref<80x128xf32, #tpu.memory_space<vmem_shared>>)
      tpu.yield
    }) : () -> ()
    %mul3A_29 = arith.constant 640 : i32
    %mul3A_30 = arith.muli %arg1, %mul3A_29 : i32
    %add3A_31 = arith.constant 320 : i32
    %add3A_32 = arith.addi %mul3A_30, %add3A_31 : i32
    "tpu.region"() ({
      %run_scoped3A = tpu.sem_alloc : memref<!tpu.dma_semaphore, #tpu.memory_space<semaphore_mem>>
      %dma_start3A = arith.constant 0 : i32
      %dma_start3A_53 = tpu.memref_slice %arg18[%add3A_32, %dma_start3A] : memref<10240x128xf32, #tpu.memory_space<vmem_shared>> -> memref<80x128xf32, #tpu.memory_space<vmem_shared>>
      %dma_start3A_54 = arith.constant 0 : i32
      %dma_start3A_55 = tpu.memref_slice %arg18[%add3A_32, %dma_start3A_54] : memref<10240x128xf32, #tpu.memory_space<vmem_shared>> -> memref<80x128xf32, #tpu.memory_space<vmem_shared>>
      tpu.enqueue_dma source(%arg13 : memref<80x128xf32, #tpu.memory_space<vmem>>) target(%dma_start3A_55 : memref<80x128xf32, #tpu.memory_space<vmem_shared>>) target_semaphore(%run_scoped3A : memref<!tpu.dma_semaphore, #tpu.memory_space<semaphore_mem>>)
      %dma_wait3A = arith.constant 0 : i32
      %dma_wait3A_56 = tpu.memref_slice %arg18[%add3A_32, %dma_wait3A] : memref<10240x128xf32, #tpu.memory_space<vmem_shared>> -> memref<80x128xf32, #tpu.memory_space<vmem_shared>>
      %dma_wait3A_57 = arith.constant 0 : i32
      %dma_wait3A_58 = tpu.memref_slice %arg18[%add3A_32, %dma_wait3A_57] : memref<10240x128xf32, #tpu.memory_space<vmem_shared>> -> memref<80x128xf32, #tpu.memory_space<vmem_shared>>
      tpu.wait_dma2 semaphore(%run_scoped3A : memref<!tpu.dma_semaphore, #tpu.memory_space<semaphore_mem>>) src(%arg13 : memref<80x128xf32, #tpu.memory_space<vmem>>) dst(%dma_wait3A_58 : memref<80x128xf32, #tpu.memory_space<vmem_shared>>)
      tpu.yield
    }) : () -> ()
    %mul3A_33 = arith.constant 640 : i32
    %mul3A_34 = arith.muli %arg1, %mul3A_33 : i32
    %add3A_35 = arith.constant 400 : i32
    %add3A_36 = arith.addi %mul3A_34, %add3A_35 : i32
    "tpu.region"() ({
      %run_scoped3A = tpu.sem_alloc : memref<!tpu.dma_semaphore, #tpu.memory_space<semaphore_mem>>
      %dma_start3A = arith.constant 0 : i32
      %dma_start3A_53 = tpu.memref_slice %arg18[%add3A_36, %dma_start3A] : memref<10240x128xf32, #tpu.memory_space<vmem_shared>> -> memref<80x128xf32, #tpu.memory_space<vmem_shared>>
      %dma_start3A_54 = arith.constant 0 : i32
      %dma_start3A_55 = tpu.memref_slice %arg18[%add3A_36, %dma_start3A_54] : memref<10240x128xf32, #tpu.memory_space<vmem_shared>> -> memref<80x128xf32, #tpu.memory_space<vmem_shared>>
      tpu.enqueue_dma source(%arg13 : memref<80x128xf32, #tpu.memory_space<vmem>>) target(%dma_start3A_55 : memref<80x128xf32, #tpu.memory_space<vmem_shared>>) target_semaphore(%run_scoped3A : memref<!tpu.dma_semaphore, #tpu.memory_space<semaphore_mem>>)
      %dma_wait3A = arith.constant 0 : i32
      %dma_wait3A_56 = tpu.memref_slice %arg18[%add3A_36, %dma_wait3A] : memref<10240x128xf32, #tpu.memory_space<vmem_shared>> -> memref<80x128xf32, #tpu.memory_space<vmem_shared>>
      %dma_wait3A_57 = arith.constant 0 : i32
      %dma_wait3A_58 = tpu.memref_slice %arg18[%add3A_36, %dma_wait3A_57] : memref<10240x128xf32, #tpu.memory_space<vmem_shared>> -> memref<80x128xf32, #tpu.memory_space<vmem_shared>>
      tpu.wait_dma2 semaphore(%run_scoped3A : memref<!tpu.dma_semaphore, #tpu.memory_space<semaphore_mem>>) src(%arg13 : memref<80x128xf32, #tpu.memory_space<vmem>>) dst(%dma_wait3A_58 : memref<80x128xf32, #tpu.memory_space<vmem_shared>>)
      tpu.yield
    }) : () -> ()
    %mul3A_37 = arith.constant 640 : i32
    %mul3A_38 = arith.muli %arg1, %mul3A_37 : i32
    %add3A_39 = arith.constant 480 : i32
    %add3A_40 = arith.addi %mul3A_38, %add3A_39 : i32
    "tpu.region"() ({
      %run_scoped3A = tpu.sem_alloc : memref<!tpu.dma_semaphore, #tpu.memory_space<semaphore_mem>>
      %dma_start3A = arith.constant 0 : i32
      %dma_start3A_53 = tpu.memref_slice %arg18[%add3A_40, %dma_start3A] : memref<10240x128xf32, #tpu.memory_space<vmem_shared>> -> memref<80x128xf32, #tpu.memory_space<vmem_shared>>
      %dma_start3A_54 = arith.constant 0 : i32
      %dma_start3A_55 = tpu.memref_slice %arg18[%add3A_40, %dma_start3A_54] : memref<10240x128xf32, #tpu.memory_space<vmem_shared>> -> memref<80x128xf32, #tpu.memory_space<vmem_shared>>
      tpu.enqueue_dma source(%arg13 : memref<80x128xf32, #tpu.memory_space<vmem>>) target(%dma_start3A_55 : memref<80x128xf32, #tpu.memory_space<vmem_shared>>) target_semaphore(%run_scoped3A : memref<!tpu.dma_semaphore, #tpu.memory_space<semaphore_mem>>)
      %dma_wait3A = arith.constant 0 : i32
      %dma_wait3A_56 = tpu.memref_slice %arg18[%add3A_40, %dma_wait3A] : memref<10240x128xf32, #tpu.memory_space<vmem_shared>> -> memref<80x128xf32, #tpu.memory_space<vmem_shared>>
      %dma_wait3A_57 = arith.constant 0 : i32
      %dma_wait3A_58 = tpu.memref_slice %arg18[%add3A_40, %dma_wait3A_57] : memref<10240x128xf32, #tpu.memory_space<vmem_shared>> -> memref<80x128xf32, #tpu.memory_space<vmem_shared>>
      tpu.wait_dma2 semaphore(%run_scoped3A : memref<!tpu.dma_semaphore, #tpu.memory_space<semaphore_mem>>) src(%arg13 : memref<80x128xf32, #tpu.memory_space<vmem>>) dst(%dma_wait3A_58 : memref<80x128xf32, #tpu.memory_space<vmem_shared>>)
      tpu.yield
    }) : () -> ()
    %mul3A_41 = arith.constant 640 : i32
    %mul3A_42 = arith.muli %arg1, %mul3A_41 : i32
    %add3A_43 = arith.constant 560 : i32
    %add3A_44 = arith.addi %mul3A_42, %add3A_43 : i32
    "tpu.region"() ({
      %run_scoped3A = tpu.sem_alloc : memref<!tpu.dma_semaphore, #tpu.memory_space<semaphore_mem>>
      %dma_start3A = arith.constant 0 : i32
      %dma_start3A_53 = tpu.memref_slice %arg18[%add3A_44, %dma_start3A] : memref<10240x128xf32, #tpu.memory_space<vmem_shared>> -> memref<80x128xf32, #tpu.memory_space<vmem_shared>>
      %dma_start3A_54 = arith.constant 0 : i32
      %dma_start3A_55 = tpu.memref_slice %arg18[%add3A_44, %dma_start3A_54] : memref<10240x128xf32, #tpu.memory_space<vmem_shared>> -> memref<80x128xf32, #tpu.memory_space<vmem_shared>>
      tpu.enqueue_dma source(%arg13 : memref<80x128xf32, #tpu.memory_space<vmem>>) target(%dma_start3A_55 : memref<80x128xf32, #tpu.memory_space<vmem_shared>>) target_semaphore(%run_scoped3A : memref<!tpu.dma_semaphore, #tpu.memory_space<semaphore_mem>>)
      %dma_wait3A = arith.constant 0 : i32
      %dma_wait3A_56 = tpu.memref_slice %arg18[%add3A_44, %dma_wait3A] : memref<10240x128xf32, #tpu.memory_space<vmem_shared>> -> memref<80x128xf32, #tpu.memory_space<vmem_shared>>
      %dma_wait3A_57 = arith.constant 0 : i32
      %dma_wait3A_58 = tpu.memref_slice %arg18[%add3A_44, %dma_wait3A_57] : memref<10240x128xf32, #tpu.memory_space<vmem_shared>> -> memref<80x128xf32, #tpu.memory_space<vmem_shared>>
      tpu.wait_dma2 semaphore(%run_scoped3A : memref<!tpu.dma_semaphore, #tpu.memory_space<semaphore_mem>>) src(%arg13 : memref<80x128xf32, #tpu.memory_space<vmem>>) dst(%dma_wait3A_58 : memref<80x128xf32, #tpu.memory_space<vmem_shared>>)
      tpu.yield
    }) : () -> ()
    %barrier3A = arith.constant 0 : index
    tpu.barrier barrier_id(%barrier3A)
    %scan3A_45 = arith.constant 0 : i32
    %scan3A_46 = arith.constant 125 : i32
    %scan3A_47 = arith.addi %scan3A_45, %scan3A_46 : i32
    %scan3A_48 = arith.constant 1 : i32
    scf.for %scan3A_53 = %scan3A_45 to %scan3A_47 step %scan3A_48  : i32 {
      %mul3A_54 = arith.constant 10000 : i32
      %mul3A_55 = arith.muli %add3A, %mul3A_54 : i32
      %mul3A_56 = arith.constant 80 : i32
      %mul3A_57 = arith.muli %scan3A_53, %mul3A_56 : i32
      %add3A_58 = arith.addi %mul3A_55, %mul3A_57 : i32
      "tpu.region"() ({
        %run_scoped3A = tpu.sem_alloc : memref<!tpu.dma_semaphore, #tpu.memory_space<semaphore_mem>>
        %dma_start3A_138 = tpu.memref_slice %arg2[%add3A_58] : memref<320000xi32, #tpu.memory_space<hbm>> -> memref<80xi32, #tpu.memory_space<hbm>>
        %dma_start3A_139 = tpu.memref_slice %arg2[%add3A_58] : memref<320000xi32, #tpu.memory_space<hbm>> -> memref<80xi32, #tpu.memory_space<hbm>>
        tpu.enqueue_dma source(%dma_start3A_139 : memref<80xi32, #tpu.memory_space<hbm>>) target(%arg10 : memref<80xi32, #tpu.memory_space<vmem>>) target_semaphore(%run_scoped3A : memref<!tpu.dma_semaphore, #tpu.memory_space<semaphore_mem>>)
        %dma_wait3A_140 = tpu.memref_slice %arg2[%add3A_58] : memref<320000xi32, #tpu.memory_space<hbm>> -> memref<80xi32, #tpu.memory_space<hbm>>
        %dma_wait3A_141 = tpu.memref_slice %arg2[%add3A_58] : memref<320000xi32, #tpu.memory_space<hbm>> -> memref<80xi32, #tpu.memory_space<hbm>>
        tpu.wait_dma2 semaphore(%run_scoped3A : memref<!tpu.dma_semaphore, #tpu.memory_space<semaphore_mem>>) src(%dma_wait3A_141 : memref<80xi32, #tpu.memory_space<hbm>>) dst(%arg10 : memref<80xi32, #tpu.memory_space<vmem>>)
        tpu.yield
      }) : () -> ()
      "tpu.region"() ({
        %run_scoped3A = tpu.sem_alloc : memref<!tpu.dma_semaphore, #tpu.memory_space<semaphore_mem>>
        %dma_start3A_138 = tpu.memref_slice %arg3[%add3A_58] : memref<320000xi32, #tpu.memory_space<hbm>> -> memref<80xi32, #tpu.memory_space<hbm>>
        %dma_start3A_139 = tpu.memref_slice %arg3[%add3A_58] : memref<320000xi32, #tpu.memory_space<hbm>> -> memref<80xi32, #tpu.memory_space<hbm>>
        tpu.enqueue_dma source(%dma_start3A_139 : memref<80xi32, #tpu.memory_space<hbm>>) target(%arg11 : memref<80xi32, #tpu.memory_space<vmem>>) target_semaphore(%run_scoped3A : memref<!tpu.dma_semaphore, #tpu.memory_space<semaphore_mem>>)
        %dma_wait3A_140 = tpu.memref_slice %arg3[%add3A_58] : memref<320000xi32, #tpu.memory_space<hbm>> -> memref<80xi32, #tpu.memory_space<hbm>>
        %dma_wait3A_141 = tpu.memref_slice %arg3[%add3A_58] : memref<320000xi32, #tpu.memory_space<hbm>> -> memref<80xi32, #tpu.memory_space<hbm>>
        tpu.wait_dma2 semaphore(%run_scoped3A : memref<!tpu.dma_semaphore, #tpu.memory_space<semaphore_mem>>) src(%dma_wait3A_141 : memref<80xi32, #tpu.memory_space<hbm>>) dst(%arg11 : memref<80xi32, #tpu.memory_space<vmem>>)
        tpu.yield
      }) : () -> ()
      %get3A_59 = arith.constant 0 : index
      %get3A_60 = tpu.vector_load %arg10[%get3A_59] {strides = array<i32>} : memref<80xi32, #tpu.memory_space<vmem>>, vector<16xi32>,
      %get3A_61 = arith.constant 0 : index
      %get3A_62 = tpu.vector_load %arg11[%get3A_61] {strides = array<i32>} : memref<80xi32, #tpu.memory_space<vmem>>, vector<16xi32>,
      %gather3A = tpu.vector_load_idx %arg14[%get3A_60] : memref<10000xf32, #tpu.memory_space<vmem>>[vector<16xi32>], vector<16xf32>,
      %gather3A_63 = tpu.vector_load_idx %arg15[%get3A_62] : memref<10000xf32, #tpu.memory_space<vmem>>[vector<16xi32>], vector<16xf32>,
      %add3A_64 = arith.addf %gather3A, %gather3A_63 : vector<16xf32>
      %mul3A_65 = arith.constant 2.000000e-01 : f32
      %mul3A_66 = vector.broadcast %mul3A_65 : f32 to vector<16xf32>
      %mul3A_67 = arith.mulf %mul3A_66, %add3A_64 : vector<16xf32>
      %max3A = arith.maximumf %add3A_64, %mul3A_67 : vector<16xf32>
      %sub3A = arith.subf %max3A, %get3A_3 : vector<16xf32>
      %exp3A = math.exp %sub3A : vector<16xf32>
      %swap3A = arith.constant 0 : index
      %swap3A_68 = tpu.vector_load %arg12[%swap3A] {strides = array<i32>} : memref<80xf32, #tpu.memory_space<vmem>>, vector<16xf32>,
      tpu.vector_store %arg12[%swap3A], %exp3A {strides = array<i32>} : memref<80xf32, #tpu.memory_space<vmem>>, vector<16xf32>,
      tpu.vector_store_idx %arg16[%get3A_62], %exp3A {add = true} : memref<10000xf32, #tpu.memory_space<vmem>>[vector<16xi32>], vector<16xf32>,
      %get3A_69 = arith.constant 16 : index
      %get3A_70 = tpu.vector_load %arg10[%get3A_69] {strides = array<i32>} : memref<80xi32, #tpu.memory_space<vmem>>, vector<16xi32>,
      %get3A_71 = arith.constant 16 : index
      %get3A_72 = tpu.vector_load %arg11[%get3A_71] {strides = array<i32>} : memref<80xi32, #tpu.memory_space<vmem>>, vector<16xi32>,
      %gather3A_73 = tpu.vector_load_idx %arg14[%get3A_70] : memref<10000xf32, #tpu.memory_space<vmem>>[vector<16xi32>], vector<16xf32>,
      %gather3A_74 = tpu.vector_load_idx %arg15[%get3A_72] : memref<10000xf32, #tpu.memory_space<vmem>>[vector<16xi32>], vector<16xf32>,
      %add3A_75 = arith.addf %gather3A_73, %gather3A_74 : vector<16xf32>
      %mul3A_76 = arith.constant 2.000000e-01 : f32
      %mul3A_77 = vector.broadcast %mul3A_76 : f32 to vector<16xf32>
      %mul3A_78 = arith.mulf %mul3A_77, %add3A_75 : vector<16xf32>
      %max3A_79 = arith.maximumf %add3A_75, %mul3A_78 : vector<16xf32>
      %sub3A_80 = arith.subf %max3A_79, %get3A_3 : vector<16xf32>
      %exp3A_81 = math.exp %sub3A_80 : vector<16xf32>
      %swap3A_82 = arith.constant 16 : index
      %swap3A_83 = tpu.vector_load %arg12[%swap3A_82] {strides = array<i32>} : memref<80xf32, #tpu.memory_space<vmem>>, vector<16xf32>,
      tpu.vector_store %arg12[%swap3A_82], %exp3A_81 {strides = array<i32>} : memref<80xf32, #tpu.memory_space<vmem>>, vector<16xf32>,
      tpu.vector_store_idx %arg16[%get3A_72], %exp3A_81 {add = true} : memref<10000xf32, #tpu.memory_space<vmem>>[vector<16xi32>], vector<16xf32>,
      %get3A_84 = arith.constant 32 : index
      %get3A_85 = tpu.vector_load %arg10[%get3A_84] {strides = array<i32>} : memref<80xi32, #tpu.memory_space<vmem>>, vector<16xi32>,
      %get3A_86 = arith.constant 32 : index
      %get3A_87 = tpu.vector_load %arg11[%get3A_86] {strides = array<i32>} : memref<80xi32, #tpu.memory_space<vmem>>, vector<16xi32>,
      %gather3A_88 = tpu.vector_load_idx %arg14[%get3A_85] : memref<10000xf32, #tpu.memory_space<vmem>>[vector<16xi32>], vector<16xf32>,
      %gather3A_89 = tpu.vector_load_idx %arg15[%get3A_87] : memref<10000xf32, #tpu.memory_space<vmem>>[vector<16xi32>], vector<16xf32>,
      %add3A_90 = arith.addf %gather3A_88, %gather3A_89 : vector<16xf32>
      %mul3A_91 = arith.constant 2.000000e-01 : f32
      %mul3A_92 = vector.broadcast %mul3A_91 : f32 to vector<16xf32>
      %mul3A_93 = arith.mulf %mul3A_92, %add3A_90 : vector<16xf32>
      %max3A_94 = arith.maximumf %add3A_90, %mul3A_93 : vector<16xf32>
      %sub3A_95 = arith.subf %max3A_94, %get3A_3 : vector<16xf32>
      %exp3A_96 = math.exp %sub3A_95 : vector<16xf32>
      %swap3A_97 = arith.constant 32 : index
      %swap3A_98 = tpu.vector_load %arg12[%swap3A_97] {strides = array<i32>} : memref<80xf32, #tpu.memory_space<vmem>>, vector<16xf32>,
      tpu.vector_store %arg12[%swap3A_97], %exp3A_96 {strides = array<i32>} : memref<80xf32, #tpu.memory_space<vmem>>, vector<16xf32>,
      tpu.vector_store_idx %arg16[%get3A_87], %exp3A_96 {add = true} : memref<10000xf32, #tpu.memory_space<vmem>>[vector<16xi32>], vector<16xf32>,
      %get3A_99 = arith.constant 48 : index
      %get3A_100 = tpu.vector_load %arg10[%get3A_99] {strides = array<i32>} : memref<80xi32, #tpu.memory_space<vmem>>, vector<16xi32>,
      %get3A_101 = arith.constant 48 : index
      %get3A_102 = tpu.vector_load %arg11[%get3A_101] {strides = array<i32>} : memref<80xi32, #tpu.memory_space<vmem>>, vector<16xi32>,
      %gather3A_103 = tpu.vector_load_idx %arg14[%get3A_100] : memref<10000xf32, #tpu.memory_space<vmem>>[vector<16xi32>], vector<16xf32>,
      %gather3A_104 = tpu.vector_load_idx %arg15[%get3A_102] : memref<10000xf32, #tpu.memory_space<vmem>>[vector<16xi32>], vector<16xf32>,
      %add3A_105 = arith.addf %gather3A_103, %gather3A_104 : vector<16xf32>
      %mul3A_106 = arith.constant 2.000000e-01 : f32
      %mul3A_107 = vector.broadcast %mul3A_106 : f32 to vector<16xf32>
      %mul3A_108 = arith.mulf %mul3A_107, %add3A_105 : vector<16xf32>
      %max3A_109 = arith.maximumf %add3A_105, %mul3A_108 : vector<16xf32>
      %sub3A_110 = arith.subf %max3A_109, %get3A_3 : vector<16xf32>
      %exp3A_111 = math.exp %sub3A_110 : vector<16xf32>
      %swap3A_112 = arith.constant 48 : index
      %swap3A_113 = tpu.vector_load %arg12[%swap3A_112] {strides = array<i32>} : memref<80xf32, #tpu.memory_space<vmem>>, vector<16xf32>,
      tpu.vector_store %arg12[%swap3A_112], %exp3A_111 {strides = array<i32>} : memref<80xf32, #tpu.memory_space<vmem>>, vector<16xf32>,
      tpu.vector_store_idx %arg16[%get3A_102], %exp3A_111 {add = true} : memref<10000xf32, #tpu.memory_space<vmem>>[vector<16xi32>], vector<16xf32>,
      %get3A_114 = arith.constant 64 : index
      %get3A_115 = tpu.vector_load %arg10[%get3A_114] {strides = array<i32>} : memref<80xi32, #tpu.memory_space<vmem>>, vector<16xi32>,
      %get3A_116 = arith.constant 64 : index
      %get3A_117 = tpu.vector_load %arg11[%get3A_116] {strides = array<i32>} : memref<80xi32, #tpu.memory_space<vmem>>, vector<16xi32>,
      %gather3A_118 = tpu.vector_load_idx %arg14[%get3A_115] : memref<10000xf32, #tpu.memory_space<vmem>>[vector<16xi32>], vector<16xf32>,
      %gather3A_119 = tpu.vector_load_idx %arg15[%get3A_117] : memref<10000xf32, #tpu.memory_space<vmem>>[vector<16xi32>], vector<16xf32>,
      %add3A_120 = arith.addf %gather3A_118, %gather3A_119 : vector<16xf32>
      %mul3A_121 = arith.constant 2.000000e-01 : f32
      %mul3A_122 = vector.broadcast %mul3A_121 : f32 to vector<16xf32>
      %mul3A_123 = arith.mulf %mul3A_122, %add3A_120 : vector<16xf32>
      %max3A_124 = arith.maximumf %add3A_120, %mul3A_123 : vector<16xf32>
      %sub3A_125 = arith.subf %max3A_124, %get3A_3 : vector<16xf32>
      %exp3A_126 = math.exp %sub3A_125 : vector<16xf32>
      %swap3A_127 = arith.constant 64 : index
      %swap3A_128 = tpu.vector_load %arg12[%swap3A_127] {strides = array<i32>} : memref<80xf32, #tpu.memory_space<vmem>>, vector<16xf32>,
      tpu.vector_store %arg12[%swap3A_127], %exp3A_126 {strides = array<i32>} : memref<80xf32, #tpu.memory_space<vmem>>, vector<16xf32>,
      tpu.vector_store_idx %arg16[%get3A_117], %exp3A_126 {add = true} : memref<10000xf32, #tpu.memory_space<vmem>>[vector<16xi32>], vector<16xf32>,
      %dma_start3A = arith.constant 0 : i32
      %dma_start3A_129 = arith.constant 0 : i32
      %dma_start3A_130 = tpu.memref_slice %arg7[%dma_start3A, %dma_start3A_129] : memref<10000x128xf32, #tpu.memory_space<hbm>> -> memref<10000x128xf32, #tpu.memory_space<hbm>>
      tpu.enqueue_indirect_dma source(%dma_start3A_130 : memref<10000x128xf32, #tpu.memory_space<hbm>>) target(%arg13 : memref<80x128xf32, #tpu.memory_space<vmem>>) offsets(%arg10 : memref<80xi32, #tpu.memory_space<vmem>>) semaphore(%arg19 : memref<!tpu.dma_semaphore, #tpu.memory_space<semaphore_mem>>)
      %dma_wait3A = arith.constant 0 : i32
      %dma_wait3A_131 = arith.constant 0 : i32
      %dma_wait3A_132 = tpu.memref_slice %arg7[%dma_wait3A, %dma_wait3A_131] : memref<10000x128xf32, #tpu.memory_space<hbm>> -> memref<10000x128xf32, #tpu.memory_space<hbm>>
      tpu.wait_indirect_dma semaphore(%arg19 : memref<!tpu.dma_semaphore, #tpu.memory_space<semaphore_mem>>) src(%dma_wait3A_132 : memref<10000x128xf32, #tpu.memory_space<hbm>>) dst(%arg13 : memref<80x128xf32, #tpu.memory_space<vmem>>)
      %scan3A_133 = arith.constant 0 : i32
      %scan3A_134 = arith.constant 5 : i32
      %scan3A_135 = arith.addi %scan3A_133, %scan3A_134 : i32
      %scan3A_136 = arith.constant 1 : i32
      scf.for %scan3A_138 = %scan3A_133 to %scan3A_135 step %scan3A_136  : i32 {
        %mul3A_139 = arith.constant 16 : i32
        %mul3A_140 = arith.muli %scan3A_138, %mul3A_139 : i32
        %get3A_141 = arith.index_cast %mul3A_140 : i32 to index
        %get3A_142 = tpu.vector_load %arg12[%get3A_141] {strides = array<i32>} : memref<80xf32, #tpu.memory_space<vmem>>, vector<16xf32>,
        %slice3A = vector.extract_strided_slice %get3A_142 {offsets = [0], sizes = [1], strides = [1]} : vector<16xf32> to vector<1xf32>
        %squeeze3A = vector.extract %slice3A[0] : f32 from vector<1xf32>
        %mul3A_143 = arith.constant 16 : i32
        %mul3A_144 = arith.muli %scan3A_138, %mul3A_143 : i32
        %add3A_145 = arith.constant 0 : i32
        %add3A_146 = arith.addi %mul3A_144, %add3A_145 : i32
        %get3A_147 = arith.index_cast %add3A_146 : i32 to index
        %get3A_148 = arith.constant 0 : index
        %get3A_149 = tpu.vector_load %arg13[%get3A_147, %get3A_148] {strides = array<i32>} : memref<80x128xf32, #tpu.memory_space<vmem>>, vector<16xf32>,
        %mul3A_150 = vector.broadcast %squeeze3A : f32 to vector<16xf32>
        %mul3A_151 = arith.mulf %get3A_149, %mul3A_150 : vector<16xf32>
        %swap3A_152 = arith.index_cast %add3A_146 : i32 to index
        %swap3A_153 = arith.constant 0 : index
        %swap3A_154 = tpu.vector_load %arg13[%swap3A_152, %swap3A_153] {strides = array<i32>} : memref<80x128xf32, #tpu.memory_space<vmem>>, vector<16xf32>,
        tpu.vector_store %arg13[%swap3A_152, %swap3A_153], %mul3A_151 {strides = array<i32>} : memref<80x128xf32, #tpu.memory_space<vmem>>, vector<16xf32>,
        %get3A_155 = arith.index_cast %add3A_146 : i32 to index
        %get3A_156 = arith.constant 16 : index
        %get3A_157 = tpu.vector_load %arg13[%get3A_155, %get3A_156] {strides = array<i32>} : memref<80x128xf32, #tpu.memory_space<vmem>>, vector<16xf32>,
        %mul3A_158 = vector.broadcast %squeeze3A : f32 to vector<16xf32>
        %mul3A_159 = arith.mulf %get3A_157, %mul3A_158 : vector<16xf32>
        %swap3A_160 = arith.index_cast %add3A_146 : i32 to index
        %swap3A_161 = arith.constant 16 : index
        %swap3A_162 = tpu.vector_load %arg13[%swap3A_160, %swap3A_161] {strides = array<i32>} : memref<80x128xf32, #tpu.memory_space<vmem>>, vector<16xf32>,
        tpu.vector_store %arg13[%swap3A_160, %swap3A_161], %mul3A_159 {strides = array<i32>} : memref<80x128xf32, #tpu.memory_space<vmem>>, vector<16xf32>,
        %get3A_163 = arith.index_cast %add3A_146 : i32 to index
        %get3A_164 = arith.constant 32 : index
        %get3A_165 = tpu.vector_load %arg13[%get3A_163, %get3A_164] {strides = array<i32>} : memref<80x128xf32, #tpu.memory_space<vmem>>, vector<16xf32>,
        %mul3A_166 = vector.broadcast %squeeze3A : f32 to vector<16xf32>
        %mul3A_167 = arith.mulf %get3A_165, %mul3A_166 : vector<16xf32>
        %swap3A_168 = arith.index_cast %add3A_146 : i32 to index
        %swap3A_169 = arith.constant 32 : index
        %swap3A_170 = tpu.vector_load %arg13[%swap3A_168, %swap3A_169] {strides = array<i32>} : memref<80x128xf32, #tpu.memory_space<vmem>>, vector<16xf32>,
        tpu.vector_store %arg13[%swap3A_168, %swap3A_169], %mul3A_167 {strides = array<i32>} : memref<80x128xf32, #tpu.memory_space<vmem>>, vector<16xf32>,
        %get3A_171 = arith.index_cast %add3A_146 : i32 to index
        %get3A_172 = arith.constant 48 : index
        %get3A_173 = tpu.vector_load %arg13[%get3A_171, %get3A_172] {strides = array<i32>} : memref<80x128xf32, #tpu.memory_space<vmem>>, vector<16xf32>,
        %mul3A_174 = vector.broadcast %squeeze3A : f32 to vector<16xf32>
        %mul3A_175 = arith.mulf %get3A_173, %mul3A_174 : vector<16xf32>
        %swap3A_176 = arith.index_cast %add3A_146 : i32 to index
        %swap3A_177 = arith.constant 48 : index
        %swap3A_178 = tpu.vector_load %arg13[%swap3A_176, %swap3A_177] {strides = array<i32>} : memref<80x128xf32, #tpu.memory_space<vmem>>, vector<16xf32>,
        tpu.vector_store %arg13[%swap3A_176, %swap3A_177], %mul3A_175 {strides = array<i32>} : memref<80x128xf32, #tpu.memory_space<vmem>>, vector<16xf32>,
        %get3A_179 = arith.index_cast %add3A_146 : i32 to index
        %get3A_180 = arith.constant 64 : index
        %get3A_181 = tpu.vector_load %arg13[%get3A_179, %get3A_180] {strides = array<i32>} : memref<80x128xf32, #tpu.memory_space<vmem>>, vector<16xf32>,
        %mul3A_182 = vector.broadcast %squeeze3A : f32 to vector<16xf32>
        %mul3A_183 = arith.mulf %get3A_181, %mul3A_182 : vector<16xf32>
        %swap3A_184 = arith.index_cast %add3A_146 : i32 to index
        %swap3A_185 = arith.constant 64 : index
        %swap3A_186 = tpu.vector_load %arg13[%swap3A_184, %swap3A_185] {strides = array<i32>} : memref<80x128xf32, #tpu.memory_space<vmem>>, vector<16xf32>,
        tpu.vector_store %arg13[%swap3A_184, %swap3A_185], %mul3A_183 {strides = array<i32>} : memref<80x128xf32, #tpu.memory_space<vmem>>, vector<16xf32>,
        %get3A_187 = arith.index_cast %add3A_146 : i32 to index
        %get3A_188 = arith.constant 80 : index
        %get3A_189 = tpu.vector_load %arg13[%get3A_187, %get3A_188] {strides = array<i32>} : memref<80x128xf32, #tpu.memory_space<vmem>>, vector<16xf32>,
        %mul3A_190 = vector.broadcast %squeeze3A : f32 to vector<16xf32>
        %mul3A_191 = arith.mulf %get3A_189, %mul3A_190 : vector<16xf32>
        %swap3A_192 = arith.index_cast %add3A_146 : i32 to index
        %swap3A_193 = arith.constant 80 : index
        %swap3A_194 = tpu.vector_load %arg13[%swap3A_192, %swap3A_193] {strides = array<i32>} : memref<80x128xf32, #tpu.memory_space<vmem>>, vector<16xf32>,
        tpu.vector_store %arg13[%swap3A_192, %swap3A_193], %mul3A_191 {strides = array<i32>} : memref<80x128xf32, #tpu.memory_space<vmem>>, vector<16xf32>,
        %get3A_195 = arith.index_cast %add3A_146 : i32 to index
        %get3A_196 = arith.constant 96 : index
        %get3A_197 = tpu.vector_load %arg13[%get3A_195, %get3A_196] {strides = array<i32>} : memref<80x128xf32, #tpu.memory_space<vmem>>, vector<16xf32>,
        %mul3A_198 = vector.broadcast %squeeze3A : f32 to vector<16xf32>
        %mul3A_199 = arith.mulf %get3A_197, %mul3A_198 : vector<16xf32>
        %swap3A_200 = arith.index_cast %add3A_146 : i32 to index
        %swap3A_201 = arith.constant 96 : index
        %swap3A_202 = tpu.vector_load %arg13[%swap3A_200, %swap3A_201] {strides = array<i32>} : memref<80x128xf32, #tpu.memory_space<vmem>>, vector<16xf32>,
        tpu.vector_store %arg13[%swap3A_200, %swap3A_201], %mul3A_199 {strides = array<i32>} : memref<80x128xf32, #tpu.memory_space<vmem>>, vector<16xf32>,
        %get3A_203 = arith.index_cast %add3A_146 : i32 to index
        %get3A_204 = arith.constant 112 : index
        %get3A_205 = tpu.vector_load %arg13[%get3A_203, %get3A_204] {strides = array<i32>} : memref<80x128xf32, #tpu.memory_space<vmem>>, vector<16xf32>,
        %mul3A_206 = vector.broadcast %squeeze3A : f32 to vector<16xf32>
        %mul3A_207 = arith.mulf %get3A_205, %mul3A_206 : vector<16xf32>
        %swap3A_208 = arith.index_cast %add3A_146 : i32 to index
        %swap3A_209 = arith.constant 112 : index
        %swap3A_210 = tpu.vector_load %arg13[%swap3A_208, %swap3A_209] {strides = array<i32>} : memref<80x128xf32, #tpu.memory_space<vmem>>, vector<16xf32>,
        tpu.vector_store %arg13[%swap3A_208, %swap3A_209], %mul3A_207 {strides = array<i32>} : memref<80x128xf32, #tpu.memory_space<vmem>>, vector<16xf32>,
        %slice3A_211 = vector.extract_strided_slice %get3A_142 {offsets = [1], sizes = [1], strides = [1]} : vector<16xf32> to vector<1xf32>
        %squeeze3A_212 = vector.extract %slice3A_211[0] : f32 from vector<1xf32>
        %mul3A_213 = arith.constant 16 : i32
        %mul3A_214 = arith.muli %scan3A_138, %mul3A_213 : i32
        %add3A_215 = arith.constant 1 : i32
        %add3A_216 = arith.addi %mul3A_214, %add3A_215 : i32
        %get3A_217 = arith.index_cast %add3A_216 : i32 to index
        %get3A_218 = arith.constant 0 : index
        %get3A_219 = tpu.vector_load %arg13[%get3A_217, %get3A_218] {strides = array<i32>} : memref<80x128xf32, #tpu.memory_space<vmem>>, vector<16xf32>,
        %mul3A_220 = vector.broadcast %squeeze3A_212 : f32 to vector<16xf32>
        %mul3A_221 = arith.mulf %get3A_219, %mul3A_220 : vector<16xf32>
        %swap3A_222 = arith.index_cast %add3A_216 : i32 to index
        %swap3A_223 = arith.constant 0 : index
        %swap3A_224 = tpu.vector_load %arg13[%swap3A_222, %swap3A_223] {strides = array<i32>} : memref<80x128xf32, #tpu.memory_space<vmem>>, vector<16xf32>,
        tpu.vector_store %arg13[%swap3A_222, %swap3A_223], %mul3A_221 {strides = array<i32>} : memref<80x128xf32, #tpu.memory_space<vmem>>, vector<16xf32>,
        %get3A_225 = arith.index_cast %add3A_216 : i32 to index
        %get3A_226 = arith.constant 16 : index
        %get3A_227 = tpu.vector_load %arg13[%get3A_225, %get3A_226] {strides = array<i32>} : memref<80x128xf32, #tpu.memory_space<vmem>>, vector<16xf32>,
        %mul3A_228 = vector.broadcast %squeeze3A_212 : f32 to vector<16xf32>
        %mul3A_229 = arith.mulf %get3A_227, %mul3A_228 : vector<16xf32>
        %swap3A_230 = arith.index_cast %add3A_216 : i32 to index
        %swap3A_231 = arith.constant 16 : index
        %swap3A_232 = tpu.vector_load %arg13[%swap3A_230, %swap3A_231] {strides = array<i32>} : memref<80x128xf32, #tpu.memory_space<vmem>>, vector<16xf32>,
        tpu.vector_store %arg13[%swap3A_230, %swap3A_231], %mul3A_229 {strides = array<i32>} : memref<80x128xf32, #tpu.memory_space<vmem>>, vector<16xf32>,
        %get3A_233 = arith.index_cast %add3A_216 : i32 to index
        %get3A_234 = arith.constant 32 : index
        %get3A_235 = tpu.vector_load %arg13[%get3A_233, %get3A_234] {strides = array<i32>} : memref<80x128xf32, #tpu.memory_space<vmem>>, vector<16xf32>,
        %mul3A_236 = vector.broadcast %squeeze3A_212 : f32 to vector<16xf32>
        %mul3A_237 = arith.mulf %get3A_235, %mul3A_236 : vector<16xf32>
        %swap3A_238 = arith.index_cast %add3A_216 : i32 to index
        %swap3A_239 = arith.constant 32 : index
        %swap3A_240 = tpu.vector_load %arg13[%swap3A_238, %swap3A_239] {strides = array<i32>} : memref<80x128xf32, #tpu.memory_space<vmem>>, vector<16xf32>,
        tpu.vector_store %arg13[%swap3A_238, %swap3A_239], %mul3A_237 {strides = array<i32>} : memref<80x128xf32, #tpu.memory_space<vmem>>, vector<16xf32>,
        %get3A_241 = arith.index_cast %add3A_216 : i32 to index
        %get3A_242 = arith.constant 48 : index
        %get3A_243 = tpu.vector_load %arg13[%get3A_241, %get3A_242] {strides = array<i32>} : memref<80x128xf32, #tpu.memory_space<vmem>>, vector<16xf32>,
        %mul3A_244 = vector.broadcast %squeeze3A_212 : f32 to vector<16xf32>
        %mul3A_245 = arith.mulf %get3A_243, %mul3A_244 : vector<16xf32>
        %swap3A_246 = arith.index_cast %add3A_216 : i32 to index
        %swap3A_247 = arith.constant 48 : index
        %swap3A_248 = tpu.vector_load %arg13[%swap3A_246, %swap3A_247] {strides = array<i32>} : memref<80x128xf32, #tpu.memory_space<vmem>>, vector<16xf32>,
        tpu.vector_store %arg13[%swap3A_246, %swap3A_247], %mul3A_245 {strides = array<i32>} : memref<80x128xf32, #tpu.memory_space<vmem>>, vector<16xf32>,
        %get3A_249 = arith.index_cast %add3A_216 : i32 to index
        %get3A_250 = arith.constant 64 : index
        %get3A_251 = tpu.vector_load %arg13[%get3A_249, %get3A_250] {strides = array<i32>} : memref<80x128xf32, #tpu.memory_space<vmem>>, vector<16xf32>,
        %mul3A_252 = vector.broadcast %squeeze3A_212 : f32 to vector<16xf32>
        %mul3A_253 = arith.mulf %get3A_251, %mul3A_252 : vector<16xf32>
        %swap3A_254 = arith.index_cast %add3A_216 : i32 to index
        %swap3A_255 = arith.constant 64 : index
        %swap3A_256 = tpu.vector_load %arg13[%swap3A_254, %swap3A_255] {strides = array<i32>} : memref<80x128xf32, #tpu.memory_space<vmem>>, vector<16xf32>,
        tpu.vector_store %arg13[%swap3A_254, %swap3A_255], %mul3A_253 {strides = array<i32>} : memref<80x128xf32, #tpu.memory_space<vmem>>, vector<16xf32>,
        %get3A_257 = arith.index_cast %add3A_216 : i32 to index
        %get3A_258 = arith.constant 80 : index
        %get3A_259 = tpu.vector_load %arg13[%get3A_257, %get3A_258] {strides = array<i32>} : memref<80x128xf32, #tpu.memory_space<vmem>>, vector<16xf32>,
        %mul3A_260 = vector.broadcast %squeeze3A_212 : f32 to vector<16xf32>
        %mul3A_261 = arith.mulf %get3A_259, %mul3A_260 : vector<16xf32>
        %swap3A_262 = arith.index_cast %add3A_216 : i32 to index
        %swap3A_263 = arith.constant 80 : index
        %swap3A_264 = tpu.vector_load %arg13[%swap3A_262, %swap3A_263] {strides = array<i32>} : memref<80x128xf32, #tpu.memory_space<vmem>>, vector<16xf32>,
        tpu.vector_store %arg13[%swap3A_262, %swap3A_263], %mul3A_261 {strides = array<i32>} : memref<80x128xf32, #tpu.memory_space<vmem>>, vector<16xf32>,
        %get3A_265 = arith.index_cast %add3A_216 : i32 to index
        %get3A_266 = arith.constant 96 : index
        %get3A_267 = tpu.vector_load %arg13[%get3A_265, %get3A_266] {strides = array<i32>} : memref<80x128xf32, #tpu.memory_space<vmem>>, vector<16xf32>,
        %mul3A_268 = vector.broadcast %squeeze3A_212 : f32 to vector<16xf32>
        %mul3A_269 = arith.mulf %get3A_267, %mul3A_268 : vector<16xf32>
        %swap3A_270 = arith.index_cast %add3A_216 : i32 to index
        %swap3A_271 = arith.constant 96 : index
        %swap3A_272 = tpu.vector_load %arg13[%swap3A_270, %swap3A_271] {strides = array<i32>} : memref<80x128xf32, #tpu.memory_space<vmem>>, vector<16xf32>,
        tpu.vector_store %arg13[%swap3A_270, %swap3A_271], %mul3A_269 {strides = array<i32>} : memref<80x128xf32, #tpu.memory_space<vmem>>, vector<16xf32>,
        %get3A_273 = arith.index_cast %add3A_216 : i32 to index
        %get3A_274 = arith.constant 112 : index
        %get3A_275 = tpu.vector_load %arg13[%get3A_273, %get3A_274] {strides = array<i32>} : memref<80x128xf32, #tpu.memory_space<vmem>>, vector<16xf32>,
        %mul3A_276 = vector.broadcast %squeeze3A_212 : f32 to vector<16xf32>
        %mul3A_277 = arith.mulf %get3A_275, %mul3A_276 : vector<16xf32>
        %swap3A_278 = arith.index_cast %add3A_216 : i32 to index
        %swap3A_279 = arith.constant 112 : index
        %swap3A_280 = tpu.vector_load %arg13[%swap3A_278, %swap3A_279] {strides = array<i32>} : memref<80x128xf32, #tpu.memory_space<vmem>>, vector<16xf32>,
        tpu.vector_store %arg13[%swap3A_278, %swap3A_279], %mul3A_277 {strides = array<i32>} : memref<80x128xf32, #tpu.memory_space<vmem>>, vector<16xf32>,
        %slice3A_281 = vector.extract_strided_slice %get3A_142 {offsets = [2], sizes = [1], strides = [1]} : vector<16xf32> to vector<1xf32>
        %squeeze3A_282 = vector.extract %slice3A_281[0] : f32 from vector<1xf32>
        %mul3A_283 = arith.constant 16 : i32
        %mul3A_284 = arith.muli %scan3A_138, %mul3A_283 : i32
        %add3A_285 = arith.constant 2 : i32
        %add3A_286 = arith.addi %mul3A_284, %add3A_285 : i32
        %get3A_287 = arith.index_cast %add3A_286 : i32 to index
        %get3A_288 = arith.constant 0 : index
        %get3A_289 = tpu.vector_load %arg13[%get3A_287, %get3A_288] {strides = array<i32>} : memref<80x128xf32, #tpu.memory_space<vmem>>, vector<16xf32>,
        %mul3A_290 = vector.broadcast %squeeze3A_282 : f32 to vector<16xf32>
        %mul3A_291 = arith.mulf %get3A_289, %mul3A_290 : vector<16xf32>
        %swap3A_292 = arith.index_cast %add3A_286 : i32 to index
        %swap3A_293 = arith.constant 0 : index
        %swap3A_294 = tpu.vector_load %arg13[%swap3A_292, %swap3A_293] {strides = array<i32>} : memref<80x128xf32, #tpu.memory_space<vmem>>, vector<16xf32>,
        tpu.vector_store %arg13[%swap3A_292, %swap3A_293], %mul3A_291 {strides = array<i32>} : memref<80x128xf32, #tpu.memory_space<vmem>>, vector<16xf32>,
        %get3A_295 = arith.index_cast %add3A_286 : i32 to index
        %get3A_296 = arith.constant 16 : index
        %get3A_297 = tpu.vector_load %arg13[%get3A_295, %get3A_296] {strides = array<i32>} : memref<80x128xf32, #tpu.memory_space<vmem>>, vector<16xf32>,
        %mul3A_298 = vector.broadcast %squeeze3A_282 : f32 to vector<16xf32>
        %mul3A_299 = arith.mulf %get3A_297, %mul3A_298 : vector<16xf32>
        %swap3A_300 = arith.index_cast %add3A_286 : i32 to index
        %swap3A_301 = arith.constant 16 : index
        %swap3A_302 = tpu.vector_load %arg13[%swap3A_300, %swap3A_301] {strides = array<i32>} : memref<80x128xf32, #tpu.memory_space<vmem>>, vector<16xf32>,
        tpu.vector_store %arg13[%swap3A_300, %swap3A_301], %mul3A_299 {strides = array<i32>} : memref<80x128xf32, #tpu.memory_space<vmem>>, vector<16xf32>,
        %get3A_303 = arith.index_cast %add3A_286 : i32 to index
        %get3A_304 = arith.constant 32 : index
        %get3A_305 = tpu.vector_load %arg13[%get3A_303, %get3A_304] {strides = array<i32>} : memref<80x128xf32, #tpu.memory_space<vmem>>, vector<16xf32>,
        %mul3A_306 = vector.broadcast %squeeze3A_282 : f32 to vector<16xf32>
        %mul3A_307 = arith.mulf %get3A_305, %mul3A_306 : vector<16xf32>
        %swap3A_308 = arith.index_cast %add3A_286 : i32 to index
        %swap3A_309 = arith.constant 32 : index
        %swap3A_310 = tpu.vector_load %arg13[%swap3A_308, %swap3A_309] {strides = array<i32>} : memref<80x128xf32, #tpu.memory_space<vmem>>, vector<16xf32>,
        tpu.vector_store %arg13[%swap3A_308, %swap3A_309], %mul3A_307 {strides = array<i32>} : memref<80x128xf32, #tpu.memory_space<vmem>>, vector<16xf32>,
        %get3A_311 = arith.index_cast %add3A_286 : i32 to index
        %get3A_312 = arith.constant 48 : index
        %get3A_313 = tpu.vector_load %arg13[%get3A_311, %get3A_312] {strides = array<i32>} : memref<80x128xf32, #tpu.memory_space<vmem>>, vector<16xf32>,
        %mul3A_314 = vector.broadcast %squeeze3A_282 : f32 to vector<16xf32>
        %mul3A_315 = arith.mulf %get3A_313, %mul3A_314 : vector<16xf32>
        %swap3A_316 = arith.index_cast %add3A_286 : i32 to index
        %swap3A_317 = arith.constant 48 : index
        %swap3A_318 = tpu.vector_load %arg13[%swap3A_316, %swap3A_317] {strides = array<i32>} : memref<80x128xf32, #tpu.memory_space<vmem>>, vector<16xf32>,
        tpu.vector_store %arg13[%swap3A_316, %swap3A_317], %mul3A_315 {strides = array<i32>} : memref<80x128xf32, #tpu.memory_space<vmem>>, vector<16xf32>,
        %get3A_319 = arith.index_cast %add3A_286 : i32 to index
        %get3A_320 = arith.constant 64 : index
        %get3A_321 = tpu.vector_load %arg13[%get3A_319, %get3A_320] {strides = array<i32>} : memref<80x128xf32, #tpu.memory_space<vmem>>, vector<16xf32>,
        %mul3A_322 = vector.broadcast %squeeze3A_282 : f32 to vector<16xf32>
        %mul3A_323 = arith.mulf %get3A_321, %mul3A_322 : vector<16xf32>
        %swap3A_324 = arith.index_cast %add3A_286 : i32 to index
        %swap3A_325 = arith.constant 64 : index
        %swap3A_326 = tpu.vector_load %arg13[%swap3A_324, %swap3A_325] {strides = array<i32>} : memref<80x128xf32, #tpu.memory_space<vmem>>, vector<16xf32>,
        tpu.vector_store %arg13[%swap3A_324, %swap3A_325], %mul3A_323 {strides = array<i32>} : memref<80x128xf32, #tpu.memory_space<vmem>>, vector<16xf32>,
        %get3A_327 = arith.index_cast %add3A_286 : i32 to index
        %get3A_328 = arith.constant 80 : index
        %get3A_329 = tpu.vector_load %arg13[%get3A_327, %get3A_328] {strides = array<i32>} : memref<80x128xf32, #tpu.memory_space<vmem>>, vector<16xf32>,
        %mul3A_330 = vector.broadcast %squeeze3A_282 : f32 to vector<16xf32>
        %mul3A_331 = arith.mulf %get3A_329, %mul3A_330 : vector<16xf32>
        %swap3A_332 = arith.index_cast %add3A_286 : i32 to index
        %swap3A_333 = arith.constant 80 : index
        %swap3A_334 = tpu.vector_load %arg13[%swap3A_332, %swap3A_333] {strides = array<i32>} : memref<80x128xf32, #tpu.memory_space<vmem>>, vector<16xf32>,
        tpu.vector_store %arg13[%swap3A_332, %swap3A_333], %mul3A_331 {strides = array<i32>} : memref<80x128xf32, #tpu.memory_space<vmem>>, vector<16xf32>,
        %get3A_335 = arith.index_cast %add3A_286 : i32 to index
        %get3A_336 = arith.constant 96 : index
        %get3A_337 = tpu.vector_load %arg13[%get3A_335, %get3A_336] {strides = array<i32>} : memref<80x128xf32, #tpu.memory_space<vmem>>, vector<16xf32>,
        %mul3A_338 = vector.broadcast %squeeze3A_282 : f32 to vector<16xf32>
        %mul3A_339 = arith.mulf %get3A_337, %mul3A_338 : vector<16xf32>
        %swap3A_340 = arith.index_cast %add3A_286 : i32 to index
        %swap3A_341 = arith.constant 96 : index
        %swap3A_342 = tpu.vector_load %arg13[%swap3A_340, %swap3A_341] {strides = array<i32>} : memref<80x128xf32, #tpu.memory_space<vmem>>, vector<16xf32>,
        tpu.vector_store %arg13[%swap3A_340, %swap3A_341], %mul3A_339 {strides = array<i32>} : memref<80x128xf32, #tpu.memory_space<vmem>>, vector<16xf32>,
        %get3A_343 = arith.index_cast %add3A_286 : i32 to index
        %get3A_344 = arith.constant 112 : index
        %get3A_345 = tpu.vector_load %arg13[%get3A_343, %get3A_344] {strides = array<i32>} : memref<80x128xf32, #tpu.memory_space<vmem>>, vector<16xf32>,
        %mul3A_346 = vector.broadcast %squeeze3A_282 : f32 to vector<16xf32>
        %mul3A_347 = arith.mulf %get3A_345, %mul3A_346 : vector<16xf32>
        %swap3A_348 = arith.index_cast %add3A_286 : i32 to index
        %swap3A_349 = arith.constant 112 : index
        %swap3A_350 = tpu.vector_load %arg13[%swap3A_348, %swap3A_349] {strides = array<i32>} : memref<80x128xf32, #tpu.memory_space<vmem>>, vector<16xf32>,
        tpu.vector_store %arg13[%swap3A_348, %swap3A_349], %mul3A_347 {strides = array<i32>} : memref<80x128xf32, #tpu.memory_space<vmem>>, vector<16xf32>,
        %slice3A_351 = vector.extract_strided_slice %get3A_142 {offsets = [3], sizes = [1], strides = [1]} : vector<16xf32> to vector<1xf32>
        %squeeze3A_352 = vector.extract %slice3A_351[0] : f32 from vector<1xf32>
        %mul3A_353 = arith.constant 16 : i32
        %mul3A_354 = arith.muli %scan3A_138, %mul3A_353 : i32
        %add3A_355 = arith.constant 3 : i32
        %add3A_356 = arith.addi %mul3A_354, %add3A_355 : i32
        %get3A_357 = arith.index_cast %add3A_356 : i32 to index
        %get3A_358 = arith.constant 0 : index
        %get3A_359 = tpu.vector_load %arg13[%get3A_357, %get3A_358] {strides = array<i32>} : memref<80x128xf32, #tpu.memory_space<vmem>>, vector<16xf32>,
        %mul3A_360 = vector.broadcast %squeeze3A_352 : f32 to vector<16xf32>
        %mul3A_361 = arith.mulf %get3A_359, %mul3A_360 : vector<16xf32>
        %swap3A_362 = arith.index_cast %add3A_356 : i32 to index
        %swap3A_363 = arith.constant 0 : index
        %swap3A_364 = tpu.vector_load %arg13[%swap3A_362, %swap3A_363] {strides = array<i32>} : memref<80x128xf32, #tpu.memory_space<vmem>>, vector<16xf32>,
        tpu.vector_store %arg13[%swap3A_362, %swap3A_363], %mul3A_361 {strides = array<i32>} : memref<80x128xf32, #tpu.memory_space<vmem>>, vector<16xf32>,
        %get3A_365 = arith.index_cast %add3A_356 : i32 to index
        %get3A_366 = arith.constant 16 : index
        %get3A_367 = tpu.vector_load %arg13[%get3A_365, %get3A_366] {strides = array<i32>} : memref<80x128xf32, #tpu.memory_space<vmem>>, vector<16xf32>,
        %mul3A_368 = vector.broadcast %squeeze3A_352 : f32 to vector<16xf32>
        %mul3A_369 = arith.mulf %get3A_367, %mul3A_368 : vector<16xf32>
        %swap3A_370 = arith.index_cast %add3A_356 : i32 to index
        %swap3A_371 = arith.constant 16 : index
        %swap3A_372 = tpu.vector_load %arg13[%swap3A_370, %swap3A_371] {strides = array<i32>} : memref<80x128xf32, #tpu.memory_space<vmem>>, vector<16xf32>,
        tpu.vector_store %arg13[%swap3A_370, %swap3A_371], %mul3A_369 {strides = array<i32>} : memref<80x128xf32, #tpu.memory_space<vmem>>, vector<16xf32>,
        %get3A_373 = arith.index_cast %add3A_356 : i32 to index
        %get3A_374 = arith.constant 32 : index
        %get3A_375 = tpu.vector_load %arg13[%get3A_373, %get3A_374] {strides = array<i32>} : memref<80x128xf32, #tpu.memory_space<vmem>>, vector<16xf32>,
        %mul3A_376 = vector.broadcast %squeeze3A_352 : f32 to vector<16xf32>
        %mul3A_377 = arith.mulf %get3A_375, %mul3A_376 : vector<16xf32>
        %swap3A_378 = arith.index_cast %add3A_356 : i32 to index
        %swap3A_379 = arith.constant 32 : index
        %swap3A_380 = tpu.vector_load %arg13[%swap3A_378, %swap3A_379] {strides = array<i32>} : memref<80x128xf32, #tpu.memory_space<vmem>>, vector<16xf32>,
        tpu.vector_store %arg13[%swap3A_378, %swap3A_379], %mul3A_377 {strides = array<i32>} : memref<80x128xf32, #tpu.memory_space<vmem>>, vector<16xf32>,
        %get3A_381 = arith.index_cast %add3A_356 : i32 to index
        %get3A_382 = arith.constant 48 : index
        %get3A_383 = tpu.vector_load %arg13[%get3A_381, %get3A_382] {strides = array<i32>} : memref<80x128xf32, #tpu.memory_space<vmem>>, vector<16xf32>,
        %mul3A_384 = vector.broadcast %squeeze3A_352 : f32 to vector<16xf32>
        %mul3A_385 = arith.mulf %get3A_383, %mul3A_384 : vector<16xf32>
        %swap3A_386 = arith.index_cast %add3A_356 : i32 to index
        %swap3A_387 = arith.constant 48 : index
        %swap3A_388 = tpu.vector_load %arg13[%swap3A_386, %swap3A_387] {strides = array<i32>} : memref<80x128xf32, #tpu.memory_space<vmem>>, vector<16xf32>,
        tpu.vector_store %arg13[%swap3A_386, %swap3A_387], %mul3A_385 {strides = array<i32>} : memref<80x128xf32, #tpu.memory_space<vmem>>, vector<16xf32>,
        %get3A_389 = arith.index_cast %add3A_356 : i32 to index
        %get3A_390 = arith.constant 64 : index
        %get3A_391 = tpu.vector_load %arg13[%get3A_389, %get3A_390] {strides = array<i32>} : memref<80x128xf32, #tpu.memory_space<vmem>>, vector<16xf32>,
        %mul3A_392 = vector.broadcast %squeeze3A_352 : f32 to vector<16xf32>
        %mul3A_393 = arith.mulf %get3A_391, %mul3A_392 : vector<16xf32>
        %swap3A_394 = arith.index_cast %add3A_356 : i32 to index
        %swap3A_395 = arith.constant 64 : index
        %swap3A_396 = tpu.vector_load %arg13[%swap3A_394, %swap3A_395] {strides = array<i32>} : memref<80x128xf32, #tpu.memory_space<vmem>>, vector<16xf32>,
        tpu.vector_store %arg13[%swap3A_394, %swap3A_395], %mul3A_393 {strides = array<i32>} : memref<80x128xf32, #tpu.memory_space<vmem>>, vector<16xf32>,
        %get3A_397 = arith.index_cast %add3A_356 : i32 to index
        %get3A_398 = arith.constant 80 : index
        %get3A_399 = tpu.vector_load %arg13[%get3A_397, %get3A_398] {strides = array<i32>} : memref<80x128xf32, #tpu.memory_space<vmem>>, vector<16xf32>,
        %mul3A_400 = vector.broadcast %squeeze3A_352 : f32 to vector<16xf32>
        %mul3A_401 = arith.mulf %get3A_399, %mul3A_400 : vector<16xf32>
        %swap3A_402 = arith.index_cast %add3A_356 : i32 to index
        %swap3A_403 = arith.constant 80 : index
        %swap3A_404 = tpu.vector_load %arg13[%swap3A_402, %swap3A_403] {strides = array<i32>} : memref<80x128xf32, #tpu.memory_space<vmem>>, vector<16xf32>,
        tpu.vector_store %arg13[%swap3A_402, %swap3A_403], %mul3A_401 {strides = array<i32>} : memref<80x128xf32, #tpu.memory_space<vmem>>, vector<16xf32>,
        %get3A_405 = arith.index_cast %add3A_356 : i32 to index
        %get3A_406 = arith.constant 96 : index
        %get3A_407 = tpu.vector_load %arg13[%get3A_405, %get3A_406] {strides = array<i32>} : memref<80x128xf32, #tpu.memory_space<vmem>>, vector<16xf32>,
        %mul3A_408 = vector.broadcast %squeeze3A_352 : f32 to vector<16xf32>
        %mul3A_409 = arith.mulf %get3A_407, %mul3A_408 : vector<16xf32>
        %swap3A_410 = arith.index_cast %add3A_356 : i32 to index
        %swap3A_411 = arith.constant 96 : index
        %swap3A_412 = tpu.vector_load %arg13[%swap3A_410, %swap3A_411] {strides = array<i32>} : memref<80x128xf32, #tpu.memory_space<vmem>>, vector<16xf32>,
        tpu.vector_store %arg13[%swap3A_410, %swap3A_411], %mul3A_409 {strides = array<i32>} : memref<80x128xf32, #tpu.memory_space<vmem>>, vector<16xf32>,
        %get3A_413 = arith.index_cast %add3A_356 : i32 to index
        %get3A_414 = arith.constant 112 : index
        %get3A_415 = tpu.vector_load %arg13[%get3A_413, %get3A_414] {strides = array<i32>} : memref<80x128xf32, #tpu.memory_space<vmem>>, vector<16xf32>,
        %mul3A_416 = vector.broadcast %squeeze3A_352 : f32 to vector<16xf32>
        %mul3A_417 = arith.mulf %get3A_415, %mul3A_416 : vector<16xf32>
        %swap3A_418 = arith.index_cast %add3A_356 : i32 to index
        %swap3A_419 = arith.constant 112 : index
        %swap3A_420 = tpu.vector_load %arg13[%swap3A_418, %swap3A_419] {strides = array<i32>} : memref<80x128xf32, #tpu.memory_space<vmem>>, vector<16xf32>,
        tpu.vector_store %arg13[%swap3A_418, %swap3A_419], %mul3A_417 {strides = array<i32>} : memref<80x128xf32, #tpu.memory_space<vmem>>, vector<16xf32>,
        %slice3A_421 = vector.extract_strided_slice %get3A_142 {offsets = [4], sizes = [1], strides = [1]} : vector<16xf32> to vector<1xf32>
        %squeeze3A_422 = vector.extract %slice3A_421[0] : f32 from vector<1xf32>
        %mul3A_423 = arith.constant 16 : i32
        %mul3A_424 = arith.muli %scan3A_138, %mul3A_423 : i32
        %add3A_425 = arith.constant 4 : i32
        %add3A_426 = arith.addi %mul3A_424, %add3A_425 : i32
        %get3A_427 = arith.index_cast %add3A_426 : i32 to index
        %get3A_428 = arith.constant 0 : index
        %get3A_429 = tpu.vector_load %arg13[%get3A_427, %get3A_428] {strides = array<i32>} : memref<80x128xf32, #tpu.memory_space<vmem>>, vector<16xf32>,
        %mul3A_430 = vector.broadcast %squeeze3A_422 : f32 to vector<16xf32>
        %mul3A_431 = arith.mulf %get3A_429, %mul3A_430 : vector<16xf32>
        %swap3A_432 = arith.index_cast %add3A_426 : i32 to index
        %swap3A_433 = arith.constant 0 : index
        %swap3A_434 = tpu.vector_load %arg13[%swap3A_432, %swap3A_433] {strides = array<i32>} : memref<80x128xf32, #tpu.memory_space<vmem>>, vector<16xf32>,
        tpu.vector_store %arg13[%swap3A_432, %swap3A_433], %mul3A_431 {strides = array<i32>} : memref<80x128xf32, #tpu.memory_space<vmem>>, vector<16xf32>,
        %get3A_435 = arith.index_cast %add3A_426 : i32 to index
        %get3A_436 = arith.constant 16 : index
        %get3A_437 = tpu.vector_load %arg13[%get3A_435, %get3A_436] {strides = array<i32>} : memref<80x128xf32, #tpu.memory_space<vmem>>, vector<16xf32>,
        %mul3A_438 = vector.broadcast %squeeze3A_422 : f32 to vector<16xf32>
        %mul3A_439 = arith.mulf %get3A_437, %mul3A_438 : vector<16xf32>
        %swap3A_440 = arith.index_cast %add3A_426 : i32 to index
        %swap3A_441 = arith.constant 16 : index
        %swap3A_442 = tpu.vector_load %arg13[%swap3A_440, %swap3A_441] {strides = array<i32>} : memref<80x128xf32, #tpu.memory_space<vmem>>, vector<16xf32>,
        tpu.vector_store %arg13[%swap3A_440, %swap3A_441], %mul3A_439 {strides = array<i32>} : memref<80x128xf32, #tpu.memory_space<vmem>>, vector<16xf32>,
        %get3A_443 = arith.index_cast %add3A_426 : i32 to index
        %get3A_444 = arith.constant 32 : index
        %get3A_445 = tpu.vector_load %arg13[%get3A_443, %get3A_444] {strides = array<i32>} : memref<80x128xf32, #tpu.memory_space<vmem>>, vector<16xf32>,
        %mul3A_446 = vector.broadcast %squeeze3A_422 : f32 to vector<16xf32>
        %mul3A_447 = arith.mulf %get3A_445, %mul3A_446 : vector<16xf32>
        %swap3A_448 = arith.index_cast %add3A_426 : i32 to index
        %swap3A_449 = arith.constant 32 : index
        %swap3A_450 = tpu.vector_load %arg13[%swap3A_448, %swap3A_449] {strides = array<i32>} : memref<80x128xf32, #tpu.memory_space<vmem>>, vector<16xf32>,
        tpu.vector_store %arg13[%swap3A_448, %swap3A_449], %mul3A_447 {strides = array<i32>} : memref<80x128xf32, #tpu.memory_space<vmem>>, vector<16xf32>,
        %get3A_451 = arith.index_cast %add3A_426 : i32 to index
        %get3A_452 = arith.constant 48 : index
        %get3A_453 = tpu.vector_load %arg13[%get3A_451, %get3A_452] {strides = array<i32>} : memref<80x128xf32, #tpu.memory_space<vmem>>, vector<16xf32>,
        %mul3A_454 = vector.broadcast %squeeze3A_422 : f32 to vector<16xf32>
        %mul3A_455 = arith.mulf %get3A_453, %mul3A_454 : vector<16xf32>
        %swap3A_456 = arith.index_cast %add3A_426 : i32 to index
        %swap3A_457 = arith.constant 48 : index
        %swap3A_458 = tpu.vector_load %arg13[%swap3A_456, %swap3A_457] {strides = array<i32>} : memref<80x128xf32, #tpu.memory_space<vmem>>, vector<16xf32>,
        tpu.vector_store %arg13[%swap3A_456, %swap3A_457], %mul3A_455 {strides = array<i32>} : memref<80x128xf32, #tpu.memory_space<vmem>>, vector<16xf32>,
        %get3A_459 = arith.index_cast %add3A_426 : i32 to index
        %get3A_460 = arith.constant 64 : index
        %get3A_461 = tpu.vector_load %arg13[%get3A_459, %get3A_460] {strides = array<i32>} : memref<80x128xf32, #tpu.memory_space<vmem>>, vector<16xf32>,
        %mul3A_462 = vector.broadcast %squeeze3A_422 : f32 to vector<16xf32>
        %mul3A_463 = arith.mulf %get3A_461, %mul3A_462 : vector<16xf32>
        %swap3A_464 = arith.index_cast %add3A_426 : i32 to index
        %swap3A_465 = arith.constant 64 : index
        %swap3A_466 = tpu.vector_load %arg13[%swap3A_464, %swap3A_465] {strides = array<i32>} : memref<80x128xf32, #tpu.memory_space<vmem>>, vector<16xf32>,
        tpu.vector_store %arg13[%swap3A_464, %swap3A_465], %mul3A_463 {strides = array<i32>} : memref<80x128xf32, #tpu.memory_space<vmem>>, vector<16xf32>,
        %get3A_467 = arith.index_cast %add3A_426 : i32 to index
        %get3A_468 = arith.constant 80 : index
        %get3A_469 = tpu.vector_load %arg13[%get3A_467, %get3A_468] {strides = array<i32>} : memref<80x128xf32, #tpu.memory_space<vmem>>, vector<16xf32>,
        %mul3A_470 = vector.broadcast %squeeze3A_422 : f32 to vector<16xf32>
        %mul3A_471 = arith.mulf %get3A_469, %mul3A_470 : vector<16xf32>
        %swap3A_472 = arith.index_cast %add3A_426 : i32 to index
        %swap3A_473 = arith.constant 80 : index
        %swap3A_474 = tpu.vector_load %arg13[%swap3A_472, %swap3A_473] {strides = array<i32>} : memref<80x128xf32, #tpu.memory_space<vmem>>, vector<16xf32>,
        tpu.vector_store %arg13[%swap3A_472, %swap3A_473], %mul3A_471 {strides = array<i32>} : memref<80x128xf32, #tpu.memory_space<vmem>>, vector<16xf32>,
        %get3A_475 = arith.index_cast %add3A_426 : i32 to index
        %get3A_476 = arith.constant 96 : index
        %get3A_477 = tpu.vector_load %arg13[%get3A_475, %get3A_476] {strides = array<i32>} : memref<80x128xf32, #tpu.memory_space<vmem>>, vector<16xf32>,
        %mul3A_478 = vector.broadcast %squeeze3A_422 : f32 to vector<16xf32>
        %mul3A_479 = arith.mulf %get3A_477, %mul3A_478 : vector<16xf32>
        %swap3A_480 = arith.index_cast %add3A_426 : i32 to index
        %swap3A_481 = arith.constant 96 : index
        %swap3A_482 = tpu.vector_load %arg13[%swap3A_480, %swap3A_481] {strides = array<i32>} : memref<80x128xf32, #tpu.memory_space<vmem>>, vector<16xf32>,
        tpu.vector_store %arg13[%swap3A_480, %swap3A_481], %mul3A_479 {strides = array<i32>} : memref<80x128xf32, #tpu.memory_space<vmem>>, vector<16xf32>,
        %get3A_483 = arith.index_cast %add3A_426 : i32 to index
        %get3A_484 = arith.constant 112 : index
        %get3A_485 = tpu.vector_load %arg13[%get3A_483, %get3A_484] {strides = array<i32>} : memref<80x128xf32, #tpu.memory_space<vmem>>, vector<16xf32>,
        %mul3A_486 = vector.broadcast %squeeze3A_422 : f32 to vector<16xf32>
        %mul3A_487 = arith.mulf %get3A_485, %mul3A_486 : vector<16xf32>
        %swap3A_488 = arith.index_cast %add3A_426 : i32 to index
        %swap3A_489 = arith.constant 112 : index
        %swap3A_490 = tpu.vector_load %arg13[%swap3A_488, %swap3A_489] {strides = array<i32>} : memref<80x128xf32, #tpu.memory_space<vmem>>, vector<16xf32>,
        tpu.vector_store %arg13[%swap3A_488, %swap3A_489], %mul3A_487 {strides = array<i32>} : memref<80x128xf32, #tpu.memory_space<vmem>>, vector<16xf32>,
        %slice3A_491 = vector.extract_strided_slice %get3A_142 {offsets = [5], sizes = [1], strides = [1]} : vector<16xf32> to vector<1xf32>
        %squeeze3A_492 = vector.extract %slice3A_491[0] : f32 from vector<1xf32>
        %mul3A_493 = arith.constant 16 : i32
        %mul3A_494 = arith.muli %scan3A_138, %mul3A_493 : i32
        %add3A_495 = arith.constant 5 : i32
        %add3A_496 = arith.addi %mul3A_494, %add3A_495 : i32
        %get3A_497 = arith.index_cast %add3A_496 : i32 to index
        %get3A_498 = arith.constant 0 : index
        %get3A_499 = tpu.vector_load %arg13[%get3A_497, %get3A_498] {strides = array<i32>} : memref<80x128xf32, #tpu.memory_space<vmem>>, vector<16xf32>,
        %mul3A_500 = vector.broadcast %squeeze3A_492 : f32 to vector<16xf32>
        %mul3A_501 = arith.mulf %get3A_499, %mul3A_500 : vector<16xf32>
        %swap3A_502 = arith.index_cast %add3A_496 : i32 to index
        %swap3A_503 = arith.constant 0 : index
        %swap3A_504 = tpu.vector_load %arg13[%swap3A_502, %swap3A_503] {strides = array<i32>} : memref<80x128xf32, #tpu.memory_space<vmem>>, vector<16xf32>,
        tpu.vector_store %arg13[%swap3A_502, %swap3A_503], %mul3A_501 {strides = array<i32>} : memref<80x128xf32, #tpu.memory_space<vmem>>, vector<16xf32>,
        %get3A_505 = arith.index_cast %add3A_496 : i32 to index
        %get3A_506 = arith.constant 16 : index
        %get3A_507 = tpu.vector_load %arg13[%get3A_505, %get3A_506] {strides = array<i32>} : memref<80x128xf32, #tpu.memory_space<vmem>>, vector<16xf32>,
        %mul3A_508 = vector.broadcast %squeeze3A_492 : f32 to vector<16xf32>
        %mul3A_509 = arith.mulf %get3A_507, %mul3A_508 : vector<16xf32>
        %swap3A_510 = arith.index_cast %add3A_496 : i32 to index
        %swap3A_511 = arith.constant 16 : index
        %swap3A_512 = tpu.vector_load %arg13[%swap3A_510, %swap3A_511] {strides = array<i32>} : memref<80x128xf32, #tpu.memory_space<vmem>>, vector<16xf32>,
        tpu.vector_store %arg13[%swap3A_510, %swap3A_511], %mul3A_509 {strides = array<i32>} : memref<80x128xf32, #tpu.memory_space<vmem>>, vector<16xf32>,
        %get3A_513 = arith.index_cast %add3A_496 : i32 to index
        %get3A_514 = arith.constant 32 : index
        %get3A_515 = tpu.vector_load %arg13[%get3A_513, %get3A_514] {strides = array<i32>} : memref<80x128xf32, #tpu.memory_space<vmem>>, vector<16xf32>,
        %mul3A_516 = vector.broadcast %squeeze3A_492 : f32 to vector<16xf32>
        %mul3A_517 = arith.mulf %get3A_515, %mul3A_516 : vector<16xf32>
        %swap3A_518 = arith.index_cast %add3A_496 : i32 to index
        %swap3A_519 = arith.constant 32 : index
        %swap3A_520 = tpu.vector_load %arg13[%swap3A_518, %swap3A_519] {strides = array<i32>} : memref<80x128xf32, #tpu.memory_space<vmem>>, vector<16xf32>,
        tpu.vector_store %arg13[%swap3A_518, %swap3A_519], %mul3A_517 {strides = array<i32>} : memref<80x128xf32, #tpu.memory_space<vmem>>, vector<16xf32>,
        %get3A_521 = arith.index_cast %add3A_496 : i32 to index
        %get3A_522 = arith.constant 48 : index
        %get3A_523 = tpu.vector_load %arg13[%get3A_521, %get3A_522] {strides = array<i32>} : memref<80x128xf32, #tpu.memory_space<vmem>>, vector<16xf32>,
        %mul3A_524 = vector.broadcast %squeeze3A_492 : f32 to vector<16xf32>
        %mul3A_525 = arith.mulf %get3A_523, %mul3A_524 : vector<16xf32>
        %swap3A_526 = arith.index_cast %add3A_496 : i32 to index
        %swap3A_527 = arith.constant 48 : index
        %swap3A_528 = tpu.vector_load %arg13[%swap3A_526, %swap3A_527] {strides = array<i32>} : memref<80x128xf32, #tpu.memory_space<vmem>>, vector<16xf32>,
        tpu.vector_store %arg13[%swap3A_526, %swap3A_527], %mul3A_525 {strides = array<i32>} : memref<80x128xf32, #tpu.memory_space<vmem>>, vector<16xf32>,
        %get3A_529 = arith.index_cast %add3A_496 : i32 to index
        %get3A_530 = arith.constant 64 : index
        %get3A_531 = tpu.vector_load %arg13[%get3A_529, %get3A_530] {strides = array<i32>} : memref<80x128xf32, #tpu.memory_space<vmem>>, vector<16xf32>,
        %mul3A_532 = vector.broadcast %squeeze3A_492 : f32 to vector<16xf32>
        %mul3A_533 = arith.mulf %get3A_531, %mul3A_532 : vector<16xf32>
        %swap3A_534 = arith.index_cast %add3A_496 : i32 to index
        %swap3A_535 = arith.constant 64 : index
        %swap3A_536 = tpu.vector_load %arg13[%swap3A_534, %swap3A_535] {strides = array<i32>} : memref<80x128xf32, #tpu.memory_space<vmem>>, vector<16xf32>,
        tpu.vector_store %arg13[%swap3A_534, %swap3A_535], %mul3A_533 {strides = array<i32>} : memref<80x128xf32, #tpu.memory_space<vmem>>, vector<16xf32>,
        %get3A_537 = arith.index_cast %add3A_496 : i32 to index
        %get3A_538 = arith.constant 80 : index
        %get3A_539 = tpu.vector_load %arg13[%get3A_537, %get3A_538] {strides = array<i32>} : memref<80x128xf32, #tpu.memory_space<vmem>>, vector<16xf32>,
        %mul3A_540 = vector.broadcast %squeeze3A_492 : f32 to vector<16xf32>
        %mul3A_541 = arith.mulf %get3A_539, %mul3A_540 : vector<16xf32>
        %swap3A_542 = arith.index_cast %add3A_496 : i32 to index
        %swap3A_543 = arith.constant 80 : index
        %swap3A_544 = tpu.vector_load %arg13[%swap3A_542, %swap3A_543] {strides = array<i32>} : memref<80x128xf32, #tpu.memory_space<vmem>>, vector<16xf32>,
        tpu.vector_store %arg13[%swap3A_542, %swap3A_543], %mul3A_541 {strides = array<i32>} : memref<80x128xf32, #tpu.memory_space<vmem>>, vector<16xf32>,
        %get3A_545 = arith.index_cast %add3A_496 : i32 to index
        %get3A_546 = arith.constant 96 : index
        %get3A_547 = tpu.vector_load %arg13[%get3A_545, %get3A_546] {strides = array<i32>} : memref<80x128xf32, #tpu.memory_space<vmem>>, vector<16xf32>,
        %mul3A_548 = vector.broadcast %squeeze3A_492 : f32 to vector<16xf32>
        %mul3A_549 = arith.mulf %get3A_547, %mul3A_548 : vector<16xf32>
        %swap3A_550 = arith.index_cast %add3A_496 : i32 to index
        %swap3A_551 = arith.constant 96 : index
        %swap3A_552 = tpu.vector_load %arg13[%swap3A_550, %swap3A_551] {strides = array<i32>} : memref<80x128xf32, #tpu.memory_space<vmem>>, vector<16xf32>,
        tpu.vector_store %arg13[%swap3A_550, %swap3A_551], %mul3A_549 {strides = array<i32>} : memref<80x128xf32, #tpu.memory_space<vmem>>, vector<16xf32>,
        %get3A_553 = arith.index_cast %add3A_496 : i32 to index
        %get3A_554 = arith.constant 112 : index
        %get3A_555 = tpu.vector_load %arg13[%get3A_553, %get3A_554] {strides = array<i32>} : memref<80x128xf32, #tpu.memory_space<vmem>>, vector<16xf32>,
        %mul3A_556 = vector.broadcast %squeeze3A_492 : f32 to vector<16xf32>
        %mul3A_557 = arith.mulf %get3A_555, %mul3A_556 : vector<16xf32>
        %swap3A_558 = arith.index_cast %add3A_496 : i32 to index
        %swap3A_559 = arith.constant 112 : index
        %swap3A_560 = tpu.vector_load %arg13[%swap3A_558, %swap3A_559] {strides = array<i32>} : memref<80x128xf32, #tpu.memory_space<vmem>>, vector<16xf32>,
        tpu.vector_store %arg13[%swap3A_558, %swap3A_559], %mul3A_557 {strides = array<i32>} : memref<80x128xf32, #tpu.memory_space<vmem>>, vector<16xf32>,
        %slice3A_561 = vector.extract_strided_slice %get3A_142 {offsets = [6], sizes = [1], strides = [1]} : vector<16xf32> to vector<1xf32>
        %squeeze3A_562 = vector.extract %slice3A_561[0] : f32 from vector<1xf32>
        %mul3A_563 = arith.constant 16 : i32
        %mul3A_564 = arith.muli %scan3A_138, %mul3A_563 : i32
        %add3A_565 = arith.constant 6 : i32
        %add3A_566 = arith.addi %mul3A_564, %add3A_565 : i32
        %get3A_567 = arith.index_cast %add3A_566 : i32 to index
        %get3A_568 = arith.constant 0 : index
        %get3A_569 = tpu.vector_load %arg13[%get3A_567, %get3A_568] {strides = array<i32>} : memref<80x128xf32, #tpu.memory_space<vmem>>, vector<16xf32>,
        %mul3A_570 = vector.broadcast %squeeze3A_562 : f32 to vector<16xf32>
        %mul3A_571 = arith.mulf %get3A_569, %mul3A_570 : vector<16xf32>
        %swap3A_572 = arith.index_cast %add3A_566 : i32 to index
        %swap3A_573 = arith.constant 0 : index
        %swap3A_574 = tpu.vector_load %arg13[%swap3A_572, %swap3A_573] {strides = array<i32>} : memref<80x128xf32, #tpu.memory_space<vmem>>, vector<16xf32>,
        tpu.vector_store %arg13[%swap3A_572, %swap3A_573], %mul3A_571 {strides = array<i32>} : memref<80x128xf32, #tpu.memory_space<vmem>>, vector<16xf32>,
        %get3A_575 = arith.index_cast %add3A_566 : i32 to index
        %get3A_576 = arith.constant 16 : index
        %get3A_577 = tpu.vector_load %arg13[%get3A_575, %get3A_576] {strides = array<i32>} : memref<80x128xf32, #tpu.memory_space<vmem>>, vector<16xf32>,
        %mul3A_578 = vector.broadcast %squeeze3A_562 : f32 to vector<16xf32>
        %mul3A_579 = arith.mulf %get3A_577, %mul3A_578 : vector<16xf32>
        %swap3A_580 = arith.index_cast %add3A_566 : i32 to index
        %swap3A_581 = arith.constant 16 : index
        %swap3A_582 = tpu.vector_load %arg13[%swap3A_580, %swap3A_581] {strides = array<i32>} : memref<80x128xf32, #tpu.memory_space<vmem>>, vector<16xf32>,
        tpu.vector_store %arg13[%swap3A_580, %swap3A_581], %mul3A_579 {strides = array<i32>} : memref<80x128xf32, #tpu.memory_space<vmem>>, vector<16xf32>,
        %get3A_583 = arith.index_cast %add3A_566 : i32 to index
        %get3A_584 = arith.constant 32 : index
        %get3A_585 = tpu.vector_load %arg13[%get3A_583, %get3A_584] {strides = array<i32>} : memref<80x128xf32, #tpu.memory_space<vmem>>, vector<16xf32>,
        %mul3A_586 = vector.broadcast %squeeze3A_562 : f32 to vector<16xf32>
        %mul3A_587 = arith.mulf %get3A_585, %mul3A_586 : vector<16xf32>
        %swap3A_588 = arith.index_cast %add3A_566 : i32 to index
        %swap3A_589 = arith.constant 32 : index
        %swap3A_590 = tpu.vector_load %arg13[%swap3A_588, %swap3A_589] {strides = array<i32>} : memref<80x128xf32, #tpu.memory_space<vmem>>, vector<16xf32>,
        tpu.vector_store %arg13[%swap3A_588, %swap3A_589], %mul3A_587 {strides = array<i32>} : memref<80x128xf32, #tpu.memory_space<vmem>>, vector<16xf32>,
        %get3A_591 = arith.index_cast %add3A_566 : i32 to index
        %get3A_592 = arith.constant 48 : index
        %get3A_593 = tpu.vector_load %arg13[%get3A_591, %get3A_592] {strides = array<i32>} : memref<80x128xf32, #tpu.memory_space<vmem>>, vector<16xf32>,
        %mul3A_594 = vector.broadcast %squeeze3A_562 : f32 to vector<16xf32>
        %mul3A_595 = arith.mulf %get3A_593, %mul3A_594 : vector<16xf32>
        %swap3A_596 = arith.index_cast %add3A_566 : i32 to index
        %swap3A_597 = arith.constant 48 : index
        %swap3A_598 = tpu.vector_load %arg13[%swap3A_596, %swap3A_597] {strides = array<i32>} : memref<80x128xf32, #tpu.memory_space<vmem>>, vector<16xf32>,
        tpu.vector_store %arg13[%swap3A_596, %swap3A_597], %mul3A_595 {strides = array<i32>} : memref<80x128xf32, #tpu.memory_space<vmem>>, vector<16xf32>,
        %get3A_599 = arith.index_cast %add3A_566 : i32 to index
        %get3A_600 = arith.constant 64 : index
        %get3A_601 = tpu.vector_load %arg13[%get3A_599, %get3A_600] {strides = array<i32>} : memref<80x128xf32, #tpu.memory_space<vmem>>, vector<16xf32>,
        %mul3A_602 = vector.broadcast %squeeze3A_562 : f32 to vector<16xf32>
        %mul3A_603 = arith.mulf %get3A_601, %mul3A_602 : vector<16xf32>
        %swap3A_604 = arith.index_cast %add3A_566 : i32 to index
        %swap3A_605 = arith.constant 64 : index
        %swap3A_606 = tpu.vector_load %arg13[%swap3A_604, %swap3A_605] {strides = array<i32>} : memref<80x128xf32, #tpu.memory_space<vmem>>, vector<16xf32>,
        tpu.vector_store %arg13[%swap3A_604, %swap3A_605], %mul3A_603 {strides = array<i32>} : memref<80x128xf32, #tpu.memory_space<vmem>>, vector<16xf32>,
        %get3A_607 = arith.index_cast %add3A_566 : i32 to index
        %get3A_608 = arith.constant 80 : index
        %get3A_609 = tpu.vector_load %arg13[%get3A_607, %get3A_608] {strides = array<i32>} : memref<80x128xf32, #tpu.memory_space<vmem>>, vector<16xf32>,
        %mul3A_610 = vector.broadcast %squeeze3A_562 : f32 to vector<16xf32>
        %mul3A_611 = arith.mulf %get3A_609, %mul3A_610 : vector<16xf32>
        %swap3A_612 = arith.index_cast %add3A_566 : i32 to index
        %swap3A_613 = arith.constant 80 : index
        %swap3A_614 = tpu.vector_load %arg13[%swap3A_612, %swap3A_613] {strides = array<i32>} : memref<80x128xf32, #tpu.memory_space<vmem>>, vector<16xf32>,
        tpu.vector_store %arg13[%swap3A_612, %swap3A_613], %mul3A_611 {strides = array<i32>} : memref<80x128xf32, #tpu.memory_space<vmem>>, vector<16xf32>,
        %get3A_615 = arith.index_cast %add3A_566 : i32 to index
        %get3A_616 = arith.constant 96 : index
        %get3A_617 = tpu.vector_load %arg13[%get3A_615, %get3A_616] {strides = array<i32>} : memref<80x128xf32, #tpu.memory_space<vmem>>, vector<16xf32>,
        %mul3A_618 = vector.broadcast %squeeze3A_562 : f32 to vector<16xf32>
        %mul3A_619 = arith.mulf %get3A_617, %mul3A_618 : vector<16xf32>
        %swap3A_620 = arith.index_cast %add3A_566 : i32 to index
        %swap3A_621 = arith.constant 96 : index
        %swap3A_622 = tpu.vector_load %arg13[%swap3A_620, %swap3A_621] {strides = array<i32>} : memref<80x128xf32, #tpu.memory_space<vmem>>, vector<16xf32>,
        tpu.vector_store %arg13[%swap3A_620, %swap3A_621], %mul3A_619 {strides = array<i32>} : memref<80x128xf32, #tpu.memory_space<vmem>>, vector<16xf32>,
        %get3A_623 = arith.index_cast %add3A_566 : i32 to index
        %get3A_624 = arith.constant 112 : index
        %get3A_625 = tpu.vector_load %arg13[%get3A_623, %get3A_624] {strides = array<i32>} : memref<80x128xf32, #tpu.memory_space<vmem>>, vector<16xf32>,
        %mul3A_626 = vector.broadcast %squeeze3A_562 : f32 to vector<16xf32>
        %mul3A_627 = arith.mulf %get3A_625, %mul3A_626 : vector<16xf32>
        %swap3A_628 = arith.index_cast %add3A_566 : i32 to index
        %swap3A_629 = arith.constant 112 : index
        %swap3A_630 = tpu.vector_load %arg13[%swap3A_628, %swap3A_629] {strides = array<i32>} : memref<80x128xf32, #tpu.memory_space<vmem>>, vector<16xf32>,
        tpu.vector_store %arg13[%swap3A_628, %swap3A_629], %mul3A_627 {strides = array<i32>} : memref<80x128xf32, #tpu.memory_space<vmem>>, vector<16xf32>,
        %slice3A_631 = vector.extract_strided_slice %get3A_142 {offsets = [7], sizes = [1], strides = [1]} : vector<16xf32> to vector<1xf32>
        %squeeze3A_632 = vector.extract %slice3A_631[0] : f32 from vector<1xf32>
        %mul3A_633 = arith.constant 16 : i32
        %mul3A_634 = arith.muli %scan3A_138, %mul3A_633 : i32
        %add3A_635 = arith.constant 7 : i32
        %add3A_636 = arith.addi %mul3A_634, %add3A_635 : i32
        %get3A_637 = arith.index_cast %add3A_636 : i32 to index
        %get3A_638 = arith.constant 0 : index
        %get3A_639 = tpu.vector_load %arg13[%get3A_637, %get3A_638] {strides = array<i32>} : memref<80x128xf32, #tpu.memory_space<vmem>>, vector<16xf32>,
        %mul3A_640 = vector.broadcast %squeeze3A_632 : f32 to vector<16xf32>
        %mul3A_641 = arith.mulf %get3A_639, %mul3A_640 : vector<16xf32>
        %swap3A_642 = arith.index_cast %add3A_636 : i32 to index
        %swap3A_643 = arith.constant 0 : index
        %swap3A_644 = tpu.vector_load %arg13[%swap3A_642, %swap3A_643] {strides = array<i32>} : memref<80x128xf32, #tpu.memory_space<vmem>>, vector<16xf32>,
        tpu.vector_store %arg13[%swap3A_642, %swap3A_643], %mul3A_641 {strides = array<i32>} : memref<80x128xf32, #tpu.memory_space<vmem>>, vector<16xf32>,
        %get3A_645 = arith.index_cast %add3A_636 : i32 to index
        %get3A_646 = arith.constant 16 : index
        %get3A_647 = tpu.vector_load %arg13[%get3A_645, %get3A_646] {strides = array<i32>} : memref<80x128xf32, #tpu.memory_space<vmem>>, vector<16xf32>,
        %mul3A_648 = vector.broadcast %squeeze3A_632 : f32 to vector<16xf32>
        %mul3A_649 = arith.mulf %get3A_647, %mul3A_648 : vector<16xf32>
        %swap3A_650 = arith.index_cast %add3A_636 : i32 to index
        %swap3A_651 = arith.constant 16 : index
        %swap3A_652 = tpu.vector_load %arg13[%swap3A_650, %swap3A_651] {strides = array<i32>} : memref<80x128xf32, #tpu.memory_space<vmem>>, vector<16xf32>,
        tpu.vector_store %arg13[%swap3A_650, %swap3A_651], %mul3A_649 {strides = array<i32>} : memref<80x128xf32, #tpu.memory_space<vmem>>, vector<16xf32>,
        %get3A_653 = arith.index_cast %add3A_636 : i32 to index
        %get3A_654 = arith.constant 32 : index
        %get3A_655 = tpu.vector_load %arg13[%get3A_653, %get3A_654] {strides = array<i32>} : memref<80x128xf32, #tpu.memory_space<vmem>>, vector<16xf32>,
        %mul3A_656 = vector.broadcast %squeeze3A_632 : f32 to vector<16xf32>
        %mul3A_657 = arith.mulf %get3A_655, %mul3A_656 : vector<16xf32>
        %swap3A_658 = arith.index_cast %add3A_636 : i32 to index
        %swap3A_659 = arith.constant 32 : index
        %swap3A_660 = tpu.vector_load %arg13[%swap3A_658, %swap3A_659] {strides = array<i32>} : memref<80x128xf32, #tpu.memory_space<vmem>>, vector<16xf32>,
        tpu.vector_store %arg13[%swap3A_658, %swap3A_659], %mul3A_657 {strides = array<i32>} : memref<80x128xf32, #tpu.memory_space<vmem>>, vector<16xf32>,
        %get3A_661 = arith.index_cast %add3A_636 : i32 to index
        %get3A_662 = arith.constant 48 : index
        %get3A_663 = tpu.vector_load %arg13[%get3A_661, %get3A_662] {strides = array<i32>} : memref<80x128xf32, #tpu.memory_space<vmem>>, vector<16xf32>,
        %mul3A_664 = vector.broadcast %squeeze3A_632 : f32 to vector<16xf32>
        %mul3A_665 = arith.mulf %get3A_663, %mul3A_664 : vector<16xf32>
        %swap3A_666 = arith.index_cast %add3A_636 : i32 to index
        %swap3A_667 = arith.constant 48 : index
        %swap3A_668 = tpu.vector_load %arg13[%swap3A_666, %swap3A_667] {strides = array<i32>} : memref<80x128xf32, #tpu.memory_space<vmem>>, vector<16xf32>,
        tpu.vector_store %arg13[%swap3A_666, %swap3A_667], %mul3A_665 {strides = array<i32>} : memref<80x128xf32, #tpu.memory_space<vmem>>, vector<16xf32>,
        %get3A_669 = arith.index_cast %add3A_636 : i32 to index
        %get3A_670 = arith.constant 64 : index
        %get3A_671 = tpu.vector_load %arg13[%get3A_669, %get3A_670] {strides = array<i32>} : memref<80x128xf32, #tpu.memory_space<vmem>>, vector<16xf32>,
        %mul3A_672 = vector.broadcast %squeeze3A_632 : f32 to vector<16xf32>
        %mul3A_673 = arith.mulf %get3A_671, %mul3A_672 : vector<16xf32>
        %swap3A_674 = arith.index_cast %add3A_636 : i32 to index
        %swap3A_675 = arith.constant 64 : index
        %swap3A_676 = tpu.vector_load %arg13[%swap3A_674, %swap3A_675] {strides = array<i32>} : memref<80x128xf32, #tpu.memory_space<vmem>>, vector<16xf32>,
        tpu.vector_store %arg13[%swap3A_674, %swap3A_675], %mul3A_673 {strides = array<i32>} : memref<80x128xf32, #tpu.memory_space<vmem>>, vector<16xf32>,
        %get3A_677 = arith.index_cast %add3A_636 : i32 to index
        %get3A_678 = arith.constant 80 : index
        %get3A_679 = tpu.vector_load %arg13[%get3A_677, %get3A_678] {strides = array<i32>} : memref<80x128xf32, #tpu.memory_space<vmem>>, vector<16xf32>,
        %mul3A_680 = vector.broadcast %squeeze3A_632 : f32 to vector<16xf32>
        %mul3A_681 = arith.mulf %get3A_679, %mul3A_680 : vector<16xf32>
        %swap3A_682 = arith.index_cast %add3A_636 : i32 to index
        %swap3A_683 = arith.constant 80 : index
        %swap3A_684 = tpu.vector_load %arg13[%swap3A_682, %swap3A_683] {strides = array<i32>} : memref<80x128xf32, #tpu.memory_space<vmem>>, vector<16xf32>,
        tpu.vector_store %arg13[%swap3A_682, %swap3A_683], %mul3A_681 {strides = array<i32>} : memref<80x128xf32, #tpu.memory_space<vmem>>, vector<16xf32>,
        %get3A_685 = arith.index_cast %add3A_636 : i32 to index
        %get3A_686 = arith.constant 96 : index
        %get3A_687 = tpu.vector_load %arg13[%get3A_685, %get3A_686] {strides = array<i32>} : memref<80x128xf32, #tpu.memory_space<vmem>>, vector<16xf32>,
        %mul3A_688 = vector.broadcast %squeeze3A_632 : f32 to vector<16xf32>
        %mul3A_689 = arith.mulf %get3A_687, %mul3A_688 : vector<16xf32>
        %swap3A_690 = arith.index_cast %add3A_636 : i32 to index
        %swap3A_691 = arith.constant 96 : index
        %swap3A_692 = tpu.vector_load %arg13[%swap3A_690, %swap3A_691] {strides = array<i32>} : memref<80x128xf32, #tpu.memory_space<vmem>>, vector<16xf32>,
        tpu.vector_store %arg13[%swap3A_690, %swap3A_691], %mul3A_689 {strides = array<i32>} : memref<80x128xf32, #tpu.memory_space<vmem>>, vector<16xf32>,
        %get3A_693 = arith.index_cast %add3A_636 : i32 to index
        %get3A_694 = arith.constant 112 : index
        %get3A_695 = tpu.vector_load %arg13[%get3A_693, %get3A_694] {strides = array<i32>} : memref<80x128xf32, #tpu.memory_space<vmem>>, vector<16xf32>,
        %mul3A_696 = vector.broadcast %squeeze3A_632 : f32 to vector<16xf32>
        %mul3A_697 = arith.mulf %get3A_695, %mul3A_696 : vector<16xf32>
        %swap3A_698 = arith.index_cast %add3A_636 : i32 to index
        %swap3A_699 = arith.constant 112 : index
        %swap3A_700 = tpu.vector_load %arg13[%swap3A_698, %swap3A_699] {strides = array<i32>} : memref<80x128xf32, #tpu.memory_space<vmem>>, vector<16xf32>,
        tpu.vector_store %arg13[%swap3A_698, %swap3A_699], %mul3A_697 {strides = array<i32>} : memref<80x128xf32, #tpu.memory_space<vmem>>, vector<16xf32>,
        %slice3A_701 = vector.extract_strided_slice %get3A_142 {offsets = [8], sizes = [1], strides = [1]} : vector<16xf32> to vector<1xf32>
        %squeeze3A_702 = vector.extract %slice3A_701[0] : f32 from vector<1xf32>
        %mul3A_703 = arith.constant 16 : i32
        %mul3A_704 = arith.muli %scan3A_138, %mul3A_703 : i32
        %add3A_705 = arith.constant 8 : i32
        %add3A_706 = arith.addi %mul3A_704, %add3A_705 : i32
        %get3A_707 = arith.index_cast %add3A_706 : i32 to index
        %get3A_708 = arith.constant 0 : index
        %get3A_709 = tpu.vector_load %arg13[%get3A_707, %get3A_708] {strides = array<i32>} : memref<80x128xf32, #tpu.memory_space<vmem>>, vector<16xf32>,
        %mul3A_710 = vector.broadcast %squeeze3A_702 : f32 to vector<16xf32>
        %mul3A_711 = arith.mulf %get3A_709, %mul3A_710 : vector<16xf32>
        %swap3A_712 = arith.index_cast %add3A_706 : i32 to index
        %swap3A_713 = arith.constant 0 : index
        %swap3A_714 = tpu.vector_load %arg13[%swap3A_712, %swap3A_713] {strides = array<i32>} : memref<80x128xf32, #tpu.memory_space<vmem>>, vector<16xf32>,
        tpu.vector_store %arg13[%swap3A_712, %swap3A_713], %mul3A_711 {strides = array<i32>} : memref<80x128xf32, #tpu.memory_space<vmem>>, vector<16xf32>,
        %get3A_715 = arith.index_cast %add3A_706 : i32 to index
        %get3A_716 = arith.constant 16 : index
        %get3A_717 = tpu.vector_load %arg13[%get3A_715, %get3A_716] {strides = array<i32>} : memref<80x128xf32, #tpu.memory_space<vmem>>, vector<16xf32>,
        %mul3A_718 = vector.broadcast %squeeze3A_702 : f32 to vector<16xf32>
        %mul3A_719 = arith.mulf %get3A_717, %mul3A_718 : vector<16xf32>
        %swap3A_720 = arith.index_cast %add3A_706 : i32 to index
        %swap3A_721 = arith.constant 16 : index
        %swap3A_722 = tpu.vector_load %arg13[%swap3A_720, %swap3A_721] {strides = array<i32>} : memref<80x128xf32, #tpu.memory_space<vmem>>, vector<16xf32>,
        tpu.vector_store %arg13[%swap3A_720, %swap3A_721], %mul3A_719 {strides = array<i32>} : memref<80x128xf32, #tpu.memory_space<vmem>>, vector<16xf32>,
        %get3A_723 = arith.index_cast %add3A_706 : i32 to index
        %get3A_724 = arith.constant 32 : index
        %get3A_725 = tpu.vector_load %arg13[%get3A_723, %get3A_724] {strides = array<i32>} : memref<80x128xf32, #tpu.memory_space<vmem>>, vector<16xf32>,
        %mul3A_726 = vector.broadcast %squeeze3A_702 : f32 to vector<16xf32>
        %mul3A_727 = arith.mulf %get3A_725, %mul3A_726 : vector<16xf32>
        %swap3A_728 = arith.index_cast %add3A_706 : i32 to index
        %swap3A_729 = arith.constant 32 : index
        %swap3A_730 = tpu.vector_load %arg13[%swap3A_728, %swap3A_729] {strides = array<i32>} : memref<80x128xf32, #tpu.memory_space<vmem>>, vector<16xf32>,
        tpu.vector_store %arg13[%swap3A_728, %swap3A_729], %mul3A_727 {strides = array<i32>} : memref<80x128xf32, #tpu.memory_space<vmem>>, vector<16xf32>,
        %get3A_731 = arith.index_cast %add3A_706 : i32 to index
        %get3A_732 = arith.constant 48 : index
        %get3A_733 = tpu.vector_load %arg13[%get3A_731, %get3A_732] {strides = array<i32>} : memref<80x128xf32, #tpu.memory_space<vmem>>, vector<16xf32>,
        %mul3A_734 = vector.broadcast %squeeze3A_702 : f32 to vector<16xf32>
        %mul3A_735 = arith.mulf %get3A_733, %mul3A_734 : vector<16xf32>
        %swap3A_736 = arith.index_cast %add3A_706 : i32 to index
        %swap3A_737 = arith.constant 48 : index
        %swap3A_738 = tpu.vector_load %arg13[%swap3A_736, %swap3A_737] {strides = array<i32>} : memref<80x128xf32, #tpu.memory_space<vmem>>, vector<16xf32>,
        tpu.vector_store %arg13[%swap3A_736, %swap3A_737], %mul3A_735 {strides = array<i32>} : memref<80x128xf32, #tpu.memory_space<vmem>>, vector<16xf32>,
        %get3A_739 = arith.index_cast %add3A_706 : i32 to index
        %get3A_740 = arith.constant 64 : index
        %get3A_741 = tpu.vector_load %arg13[%get3A_739, %get3A_740] {strides = array<i32>} : memref<80x128xf32, #tpu.memory_space<vmem>>, vector<16xf32>,
        %mul3A_742 = vector.broadcast %squeeze3A_702 : f32 to vector<16xf32>
        %mul3A_743 = arith.mulf %get3A_741, %mul3A_742 : vector<16xf32>
        %swap3A_744 = arith.index_cast %add3A_706 : i32 to index
        %swap3A_745 = arith.constant 64 : index
        %swap3A_746 = tpu.vector_load %arg13[%swap3A_744, %swap3A_745] {strides = array<i32>} : memref<80x128xf32, #tpu.memory_space<vmem>>, vector<16xf32>,
        tpu.vector_store %arg13[%swap3A_744, %swap3A_745], %mul3A_743 {strides = array<i32>} : memref<80x128xf32, #tpu.memory_space<vmem>>, vector<16xf32>,
        %get3A_747 = arith.index_cast %add3A_706 : i32 to index
        %get3A_748 = arith.constant 80 : index
        %get3A_749 = tpu.vector_load %arg13[%get3A_747, %get3A_748] {strides = array<i32>} : memref<80x128xf32, #tpu.memory_space<vmem>>, vector<16xf32>,
        %mul3A_750 = vector.broadcast %squeeze3A_702 : f32 to vector<16xf32>
        %mul3A_751 = arith.mulf %get3A_749, %mul3A_750 : vector<16xf32>
        %swap3A_752 = arith.index_cast %add3A_706 : i32 to index
        %swap3A_753 = arith.constant 80 : index
        %swap3A_754 = tpu.vector_load %arg13[%swap3A_752, %swap3A_753] {strides = array<i32>} : memref<80x128xf32, #tpu.memory_space<vmem>>, vector<16xf32>,
        tpu.vector_store %arg13[%swap3A_752, %swap3A_753], %mul3A_751 {strides = array<i32>} : memref<80x128xf32, #tpu.memory_space<vmem>>, vector<16xf32>,
        %get3A_755 = arith.index_cast %add3A_706 : i32 to index
        %get3A_756 = arith.constant 96 : index
        %get3A_757 = tpu.vector_load %arg13[%get3A_755, %get3A_756] {strides = array<i32>} : memref<80x128xf32, #tpu.memory_space<vmem>>, vector<16xf32>,
        %mul3A_758 = vector.broadcast %squeeze3A_702 : f32 to vector<16xf32>
        %mul3A_759 = arith.mulf %get3A_757, %mul3A_758 : vector<16xf32>
        %swap3A_760 = arith.index_cast %add3A_706 : i32 to index
        %swap3A_761 = arith.constant 96 : index
        %swap3A_762 = tpu.vector_load %arg13[%swap3A_760, %swap3A_761] {strides = array<i32>} : memref<80x128xf32, #tpu.memory_space<vmem>>, vector<16xf32>,
        tpu.vector_store %arg13[%swap3A_760, %swap3A_761], %mul3A_759 {strides = array<i32>} : memref<80x128xf32, #tpu.memory_space<vmem>>, vector<16xf32>,
        %get3A_763 = arith.index_cast %add3A_706 : i32 to index
        %get3A_764 = arith.constant 112 : index
        %get3A_765 = tpu.vector_load %arg13[%get3A_763, %get3A_764] {strides = array<i32>} : memref<80x128xf32, #tpu.memory_space<vmem>>, vector<16xf32>,
        %mul3A_766 = vector.broadcast %squeeze3A_702 : f32 to vector<16xf32>
        %mul3A_767 = arith.mulf %get3A_765, %mul3A_766 : vector<16xf32>
        %swap3A_768 = arith.index_cast %add3A_706 : i32 to index
        %swap3A_769 = arith.constant 112 : index
        %swap3A_770 = tpu.vector_load %arg13[%swap3A_768, %swap3A_769] {strides = array<i32>} : memref<80x128xf32, #tpu.memory_space<vmem>>, vector<16xf32>,
        tpu.vector_store %arg13[%swap3A_768, %swap3A_769], %mul3A_767 {strides = array<i32>} : memref<80x128xf32, #tpu.memory_space<vmem>>, vector<16xf32>,
        %slice3A_771 = vector.extract_strided_slice %get3A_142 {offsets = [9], sizes = [1], strides = [1]} : vector<16xf32> to vector<1xf32>
        %squeeze3A_772 = vector.extract %slice3A_771[0] : f32 from vector<1xf32>
        %mul3A_773 = arith.constant 16 : i32
        %mul3A_774 = arith.muli %scan3A_138, %mul3A_773 : i32
        %add3A_775 = arith.constant 9 : i32
        %add3A_776 = arith.addi %mul3A_774, %add3A_775 : i32
        %get3A_777 = arith.index_cast %add3A_776 : i32 to index
        %get3A_778 = arith.constant 0 : index
        %get3A_779 = tpu.vector_load %arg13[%get3A_777, %get3A_778] {strides = array<i32>} : memref<80x128xf32, #tpu.memory_space<vmem>>, vector<16xf32>,
        %mul3A_780 = vector.broadcast %squeeze3A_772 : f32 to vector<16xf32>
        %mul3A_781 = arith.mulf %get3A_779, %mul3A_780 : vector<16xf32>
        %swap3A_782 = arith.index_cast %add3A_776 : i32 to index
        %swap3A_783 = arith.constant 0 : index
        %swap3A_784 = tpu.vector_load %arg13[%swap3A_782, %swap3A_783] {strides = array<i32>} : memref<80x128xf32, #tpu.memory_space<vmem>>, vector<16xf32>,
        tpu.vector_store %arg13[%swap3A_782, %swap3A_783], %mul3A_781 {strides = array<i32>} : memref<80x128xf32, #tpu.memory_space<vmem>>, vector<16xf32>,
        %get3A_785 = arith.index_cast %add3A_776 : i32 to index
        %get3A_786 = arith.constant 16 : index
        %get3A_787 = tpu.vector_load %arg13[%get3A_785, %get3A_786] {strides = array<i32>} : memref<80x128xf32, #tpu.memory_space<vmem>>, vector<16xf32>,
        %mul3A_788 = vector.broadcast %squeeze3A_772 : f32 to vector<16xf32>
        %mul3A_789 = arith.mulf %get3A_787, %mul3A_788 : vector<16xf32>
        %swap3A_790 = arith.index_cast %add3A_776 : i32 to index
        %swap3A_791 = arith.constant 16 : index
        %swap3A_792 = tpu.vector_load %arg13[%swap3A_790, %swap3A_791] {strides = array<i32>} : memref<80x128xf32, #tpu.memory_space<vmem>>, vector<16xf32>,
        tpu.vector_store %arg13[%swap3A_790, %swap3A_791], %mul3A_789 {strides = array<i32>} : memref<80x128xf32, #tpu.memory_space<vmem>>, vector<16xf32>,
        %get3A_793 = arith.index_cast %add3A_776 : i32 to index
        %get3A_794 = arith.constant 32 : index
        %get3A_795 = tpu.vector_load %arg13[%get3A_793, %get3A_794] {strides = array<i32>} : memref<80x128xf32, #tpu.memory_space<vmem>>, vector<16xf32>,
        %mul3A_796 = vector.broadcast %squeeze3A_772 : f32 to vector<16xf32>
        %mul3A_797 = arith.mulf %get3A_795, %mul3A_796 : vector<16xf32>
        %swap3A_798 = arith.index_cast %add3A_776 : i32 to index
        %swap3A_799 = arith.constant 32 : index
        %swap3A_800 = tpu.vector_load %arg13[%swap3A_798, %swap3A_799] {strides = array<i32>} : memref<80x128xf32, #tpu.memory_space<vmem>>, vector<16xf32>,
        tpu.vector_store %arg13[%swap3A_798, %swap3A_799], %mul3A_797 {strides = array<i32>} : memref<80x128xf32, #tpu.memory_space<vmem>>, vector<16xf32>,
        %get3A_801 = arith.index_cast %add3A_776 : i32 to index
        %get3A_802 = arith.constant 48 : index
        %get3A_803 = tpu.vector_load %arg13[%get3A_801, %get3A_802] {strides = array<i32>} : memref<80x128xf32, #tpu.memory_space<vmem>>, vector<16xf32>,
        %mul3A_804 = vector.broadcast %squeeze3A_772 : f32 to vector<16xf32>
        %mul3A_805 = arith.mulf %get3A_803, %mul3A_804 : vector<16xf32>
        %swap3A_806 = arith.index_cast %add3A_776 : i32 to index
        %swap3A_807 = arith.constant 48 : index
        %swap3A_808 = tpu.vector_load %arg13[%swap3A_806, %swap3A_807] {strides = array<i32>} : memref<80x128xf32, #tpu.memory_space<vmem>>, vector<16xf32>,
        tpu.vector_store %arg13[%swap3A_806, %swap3A_807], %mul3A_805 {strides = array<i32>} : memref<80x128xf32, #tpu.memory_space<vmem>>, vector<16xf32>,
        %get3A_809 = arith.index_cast %add3A_776 : i32 to index
        %get3A_810 = arith.constant 64 : index
        %get3A_811 = tpu.vector_load %arg13[%get3A_809, %get3A_810] {strides = array<i32>} : memref<80x128xf32, #tpu.memory_space<vmem>>, vector<16xf32>,
        %mul3A_812 = vector.broadcast %squeeze3A_772 : f32 to vector<16xf32>
        %mul3A_813 = arith.mulf %get3A_811, %mul3A_812 : vector<16xf32>
        %swap3A_814 = arith.index_cast %add3A_776 : i32 to index
        %swap3A_815 = arith.constant 64 : index
        %swap3A_816 = tpu.vector_load %arg13[%swap3A_814, %swap3A_815] {strides = array<i32>} : memref<80x128xf32, #tpu.memory_space<vmem>>, vector<16xf32>,
        tpu.vector_store %arg13[%swap3A_814, %swap3A_815], %mul3A_813 {strides = array<i32>} : memref<80x128xf32, #tpu.memory_space<vmem>>, vector<16xf32>,
        %get3A_817 = arith.index_cast %add3A_776 : i32 to index
        %get3A_818 = arith.constant 80 : index
        %get3A_819 = tpu.vector_load %arg13[%get3A_817, %get3A_818] {strides = array<i32>} : memref<80x128xf32, #tpu.memory_space<vmem>>, vector<16xf32>,
        %mul3A_820 = vector.broadcast %squeeze3A_772 : f32 to vector<16xf32>
        %mul3A_821 = arith.mulf %get3A_819, %mul3A_820 : vector<16xf32>
        %swap3A_822 = arith.index_cast %add3A_776 : i32 to index
        %swap3A_823 = arith.constant 80 : index
        %swap3A_824 = tpu.vector_load %arg13[%swap3A_822, %swap3A_823] {strides = array<i32>} : memref<80x128xf32, #tpu.memory_space<vmem>>, vector<16xf32>,
        tpu.vector_store %arg13[%swap3A_822, %swap3A_823], %mul3A_821 {strides = array<i32>} : memref<80x128xf32, #tpu.memory_space<vmem>>, vector<16xf32>,
        %get3A_825 = arith.index_cast %add3A_776 : i32 to index
        %get3A_826 = arith.constant 96 : index
        %get3A_827 = tpu.vector_load %arg13[%get3A_825, %get3A_826] {strides = array<i32>} : memref<80x128xf32, #tpu.memory_space<vmem>>, vector<16xf32>,
        %mul3A_828 = vector.broadcast %squeeze3A_772 : f32 to vector<16xf32>
        %mul3A_829 = arith.mulf %get3A_827, %mul3A_828 : vector<16xf32>
        %swap3A_830 = arith.index_cast %add3A_776 : i32 to index
        %swap3A_831 = arith.constant 96 : index
        %swap3A_832 = tpu.vector_load %arg13[%swap3A_830, %swap3A_831] {strides = array<i32>} : memref<80x128xf32, #tpu.memory_space<vmem>>, vector<16xf32>,
        tpu.vector_store %arg13[%swap3A_830, %swap3A_831], %mul3A_829 {strides = array<i32>} : memref<80x128xf32, #tpu.memory_space<vmem>>, vector<16xf32>,
        %get3A_833 = arith.index_cast %add3A_776 : i32 to index
        %get3A_834 = arith.constant 112 : index
        %get3A_835 = tpu.vector_load %arg13[%get3A_833, %get3A_834] {strides = array<i32>} : memref<80x128xf32, #tpu.memory_space<vmem>>, vector<16xf32>,
        %mul3A_836 = vector.broadcast %squeeze3A_772 : f32 to vector<16xf32>
        %mul3A_837 = arith.mulf %get3A_835, %mul3A_836 : vector<16xf32>
        %swap3A_838 = arith.index_cast %add3A_776 : i32 to index
        %swap3A_839 = arith.constant 112 : index
        %swap3A_840 = tpu.vector_load %arg13[%swap3A_838, %swap3A_839] {strides = array<i32>} : memref<80x128xf32, #tpu.memory_space<vmem>>, vector<16xf32>,
        tpu.vector_store %arg13[%swap3A_838, %swap3A_839], %mul3A_837 {strides = array<i32>} : memref<80x128xf32, #tpu.memory_space<vmem>>, vector<16xf32>,
        %slice3A_841 = vector.extract_strided_slice %get3A_142 {offsets = [10], sizes = [1], strides = [1]} : vector<16xf32> to vector<1xf32>
        %squeeze3A_842 = vector.extract %slice3A_841[0] : f32 from vector<1xf32>
        %mul3A_843 = arith.constant 16 : i32
        %mul3A_844 = arith.muli %scan3A_138, %mul3A_843 : i32
        %add3A_845 = arith.constant 10 : i32
        %add3A_846 = arith.addi %mul3A_844, %add3A_845 : i32
        %get3A_847 = arith.index_cast %add3A_846 : i32 to index
        %get3A_848 = arith.constant 0 : index
        %get3A_849 = tpu.vector_load %arg13[%get3A_847, %get3A_848] {strides = array<i32>} : memref<80x128xf32, #tpu.memory_space<vmem>>, vector<16xf32>,
        %mul3A_850 = vector.broadcast %squeeze3A_842 : f32 to vector<16xf32>
        %mul3A_851 = arith.mulf %get3A_849, %mul3A_850 : vector<16xf32>
        %swap3A_852 = arith.index_cast %add3A_846 : i32 to index
        %swap3A_853 = arith.constant 0 : index
        %swap3A_854 = tpu.vector_load %arg13[%swap3A_852, %swap3A_853] {strides = array<i32>} : memref<80x128xf32, #tpu.memory_space<vmem>>, vector<16xf32>,
        tpu.vector_store %arg13[%swap3A_852, %swap3A_853], %mul3A_851 {strides = array<i32>} : memref<80x128xf32, #tpu.memory_space<vmem>>, vector<16xf32>,
        %get3A_855 = arith.index_cast %add3A_846 : i32 to index
        %get3A_856 = arith.constant 16 : index
        %get3A_857 = tpu.vector_load %arg13[%get3A_855, %get3A_856] {strides = array<i32>} : memref<80x128xf32, #tpu.memory_space<vmem>>, vector<16xf32>,
        %mul3A_858 = vector.broadcast %squeeze3A_842 : f32 to vector<16xf32>
        %mul3A_859 = arith.mulf %get3A_857, %mul3A_858 : vector<16xf32>
        %swap3A_860 = arith.index_cast %add3A_846 : i32 to index
        %swap3A_861 = arith.constant 16 : index
        %swap3A_862 = tpu.vector_load %arg13[%swap3A_860, %swap3A_861] {strides = array<i32>} : memref<80x128xf32, #tpu.memory_space<vmem>>, vector<16xf32>,
        tpu.vector_store %arg13[%swap3A_860, %swap3A_861], %mul3A_859 {strides = array<i32>} : memref<80x128xf32, #tpu.memory_space<vmem>>, vector<16xf32>,
        %get3A_863 = arith.index_cast %add3A_846 : i32 to index
        %get3A_864 = arith.constant 32 : index
        %get3A_865 = tpu.vector_load %arg13[%get3A_863, %get3A_864] {strides = array<i32>} : memref<80x128xf32, #tpu.memory_space<vmem>>, vector<16xf32>,
        %mul3A_866 = vector.broadcast %squeeze3A_842 : f32 to vector<16xf32>
        %mul3A_867 = arith.mulf %get3A_865, %mul3A_866 : vector<16xf32>
        %swap3A_868 = arith.index_cast %add3A_846 : i32 to index
        %swap3A_869 = arith.constant 32 : index
        %swap3A_870 = tpu.vector_load %arg13[%swap3A_868, %swap3A_869] {strides = array<i32>} : memref<80x128xf32, #tpu.memory_space<vmem>>, vector<16xf32>,
        tpu.vector_store %arg13[%swap3A_868, %swap3A_869], %mul3A_867 {strides = array<i32>} : memref<80x128xf32, #tpu.memory_space<vmem>>, vector<16xf32>,
        %get3A_871 = arith.index_cast %add3A_846 : i32 to index
        %get3A_872 = arith.constant 48 : index
        %get3A_873 = tpu.vector_load %arg13[%get3A_871, %get3A_872] {strides = array<i32>} : memref<80x128xf32, #tpu.memory_space<vmem>>, vector<16xf32>,
        %mul3A_874 = vector.broadcast %squeeze3A_842 : f32 to vector<16xf32>
        %mul3A_875 = arith.mulf %get3A_873, %mul3A_874 : vector<16xf32>
        %swap3A_876 = arith.index_cast %add3A_846 : i32 to index
        %swap3A_877 = arith.constant 48 : index
        %swap3A_878 = tpu.vector_load %arg13[%swap3A_876, %swap3A_877] {strides = array<i32>} : memref<80x128xf32, #tpu.memory_space<vmem>>, vector<16xf32>,
        tpu.vector_store %arg13[%swap3A_876, %swap3A_877], %mul3A_875 {strides = array<i32>} : memref<80x128xf32, #tpu.memory_space<vmem>>, vector<16xf32>,
        %get3A_879 = arith.index_cast %add3A_846 : i32 to index
        %get3A_880 = arith.constant 64 : index
        %get3A_881 = tpu.vector_load %arg13[%get3A_879, %get3A_880] {strides = array<i32>} : memref<80x128xf32, #tpu.memory_space<vmem>>, vector<16xf32>,
        %mul3A_882 = vector.broadcast %squeeze3A_842 : f32 to vector<16xf32>
        %mul3A_883 = arith.mulf %get3A_881, %mul3A_882 : vector<16xf32>
        %swap3A_884 = arith.index_cast %add3A_846 : i32 to index
        %swap3A_885 = arith.constant 64 : index
        %swap3A_886 = tpu.vector_load %arg13[%swap3A_884, %swap3A_885] {strides = array<i32>} : memref<80x128xf32, #tpu.memory_space<vmem>>, vector<16xf32>,
        tpu.vector_store %arg13[%swap3A_884, %swap3A_885], %mul3A_883 {strides = array<i32>} : memref<80x128xf32, #tpu.memory_space<vmem>>, vector<16xf32>,
        %get3A_887 = arith.index_cast %add3A_846 : i32 to index
        %get3A_888 = arith.constant 80 : index
        %get3A_889 = tpu.vector_load %arg13[%get3A_887, %get3A_888] {strides = array<i32>} : memref<80x128xf32, #tpu.memory_space<vmem>>, vector<16xf32>,
        %mul3A_890 = vector.broadcast %squeeze3A_842 : f32 to vector<16xf32>
        %mul3A_891 = arith.mulf %get3A_889, %mul3A_890 : vector<16xf32>
        %swap3A_892 = arith.index_cast %add3A_846 : i32 to index
        %swap3A_893 = arith.constant 80 : index
        %swap3A_894 = tpu.vector_load %arg13[%swap3A_892, %swap3A_893] {strides = array<i32>} : memref<80x128xf32, #tpu.memory_space<vmem>>, vector<16xf32>,
        tpu.vector_store %arg13[%swap3A_892, %swap3A_893], %mul3A_891 {strides = array<i32>} : memref<80x128xf32, #tpu.memory_space<vmem>>, vector<16xf32>,
        %get3A_895 = arith.index_cast %add3A_846 : i32 to index
        %get3A_896 = arith.constant 96 : index
        %get3A_897 = tpu.vector_load %arg13[%get3A_895, %get3A_896] {strides = array<i32>} : memref<80x128xf32, #tpu.memory_space<vmem>>, vector<16xf32>,
        %mul3A_898 = vector.broadcast %squeeze3A_842 : f32 to vector<16xf32>
        %mul3A_899 = arith.mulf %get3A_897, %mul3A_898 : vector<16xf32>
        %swap3A_900 = arith.index_cast %add3A_846 : i32 to index
        %swap3A_901 = arith.constant 96 : index
        %swap3A_902 = tpu.vector_load %arg13[%swap3A_900, %swap3A_901] {strides = array<i32>} : memref<80x128xf32, #tpu.memory_space<vmem>>, vector<16xf32>,
        tpu.vector_store %arg13[%swap3A_900, %swap3A_901], %mul3A_899 {strides = array<i32>} : memref<80x128xf32, #tpu.memory_space<vmem>>, vector<16xf32>,
        %get3A_903 = arith.index_cast %add3A_846 : i32 to index
        %get3A_904 = arith.constant 112 : index
        %get3A_905 = tpu.vector_load %arg13[%get3A_903, %get3A_904] {strides = array<i32>} : memref<80x128xf32, #tpu.memory_space<vmem>>, vector<16xf32>,
        %mul3A_906 = vector.broadcast %squeeze3A_842 : f32 to vector<16xf32>
        %mul3A_907 = arith.mulf %get3A_905, %mul3A_906 : vector<16xf32>
        %swap3A_908 = arith.index_cast %add3A_846 : i32 to index
        %swap3A_909 = arith.constant 112 : index
        %swap3A_910 = tpu.vector_load %arg13[%swap3A_908, %swap3A_909] {strides = array<i32>} : memref<80x128xf32, #tpu.memory_space<vmem>>, vector<16xf32>,
        tpu.vector_store %arg13[%swap3A_908, %swap3A_909], %mul3A_907 {strides = array<i32>} : memref<80x128xf32, #tpu.memory_space<vmem>>, vector<16xf32>,
        %slice3A_911 = vector.extract_strided_slice %get3A_142 {offsets = [11], sizes = [1], strides = [1]} : vector<16xf32> to vector<1xf32>
        %squeeze3A_912 = vector.extract %slice3A_911[0] : f32 from vector<1xf32>
        %mul3A_913 = arith.constant 16 : i32
        %mul3A_914 = arith.muli %scan3A_138, %mul3A_913 : i32
        %add3A_915 = arith.constant 11 : i32
        %add3A_916 = arith.addi %mul3A_914, %add3A_915 : i32
        %get3A_917 = arith.index_cast %add3A_916 : i32 to index
        %get3A_918 = arith.constant 0 : index
        %get3A_919 = tpu.vector_load %arg13[%get3A_917, %get3A_918] {strides = array<i32>} : memref<80x128xf32, #tpu.memory_space<vmem>>, vector<16xf32>,
        %mul3A_920 = vector.broadcast %squeeze3A_912 : f32 to vector<16xf32>
        %mul3A_921 = arith.mulf %get3A_919, %mul3A_920 : vector<16xf32>
        %swap3A_922 = arith.index_cast %add3A_916 : i32 to index
        %swap3A_923 = arith.constant 0 : index
        %swap3A_924 = tpu.vector_load %arg13[%swap3A_922, %swap3A_923] {strides = array<i32>} : memref<80x128xf32, #tpu.memory_space<vmem>>, vector<16xf32>,
        tpu.vector_store %arg13[%swap3A_922, %swap3A_923], %mul3A_921 {strides = array<i32>} : memref<80x128xf32, #tpu.memory_space<vmem>>, vector<16xf32>,
        %get3A_925 = arith.index_cast %add3A_916 : i32 to index
        %get3A_926 = arith.constant 16 : index
        %get3A_927 = tpu.vector_load %arg13[%get3A_925, %get3A_926] {strides = array<i32>} : memref<80x128xf32, #tpu.memory_space<vmem>>, vector<16xf32>,
        %mul3A_928 = vector.broadcast %squeeze3A_912 : f32 to vector<16xf32>
        %mul3A_929 = arith.mulf %get3A_927, %mul3A_928 : vector<16xf32>
        %swap3A_930 = arith.index_cast %add3A_916 : i32 to index
        %swap3A_931 = arith.constant 16 : index
        %swap3A_932 = tpu.vector_load %arg13[%swap3A_930, %swap3A_931] {strides = array<i32>} : memref<80x128xf32, #tpu.memory_space<vmem>>, vector<16xf32>,
        tpu.vector_store %arg13[%swap3A_930, %swap3A_931], %mul3A_929 {strides = array<i32>} : memref<80x128xf32, #tpu.memory_space<vmem>>, vector<16xf32>,
        %get3A_933 = arith.index_cast %add3A_916 : i32 to index
        %get3A_934 = arith.constant 32 : index
        %get3A_935 = tpu.vector_load %arg13[%get3A_933, %get3A_934] {strides = array<i32>} : memref<80x128xf32, #tpu.memory_space<vmem>>, vector<16xf32>,
        %mul3A_936 = vector.broadcast %squeeze3A_912 : f32 to vector<16xf32>
        %mul3A_937 = arith.mulf %get3A_935, %mul3A_936 : vector<16xf32>
        %swap3A_938 = arith.index_cast %add3A_916 : i32 to index
        %swap3A_939 = arith.constant 32 : index
        %swap3A_940 = tpu.vector_load %arg13[%swap3A_938, %swap3A_939] {strides = array<i32>} : memref<80x128xf32, #tpu.memory_space<vmem>>, vector<16xf32>,
        tpu.vector_store %arg13[%swap3A_938, %swap3A_939], %mul3A_937 {strides = array<i32>} : memref<80x128xf32, #tpu.memory_space<vmem>>, vector<16xf32>,
        %get3A_941 = arith.index_cast %add3A_916 : i32 to index
        %get3A_942 = arith.constant 48 : index
        %get3A_943 = tpu.vector_load %arg13[%get3A_941, %get3A_942] {strides = array<i32>} : memref<80x128xf32, #tpu.memory_space<vmem>>, vector<16xf32>,
        %mul3A_944 = vector.broadcast %squeeze3A_912 : f32 to vector<16xf32>
        %mul3A_945 = arith.mulf %get3A_943, %mul3A_944 : vector<16xf32>
        %swap3A_946 = arith.index_cast %add3A_916 : i32 to index
        %swap3A_947 = arith.constant 48 : index
        %swap3A_948 = tpu.vector_load %arg13[%swap3A_946, %swap3A_947] {strides = array<i32>} : memref<80x128xf32, #tpu.memory_space<vmem>>, vector<16xf32>,
        tpu.vector_store %arg13[%swap3A_946, %swap3A_947], %mul3A_945 {strides = array<i32>} : memref<80x128xf32, #tpu.memory_space<vmem>>, vector<16xf32>,
        %get3A_949 = arith.index_cast %add3A_916 : i32 to index
        %get3A_950 = arith.constant 64 : index
        %get3A_951 = tpu.vector_load %arg13[%get3A_949, %get3A_950] {strides = array<i32>} : memref<80x128xf32, #tpu.memory_space<vmem>>, vector<16xf32>,
        %mul3A_952 = vector.broadcast %squeeze3A_912 : f32 to vector<16xf32>
        %mul3A_953 = arith.mulf %get3A_951, %mul3A_952 : vector<16xf32>
        %swap3A_954 = arith.index_cast %add3A_916 : i32 to index
        %swap3A_955 = arith.constant 64 : index
        %swap3A_956 = tpu.vector_load %arg13[%swap3A_954, %swap3A_955] {strides = array<i32>} : memref<80x128xf32, #tpu.memory_space<vmem>>, vector<16xf32>,
        tpu.vector_store %arg13[%swap3A_954, %swap3A_955], %mul3A_953 {strides = array<i32>} : memref<80x128xf32, #tpu.memory_space<vmem>>, vector<16xf32>,
        %get3A_957 = arith.index_cast %add3A_916 : i32 to index
        %get3A_958 = arith.constant 80 : index
        %get3A_959 = tpu.vector_load %arg13[%get3A_957, %get3A_958] {strides = array<i32>} : memref<80x128xf32, #tpu.memory_space<vmem>>, vector<16xf32>,
        %mul3A_960 = vector.broadcast %squeeze3A_912 : f32 to vector<16xf32>
        %mul3A_961 = arith.mulf %get3A_959, %mul3A_960 : vector<16xf32>
        %swap3A_962 = arith.index_cast %add3A_916 : i32 to index
        %swap3A_963 = arith.constant 80 : index
        %swap3A_964 = tpu.vector_load %arg13[%swap3A_962, %swap3A_963] {strides = array<i32>} : memref<80x128xf32, #tpu.memory_space<vmem>>, vector<16xf32>,
        tpu.vector_store %arg13[%swap3A_962, %swap3A_963], %mul3A_961 {strides = array<i32>} : memref<80x128xf32, #tpu.memory_space<vmem>>, vector<16xf32>,
        %get3A_965 = arith.index_cast %add3A_916 : i32 to index
        %get3A_966 = arith.constant 96 : index
        %get3A_967 = tpu.vector_load %arg13[%get3A_965, %get3A_966] {strides = array<i32>} : memref<80x128xf32, #tpu.memory_space<vmem>>, vector<16xf32>,
        %mul3A_968 = vector.broadcast %squeeze3A_912 : f32 to vector<16xf32>
        %mul3A_969 = arith.mulf %get3A_967, %mul3A_968 : vector<16xf32>
        %swap3A_970 = arith.index_cast %add3A_916 : i32 to index
        %swap3A_971 = arith.constant 96 : index
        %swap3A_972 = tpu.vector_load %arg13[%swap3A_970, %swap3A_971] {strides = array<i32>} : memref<80x128xf32, #tpu.memory_space<vmem>>, vector<16xf32>,
        tpu.vector_store %arg13[%swap3A_970, %swap3A_971], %mul3A_969 {strides = array<i32>} : memref<80x128xf32, #tpu.memory_space<vmem>>, vector<16xf32>,
        %get3A_973 = arith.index_cast %add3A_916 : i32 to index
        %get3A_974 = arith.constant 112 : index
        %get3A_975 = tpu.vector_load %arg13[%get3A_973, %get3A_974] {strides = array<i32>} : memref<80x128xf32, #tpu.memory_space<vmem>>, vector<16xf32>,
        %mul3A_976 = vector.broadcast %squeeze3A_912 : f32 to vector<16xf32>
        %mul3A_977 = arith.mulf %get3A_975, %mul3A_976 : vector<16xf32>
        %swap3A_978 = arith.index_cast %add3A_916 : i32 to index
        %swap3A_979 = arith.constant 112 : index
        %swap3A_980 = tpu.vector_load %arg13[%swap3A_978, %swap3A_979] {strides = array<i32>} : memref<80x128xf32, #tpu.memory_space<vmem>>, vector<16xf32>,
        tpu.vector_store %arg13[%swap3A_978, %swap3A_979], %mul3A_977 {strides = array<i32>} : memref<80x128xf32, #tpu.memory_space<vmem>>, vector<16xf32>,
        %slice3A_981 = vector.extract_strided_slice %get3A_142 {offsets = [12], sizes = [1], strides = [1]} : vector<16xf32> to vector<1xf32>
        %squeeze3A_982 = vector.extract %slice3A_981[0] : f32 from vector<1xf32>
        %mul3A_983 = arith.constant 16 : i32
        %mul3A_984 = arith.muli %scan3A_138, %mul3A_983 : i32
        %add3A_985 = arith.constant 12 : i32
        %add3A_986 = arith.addi %mul3A_984, %add3A_985 : i32
        %get3A_987 = arith.index_cast %add3A_986 : i32 to index
        %get3A_988 = arith.constant 0 : index
        %get3A_989 = tpu.vector_load %arg13[%get3A_987, %get3A_988] {strides = array<i32>} : memref<80x128xf32, #tpu.memory_space<vmem>>, vector<16xf32>,
        %mul3A_990 = vector.broadcast %squeeze3A_982 : f32 to vector<16xf32>
        %mul3A_991 = arith.mulf %get3A_989, %mul3A_990 : vector<16xf32>
        %swap3A_992 = arith.index_cast %add3A_986 : i32 to index
        %swap3A_993 = arith.constant 0 : index
        %swap3A_994 = tpu.vector_load %arg13[%swap3A_992, %swap3A_993] {strides = array<i32>} : memref<80x128xf32, #tpu.memory_space<vmem>>, vector<16xf32>,
        tpu.vector_store %arg13[%swap3A_992, %swap3A_993], %mul3A_991 {strides = array<i32>} : memref<80x128xf32, #tpu.memory_space<vmem>>, vector<16xf32>,
        %get3A_995 = arith.index_cast %add3A_986 : i32 to index
        %get3A_996 = arith.constant 16 : index
        %get3A_997 = tpu.vector_load %arg13[%get3A_995, %get3A_996] {strides = array<i32>} : memref<80x128xf32, #tpu.memory_space<vmem>>, vector<16xf32>,
        %mul3A_998 = vector.broadcast %squeeze3A_982 : f32 to vector<16xf32>
        %mul3A_999 = arith.mulf %get3A_997, %mul3A_998 : vector<16xf32>
        %swap3A_1000 = arith.index_cast %add3A_986 : i32 to index
        %swap3A_1001 = arith.constant 16 : index
        %swap3A_1002 = tpu.vector_load %arg13[%swap3A_1000, %swap3A_1001] {strides = array<i32>} : memref<80x128xf32, #tpu.memory_space<vmem>>, vector<16xf32>,
        tpu.vector_store %arg13[%swap3A_1000, %swap3A_1001], %mul3A_999 {strides = array<i32>} : memref<80x128xf32, #tpu.memory_space<vmem>>, vector<16xf32>,
        %get3A_1003 = arith.index_cast %add3A_986 : i32 to index
        %get3A_1004 = arith.constant 32 : index
        %get3A_1005 = tpu.vector_load %arg13[%get3A_1003, %get3A_1004] {strides = array<i32>} : memref<80x128xf32, #tpu.memory_space<vmem>>, vector<16xf32>,
        %mul3A_1006 = vector.broadcast %squeeze3A_982 : f32 to vector<16xf32>
        %mul3A_1007 = arith.mulf %get3A_1005, %mul3A_1006 : vector<16xf32>
        %swap3A_1008 = arith.index_cast %add3A_986 : i32 to index
        %swap3A_1009 = arith.constant 32 : index
        %swap3A_1010 = tpu.vector_load %arg13[%swap3A_1008, %swap3A_1009] {strides = array<i32>} : memref<80x128xf32, #tpu.memory_space<vmem>>, vector<16xf32>,
        tpu.vector_store %arg13[%swap3A_1008, %swap3A_1009], %mul3A_1007 {strides = array<i32>} : memref<80x128xf32, #tpu.memory_space<vmem>>, vector<16xf32>,
        %get3A_1011 = arith.index_cast %add3A_986 : i32 to index
        %get3A_1012 = arith.constant 48 : index
        %get3A_1013 = tpu.vector_load %arg13[%get3A_1011, %get3A_1012] {strides = array<i32>} : memref<80x128xf32, #tpu.memory_space<vmem>>, vector<16xf32>,
        %mul3A_1014 = vector.broadcast %squeeze3A_982 : f32 to vector<16xf32>
        %mul3A_1015 = arith.mulf %get3A_1013, %mul3A_1014 : vector<16xf32>
        %swap3A_1016 = arith.index_cast %add3A_986 : i32 to index
        %swap3A_1017 = arith.constant 48 : index
        %swap3A_1018 = tpu.vector_load %arg13[%swap3A_1016, %swap3A_1017] {strides = array<i32>} : memref<80x128xf32, #tpu.memory_space<vmem>>, vector<16xf32>,
        tpu.vector_store %arg13[%swap3A_1016, %swap3A_1017], %mul3A_1015 {strides = array<i32>} : memref<80x128xf32, #tpu.memory_space<vmem>>, vector<16xf32>,
        %get3A_1019 = arith.index_cast %add3A_986 : i32 to index
        %get3A_1020 = arith.constant 64 : index
        %get3A_1021 = tpu.vector_load %arg13[%get3A_1019, %get3A_1020] {strides = array<i32>} : memref<80x128xf32, #tpu.memory_space<vmem>>, vector<16xf32>,
        %mul3A_1022 = vector.broadcast %squeeze3A_982 : f32 to vector<16xf32>
        %mul3A_1023 = arith.mulf %get3A_1021, %mul3A_1022 : vector<16xf32>
        %swap3A_1024 = arith.index_cast %add3A_986 : i32 to index
        %swap3A_1025 = arith.constant 64 : index
        %swap3A_1026 = tpu.vector_load %arg13[%swap3A_1024, %swap3A_1025] {strides = array<i32>} : memref<80x128xf32, #tpu.memory_space<vmem>>, vector<16xf32>,
        tpu.vector_store %arg13[%swap3A_1024, %swap3A_1025], %mul3A_1023 {strides = array<i32>} : memref<80x128xf32, #tpu.memory_space<vmem>>, vector<16xf32>,
        %get3A_1027 = arith.index_cast %add3A_986 : i32 to index
        %get3A_1028 = arith.constant 80 : index
        %get3A_1029 = tpu.vector_load %arg13[%get3A_1027, %get3A_1028] {strides = array<i32>} : memref<80x128xf32, #tpu.memory_space<vmem>>, vector<16xf32>,
        %mul3A_1030 = vector.broadcast %squeeze3A_982 : f32 to vector<16xf32>
        %mul3A_1031 = arith.mulf %get3A_1029, %mul3A_1030 : vector<16xf32>
        %swap3A_1032 = arith.index_cast %add3A_986 : i32 to index
        %swap3A_1033 = arith.constant 80 : index
        %swap3A_1034 = tpu.vector_load %arg13[%swap3A_1032, %swap3A_1033] {strides = array<i32>} : memref<80x128xf32, #tpu.memory_space<vmem>>, vector<16xf32>,
        tpu.vector_store %arg13[%swap3A_1032, %swap3A_1033], %mul3A_1031 {strides = array<i32>} : memref<80x128xf32, #tpu.memory_space<vmem>>, vector<16xf32>,
        %get3A_1035 = arith.index_cast %add3A_986 : i32 to index
        %get3A_1036 = arith.constant 96 : index
        %get3A_1037 = tpu.vector_load %arg13[%get3A_1035, %get3A_1036] {strides = array<i32>} : memref<80x128xf32, #tpu.memory_space<vmem>>, vector<16xf32>,
        %mul3A_1038 = vector.broadcast %squeeze3A_982 : f32 to vector<16xf32>
        %mul3A_1039 = arith.mulf %get3A_1037, %mul3A_1038 : vector<16xf32>
        %swap3A_1040 = arith.index_cast %add3A_986 : i32 to index
        %swap3A_1041 = arith.constant 96 : index
        %swap3A_1042 = tpu.vector_load %arg13[%swap3A_1040, %swap3A_1041] {strides = array<i32>} : memref<80x128xf32, #tpu.memory_space<vmem>>, vector<16xf32>,
        tpu.vector_store %arg13[%swap3A_1040, %swap3A_1041], %mul3A_1039 {strides = array<i32>} : memref<80x128xf32, #tpu.memory_space<vmem>>, vector<16xf32>,
        %get3A_1043 = arith.index_cast %add3A_986 : i32 to index
        %get3A_1044 = arith.constant 112 : index
        %get3A_1045 = tpu.vector_load %arg13[%get3A_1043, %get3A_1044] {strides = array<i32>} : memref<80x128xf32, #tpu.memory_space<vmem>>, vector<16xf32>,
        %mul3A_1046 = vector.broadcast %squeeze3A_982 : f32 to vector<16xf32>
        %mul3A_1047 = arith.mulf %get3A_1045, %mul3A_1046 : vector<16xf32>
        %swap3A_1048 = arith.index_cast %add3A_986 : i32 to index
        %swap3A_1049 = arith.constant 112 : index
        %swap3A_1050 = tpu.vector_load %arg13[%swap3A_1048, %swap3A_1049] {strides = array<i32>} : memref<80x128xf32, #tpu.memory_space<vmem>>, vector<16xf32>,
        tpu.vector_store %arg13[%swap3A_1048, %swap3A_1049], %mul3A_1047 {strides = array<i32>} : memref<80x128xf32, #tpu.memory_space<vmem>>, vector<16xf32>,
        %slice3A_1051 = vector.extract_strided_slice %get3A_142 {offsets = [13], sizes = [1], strides = [1]} : vector<16xf32> to vector<1xf32>
        %squeeze3A_1052 = vector.extract %slice3A_1051[0] : f32 from vector<1xf32>
        %mul3A_1053 = arith.constant 16 : i32
        %mul3A_1054 = arith.muli %scan3A_138, %mul3A_1053 : i32
        %add3A_1055 = arith.constant 13 : i32
        %add3A_1056 = arith.addi %mul3A_1054, %add3A_1055 : i32
        %get3A_1057 = arith.index_cast %add3A_1056 : i32 to index
        %get3A_1058 = arith.constant 0 : index
        %get3A_1059 = tpu.vector_load %arg13[%get3A_1057, %get3A_1058] {strides = array<i32>} : memref<80x128xf32, #tpu.memory_space<vmem>>, vector<16xf32>,
        %mul3A_1060 = vector.broadcast %squeeze3A_1052 : f32 to vector<16xf32>
        %mul3A_1061 = arith.mulf %get3A_1059, %mul3A_1060 : vector<16xf32>
        %swap3A_1062 = arith.index_cast %add3A_1056 : i32 to index
        %swap3A_1063 = arith.constant 0 : index
        %swap3A_1064 = tpu.vector_load %arg13[%swap3A_1062, %swap3A_1063] {strides = array<i32>} : memref<80x128xf32, #tpu.memory_space<vmem>>, vector<16xf32>,
        tpu.vector_store %arg13[%swap3A_1062, %swap3A_1063], %mul3A_1061 {strides = array<i32>} : memref<80x128xf32, #tpu.memory_space<vmem>>, vector<16xf32>,
        %get3A_1065 = arith.index_cast %add3A_1056 : i32 to index
        %get3A_1066 = arith.constant 16 : index
        %get3A_1067 = tpu.vector_load %arg13[%get3A_1065, %get3A_1066] {strides = array<i32>} : memref<80x128xf32, #tpu.memory_space<vmem>>, vector<16xf32>,
        %mul3A_1068 = vector.broadcast %squeeze3A_1052 : f32 to vector<16xf32>
        %mul3A_1069 = arith.mulf %get3A_1067, %mul3A_1068 : vector<16xf32>
        %swap3A_1070 = arith.index_cast %add3A_1056 : i32 to index
        %swap3A_1071 = arith.constant 16 : index
        %swap3A_1072 = tpu.vector_load %arg13[%swap3A_1070, %swap3A_1071] {strides = array<i32>} : memref<80x128xf32, #tpu.memory_space<vmem>>, vector<16xf32>,
        tpu.vector_store %arg13[%swap3A_1070, %swap3A_1071], %mul3A_1069 {strides = array<i32>} : memref<80x128xf32, #tpu.memory_space<vmem>>, vector<16xf32>,
        %get3A_1073 = arith.index_cast %add3A_1056 : i32 to index
        %get3A_1074 = arith.constant 32 : index
        %get3A_1075 = tpu.vector_load %arg13[%get3A_1073, %get3A_1074] {strides = array<i32>} : memref<80x128xf32, #tpu.memory_space<vmem>>, vector<16xf32>,
        %mul3A_1076 = vector.broadcast %squeeze3A_1052 : f32 to vector<16xf32>
        %mul3A_1077 = arith.mulf %get3A_1075, %mul3A_1076 : vector<16xf32>
        %swap3A_1078 = arith.index_cast %add3A_1056 : i32 to index
        %swap3A_1079 = arith.constant 32 : index
        %swap3A_1080 = tpu.vector_load %arg13[%swap3A_1078, %swap3A_1079] {strides = array<i32>} : memref<80x128xf32, #tpu.memory_space<vmem>>, vector<16xf32>,
        tpu.vector_store %arg13[%swap3A_1078, %swap3A_1079], %mul3A_1077 {strides = array<i32>} : memref<80x128xf32, #tpu.memory_space<vmem>>, vector<16xf32>,
        %get3A_1081 = arith.index_cast %add3A_1056 : i32 to index
        %get3A_1082 = arith.constant 48 : index
        %get3A_1083 = tpu.vector_load %arg13[%get3A_1081, %get3A_1082] {strides = array<i32>} : memref<80x128xf32, #tpu.memory_space<vmem>>, vector<16xf32>,
        %mul3A_1084 = vector.broadcast %squeeze3A_1052 : f32 to vector<16xf32>
        %mul3A_1085 = arith.mulf %get3A_1083, %mul3A_1084 : vector<16xf32>
        %swap3A_1086 = arith.index_cast %add3A_1056 : i32 to index
        %swap3A_1087 = arith.constant 48 : index
        %swap3A_1088 = tpu.vector_load %arg13[%swap3A_1086, %swap3A_1087] {strides = array<i32>} : memref<80x128xf32, #tpu.memory_space<vmem>>, vector<16xf32>,
        tpu.vector_store %arg13[%swap3A_1086, %swap3A_1087], %mul3A_1085 {strides = array<i32>} : memref<80x128xf32, #tpu.memory_space<vmem>>, vector<16xf32>,
        %get3A_1089 = arith.index_cast %add3A_1056 : i32 to index
        %get3A_1090 = arith.constant 64 : index
        %get3A_1091 = tpu.vector_load %arg13[%get3A_1089, %get3A_1090] {strides = array<i32>} : memref<80x128xf32, #tpu.memory_space<vmem>>, vector<16xf32>,
        %mul3A_1092 = vector.broadcast %squeeze3A_1052 : f32 to vector<16xf32>
        %mul3A_1093 = arith.mulf %get3A_1091, %mul3A_1092 : vector<16xf32>
        %swap3A_1094 = arith.index_cast %add3A_1056 : i32 to index
        %swap3A_1095 = arith.constant 64 : index
        %swap3A_1096 = tpu.vector_load %arg13[%swap3A_1094, %swap3A_1095] {strides = array<i32>} : memref<80x128xf32, #tpu.memory_space<vmem>>, vector<16xf32>,
        tpu.vector_store %arg13[%swap3A_1094, %swap3A_1095], %mul3A_1093 {strides = array<i32>} : memref<80x128xf32, #tpu.memory_space<vmem>>, vector<16xf32>,
        %get3A_1097 = arith.index_cast %add3A_1056 : i32 to index
        %get3A_1098 = arith.constant 80 : index
        %get3A_1099 = tpu.vector_load %arg13[%get3A_1097, %get3A_1098] {strides = array<i32>} : memref<80x128xf32, #tpu.memory_space<vmem>>, vector<16xf32>,
        %mul3A_1100 = vector.broadcast %squeeze3A_1052 : f32 to vector<16xf32>
        %mul3A_1101 = arith.mulf %get3A_1099, %mul3A_1100 : vector<16xf32>
        %swap3A_1102 = arith.index_cast %add3A_1056 : i32 to index
        %swap3A_1103 = arith.constant 80 : index
        %swap3A_1104 = tpu.vector_load %arg13[%swap3A_1102, %swap3A_1103] {strides = array<i32>} : memref<80x128xf32, #tpu.memory_space<vmem>>, vector<16xf32>,
        tpu.vector_store %arg13[%swap3A_1102, %swap3A_1103], %mul3A_1101 {strides = array<i32>} : memref<80x128xf32, #tpu.memory_space<vmem>>, vector<16xf32>,
        %get3A_1105 = arith.index_cast %add3A_1056 : i32 to index
        %get3A_1106 = arith.constant 96 : index
        %get3A_1107 = tpu.vector_load %arg13[%get3A_1105, %get3A_1106] {strides = array<i32>} : memref<80x128xf32, #tpu.memory_space<vmem>>, vector<16xf32>,
        %mul3A_1108 = vector.broadcast %squeeze3A_1052 : f32 to vector<16xf32>
        %mul3A_1109 = arith.mulf %get3A_1107, %mul3A_1108 : vector<16xf32>
        %swap3A_1110 = arith.index_cast %add3A_1056 : i32 to index
        %swap3A_1111 = arith.constant 96 : index
        %swap3A_1112 = tpu.vector_load %arg13[%swap3A_1110, %swap3A_1111] {strides = array<i32>} : memref<80x128xf32, #tpu.memory_space<vmem>>, vector<16xf32>,
        tpu.vector_store %arg13[%swap3A_1110, %swap3A_1111], %mul3A_1109 {strides = array<i32>} : memref<80x128xf32, #tpu.memory_space<vmem>>, vector<16xf32>,
        %get3A_1113 = arith.index_cast %add3A_1056 : i32 to index
        %get3A_1114 = arith.constant 112 : index
        %get3A_1115 = tpu.vector_load %arg13[%get3A_1113, %get3A_1114] {strides = array<i32>} : memref<80x128xf32, #tpu.memory_space<vmem>>, vector<16xf32>,
        %mul3A_1116 = vector.broadcast %squeeze3A_1052 : f32 to vector<16xf32>
        %mul3A_1117 = arith.mulf %get3A_1115, %mul3A_1116 : vector<16xf32>
        %swap3A_1118 = arith.index_cast %add3A_1056 : i32 to index
        %swap3A_1119 = arith.constant 112 : index
        %swap3A_1120 = tpu.vector_load %arg13[%swap3A_1118, %swap3A_1119] {strides = array<i32>} : memref<80x128xf32, #tpu.memory_space<vmem>>, vector<16xf32>,
        tpu.vector_store %arg13[%swap3A_1118, %swap3A_1119], %mul3A_1117 {strides = array<i32>} : memref<80x128xf32, #tpu.memory_space<vmem>>, vector<16xf32>,
        %slice3A_1121 = vector.extract_strided_slice %get3A_142 {offsets = [14], sizes = [1], strides = [1]} : vector<16xf32> to vector<1xf32>
        %squeeze3A_1122 = vector.extract %slice3A_1121[0] : f32 from vector<1xf32>
        %mul3A_1123 = arith.constant 16 : i32
        %mul3A_1124 = arith.muli %scan3A_138, %mul3A_1123 : i32
        %add3A_1125 = arith.constant 14 : i32
        %add3A_1126 = arith.addi %mul3A_1124, %add3A_1125 : i32
        %get3A_1127 = arith.index_cast %add3A_1126 : i32 to index
        %get3A_1128 = arith.constant 0 : index
        %get3A_1129 = tpu.vector_load %arg13[%get3A_1127, %get3A_1128] {strides = array<i32>} : memref<80x128xf32, #tpu.memory_space<vmem>>, vector<16xf32>,
        %mul3A_1130 = vector.broadcast %squeeze3A_1122 : f32 to vector<16xf32>
        %mul3A_1131 = arith.mulf %get3A_1129, %mul3A_1130 : vector<16xf32>
        %swap3A_1132 = arith.index_cast %add3A_1126 : i32 to index
        %swap3A_1133 = arith.constant 0 : index
        %swap3A_1134 = tpu.vector_load %arg13[%swap3A_1132, %swap3A_1133] {strides = array<i32>} : memref<80x128xf32, #tpu.memory_space<vmem>>, vector<16xf32>,
        tpu.vector_store %arg13[%swap3A_1132, %swap3A_1133], %mul3A_1131 {strides = array<i32>} : memref<80x128xf32, #tpu.memory_space<vmem>>, vector<16xf32>,
        %get3A_1135 = arith.index_cast %add3A_1126 : i32 to index
        %get3A_1136 = arith.constant 16 : index
        %get3A_1137 = tpu.vector_load %arg13[%get3A_1135, %get3A_1136] {strides = array<i32>} : memref<80x128xf32, #tpu.memory_space<vmem>>, vector<16xf32>,
        %mul3A_1138 = vector.broadcast %squeeze3A_1122 : f32 to vector<16xf32>
        %mul3A_1139 = arith.mulf %get3A_1137, %mul3A_1138 : vector<16xf32>
        %swap3A_1140 = arith.index_cast %add3A_1126 : i32 to index
        %swap3A_1141 = arith.constant 16 : index
        %swap3A_1142 = tpu.vector_load %arg13[%swap3A_1140, %swap3A_1141] {strides = array<i32>} : memref<80x128xf32, #tpu.memory_space<vmem>>, vector<16xf32>,
        tpu.vector_store %arg13[%swap3A_1140, %swap3A_1141], %mul3A_1139 {strides = array<i32>} : memref<80x128xf32, #tpu.memory_space<vmem>>, vector<16xf32>,
        %get3A_1143 = arith.index_cast %add3A_1126 : i32 to index
        %get3A_1144 = arith.constant 32 : index
        %get3A_1145 = tpu.vector_load %arg13[%get3A_1143, %get3A_1144] {strides = array<i32>} : memref<80x128xf32, #tpu.memory_space<vmem>>, vector<16xf32>,
        %mul3A_1146 = vector.broadcast %squeeze3A_1122 : f32 to vector<16xf32>
        %mul3A_1147 = arith.mulf %get3A_1145, %mul3A_1146 : vector<16xf32>
        %swap3A_1148 = arith.index_cast %add3A_1126 : i32 to index
        %swap3A_1149 = arith.constant 32 : index
        %swap3A_1150 = tpu.vector_load %arg13[%swap3A_1148, %swap3A_1149] {strides = array<i32>} : memref<80x128xf32, #tpu.memory_space<vmem>>, vector<16xf32>,
        tpu.vector_store %arg13[%swap3A_1148, %swap3A_1149], %mul3A_1147 {strides = array<i32>} : memref<80x128xf32, #tpu.memory_space<vmem>>, vector<16xf32>,
        %get3A_1151 = arith.index_cast %add3A_1126 : i32 to index
        %get3A_1152 = arith.constant 48 : index
        %get3A_1153 = tpu.vector_load %arg13[%get3A_1151, %get3A_1152] {strides = array<i32>} : memref<80x128xf32, #tpu.memory_space<vmem>>, vector<16xf32>,
        %mul3A_1154 = vector.broadcast %squeeze3A_1122 : f32 to vector<16xf32>
        %mul3A_1155 = arith.mulf %get3A_1153, %mul3A_1154 : vector<16xf32>
        %swap3A_1156 = arith.index_cast %add3A_1126 : i32 to index
        %swap3A_1157 = arith.constant 48 : index
        %swap3A_1158 = tpu.vector_load %arg13[%swap3A_1156, %swap3A_1157] {strides = array<i32>} : memref<80x128xf32, #tpu.memory_space<vmem>>, vector<16xf32>,
        tpu.vector_store %arg13[%swap3A_1156, %swap3A_1157], %mul3A_1155 {strides = array<i32>} : memref<80x128xf32, #tpu.memory_space<vmem>>, vector<16xf32>,
        %get3A_1159 = arith.index_cast %add3A_1126 : i32 to index
        %get3A_1160 = arith.constant 64 : index
        %get3A_1161 = tpu.vector_load %arg13[%get3A_1159, %get3A_1160] {strides = array<i32>} : memref<80x128xf32, #tpu.memory_space<vmem>>, vector<16xf32>,
        %mul3A_1162 = vector.broadcast %squeeze3A_1122 : f32 to vector<16xf32>
        %mul3A_1163 = arith.mulf %get3A_1161, %mul3A_1162 : vector<16xf32>
        %swap3A_1164 = arith.index_cast %add3A_1126 : i32 to index
        %swap3A_1165 = arith.constant 64 : index
        %swap3A_1166 = tpu.vector_load %arg13[%swap3A_1164, %swap3A_1165] {strides = array<i32>} : memref<80x128xf32, #tpu.memory_space<vmem>>, vector<16xf32>,
        tpu.vector_store %arg13[%swap3A_1164, %swap3A_1165], %mul3A_1163 {strides = array<i32>} : memref<80x128xf32, #tpu.memory_space<vmem>>, vector<16xf32>,
        %get3A_1167 = arith.index_cast %add3A_1126 : i32 to index
        %get3A_1168 = arith.constant 80 : index
        %get3A_1169 = tpu.vector_load %arg13[%get3A_1167, %get3A_1168] {strides = array<i32>} : memref<80x128xf32, #tpu.memory_space<vmem>>, vector<16xf32>,
        %mul3A_1170 = vector.broadcast %squeeze3A_1122 : f32 to vector<16xf32>
        %mul3A_1171 = arith.mulf %get3A_1169, %mul3A_1170 : vector<16xf32>
        %swap3A_1172 = arith.index_cast %add3A_1126 : i32 to index
        %swap3A_1173 = arith.constant 80 : index
        %swap3A_1174 = tpu.vector_load %arg13[%swap3A_1172, %swap3A_1173] {strides = array<i32>} : memref<80x128xf32, #tpu.memory_space<vmem>>, vector<16xf32>,
        tpu.vector_store %arg13[%swap3A_1172, %swap3A_1173], %mul3A_1171 {strides = array<i32>} : memref<80x128xf32, #tpu.memory_space<vmem>>, vector<16xf32>,
        %get3A_1175 = arith.index_cast %add3A_1126 : i32 to index
        %get3A_1176 = arith.constant 96 : index
        %get3A_1177 = tpu.vector_load %arg13[%get3A_1175, %get3A_1176] {strides = array<i32>} : memref<80x128xf32, #tpu.memory_space<vmem>>, vector<16xf32>,
        %mul3A_1178 = vector.broadcast %squeeze3A_1122 : f32 to vector<16xf32>
        %mul3A_1179 = arith.mulf %get3A_1177, %mul3A_1178 : vector<16xf32>
        %swap3A_1180 = arith.index_cast %add3A_1126 : i32 to index
        %swap3A_1181 = arith.constant 96 : index
        %swap3A_1182 = tpu.vector_load %arg13[%swap3A_1180, %swap3A_1181] {strides = array<i32>} : memref<80x128xf32, #tpu.memory_space<vmem>>, vector<16xf32>,
        tpu.vector_store %arg13[%swap3A_1180, %swap3A_1181], %mul3A_1179 {strides = array<i32>} : memref<80x128xf32, #tpu.memory_space<vmem>>, vector<16xf32>,
        %get3A_1183 = arith.index_cast %add3A_1126 : i32 to index
        %get3A_1184 = arith.constant 112 : index
        %get3A_1185 = tpu.vector_load %arg13[%get3A_1183, %get3A_1184] {strides = array<i32>} : memref<80x128xf32, #tpu.memory_space<vmem>>, vector<16xf32>,
        %mul3A_1186 = vector.broadcast %squeeze3A_1122 : f32 to vector<16xf32>
        %mul3A_1187 = arith.mulf %get3A_1185, %mul3A_1186 : vector<16xf32>
        %swap3A_1188 = arith.index_cast %add3A_1126 : i32 to index
        %swap3A_1189 = arith.constant 112 : index
        %swap3A_1190 = tpu.vector_load %arg13[%swap3A_1188, %swap3A_1189] {strides = array<i32>} : memref<80x128xf32, #tpu.memory_space<vmem>>, vector<16xf32>,
        tpu.vector_store %arg13[%swap3A_1188, %swap3A_1189], %mul3A_1187 {strides = array<i32>} : memref<80x128xf32, #tpu.memory_space<vmem>>, vector<16xf32>,
        %slice3A_1191 = vector.extract_strided_slice %get3A_142 {offsets = [15], sizes = [1], strides = [1]} : vector<16xf32> to vector<1xf32>
        %squeeze3A_1192 = vector.extract %slice3A_1191[0] : f32 from vector<1xf32>
        %mul3A_1193 = arith.constant 16 : i32
        %mul3A_1194 = arith.muli %scan3A_138, %mul3A_1193 : i32
        %add3A_1195 = arith.constant 15 : i32
        %add3A_1196 = arith.addi %mul3A_1194, %add3A_1195 : i32
        %get3A_1197 = arith.index_cast %add3A_1196 : i32 to index
        %get3A_1198 = arith.constant 0 : index
        %get3A_1199 = tpu.vector_load %arg13[%get3A_1197, %get3A_1198] {strides = array<i32>} : memref<80x128xf32, #tpu.memory_space<vmem>>, vector<16xf32>,
        %mul3A_1200 = vector.broadcast %squeeze3A_1192 : f32 to vector<16xf32>
        %mul3A_1201 = arith.mulf %get3A_1199, %mul3A_1200 : vector<16xf32>
        %swap3A_1202 = arith.index_cast %add3A_1196 : i32 to index
        %swap3A_1203 = arith.constant 0 : index
        %swap3A_1204 = tpu.vector_load %arg13[%swap3A_1202, %swap3A_1203] {strides = array<i32>} : memref<80x128xf32, #tpu.memory_space<vmem>>, vector<16xf32>,
        tpu.vector_store %arg13[%swap3A_1202, %swap3A_1203], %mul3A_1201 {strides = array<i32>} : memref<80x128xf32, #tpu.memory_space<vmem>>, vector<16xf32>,
        %get3A_1205 = arith.index_cast %add3A_1196 : i32 to index
        %get3A_1206 = arith.constant 16 : index
        %get3A_1207 = tpu.vector_load %arg13[%get3A_1205, %get3A_1206] {strides = array<i32>} : memref<80x128xf32, #tpu.memory_space<vmem>>, vector<16xf32>,
        %mul3A_1208 = vector.broadcast %squeeze3A_1192 : f32 to vector<16xf32>
        %mul3A_1209 = arith.mulf %get3A_1207, %mul3A_1208 : vector<16xf32>
        %swap3A_1210 = arith.index_cast %add3A_1196 : i32 to index
        %swap3A_1211 = arith.constant 16 : index
        %swap3A_1212 = tpu.vector_load %arg13[%swap3A_1210, %swap3A_1211] {strides = array<i32>} : memref<80x128xf32, #tpu.memory_space<vmem>>, vector<16xf32>,
        tpu.vector_store %arg13[%swap3A_1210, %swap3A_1211], %mul3A_1209 {strides = array<i32>} : memref<80x128xf32, #tpu.memory_space<vmem>>, vector<16xf32>,
        %get3A_1213 = arith.index_cast %add3A_1196 : i32 to index
        %get3A_1214 = arith.constant 32 : index
        %get3A_1215 = tpu.vector_load %arg13[%get3A_1213, %get3A_1214] {strides = array<i32>} : memref<80x128xf32, #tpu.memory_space<vmem>>, vector<16xf32>,
        %mul3A_1216 = vector.broadcast %squeeze3A_1192 : f32 to vector<16xf32>
        %mul3A_1217 = arith.mulf %get3A_1215, %mul3A_1216 : vector<16xf32>
        %swap3A_1218 = arith.index_cast %add3A_1196 : i32 to index
        %swap3A_1219 = arith.constant 32 : index
        %swap3A_1220 = tpu.vector_load %arg13[%swap3A_1218, %swap3A_1219] {strides = array<i32>} : memref<80x128xf32, #tpu.memory_space<vmem>>, vector<16xf32>,
        tpu.vector_store %arg13[%swap3A_1218, %swap3A_1219], %mul3A_1217 {strides = array<i32>} : memref<80x128xf32, #tpu.memory_space<vmem>>, vector<16xf32>,
        %get3A_1221 = arith.index_cast %add3A_1196 : i32 to index
        %get3A_1222 = arith.constant 48 : index
        %get3A_1223 = tpu.vector_load %arg13[%get3A_1221, %get3A_1222] {strides = array<i32>} : memref<80x128xf32, #tpu.memory_space<vmem>>, vector<16xf32>,
        %mul3A_1224 = vector.broadcast %squeeze3A_1192 : f32 to vector<16xf32>
        %mul3A_1225 = arith.mulf %get3A_1223, %mul3A_1224 : vector<16xf32>
        %swap3A_1226 = arith.index_cast %add3A_1196 : i32 to index
        %swap3A_1227 = arith.constant 48 : index
        %swap3A_1228 = tpu.vector_load %arg13[%swap3A_1226, %swap3A_1227] {strides = array<i32>} : memref<80x128xf32, #tpu.memory_space<vmem>>, vector<16xf32>,
        tpu.vector_store %arg13[%swap3A_1226, %swap3A_1227], %mul3A_1225 {strides = array<i32>} : memref<80x128xf32, #tpu.memory_space<vmem>>, vector<16xf32>,
        %get3A_1229 = arith.index_cast %add3A_1196 : i32 to index
        %get3A_1230 = arith.constant 64 : index
        %get3A_1231 = tpu.vector_load %arg13[%get3A_1229, %get3A_1230] {strides = array<i32>} : memref<80x128xf32, #tpu.memory_space<vmem>>, vector<16xf32>,
        %mul3A_1232 = vector.broadcast %squeeze3A_1192 : f32 to vector<16xf32>
        %mul3A_1233 = arith.mulf %get3A_1231, %mul3A_1232 : vector<16xf32>
        %swap3A_1234 = arith.index_cast %add3A_1196 : i32 to index
        %swap3A_1235 = arith.constant 64 : index
        %swap3A_1236 = tpu.vector_load %arg13[%swap3A_1234, %swap3A_1235] {strides = array<i32>} : memref<80x128xf32, #tpu.memory_space<vmem>>, vector<16xf32>,
        tpu.vector_store %arg13[%swap3A_1234, %swap3A_1235], %mul3A_1233 {strides = array<i32>} : memref<80x128xf32, #tpu.memory_space<vmem>>, vector<16xf32>,
        %get3A_1237 = arith.index_cast %add3A_1196 : i32 to index
        %get3A_1238 = arith.constant 80 : index
        %get3A_1239 = tpu.vector_load %arg13[%get3A_1237, %get3A_1238] {strides = array<i32>} : memref<80x128xf32, #tpu.memory_space<vmem>>, vector<16xf32>,
        %mul3A_1240 = vector.broadcast %squeeze3A_1192 : f32 to vector<16xf32>
        %mul3A_1241 = arith.mulf %get3A_1239, %mul3A_1240 : vector<16xf32>
        %swap3A_1242 = arith.index_cast %add3A_1196 : i32 to index
        %swap3A_1243 = arith.constant 80 : index
        %swap3A_1244 = tpu.vector_load %arg13[%swap3A_1242, %swap3A_1243] {strides = array<i32>} : memref<80x128xf32, #tpu.memory_space<vmem>>, vector<16xf32>,
        tpu.vector_store %arg13[%swap3A_1242, %swap3A_1243], %mul3A_1241 {strides = array<i32>} : memref<80x128xf32, #tpu.memory_space<vmem>>, vector<16xf32>,
        %get3A_1245 = arith.index_cast %add3A_1196 : i32 to index
        %get3A_1246 = arith.constant 96 : index
        %get3A_1247 = tpu.vector_load %arg13[%get3A_1245, %get3A_1246] {strides = array<i32>} : memref<80x128xf32, #tpu.memory_space<vmem>>, vector<16xf32>,
        %mul3A_1248 = vector.broadcast %squeeze3A_1192 : f32 to vector<16xf32>
        %mul3A_1249 = arith.mulf %get3A_1247, %mul3A_1248 : vector<16xf32>
        %swap3A_1250 = arith.index_cast %add3A_1196 : i32 to index
        %swap3A_1251 = arith.constant 96 : index
        %swap3A_1252 = tpu.vector_load %arg13[%swap3A_1250, %swap3A_1251] {strides = array<i32>} : memref<80x128xf32, #tpu.memory_space<vmem>>, vector<16xf32>,
        tpu.vector_store %arg13[%swap3A_1250, %swap3A_1251], %mul3A_1249 {strides = array<i32>} : memref<80x128xf32, #tpu.memory_space<vmem>>, vector<16xf32>,
        %get3A_1253 = arith.index_cast %add3A_1196 : i32 to index
        %get3A_1254 = arith.constant 112 : index
        %get3A_1255 = tpu.vector_load %arg13[%get3A_1253, %get3A_1254] {strides = array<i32>} : memref<80x128xf32, #tpu.memory_space<vmem>>, vector<16xf32>,
        %mul3A_1256 = vector.broadcast %squeeze3A_1192 : f32 to vector<16xf32>
        %mul3A_1257 = arith.mulf %get3A_1255, %mul3A_1256 : vector<16xf32>
        %swap3A_1258 = arith.index_cast %add3A_1196 : i32 to index
        %swap3A_1259 = arith.constant 112 : index
        %swap3A_1260 = tpu.vector_load %arg13[%swap3A_1258, %swap3A_1259] {strides = array<i32>} : memref<80x128xf32, #tpu.memory_space<vmem>>, vector<16xf32>,
        tpu.vector_store %arg13[%swap3A_1258, %swap3A_1259], %mul3A_1257 {strides = array<i32>} : memref<80x128xf32, #tpu.memory_space<vmem>>, vector<16xf32>,
      }
      %scan3A_137 = arith.constant 5 : i32
      "tpu.region"() ({
        %run_scoped3A = tpu.sem_alloc : memref<!tpu.dma_semaphore, #tpu.memory_space<semaphore_mem>>
        %dma_start3A_138 = arith.constant 0 : i32
        %dma_start3A_139 = arith.constant 0 : i32
        %dma_start3A_140 = tpu.memref_slice %arg18[%dma_start3A_138, %dma_start3A_139] : memref<10240x128xf32, #tpu.memory_space<vmem_shared>> -> memref<10240x128xf32, #tpu.memory_space<vmem_shared>>
        tpu.enqueue_indirect_dma source(%arg13 : memref<80x128xf32, #tpu.memory_space<vmem>>) target(%dma_start3A_140 : memref<10240x128xf32, #tpu.memory_space<vmem_shared>>) offsets(%arg11 : memref<80xi32, #tpu.memory_space<vmem>>) semaphore(%run_scoped3A : memref<!tpu.dma_semaphore, #tpu.memory_space<semaphore_mem>>) {add = true}
        %dma_wait3A_141 = arith.constant 0 : i32
        %dma_wait3A_142 = arith.constant 0 : i32
        %dma_wait3A_143 = tpu.memref_slice %arg18[%dma_wait3A_141, %dma_wait3A_142] : memref<10240x128xf32, #tpu.memory_space<vmem_shared>> -> memref<10240x128xf32, #tpu.memory_space<vmem_shared>>
        tpu.wait_indirect_dma semaphore(%run_scoped3A : memref<!tpu.dma_semaphore, #tpu.memory_space<semaphore_mem>>) src(%arg13 : memref<80x128xf32, #tpu.memory_space<vmem>>) dst(%dma_wait3A_143 : memref<10240x128xf32, #tpu.memory_space<vmem_shared>>)
        tpu.yield
      }) : () -> ()
    }
    %scan3A_49 = arith.constant 125 : i32
    %barrier3A_50 = arith.constant 0 : index
    tpu.barrier barrier_id(%barrier3A_50)
    "tpu.region"() ({
      %run_scoped3A = tpu.sem_alloc : memref<!tpu.dma_semaphore, #tpu.memory_space<semaphore_mem>>
      %dma_start3A = arith.constant 0 : i32
      %dma_start3A_53 = tpu.memref_slice %arg9[%add3A, %dma_start3A] : memref<32x10000xf32, #tpu.memory_space<hbm>> -> memref<1x10000xf32, #tpu.memory_space<hbm>>
      %dma_start3A_54 = tpu.memref_squeeze %dma_start3A_53 : memref<1x10000xf32, #tpu.memory_space<hbm>> -> memref<10000xf32, #tpu.memory_space<hbm>>
      %dma_start3A_55 = arith.constant 0 : i32
      %dma_start3A_56 = tpu.memref_slice %arg9[%add3A, %dma_start3A_55] : memref<32x10000xf32, #tpu.memory_space<hbm>> -> memref<1x10000xf32, #tpu.memory_space<hbm>>
      %dma_start3A_57 = tpu.memref_squeeze %dma_start3A_56 : memref<1x10000xf32, #tpu.memory_space<hbm>> -> memref<10000xf32, #tpu.memory_space<hbm>>
      tpu.enqueue_dma source(%arg16 : memref<10000xf32, #tpu.memory_space<vmem>>) target(%dma_start3A_57 : memref<10000xf32, #tpu.memory_space<hbm>>) target_semaphore(%run_scoped3A : memref<!tpu.dma_semaphore, #tpu.memory_space<semaphore_mem>>)
      %dma_wait3A = arith.constant 0 : i32
      %dma_wait3A_58 = tpu.memref_slice %arg9[%add3A, %dma_wait3A] : memref<32x10000xf32, #tpu.memory_space<hbm>> -> memref<1x10000xf32, #tpu.memory_space<hbm>>
      %dma_wait3A_59 = tpu.memref_squeeze %dma_wait3A_58 : memref<1x10000xf32, #tpu.memory_space<hbm>> -> memref<10000xf32, #tpu.memory_space<hbm>>
      %dma_wait3A_60 = arith.constant 0 : i32
      %dma_wait3A_61 = tpu.memref_slice %arg9[%add3A, %dma_wait3A_60] : memref<32x10000xf32, #tpu.memory_space<hbm>> -> memref<1x10000xf32, #tpu.memory_space<hbm>>
      %dma_wait3A_62 = tpu.memref_squeeze %dma_wait3A_61 : memref<1x10000xf32, #tpu.memory_space<hbm>> -> memref<10000xf32, #tpu.memory_space<hbm>>
      tpu.wait_dma2 semaphore(%run_scoped3A : memref<!tpu.dma_semaphore, #tpu.memory_space<semaphore_mem>>) src(%arg16 : memref<10000xf32, #tpu.memory_space<vmem>>) dst(%dma_wait3A_62 : memref<10000xf32, #tpu.memory_space<hbm>>)
      tpu.yield
    }) : () -> ()
    %mul3A_51 = arith.constant 640 : i32
    %mul3A_52 = arith.muli %arg1, %mul3A_51 : i32
    "tpu.region"() ({
      %run_scoped3A = tpu.sem_alloc : memref<!tpu.dma_semaphore, #tpu.memory_space<semaphore_mem>>
      %dma_start3A = arith.constant 0 : i32
      %dma_start3A_53 = tpu.memref_slice %arg8[%arg0, %mul3A_52, %dma_start3A] : memref<2x10240x128xf32, #tpu.memory_space<hbm>> -> memref<1x640x128xf32, #tpu.memory_space<hbm>>
      %dma_start3A_54 = tpu.memref_squeeze %dma_start3A_53 : memref<1x640x128xf32, #tpu.memory_space<hbm>> -> memref<640x128xf32, #tpu.memory_space<hbm>>
      %dma_start3A_55 = arith.constant 0 : i32
      %dma_start3A_56 = tpu.memref_slice %arg18[%mul3A_52, %dma_start3A_55] : memref<10240x128xf32, #tpu.memory_space<vmem_shared>> -> memref<640x128xf32, #tpu.memory_space<vmem_shared>>
      tpu.enqueue_dma source(%dma_start3A_56 : memref<640x128xf32, #tpu.memory_space<vmem_shared>>) target(%dma_start3A_54 : memref<640x128xf32, #tpu.memory_space<hbm>>) target_semaphore(%run_scoped3A : memref<!tpu.dma_semaphore, #tpu.memory_space<semaphore_mem>>)
      %dma_wait3A = arith.constant 0 : i32
      %dma_wait3A_57 = tpu.memref_slice %arg8[%arg0, %mul3A_52, %dma_wait3A] : memref<2x10240x128xf32, #tpu.memory_space<hbm>> -> memref<1x640x128xf32, #tpu.memory_space<hbm>>
      %dma_wait3A_58 = tpu.memref_squeeze %dma_wait3A_57 : memref<1x640x128xf32, #tpu.memory_space<hbm>> -> memref<640x128xf32, #tpu.memory_space<hbm>>
      %dma_wait3A_59 = arith.constant 0 : i32
      %dma_wait3A_60 = tpu.memref_slice %arg18[%mul3A_52, %dma_wait3A_59] : memref<10240x128xf32, #tpu.memory_space<vmem_shared>> -> memref<640x128xf32, #tpu.memory_space<vmem_shared>>
      tpu.wait_dma2 semaphore(%run_scoped3A : memref<!tpu.dma_semaphore, #tpu.memory_space<semaphore_mem>>) src(%dma_wait3A_60 : memref<640x128xf32, #tpu.memory_space<vmem_shared>>) dst(%dma_wait3A_58 : memref<640x128xf32, #tpu.memory_space<hbm>>)
      tpu.yield
    }) : () -> ()
    return
  }
}

#map = affine_map<(d0, d1) -> (0)>
#map1 = affine_map<(d0, d1) -> (0, 0)>
#map2 = affine_map<(d0, d1) -> (0, 0, 0)>
module attributes {stable_mosaic.version = 14 : i64} {
  func.func @_sc_edge_body(%arg0: i32, %arg1: i32, %arg2: memref<320000xi32, #tpu.memory_space<hbm>>, %arg3: memref<320000xi32, #tpu.memory_space<hbm>>, %arg4: memref<10000xf32, #tpu.memory_space<hbm>>, %arg5: memref<10000xf32, #tpu.memory_space<hbm>>, %arg6: memref<8x128xf32, #tpu.memory_space<hbm>>, %arg7: memref<10000x128xf32, #tpu.memory_space<hbm>>, %arg8: memref<2x10240x128xf32, #tpu.memory_space<hbm>>, %arg9: memref<32x10000xf32, #tpu.memory_space<hbm>>, %arg10: memref<80xi32, #tpu.memory_space<vmem>>, %arg11: memref<80xi32, #tpu.memory_space<vmem>>, %arg12: memref<80xf32, #tpu.memory_space<vmem>>, %arg13: memref<80x128xf32, #tpu.memory_space<vmem>>, %arg14: memref<10000xf32, #tpu.memory_space<vmem>>, %arg15: memref<10000xf32, #tpu.memory_space<vmem>>, %arg16: memref<10000xf32, #tpu.memory_space<vmem>>, %arg17: memref<8x128xf32, #tpu.memory_space<vmem>>, %arg18: memref<10240x128xf32, #tpu.memory_space<vmem_shared>>, %arg19: memref<!tpu.dma_semaphore, #tpu.memory_space<semaphore_mem>>) attributes {dimension_semantics = [#tpu.dimension_semantics<core_parallel>, #tpu.dimension_semantics<subcore_parallel>], iteration_bounds = array<i64: 2, 16>, scalar_prefetch = 0 : i64, scratch_operands = 10 : i64, tpu.core_type = #tpu.core_type<sc_vector_subcore>, window_params = [{transform_indices = #map}, {transform_indices = #map}, {transform_indices = #map}, {transform_indices = #map}, {transform_indices = #map1}, {transform_indices = #map1}, {transform_indices = #map2}, {transform_indices = #map1}]} {
    %mul3A = arith.constant 2 : i32
    %mul3A_0 = arith.muli %arg1, %mul3A : i32
    %add3A = arith.addi %mul3A_0, %arg0 : i32
    "tpu.region"() ({
      %run_scoped3A = tpu.sem_alloc : memref<!tpu.dma_semaphore, #tpu.memory_space<semaphore_mem>>
      tpu.enqueue_dma source(%arg4 : memref<10000xf32, #tpu.memory_space<hbm>>) target(%arg14 : memref<10000xf32, #tpu.memory_space<vmem>>) target_semaphore(%run_scoped3A : memref<!tpu.dma_semaphore, #tpu.memory_space<semaphore_mem>>)
      tpu.wait_dma2 semaphore(%run_scoped3A : memref<!tpu.dma_semaphore, #tpu.memory_space<semaphore_mem>>) src(%arg4 : memref<10000xf32, #tpu.memory_space<hbm>>) dst(%arg14 : memref<10000xf32, #tpu.memory_space<vmem>>)
      tpu.yield
    }) : () -> ()
    "tpu.region"() ({
      %run_scoped3A = tpu.sem_alloc : memref<!tpu.dma_semaphore, #tpu.memory_space<semaphore_mem>>
      tpu.enqueue_dma source(%arg5 : memref<10000xf32, #tpu.memory_space<hbm>>) target(%arg15 : memref<10000xf32, #tpu.memory_space<vmem>>) target_semaphore(%run_scoped3A : memref<!tpu.dma_semaphore, #tpu.memory_space<semaphore_mem>>)
      tpu.wait_dma2 semaphore(%run_scoped3A : memref<!tpu.dma_semaphore, #tpu.memory_space<semaphore_mem>>) src(%arg5 : memref<10000xf32, #tpu.memory_space<hbm>>) dst(%arg15 : memref<10000xf32, #tpu.memory_space<vmem>>)
      tpu.yield
    }) : () -> ()
    "tpu.region"() ({
      %run_scoped3A = tpu.sem_alloc : memref<!tpu.dma_semaphore, #tpu.memory_space<semaphore_mem>>
      tpu.enqueue_dma source(%arg6 : memref<8x128xf32, #tpu.memory_space<hbm>>) target(%arg17 : memref<8x128xf32, #tpu.memory_space<vmem>>) target_semaphore(%run_scoped3A : memref<!tpu.dma_semaphore, #tpu.memory_space<semaphore_mem>>)
      tpu.wait_dma2 semaphore(%run_scoped3A : memref<!tpu.dma_semaphore, #tpu.memory_space<semaphore_mem>>) src(%arg6 : memref<8x128xf32, #tpu.memory_space<hbm>>) dst(%arg17 : memref<8x128xf32, #tpu.memory_space<vmem>>)
      tpu.yield
    }) : () -> ()
    %get3A = arith.constant 0 : i32
    %get3A_1 = arith.index_cast %get3A : i32 to index
    %get3A_2 = arith.constant 0 : index
    %get3A_3 = tpu.vector_load %arg17[%get3A_1, %get3A_2] {strides = array<i32>} : memref<8x128xf32, #tpu.memory_space<vmem>>, vector<16xf32>,
    %scan3A = arith.constant 0 : i32
    %scan3A_4 = arith.constant 625 : i32
    %scan3A_5 = arith.addi %scan3A, %scan3A_4 : i32
    %scan3A_6 = arith.constant 1 : i32
    scf.for %scan3A_53 = %scan3A to %scan3A_5 step %scan3A_6  : i32 {
      %broadcast_in_dim3A = arith.constant 0.000000e+00 : f32
      %broadcast_in_dim3A_54 = vector.broadcast %broadcast_in_dim3A : f32 to vector<16xf32>
      %mul3A_55 = arith.constant 16 : i32
      %mul3A_56 = arith.muli %scan3A_53, %mul3A_55 : i32
      %swap3A = arith.index_cast %mul3A_56 : i32 to index
      %swap3A_57 = tpu.vector_load %arg16[%swap3A] {strides = array<i32>} : memref<10000xf32, #tpu.memory_space<vmem>>, vector<16xf32>,
      tpu.vector_store %arg16[%swap3A], %broadcast_in_dim3A_54 {strides = array<i32>} : memref<10000xf32, #tpu.memory_space<vmem>>, vector<16xf32>,
    }
    %scan3A_7 = arith.constant 625 : i32
    %scan3A_8 = arith.constant 0 : i32
    %scan3A_9 = arith.constant 80 : i32
    %scan3A_10 = arith.addi %scan3A_8, %scan3A_9 : i32
    %scan3A_11 = arith.constant 1 : i32
    scf.for %scan3A_53 = %scan3A_8 to %scan3A_10 step %scan3A_11  : i32 {
      %broadcast_in_dim3A = arith.constant 0.000000e+00 : f32
      %broadcast_in_dim3A_54 = vector.broadcast %broadcast_in_dim3A : f32 to vector<16xf32>
      %swap3A = arith.index_cast %scan3A_53 : i32 to index
      %swap3A_55 = arith.constant 0 : index
      %swap3A_56 = tpu.vector_load %arg13[%swap3A, %swap3A_55] {strides = array<i32>} : memref<80x128xf32, #tpu.memory_space<vmem>>, vector<16xf32>,
      tpu.vector_store %arg13[%swap3A, %swap3A_55], %broadcast_in_dim3A_54 {strides = array<i32>} : memref<80x128xf32, #tpu.memory_space<vmem>>, vector<16xf32>,
      %broadcast_in_dim3A_57 = arith.constant 0.000000e+00 : f32
      %broadcast_in_dim3A_58 = vector.broadcast %broadcast_in_dim3A_57 : f32 to vector<16xf32>
      %swap3A_59 = arith.index_cast %scan3A_53 : i32 to index
      %swap3A_60 = arith.constant 16 : index
      %swap3A_61 = tpu.vector_load %arg13[%swap3A_59, %swap3A_60] {strides = array<i32>} : memref<80x128xf32, #tpu.memory_space<vmem>>, vector<16xf32>,
      tpu.vector_store %arg13[%swap3A_59, %swap3A_60], %broadcast_in_dim3A_58 {strides = array<i32>} : memref<80x128xf32, #tpu.memory_space<vmem>>, vector<16xf32>,
      %broadcast_in_dim3A_62 = arith.constant 0.000000e+00 : f32
      %broadcast_in_dim3A_63 = vector.broadcast %broadcast_in_dim3A_62 : f32 to vector<16xf32>
      %swap3A_64 = arith.index_cast %scan3A_53 : i32 to index
      %swap3A_65 = arith.constant 32 : index
      %swap3A_66 = tpu.vector_load %arg13[%swap3A_64, %swap3A_65] {strides = array<i32>} : memref<80x128xf32, #tpu.memory_space<vmem>>, vector<16xf32>,
      tpu.vector_store %arg13[%swap3A_64, %swap3A_65], %broadcast_in_dim3A_63 {strides = array<i32>} : memref<80x128xf32, #tpu.memory_space<vmem>>, vector<16xf32>,
      %broadcast_in_dim3A_67 = arith.constant 0.000000e+00 : f32
      %broadcast_in_dim3A_68 = vector.broadcast %broadcast_in_dim3A_67 : f32 to vector<16xf32>
      %swap3A_69 = arith.index_cast %scan3A_53 : i32 to index
      %swap3A_70 = arith.constant 48 : index
      %swap3A_71 = tpu.vector_load %arg13[%swap3A_69, %swap3A_70] {strides = array<i32>} : memref<80x128xf32, #tpu.memory_space<vmem>>, vector<16xf32>,
      tpu.vector_store %arg13[%swap3A_69, %swap3A_70], %broadcast_in_dim3A_68 {strides = array<i32>} : memref<80x128xf32, #tpu.memory_space<vmem>>, vector<16xf32>,
      %broadcast_in_dim3A_72 = arith.constant 0.000000e+00 : f32
      %broadcast_in_dim3A_73 = vector.broadcast %broadcast_in_dim3A_72 : f32 to vector<16xf32>
      %swap3A_74 = arith.index_cast %scan3A_53 : i32 to index
      %swap3A_75 = arith.constant 64 : index
      %swap3A_76 = tpu.vector_load %arg13[%swap3A_74, %swap3A_75] {strides = array<i32>} : memref<80x128xf32, #tpu.memory_space<vmem>>, vector<16xf32>,
      tpu.vector_store %arg13[%swap3A_74, %swap3A_75], %broadcast_in_dim3A_73 {strides = array<i32>} : memref<80x128xf32, #tpu.memory_space<vmem>>, vector<16xf32>,
      %broadcast_in_dim3A_77 = arith.constant 0.000000e+00 : f32
      %broadcast_in_dim3A_78 = vector.broadcast %broadcast_in_dim3A_77 : f32 to vector<16xf32>
      %swap3A_79 = arith.index_cast %scan3A_53 : i32 to index
      %swap3A_80 = arith.constant 80 : index
      %swap3A_81 = tpu.vector_load %arg13[%swap3A_79, %swap3A_80] {strides = array<i32>} : memref<80x128xf32, #tpu.memory_space<vmem>>, vector<16xf32>,
      tpu.vector_store %arg13[%swap3A_79, %swap3A_80], %broadcast_in_dim3A_78 {strides = array<i32>} : memref<80x128xf32, #tpu.memory_space<vmem>>, vector<16xf32>,
      %broadcast_in_dim3A_82 = arith.constant 0.000000e+00 : f32
      %broadcast_in_dim3A_83 = vector.broadcast %broadcast_in_dim3A_82 : f32 to vector<16xf32>
      %swap3A_84 = arith.index_cast %scan3A_53 : i32 to index
      %swap3A_85 = arith.constant 96 : index
      %swap3A_86 = tpu.vector_load %arg13[%swap3A_84, %swap3A_85] {strides = array<i32>} : memref<80x128xf32, #tpu.memory_space<vmem>>, vector<16xf32>,
      tpu.vector_store %arg13[%swap3A_84, %swap3A_85], %broadcast_in_dim3A_83 {strides = array<i32>} : memref<80x128xf32, #tpu.memory_space<vmem>>, vector<16xf32>,
      %broadcast_in_dim3A_87 = arith.constant 0.000000e+00 : f32
      %broadcast_in_dim3A_88 = vector.broadcast %broadcast_in_dim3A_87 : f32 to vector<16xf32>
      %swap3A_89 = arith.index_cast %scan3A_53 : i32 to index
      %swap3A_90 = arith.constant 112 : index
      %swap3A_91 = tpu.vector_load %arg13[%swap3A_89, %swap3A_90] {strides = array<i32>} : memref<80x128xf32, #tpu.memory_space<vmem>>, vector<16xf32>,
      tpu.vector_store %arg13[%swap3A_89, %swap3A_90], %broadcast_in_dim3A_88 {strides = array<i32>} : memref<80x128xf32, #tpu.memory_space<vmem>>, vector<16xf32>,
    }
    %scan3A_12 = arith.constant 80 : i32
    %mul3A_13 = arith.constant 640 : i32
    %mul3A_14 = arith.muli %arg1, %mul3A_13 : i32
    %add3A_15 = arith.constant 0 : i32
    %add3A_16 = arith.addi %mul3A_14, %add3A_15 : i32
    "tpu.region"() ({
      %run_scoped3A = tpu.sem_alloc : memref<!tpu.dma_semaphore, #tpu.memory_space<semaphore_mem>>
      %dma_start3A = arith.constant 0 : i32
      %dma_start3A_53 = tpu.memref_slice %arg18[%add3A_16, %dma_start3A] : memref<10240x128xf32, #tpu.memory_space<vmem_shared>> -> memref<80x128xf32, #tpu.memory_space<vmem_shared>>
      %dma_start3A_54 = arith.constant 0 : i32
      %dma_start3A_55 = tpu.memref_slice %arg18[%add3A_16, %dma_start3A_54] : memref<10240x128xf32, #tpu.memory_space<vmem_shared>> -> memref<80x128xf32, #tpu.memory_space<vmem_shared>>
      tpu.enqueue_dma source(%arg13 : memref<80x128xf32, #tpu.memory_space<vmem>>) target(%dma_start3A_55 : memref<80x128xf32, #tpu.memory_space<vmem_shared>>) target_semaphore(%run_scoped3A : memref<!tpu.dma_semaphore, #tpu.memory_space<semaphore_mem>>)
      %dma_wait3A = arith.constant 0 : i32
      %dma_wait3A_56 = tpu.memref_slice %arg18[%add3A_16, %dma_wait3A] : memref<10240x128xf32, #tpu.memory_space<vmem_shared>> -> memref<80x128xf32, #tpu.memory_space<vmem_shared>>
      %dma_wait3A_57 = arith.constant 0 : i32
      %dma_wait3A_58 = tpu.memref_slice %arg18[%add3A_16, %dma_wait3A_57] : memref<10240x128xf32, #tpu.memory_space<vmem_shared>> -> memref<80x128xf32, #tpu.memory_space<vmem_shared>>
      tpu.wait_dma2 semaphore(%run_scoped3A : memref<!tpu.dma_semaphore, #tpu.memory_space<semaphore_mem>>) src(%arg13 : memref<80x128xf32, #tpu.memory_space<vmem>>) dst(%dma_wait3A_58 : memref<80x128xf32, #tpu.memory_space<vmem_shared>>)
      tpu.yield
    }) : () -> ()
    %mul3A_17 = arith.constant 640 : i32
    %mul3A_18 = arith.muli %arg1, %mul3A_17 : i32
    %add3A_19 = arith.constant 80 : i32
    %add3A_20 = arith.addi %mul3A_18, %add3A_19 : i32
    "tpu.region"() ({
      %run_scoped3A = tpu.sem_alloc : memref<!tpu.dma_semaphore, #tpu.memory_space<semaphore_mem>>
      %dma_start3A = arith.constant 0 : i32
      %dma_start3A_53 = tpu.memref_slice %arg18[%add3A_20, %dma_start3A] : memref<10240x128xf32, #tpu.memory_space<vmem_shared>> -> memref<80x128xf32, #tpu.memory_space<vmem_shared>>
      %dma_start3A_54 = arith.constant 0 : i32
      %dma_start3A_55 = tpu.memref_slice %arg18[%add3A_20, %dma_start3A_54] : memref<10240x128xf32, #tpu.memory_space<vmem_shared>> -> memref<80x128xf32, #tpu.memory_space<vmem_shared>>
      tpu.enqueue_dma source(%arg13 : memref<80x128xf32, #tpu.memory_space<vmem>>) target(%dma_start3A_55 : memref<80x128xf32, #tpu.memory_space<vmem_shared>>) target_semaphore(%run_scoped3A : memref<!tpu.dma_semaphore, #tpu.memory_space<semaphore_mem>>)
      %dma_wait3A = arith.constant 0 : i32
      %dma_wait3A_56 = tpu.memref_slice %arg18[%add3A_20, %dma_wait3A] : memref<10240x128xf32, #tpu.memory_space<vmem_shared>> -> memref<80x128xf32, #tpu.memory_space<vmem_shared>>
      %dma_wait3A_57 = arith.constant 0 : i32
      %dma_wait3A_58 = tpu.memref_slice %arg18[%add3A_20, %dma_wait3A_57] : memref<10240x128xf32, #tpu.memory_space<vmem_shared>> -> memref<80x128xf32, #tpu.memory_space<vmem_shared>>
      tpu.wait_dma2 semaphore(%run_scoped3A : memref<!tpu.dma_semaphore, #tpu.memory_space<semaphore_mem>>) src(%arg13 : memref<80x128xf32, #tpu.memory_space<vmem>>) dst(%dma_wait3A_58 : memref<80x128xf32, #tpu.memory_space<vmem_shared>>)
      tpu.yield
    }) : () -> ()
    %mul3A_21 = arith.constant 640 : i32
    %mul3A_22 = arith.muli %arg1, %mul3A_21 : i32
    %add3A_23 = arith.constant 160 : i32
    %add3A_24 = arith.addi %mul3A_22, %add3A_23 : i32
    "tpu.region"() ({
      %run_scoped3A = tpu.sem_alloc : memref<!tpu.dma_semaphore, #tpu.memory_space<semaphore_mem>>
      %dma_start3A = arith.constant 0 : i32
      %dma_start3A_53 = tpu.memref_slice %arg18[%add3A_24, %dma_start3A] : memref<10240x128xf32, #tpu.memory_space<vmem_shared>> -> memref<80x128xf32, #tpu.memory_space<vmem_shared>>
      %dma_start3A_54 = arith.constant 0 : i32
      %dma_start3A_55 = tpu.memref_slice %arg18[%add3A_24, %dma_start3A_54] : memref<10240x128xf32, #tpu.memory_space<vmem_shared>> -> memref<80x128xf32, #tpu.memory_space<vmem_shared>>
      tpu.enqueue_dma source(%arg13 : memref<80x128xf32, #tpu.memory_space<vmem>>) target(%dma_start3A_55 : memref<80x128xf32, #tpu.memory_space<vmem_shared>>) target_semaphore(%run_scoped3A : memref<!tpu.dma_semaphore, #tpu.memory_space<semaphore_mem>>)
      %dma_wait3A = arith.constant 0 : i32
      %dma_wait3A_56 = tpu.memref_slice %arg18[%add3A_24, %dma_wait3A] : memref<10240x128xf32, #tpu.memory_space<vmem_shared>> -> memref<80x128xf32, #tpu.memory_space<vmem_shared>>
      %dma_wait3A_57 = arith.constant 0 : i32
      %dma_wait3A_58 = tpu.memref_slice %arg18[%add3A_24, %dma_wait3A_57] : memref<10240x128xf32, #tpu.memory_space<vmem_shared>> -> memref<80x128xf32, #tpu.memory_space<vmem_shared>>
      tpu.wait_dma2 semaphore(%run_scoped3A : memref<!tpu.dma_semaphore, #tpu.memory_space<semaphore_mem>>) src(%arg13 : memref<80x128xf32, #tpu.memory_space<vmem>>) dst(%dma_wait3A_58 : memref<80x128xf32, #tpu.memory_space<vmem_shared>>)
      tpu.yield
    }) : () -> ()
    %mul3A_25 = arith.constant 640 : i32
    %mul3A_26 = arith.muli %arg1, %mul3A_25 : i32
    %add3A_27 = arith.constant 240 : i32
    %add3A_28 = arith.addi %mul3A_26, %add3A_27 : i32
    "tpu.region"() ({
      %run_scoped3A = tpu.sem_alloc : memref<!tpu.dma_semaphore, #tpu.memory_space<semaphore_mem>>
      %dma_start3A = arith.constant 0 : i32
      %dma_start3A_53 = tpu.memref_slice %arg18[%add3A_28, %dma_start3A] : memref<10240x128xf32, #tpu.memory_space<vmem_shared>> -> memref<80x128xf32, #tpu.memory_space<vmem_shared>>
      %dma_start3A_54 = arith.constant 0 : i32
      %dma_start3A_55 = tpu.memref_slice %arg18[%add3A_28, %dma_start3A_54] : memref<10240x128xf32, #tpu.memory_space<vmem_shared>> -> memref<80x128xf32, #tpu.memory_space<vmem_shared>>
      tpu.enqueue_dma source(%arg13 : memref<80x128xf32, #tpu.memory_space<vmem>>) target(%dma_start3A_55 : memref<80x128xf32, #tpu.memory_space<vmem_shared>>) target_semaphore(%run_scoped3A : memref<!tpu.dma_semaphore, #tpu.memory_space<semaphore_mem>>)
      %dma_wait3A = arith.constant 0 : i32
      %dma_wait3A_56 = tpu.memref_slice %arg18[%add3A_28, %dma_wait3A] : memref<10240x128xf32, #tpu.memory_space<vmem_shared>> -> memref<80x128xf32, #tpu.memory_space<vmem_shared>>
      %dma_wait3A_57 = arith.constant 0 : i32
      %dma_wait3A_58 = tpu.memref_slice %arg18[%add3A_28, %dma_wait3A_57] : memref<10240x128xf32, #tpu.memory_space<vmem_shared>> -> memref<80x128xf32, #tpu.memory_space<vmem_shared>>
      tpu.wait_dma2 semaphore(%run_scoped3A : memref<!tpu.dma_semaphore, #tpu.memory_space<semaphore_mem>>) src(%arg13 : memref<80x128xf32, #tpu.memory_space<vmem>>) dst(%dma_wait3A_58 : memref<80x128xf32, #tpu.memory_space<vmem_shared>>)
      tpu.yield
    }) : () -> ()
    %mul3A_29 = arith.constant 640 : i32
    %mul3A_30 = arith.muli %arg1, %mul3A_29 : i32
    %add3A_31 = arith.constant 320 : i32
    %add3A_32 = arith.addi %mul3A_30, %add3A_31 : i32
    "tpu.region"() ({
      %run_scoped3A = tpu.sem_alloc : memref<!tpu.dma_semaphore, #tpu.memory_space<semaphore_mem>>
      %dma_start3A = arith.constant 0 : i32
      %dma_start3A_53 = tpu.memref_slice %arg18[%add3A_32, %dma_start3A] : memref<10240x128xf32, #tpu.memory_space<vmem_shared>> -> memref<80x128xf32, #tpu.memory_space<vmem_shared>>
      %dma_start3A_54 = arith.constant 0 : i32
      %dma_start3A_55 = tpu.memref_slice %arg18[%add3A_32, %dma_start3A_54] : memref<10240x128xf32, #tpu.memory_space<vmem_shared>> -> memref<80x128xf32, #tpu.memory_space<vmem_shared>>
      tpu.enqueue_dma source(%arg13 : memref<80x128xf32, #tpu.memory_space<vmem>>) target(%dma_start3A_55 : memref<80x128xf32, #tpu.memory_space<vmem_shared>>) target_semaphore(%run_scoped3A : memref<!tpu.dma_semaphore, #tpu.memory_space<semaphore_mem>>)
      %dma_wait3A = arith.constant 0 : i32
      %dma_wait3A_56 = tpu.memref_slice %arg18[%add3A_32, %dma_wait3A] : memref<10240x128xf32, #tpu.memory_space<vmem_shared>> -> memref<80x128xf32, #tpu.memory_space<vmem_shared>>
      %dma_wait3A_57 = arith.constant 0 : i32
      %dma_wait3A_58 = tpu.memref_slice %arg18[%add3A_32, %dma_wait3A_57] : memref<10240x128xf32, #tpu.memory_space<vmem_shared>> -> memref<80x128xf32, #tpu.memory_space<vmem_shared>>
      tpu.wait_dma2 semaphore(%run_scoped3A : memref<!tpu.dma_semaphore, #tpu.memory_space<semaphore_mem>>) src(%arg13 : memref<80x128xf32, #tpu.memory_space<vmem>>) dst(%dma_wait3A_58 : memref<80x128xf32, #tpu.memory_space<vmem_shared>>)
      tpu.yield
    }) : () -> ()
    %mul3A_33 = arith.constant 640 : i32
    %mul3A_34 = arith.muli %arg1, %mul3A_33 : i32
    %add3A_35 = arith.constant 400 : i32
    %add3A_36 = arith.addi %mul3A_34, %add3A_35 : i32
    "tpu.region"() ({
      %run_scoped3A = tpu.sem_alloc : memref<!tpu.dma_semaphore, #tpu.memory_space<semaphore_mem>>
      %dma_start3A = arith.constant 0 : i32
      %dma_start3A_53 = tpu.memref_slice %arg18[%add3A_36, %dma_start3A] : memref<10240x128xf32, #tpu.memory_space<vmem_shared>> -> memref<80x128xf32, #tpu.memory_space<vmem_shared>>
      %dma_start3A_54 = arith.constant 0 : i32
      %dma_start3A_55 = tpu.memref_slice %arg18[%add3A_36, %dma_start3A_54] : memref<10240x128xf32, #tpu.memory_space<vmem_shared>> -> memref<80x128xf32, #tpu.memory_space<vmem_shared>>
      tpu.enqueue_dma source(%arg13 : memref<80x128xf32, #tpu.memory_space<vmem>>) target(%dma_start3A_55 : memref<80x128xf32, #tpu.memory_space<vmem_shared>>) target_semaphore(%run_scoped3A : memref<!tpu.dma_semaphore, #tpu.memory_space<semaphore_mem>>)
      %dma_wait3A = arith.constant 0 : i32
      %dma_wait3A_56 = tpu.memref_slice %arg18[%add3A_36, %dma_wait3A] : memref<10240x128xf32, #tpu.memory_space<vmem_shared>> -> memref<80x128xf32, #tpu.memory_space<vmem_shared>>
      %dma_wait3A_57 = arith.constant 0 : i32
      %dma_wait3A_58 = tpu.memref_slice %arg18[%add3A_36, %dma_wait3A_57] : memref<10240x128xf32, #tpu.memory_space<vmem_shared>> -> memref<80x128xf32, #tpu.memory_space<vmem_shared>>
      tpu.wait_dma2 semaphore(%run_scoped3A : memref<!tpu.dma_semaphore, #tpu.memory_space<semaphore_mem>>) src(%arg13 : memref<80x128xf32, #tpu.memory_space<vmem>>) dst(%dma_wait3A_58 : memref<80x128xf32, #tpu.memory_space<vmem_shared>>)
      tpu.yield
    }) : () -> ()
    %mul3A_37 = arith.constant 640 : i32
    %mul3A_38 = arith.muli %arg1, %mul3A_37 : i32
    %add3A_39 = arith.constant 480 : i32
    %add3A_40 = arith.addi %mul3A_38, %add3A_39 : i32
    "tpu.region"() ({
      %run_scoped3A = tpu.sem_alloc : memref<!tpu.dma_semaphore, #tpu.memory_space<semaphore_mem>>
      %dma_start3A = arith.constant 0 : i32
      %dma_start3A_53 = tpu.memref_slice %arg18[%add3A_40, %dma_start3A] : memref<10240x128xf32, #tpu.memory_space<vmem_shared>> -> memref<80x128xf32, #tpu.memory_space<vmem_shared>>
      %dma_start3A_54 = arith.constant 0 : i32
      %dma_start3A_55 = tpu.memref_slice %arg18[%add3A_40, %dma_start3A_54] : memref<10240x128xf32, #tpu.memory_space<vmem_shared>> -> memref<80x128xf32, #tpu.memory_space<vmem_shared>>
      tpu.enqueue_dma source(%arg13 : memref<80x128xf32, #tpu.memory_space<vmem>>) target(%dma_start3A_55 : memref<80x128xf32, #tpu.memory_space<vmem_shared>>) target_semaphore(%run_scoped3A : memref<!tpu.dma_semaphore, #tpu.memory_space<semaphore_mem>>)
      %dma_wait3A = arith.constant 0 : i32
      %dma_wait3A_56 = tpu.memref_slice %arg18[%add3A_40, %dma_wait3A] : memref<10240x128xf32, #tpu.memory_space<vmem_shared>> -> memref<80x128xf32, #tpu.memory_space<vmem_shared>>
      %dma_wait3A_57 = arith.constant 0 : i32
      %dma_wait3A_58 = tpu.memref_slice %arg18[%add3A_40, %dma_wait3A_57] : memref<10240x128xf32, #tpu.memory_space<vmem_shared>> -> memref<80x128xf32, #tpu.memory_space<vmem_shared>>
      tpu.wait_dma2 semaphore(%run_scoped3A : memref<!tpu.dma_semaphore, #tpu.memory_space<semaphore_mem>>) src(%arg13 : memref<80x128xf32, #tpu.memory_space<vmem>>) dst(%dma_wait3A_58 : memref<80x128xf32, #tpu.memory_space<vmem_shared>>)
      tpu.yield
    }) : () -> ()
    %mul3A_41 = arith.constant 640 : i32
    %mul3A_42 = arith.muli %arg1, %mul3A_41 : i32
    %add3A_43 = arith.constant 560 : i32
    %add3A_44 = arith.addi %mul3A_42, %add3A_43 : i32
    "tpu.region"() ({
      %run_scoped3A = tpu.sem_alloc : memref<!tpu.dma_semaphore, #tpu.memory_space<semaphore_mem>>
      %dma_start3A = arith.constant 0 : i32
      %dma_start3A_53 = tpu.memref_slice %arg18[%add3A_44, %dma_start3A] : memref<10240x128xf32, #tpu.memory_space<vmem_shared>> -> memref<80x128xf32, #tpu.memory_space<vmem_shared>>
      %dma_start3A_54 = arith.constant 0 : i32
      %dma_start3A_55 = tpu.memref_slice %arg18[%add3A_44, %dma_start3A_54] : memref<10240x128xf32, #tpu.memory_space<vmem_shared>> -> memref<80x128xf32, #tpu.memory_space<vmem_shared>>
      tpu.enqueue_dma source(%arg13 : memref<80x128xf32, #tpu.memory_space<vmem>>) target(%dma_start3A_55 : memref<80x128xf32, #tpu.memory_space<vmem_shared>>) target_semaphore(%run_scoped3A : memref<!tpu.dma_semaphore, #tpu.memory_space<semaphore_mem>>)
      %dma_wait3A = arith.constant 0 : i32
      %dma_wait3A_56 = tpu.memref_slice %arg18[%add3A_44, %dma_wait3A] : memref<10240x128xf32, #tpu.memory_space<vmem_shared>> -> memref<80x128xf32, #tpu.memory_space<vmem_shared>>
      %dma_wait3A_57 = arith.constant 0 : i32
      %dma_wait3A_58 = tpu.memref_slice %arg18[%add3A_44, %dma_wait3A_57] : memref<10240x128xf32, #tpu.memory_space<vmem_shared>> -> memref<80x128xf32, #tpu.memory_space<vmem_shared>>
      tpu.wait_dma2 semaphore(%run_scoped3A : memref<!tpu.dma_semaphore, #tpu.memory_space<semaphore_mem>>) src(%arg13 : memref<80x128xf32, #tpu.memory_space<vmem>>) dst(%dma_wait3A_58 : memref<80x128xf32, #tpu.memory_space<vmem_shared>>)
      tpu.yield
    }) : () -> ()
    %barrier3A = arith.constant 0 : index
    tpu.barrier barrier_id(%barrier3A)
    %scan3A_45 = arith.constant 0 : i32
    %scan3A_46 = arith.constant 125 : i32
    %scan3A_47 = arith.addi %scan3A_45, %scan3A_46 : i32
    %scan3A_48 = arith.constant 1 : i32
    scf.for %scan3A_53 = %scan3A_45 to %scan3A_47 step %scan3A_48  : i32 {
      %mul3A_54 = arith.constant 10000 : i32
      %mul3A_55 = arith.muli %add3A, %mul3A_54 : i32
      %mul3A_56 = arith.constant 80 : i32
      %mul3A_57 = arith.muli %scan3A_53, %mul3A_56 : i32
      %add3A_58 = arith.addi %mul3A_55, %mul3A_57 : i32
      "tpu.region"() ({
        %run_scoped3A = tpu.sem_alloc : memref<!tpu.dma_semaphore, #tpu.memory_space<semaphore_mem>>
        %dma_start3A_138 = tpu.memref_slice %arg2[%add3A_58] : memref<320000xi32, #tpu.memory_space<hbm>> -> memref<80xi32, #tpu.memory_space<hbm>>
        %dma_start3A_139 = tpu.memref_slice %arg2[%add3A_58] : memref<320000xi32, #tpu.memory_space<hbm>> -> memref<80xi32, #tpu.memory_space<hbm>>
        tpu.enqueue_dma source(%dma_start3A_139 : memref<80xi32, #tpu.memory_space<hbm>>) target(%arg10 : memref<80xi32, #tpu.memory_space<vmem>>) target_semaphore(%run_scoped3A : memref<!tpu.dma_semaphore, #tpu.memory_space<semaphore_mem>>)
        %dma_wait3A_140 = tpu.memref_slice %arg2[%add3A_58] : memref<320000xi32, #tpu.memory_space<hbm>> -> memref<80xi32, #tpu.memory_space<hbm>>
        %dma_wait3A_141 = tpu.memref_slice %arg2[%add3A_58] : memref<320000xi32, #tpu.memory_space<hbm>> -> memref<80xi32, #tpu.memory_space<hbm>>
        tpu.wait_dma2 semaphore(%run_scoped3A : memref<!tpu.dma_semaphore, #tpu.memory_space<semaphore_mem>>) src(%dma_wait3A_141 : memref<80xi32, #tpu.memory_space<hbm>>) dst(%arg10 : memref<80xi32, #tpu.memory_space<vmem>>)
        tpu.yield
      }) : () -> ()
      "tpu.region"() ({
        %run_scoped3A = tpu.sem_alloc : memref<!tpu.dma_semaphore, #tpu.memory_space<semaphore_mem>>
        %dma_start3A_138 = tpu.memref_slice %arg3[%add3A_58] : memref<320000xi32, #tpu.memory_space<hbm>> -> memref<80xi32, #tpu.memory_space<hbm>>
        %dma_start3A_139 = tpu.memref_slice %arg3[%add3A_58] : memref<320000xi32, #tpu.memory_space<hbm>> -> memref<80xi32, #tpu.memory_space<hbm>>
        tpu.enqueue_dma source(%dma_start3A_139 : memref<80xi32, #tpu.memory_space<hbm>>) target(%arg11 : memref<80xi32, #tpu.memory_space<vmem>>) target_semaphore(%run_scoped3A : memref<!tpu.dma_semaphore, #tpu.memory_space<semaphore_mem>>)
        %dma_wait3A_140 = tpu.memref_slice %arg3[%add3A_58] : memref<320000xi32, #tpu.memory_space<hbm>> -> memref<80xi32, #tpu.memory_space<hbm>>
        %dma_wait3A_141 = tpu.memref_slice %arg3[%add3A_58] : memref<320000xi32, #tpu.memory_space<hbm>> -> memref<80xi32, #tpu.memory_space<hbm>>
        tpu.wait_dma2 semaphore(%run_scoped3A : memref<!tpu.dma_semaphore, #tpu.memory_space<semaphore_mem>>) src(%dma_wait3A_141 : memref<80xi32, #tpu.memory_space<hbm>>) dst(%arg11 : memref<80xi32, #tpu.memory_space<vmem>>)
        tpu.yield
      }) : () -> ()
      %get3A_59 = arith.constant 0 : index
      %get3A_60 = tpu.vector_load %arg10[%get3A_59] {strides = array<i32>} : memref<80xi32, #tpu.memory_space<vmem>>, vector<16xi32>,
      %get3A_61 = arith.constant 0 : index
      %get3A_62 = tpu.vector_load %arg11[%get3A_61] {strides = array<i32>} : memref<80xi32, #tpu.memory_space<vmem>>, vector<16xi32>,
      %gather3A = tpu.vector_load_idx %arg14[%get3A_60] : memref<10000xf32, #tpu.memory_space<vmem>>[vector<16xi32>], vector<16xf32>,
      %gather3A_63 = tpu.vector_load_idx %arg15[%get3A_62] : memref<10000xf32, #tpu.memory_space<vmem>>[vector<16xi32>], vector<16xf32>,
      %add3A_64 = arith.addf %gather3A, %gather3A_63 : vector<16xf32>
      %mul3A_65 = arith.constant 2.000000e-01 : f32
      %mul3A_66 = vector.broadcast %mul3A_65 : f32 to vector<16xf32>
      %mul3A_67 = arith.mulf %mul3A_66, %add3A_64 : vector<16xf32>
      %max3A = arith.maximumf %add3A_64, %mul3A_67 : vector<16xf32>
      %sub3A = arith.subf %max3A, %get3A_3 : vector<16xf32>
      %exp3A = math.exp %sub3A : vector<16xf32>
      %swap3A = arith.constant 0 : index
      %swap3A_68 = tpu.vector_load %arg12[%swap3A] {strides = array<i32>} : memref<80xf32, #tpu.memory_space<vmem>>, vector<16xf32>,
      tpu.vector_store %arg12[%swap3A], %exp3A {strides = array<i32>} : memref<80xf32, #tpu.memory_space<vmem>>, vector<16xf32>,
      tpu.vector_store_idx %arg16[%get3A_62], %exp3A {add = true} : memref<10000xf32, #tpu.memory_space<vmem>>[vector<16xi32>], vector<16xf32>,
      %get3A_69 = arith.constant 16 : index
      %get3A_70 = tpu.vector_load %arg10[%get3A_69] {strides = array<i32>} : memref<80xi32, #tpu.memory_space<vmem>>, vector<16xi32>,
      %get3A_71 = arith.constant 16 : index
      %get3A_72 = tpu.vector_load %arg11[%get3A_71] {strides = array<i32>} : memref<80xi32, #tpu.memory_space<vmem>>, vector<16xi32>,
      %gather3A_73 = tpu.vector_load_idx %arg14[%get3A_70] : memref<10000xf32, #tpu.memory_space<vmem>>[vector<16xi32>], vector<16xf32>,
      %gather3A_74 = tpu.vector_load_idx %arg15[%get3A_72] : memref<10000xf32, #tpu.memory_space<vmem>>[vector<16xi32>], vector<16xf32>,
      %add3A_75 = arith.addf %gather3A_73, %gather3A_74 : vector<16xf32>
      %mul3A_76 = arith.constant 2.000000e-01 : f32
      %mul3A_77 = vector.broadcast %mul3A_76 : f32 to vector<16xf32>
      %mul3A_78 = arith.mulf %mul3A_77, %add3A_75 : vector<16xf32>
      %max3A_79 = arith.maximumf %add3A_75, %mul3A_78 : vector<16xf32>
      %sub3A_80 = arith.subf %max3A_79, %get3A_3 : vector<16xf32>
      %exp3A_81 = math.exp %sub3A_80 : vector<16xf32>
      %swap3A_82 = arith.constant 16 : index
      %swap3A_83 = tpu.vector_load %arg12[%swap3A_82] {strides = array<i32>} : memref<80xf32, #tpu.memory_space<vmem>>, vector<16xf32>,
      tpu.vector_store %arg12[%swap3A_82], %exp3A_81 {strides = array<i32>} : memref<80xf32, #tpu.memory_space<vmem>>, vector<16xf32>,
      tpu.vector_store_idx %arg16[%get3A_72], %exp3A_81 {add = true} : memref<10000xf32, #tpu.memory_space<vmem>>[vector<16xi32>], vector<16xf32>,
      %get3A_84 = arith.constant 32 : index
      %get3A_85 = tpu.vector_load %arg10[%get3A_84] {strides = array<i32>} : memref<80xi32, #tpu.memory_space<vmem>>, vector<16xi32>,
      %get3A_86 = arith.constant 32 : index
      %get3A_87 = tpu.vector_load %arg11[%get3A_86] {strides = array<i32>} : memref<80xi32, #tpu.memory_space<vmem>>, vector<16xi32>,
      %gather3A_88 = tpu.vector_load_idx %arg14[%get3A_85] : memref<10000xf32, #tpu.memory_space<vmem>>[vector<16xi32>], vector<16xf32>,
      %gather3A_89 = tpu.vector_load_idx %arg15[%get3A_87] : memref<10000xf32, #tpu.memory_space<vmem>>[vector<16xi32>], vector<16xf32>,
      %add3A_90 = arith.addf %gather3A_88, %gather3A_89 : vector<16xf32>
      %mul3A_91 = arith.constant 2.000000e-01 : f32
      %mul3A_92 = vector.broadcast %mul3A_91 : f32 to vector<16xf32>
      %mul3A_93 = arith.mulf %mul3A_92, %add3A_90 : vector<16xf32>
      %max3A_94 = arith.maximumf %add3A_90, %mul3A_93 : vector<16xf32>
      %sub3A_95 = arith.subf %max3A_94, %get3A_3 : vector<16xf32>
      %exp3A_96 = math.exp %sub3A_95 : vector<16xf32>
      %swap3A_97 = arith.constant 32 : index
      %swap3A_98 = tpu.vector_load %arg12[%swap3A_97] {strides = array<i32>} : memref<80xf32, #tpu.memory_space<vmem>>, vector<16xf32>,
      tpu.vector_store %arg12[%swap3A_97], %exp3A_96 {strides = array<i32>} : memref<80xf32, #tpu.memory_space<vmem>>, vector<16xf32>,
      tpu.vector_store_idx %arg16[%get3A_87], %exp3A_96 {add = true} : memref<10000xf32, #tpu.memory_space<vmem>>[vector<16xi32>], vector<16xf32>,
      %get3A_99 = arith.constant 48 : index
      %get3A_100 = tpu.vector_load %arg10[%get3A_99] {strides = array<i32>} : memref<80xi32, #tpu.memory_space<vmem>>, vector<16xi32>,
      %get3A_101 = arith.constant 48 : index
      %get3A_102 = tpu.vector_load %arg11[%get3A_101] {strides = array<i32>} : memref<80xi32, #tpu.memory_space<vmem>>, vector<16xi32>,
      %gather3A_103 = tpu.vector_load_idx %arg14[%get3A_100] : memref<10000xf32, #tpu.memory_space<vmem>>[vector<16xi32>], vector<16xf32>,
      %gather3A_104 = tpu.vector_load_idx %arg15[%get3A_102] : memref<10000xf32, #tpu.memory_space<vmem>>[vector<16xi32>], vector<16xf32>,
      %add3A_105 = arith.addf %gather3A_103, %gather3A_104 : vector<16xf32>
      %mul3A_106 = arith.constant 2.000000e-01 : f32
      %mul3A_107 = vector.broadcast %mul3A_106 : f32 to vector<16xf32>
      %mul3A_108 = arith.mulf %mul3A_107, %add3A_105 : vector<16xf32>
      %max3A_109 = arith.maximumf %add3A_105, %mul3A_108 : vector<16xf32>
      %sub3A_110 = arith.subf %max3A_109, %get3A_3 : vector<16xf32>
      %exp3A_111 = math.exp %sub3A_110 : vector<16xf32>
      %swap3A_112 = arith.constant 48 : index
      %swap3A_113 = tpu.vector_load %arg12[%swap3A_112] {strides = array<i32>} : memref<80xf32, #tpu.memory_space<vmem>>, vector<16xf32>,
      tpu.vector_store %arg12[%swap3A_112], %exp3A_111 {strides = array<i32>} : memref<80xf32, #tpu.memory_space<vmem>>, vector<16xf32>,
      tpu.vector_store_idx %arg16[%get3A_102], %exp3A_111 {add = true} : memref<10000xf32, #tpu.memory_space<vmem>>[vector<16xi32>], vector<16xf32>,
      %get3A_114 = arith.constant 64 : index
      %get3A_115 = tpu.vector_load %arg10[%get3A_114] {strides = array<i32>} : memref<80xi32, #tpu.memory_space<vmem>>, vector<16xi32>,
      %get3A_116 = arith.constant 64 : index
      %get3A_117 = tpu.vector_load %arg11[%get3A_116] {strides = array<i32>} : memref<80xi32, #tpu.memory_space<vmem>>, vector<16xi32>,
      %gather3A_118 = tpu.vector_load_idx %arg14[%get3A_115] : memref<10000xf32, #tpu.memory_space<vmem>>[vector<16xi32>], vector<16xf32>,
      %gather3A_119 = tpu.vector_load_idx %arg15[%get3A_117] : memref<10000xf32, #tpu.memory_space<vmem>>[vector<16xi32>], vector<16xf32>,
      %add3A_120 = arith.addf %gather3A_118, %gather3A_119 : vector<16xf32>
      %mul3A_121 = arith.constant 2.000000e-01 : f32
      %mul3A_122 = vector.broadcast %mul3A_121 : f32 to vector<16xf32>
      %mul3A_123 = arith.mulf %mul3A_122, %add3A_120 : vector<16xf32>
      %max3A_124 = arith.maximumf %add3A_120, %mul3A_123 : vector<16xf32>
      %sub3A_125 = arith.subf %max3A_124, %get3A_3 : vector<16xf32>
      %exp3A_126 = math.exp %sub3A_125 : vector<16xf32>
      %swap3A_127 = arith.constant 64 : index
      %swap3A_128 = tpu.vector_load %arg12[%swap3A_127] {strides = array<i32>} : memref<80xf32, #tpu.memory_space<vmem>>, vector<16xf32>,
      tpu.vector_store %arg12[%swap3A_127], %exp3A_126 {strides = array<i32>} : memref<80xf32, #tpu.memory_space<vmem>>, vector<16xf32>,
      tpu.vector_store_idx %arg16[%get3A_117], %exp3A_126 {add = true} : memref<10000xf32, #tpu.memory_space<vmem>>[vector<16xi32>], vector<16xf32>,
      %dma_start3A = arith.constant 0 : i32
      %dma_start3A_129 = arith.constant 0 : i32
      %dma_start3A_130 = tpu.memref_slice %arg7[%dma_start3A, %dma_start3A_129] : memref<10000x128xf32, #tpu.memory_space<hbm>> -> memref<10000x128xf32, #tpu.memory_space<hbm>>
      tpu.enqueue_indirect_dma source(%dma_start3A_130 : memref<10000x128xf32, #tpu.memory_space<hbm>>) target(%arg13 : memref<80x128xf32, #tpu.memory_space<vmem>>) offsets(%arg10 : memref<80xi32, #tpu.memory_space<vmem>>) semaphore(%arg19 : memref<!tpu.dma_semaphore, #tpu.memory_space<semaphore_mem>>)
      %dma_wait3A = arith.constant 0 : i32
      %dma_wait3A_131 = arith.constant 0 : i32
      %dma_wait3A_132 = tpu.memref_slice %arg7[%dma_wait3A, %dma_wait3A_131] : memref<10000x128xf32, #tpu.memory_space<hbm>> -> memref<10000x128xf32, #tpu.memory_space<hbm>>
      tpu.wait_indirect_dma semaphore(%arg19 : memref<!tpu.dma_semaphore, #tpu.memory_space<semaphore_mem>>) src(%dma_wait3A_132 : memref<10000x128xf32, #tpu.memory_space<hbm>>) dst(%arg13 : memref<80x128xf32, #tpu.memory_space<vmem>>)
      %scan3A_133 = arith.constant 0 : i32
      %scan3A_134 = arith.constant 5 : i32
      %scan3A_135 = arith.addi %scan3A_133, %scan3A_134 : i32
      %scan3A_136 = arith.constant 1 : i32
      scf.for %scan3A_138 = %scan3A_133 to %scan3A_135 step %scan3A_136  : i32 {
        %mul3A_139 = arith.constant 16 : i32
        %mul3A_140 = arith.muli %scan3A_138, %mul3A_139 : i32
        %get3A_141 = arith.index_cast %mul3A_140 : i32 to index
        %get3A_142 = tpu.vector_load %arg12[%get3A_141] {strides = array<i32>} : memref<80xf32, #tpu.memory_space<vmem>>, vector<16xf32>,
        %slice3A = vector.extract_strided_slice %get3A_142 {offsets = [0], sizes = [1], strides = [1]} : vector<16xf32> to vector<1xf32>
        %squeeze3A = vector.extract %slice3A[0] : f32 from vector<1xf32>
        %mul3A_143 = arith.constant 16 : i32
        %mul3A_144 = arith.muli %scan3A_138, %mul3A_143 : i32
        %add3A_145 = arith.constant 0 : i32
        %add3A_146 = arith.addi %mul3A_144, %add3A_145 : i32
        %get3A_147 = arith.index_cast %add3A_146 : i32 to index
        %get3A_148 = arith.constant 0 : index
        %get3A_149 = tpu.vector_load %arg13[%get3A_147, %get3A_148] {strides = array<i32>} : memref<80x128xf32, #tpu.memory_space<vmem>>, vector<16xf32>,
        %mul3A_150 = vector.broadcast %squeeze3A : f32 to vector<16xf32>
        %mul3A_151 = arith.mulf %get3A_149, %mul3A_150 : vector<16xf32>
        %swap3A_152 = arith.index_cast %add3A_146 : i32 to index
        %swap3A_153 = arith.constant 0 : index
        %swap3A_154 = tpu.vector_load %arg13[%swap3A_152, %swap3A_153] {strides = array<i32>} : memref<80x128xf32, #tpu.memory_space<vmem>>, vector<16xf32>,
        tpu.vector_store %arg13[%swap3A_152, %swap3A_153], %mul3A_151 {strides = array<i32>} : memref<80x128xf32, #tpu.memory_space<vmem>>, vector<16xf32>,
        %get3A_155 = arith.index_cast %add3A_146 : i32 to index
        %get3A_156 = arith.constant 16 : index
        %get3A_157 = tpu.vector_load %arg13[%get3A_155, %get3A_156] {strides = array<i32>} : memref<80x128xf32, #tpu.memory_space<vmem>>, vector<16xf32>,
        %mul3A_158 = vector.broadcast %squeeze3A : f32 to vector<16xf32>
        %mul3A_159 = arith.mulf %get3A_157, %mul3A_158 : vector<16xf32>
        %swap3A_160 = arith.index_cast %add3A_146 : i32 to index
        %swap3A_161 = arith.constant 16 : index
        %swap3A_162 = tpu.vector_load %arg13[%swap3A_160, %swap3A_161] {strides = array<i32>} : memref<80x128xf32, #tpu.memory_space<vmem>>, vector<16xf32>,
        tpu.vector_store %arg13[%swap3A_160, %swap3A_161], %mul3A_159 {strides = array<i32>} : memref<80x128xf32, #tpu.memory_space<vmem>>, vector<16xf32>,
        %get3A_163 = arith.index_cast %add3A_146 : i32 to index
        %get3A_164 = arith.constant 32 : index
        %get3A_165 = tpu.vector_load %arg13[%get3A_163, %get3A_164] {strides = array<i32>} : memref<80x128xf32, #tpu.memory_space<vmem>>, vector<16xf32>,
        %mul3A_166 = vector.broadcast %squeeze3A : f32 to vector<16xf32>
        %mul3A_167 = arith.mulf %get3A_165, %mul3A_166 : vector<16xf32>
        %swap3A_168 = arith.index_cast %add3A_146 : i32 to index
        %swap3A_169 = arith.constant 32 : index
        %swap3A_170 = tpu.vector_load %arg13[%swap3A_168, %swap3A_169] {strides = array<i32>} : memref<80x128xf32, #tpu.memory_space<vmem>>, vector<16xf32>,
        tpu.vector_store %arg13[%swap3A_168, %swap3A_169], %mul3A_167 {strides = array<i32>} : memref<80x128xf32, #tpu.memory_space<vmem>>, vector<16xf32>,
        %get3A_171 = arith.index_cast %add3A_146 : i32 to index
        %get3A_172 = arith.constant 48 : index
        %get3A_173 = tpu.vector_load %arg13[%get3A_171, %get3A_172] {strides = array<i32>} : memref<80x128xf32, #tpu.memory_space<vmem>>, vector<16xf32>,
        %mul3A_174 = vector.broadcast %squeeze3A : f32 to vector<16xf32>
        %mul3A_175 = arith.mulf %get3A_173, %mul3A_174 : vector<16xf32>
        %swap3A_176 = arith.index_cast %add3A_146 : i32 to index
        %swap3A_177 = arith.constant 48 : index
        %swap3A_178 = tpu.vector_load %arg13[%swap3A_176, %swap3A_177] {strides = array<i32>} : memref<80x128xf32, #tpu.memory_space<vmem>>, vector<16xf32>,
        tpu.vector_store %arg13[%swap3A_176, %swap3A_177], %mul3A_175 {strides = array<i32>} : memref<80x128xf32, #tpu.memory_space<vmem>>, vector<16xf32>,
        %get3A_179 = arith.index_cast %add3A_146 : i32 to index
        %get3A_180 = arith.constant 64 : index
        %get3A_181 = tpu.vector_load %arg13[%get3A_179, %get3A_180] {strides = array<i32>} : memref<80x128xf32, #tpu.memory_space<vmem>>, vector<16xf32>,
        %mul3A_182 = vector.broadcast %squeeze3A : f32 to vector<16xf32>
        %mul3A_183 = arith.mulf %get3A_181, %mul3A_182 : vector<16xf32>
        %swap3A_184 = arith.index_cast %add3A_146 : i32 to index
        %swap3A_185 = arith.constant 64 : index
        %swap3A_186 = tpu.vector_load %arg13[%swap3A_184, %swap3A_185] {strides = array<i32>} : memref<80x128xf32, #tpu.memory_space<vmem>>, vector<16xf32>,
        tpu.vector_store %arg13[%swap3A_184, %swap3A_185], %mul3A_183 {strides = array<i32>} : memref<80x128xf32, #tpu.memory_space<vmem>>, vector<16xf32>,
        %get3A_187 = arith.index_cast %add3A_146 : i32 to index
        %get3A_188 = arith.constant 80 : index
        %get3A_189 = tpu.vector_load %arg13[%get3A_187, %get3A_188] {strides = array<i32>} : memref<80x128xf32, #tpu.memory_space<vmem>>, vector<16xf32>,
        %mul3A_190 = vector.broadcast %squeeze3A : f32 to vector<16xf32>
        %mul3A_191 = arith.mulf %get3A_189, %mul3A_190 : vector<16xf32>
        %swap3A_192 = arith.index_cast %add3A_146 : i32 to index
        %swap3A_193 = arith.constant 80 : index
        %swap3A_194 = tpu.vector_load %arg13[%swap3A_192, %swap3A_193] {strides = array<i32>} : memref<80x128xf32, #tpu.memory_space<vmem>>, vector<16xf32>,
        tpu.vector_store %arg13[%swap3A_192, %swap3A_193], %mul3A_191 {strides = array<i32>} : memref<80x128xf32, #tpu.memory_space<vmem>>, vector<16xf32>,
        %get3A_195 = arith.index_cast %add3A_146 : i32 to index
        %get3A_196 = arith.constant 96 : index
        %get3A_197 = tpu.vector_load %arg13[%get3A_195, %get3A_196] {strides = array<i32>} : memref<80x128xf32, #tpu.memory_space<vmem>>, vector<16xf32>,
        %mul3A_198 = vector.broadcast %squeeze3A : f32 to vector<16xf32>
        %mul3A_199 = arith.mulf %get3A_197, %mul3A_198 : vector<16xf32>
        %swap3A_200 = arith.index_cast %add3A_146 : i32 to index
        %swap3A_201 = arith.constant 96 : index
        %swap3A_202 = tpu.vector_load %arg13[%swap3A_200, %swap3A_201] {strides = array<i32>} : memref<80x128xf32, #tpu.memory_space<vmem>>, vector<16xf32>,
        tpu.vector_store %arg13[%swap3A_200, %swap3A_201], %mul3A_199 {strides = array<i32>} : memref<80x128xf32, #tpu.memory_space<vmem>>, vector<16xf32>,
        %get3A_203 = arith.index_cast %add3A_146 : i32 to index
        %get3A_204 = arith.constant 112 : index
        %get3A_205 = tpu.vector_load %arg13[%get3A_203, %get3A_204] {strides = array<i32>} : memref<80x128xf32, #tpu.memory_space<vmem>>, vector<16xf32>,
        %mul3A_206 = vector.broadcast %squeeze3A : f32 to vector<16xf32>
        %mul3A_207 = arith.mulf %get3A_205, %mul3A_206 : vector<16xf32>
        %swap3A_208 = arith.index_cast %add3A_146 : i32 to index
        %swap3A_209 = arith.constant 112 : index
        %swap3A_210 = tpu.vector_load %arg13[%swap3A_208, %swap3A_209] {strides = array<i32>} : memref<80x128xf32, #tpu.memory_space<vmem>>, vector<16xf32>,
        tpu.vector_store %arg13[%swap3A_208, %swap3A_209], %mul3A_207 {strides = array<i32>} : memref<80x128xf32, #tpu.memory_space<vmem>>, vector<16xf32>,
        %slice3A_211 = vector.extract_strided_slice %get3A_142 {offsets = [1], sizes = [1], strides = [1]} : vector<16xf32> to vector<1xf32>
        %squeeze3A_212 = vector.extract %slice3A_211[0] : f32 from vector<1xf32>
        %mul3A_213 = arith.constant 16 : i32
        %mul3A_214 = arith.muli %scan3A_138, %mul3A_213 : i32
        %add3A_215 = arith.constant 1 : i32
        %add3A_216 = arith.addi %mul3A_214, %add3A_215 : i32
        %get3A_217 = arith.index_cast %add3A_216 : i32 to index
        %get3A_218 = arith.constant 0 : index
        %get3A_219 = tpu.vector_load %arg13[%get3A_217, %get3A_218] {strides = array<i32>} : memref<80x128xf32, #tpu.memory_space<vmem>>, vector<16xf32>,
        %mul3A_220 = vector.broadcast %squeeze3A_212 : f32 to vector<16xf32>
        %mul3A_221 = arith.mulf %get3A_219, %mul3A_220 : vector<16xf32>
        %swap3A_222 = arith.index_cast %add3A_216 : i32 to index
        %swap3A_223 = arith.constant 0 : index
        %swap3A_224 = tpu.vector_load %arg13[%swap3A_222, %swap3A_223] {strides = array<i32>} : memref<80x128xf32, #tpu.memory_space<vmem>>, vector<16xf32>,
        tpu.vector_store %arg13[%swap3A_222, %swap3A_223], %mul3A_221 {strides = array<i32>} : memref<80x128xf32, #tpu.memory_space<vmem>>, vector<16xf32>,
        %get3A_225 = arith.index_cast %add3A_216 : i32 to index
        %get3A_226 = arith.constant 16 : index
        %get3A_227 = tpu.vector_load %arg13[%get3A_225, %get3A_226] {strides = array<i32>} : memref<80x128xf32, #tpu.memory_space<vmem>>, vector<16xf32>,
        %mul3A_228 = vector.broadcast %squeeze3A_212 : f32 to vector<16xf32>
        %mul3A_229 = arith.mulf %get3A_227, %mul3A_228 : vector<16xf32>
        %swap3A_230 = arith.index_cast %add3A_216 : i32 to index
        %swap3A_231 = arith.constant 16 : index
        %swap3A_232 = tpu.vector_load %arg13[%swap3A_230, %swap3A_231] {strides = array<i32>} : memref<80x128xf32, #tpu.memory_space<vmem>>, vector<16xf32>,
        tpu.vector_store %arg13[%swap3A_230, %swap3A_231], %mul3A_229 {strides = array<i32>} : memref<80x128xf32, #tpu.memory_space<vmem>>, vector<16xf32>,
        %get3A_233 = arith.index_cast %add3A_216 : i32 to index
        %get3A_234 = arith.constant 32 : index
        %get3A_235 = tpu.vector_load %arg13[%get3A_233, %get3A_234] {strides = array<i32>} : memref<80x128xf32, #tpu.memory_space<vmem>>, vector<16xf32>,
        %mul3A_236 = vector.broadcast %squeeze3A_212 : f32 to vector<16xf32>
        %mul3A_237 = arith.mulf %get3A_235, %mul3A_236 : vector<16xf32>
        %swap3A_238 = arith.index_cast %add3A_216 : i32 to index
        %swap3A_239 = arith.constant 32 : index
        %swap3A_240 = tpu.vector_load %arg13[%swap3A_238, %swap3A_239] {strides = array<i32>} : memref<80x128xf32, #tpu.memory_space<vmem>>, vector<16xf32>,
        tpu.vector_store %arg13[%swap3A_238, %swap3A_239], %mul3A_237 {strides = array<i32>} : memref<80x128xf32, #tpu.memory_space<vmem>>, vector<16xf32>,
        %get3A_241 = arith.index_cast %add3A_216 : i32 to index
        %get3A_242 = arith.constant 48 : index
        %get3A_243 = tpu.vector_load %arg13[%get3A_241, %get3A_242] {strides = array<i32>} : memref<80x128xf32, #tpu.memory_space<vmem>>, vector<16xf32>,
        %mul3A_244 = vector.broadcast %squeeze3A_212 : f32 to vector<16xf32>
        %mul3A_245 = arith.mulf %get3A_243, %mul3A_244 : vector<16xf32>
        %swap3A_246 = arith.index_cast %add3A_216 : i32 to index
        %swap3A_247 = arith.constant 48 : index
        %swap3A_248 = tpu.vector_load %arg13[%swap3A_246, %swap3A_247] {strides = array<i32>} : memref<80x128xf32, #tpu.memory_space<vmem>>, vector<16xf32>,
        tpu.vector_store %arg13[%swap3A_246, %swap3A_247], %mul3A_245 {strides = array<i32>} : memref<80x128xf32, #tpu.memory_space<vmem>>, vector<16xf32>,
        %get3A_249 = arith.index_cast %add3A_216 : i32 to index
        %get3A_250 = arith.constant 64 : index
        %get3A_251 = tpu.vector_load %arg13[%get3A_249, %get3A_250] {strides = array<i32>} : memref<80x128xf32, #tpu.memory_space<vmem>>, vector<16xf32>,
        %mul3A_252 = vector.broadcast %squeeze3A_212 : f32 to vector<16xf32>
        %mul3A_253 = arith.mulf %get3A_251, %mul3A_252 : vector<16xf32>
        %swap3A_254 = arith.index_cast %add3A_216 : i32 to index
        %swap3A_255 = arith.constant 64 : index
        %swap3A_256 = tpu.vector_load %arg13[%swap3A_254, %swap3A_255] {strides = array<i32>} : memref<80x128xf32, #tpu.memory_space<vmem>>, vector<16xf32>,
        tpu.vector_store %arg13[%swap3A_254, %swap3A_255], %mul3A_253 {strides = array<i32>} : memref<80x128xf32, #tpu.memory_space<vmem>>, vector<16xf32>,
        %get3A_257 = arith.index_cast %add3A_216 : i32 to index
        %get3A_258 = arith.constant 80 : index
        %get3A_259 = tpu.vector_load %arg13[%get3A_257, %get3A_258] {strides = array<i32>} : memref<80x128xf32, #tpu.memory_space<vmem>>, vector<16xf32>,
        %mul3A_260 = vector.broadcast %squeeze3A_212 : f32 to vector<16xf32>
        %mul3A_261 = arith.mulf %get3A_259, %mul3A_260 : vector<16xf32>
        %swap3A_262 = arith.index_cast %add3A_216 : i32 to index
        %swap3A_263 = arith.constant 80 : index
        %swap3A_264 = tpu.vector_load %arg13[%swap3A_262, %swap3A_263] {strides = array<i32>} : memref<80x128xf32, #tpu.memory_space<vmem>>, vector<16xf32>,
        tpu.vector_store %arg13[%swap3A_262, %swap3A_263], %mul3A_261 {strides = array<i32>} : memref<80x128xf32, #tpu.memory_space<vmem>>, vector<16xf32>,
        %get3A_265 = arith.index_cast %add3A_216 : i32 to index
        %get3A_266 = arith.constant 96 : index
        %get3A_267 = tpu.vector_load %arg13[%get3A_265, %get3A_266] {strides = array<i32>} : memref<80x128xf32, #tpu.memory_space<vmem>>, vector<16xf32>,
        %mul3A_268 = vector.broadcast %squeeze3A_212 : f32 to vector<16xf32>
        %mul3A_269 = arith.mulf %get3A_267, %mul3A_268 : vector<16xf32>
        %swap3A_270 = arith.index_cast %add3A_216 : i32 to index
        %swap3A_271 = arith.constant 96 : index
        %swap3A_272 = tpu.vector_load %arg13[%swap3A_270, %swap3A_271] {strides = array<i32>} : memref<80x128xf32, #tpu.memory_space<vmem>>, vector<16xf32>,
        tpu.vector_store %arg13[%swap3A_270, %swap3A_271], %mul3A_269 {strides = array<i32>} : memref<80x128xf32, #tpu.memory_space<vmem>>, vector<16xf32>,
        %get3A_273 = arith.index_cast %add3A_216 : i32 to index
        %get3A_274 = arith.constant 112 : index
        %get3A_275 = tpu.vector_load %arg13[%get3A_273, %get3A_274] {strides = array<i32>} : memref<80x128xf32, #tpu.memory_space<vmem>>, vector<16xf32>,
        %mul3A_276 = vector.broadcast %squeeze3A_212 : f32 to vector<16xf32>
        %mul3A_277 = arith.mulf %get3A_275, %mul3A_276 : vector<16xf32>
        %swap3A_278 = arith.index_cast %add3A_216 : i32 to index
        %swap3A_279 = arith.constant 112 : index
        %swap3A_280 = tpu.vector_load %arg13[%swap3A_278, %swap3A_279] {strides = array<i32>} : memref<80x128xf32, #tpu.memory_space<vmem>>, vector<16xf32>,
        tpu.vector_store %arg13[%swap3A_278, %swap3A_279], %mul3A_277 {strides = array<i32>} : memref<80x128xf32, #tpu.memory_space<vmem>>, vector<16xf32>,
        %slice3A_281 = vector.extract_strided_slice %get3A_142 {offsets = [2], sizes = [1], strides = [1]} : vector<16xf32> to vector<1xf32>
        %squeeze3A_282 = vector.extract %slice3A_281[0] : f32 from vector<1xf32>
        %mul3A_283 = arith.constant 16 : i32
        %mul3A_284 = arith.muli %scan3A_138, %mul3A_283 : i32
        %add3A_285 = arith.constant 2 : i32
        %add3A_286 = arith.addi %mul3A_284, %add3A_285 : i32
        %get3A_287 = arith.index_cast %add3A_286 : i32 to index
        %get3A_288 = arith.constant 0 : index
        %get3A_289 = tpu.vector_load %arg13[%get3A_287, %get3A_288] {strides = array<i32>} : memref<80x128xf32, #tpu.memory_space<vmem>>, vector<16xf32>,
        %mul3A_290 = vector.broadcast %squeeze3A_282 : f32 to vector<16xf32>
        %mul3A_291 = arith.mulf %get3A_289, %mul3A_290 : vector<16xf32>
        %swap3A_292 = arith.index_cast %add3A_286 : i32 to index
        %swap3A_293 = arith.constant 0 : index
        %swap3A_294 = tpu.vector_load %arg13[%swap3A_292, %swap3A_293] {strides = array<i32>} : memref<80x128xf32, #tpu.memory_space<vmem>>, vector<16xf32>,
        tpu.vector_store %arg13[%swap3A_292, %swap3A_293], %mul3A_291 {strides = array<i32>} : memref<80x128xf32, #tpu.memory_space<vmem>>, vector<16xf32>,
        %get3A_295 = arith.index_cast %add3A_286 : i32 to index
        %get3A_296 = arith.constant 16 : index
        %get3A_297 = tpu.vector_load %arg13[%get3A_295, %get3A_296] {strides = array<i32>} : memref<80x128xf32, #tpu.memory_space<vmem>>, vector<16xf32>,
        %mul3A_298 = vector.broadcast %squeeze3A_282 : f32 to vector<16xf32>
        %mul3A_299 = arith.mulf %get3A_297, %mul3A_298 : vector<16xf32>
        %swap3A_300 = arith.index_cast %add3A_286 : i32 to index
        %swap3A_301 = arith.constant 16 : index
        %swap3A_302 = tpu.vector_load %arg13[%swap3A_300, %swap3A_301] {strides = array<i32>} : memref<80x128xf32, #tpu.memory_space<vmem>>, vector<16xf32>,
        tpu.vector_store %arg13[%swap3A_300, %swap3A_301], %mul3A_299 {strides = array<i32>} : memref<80x128xf32, #tpu.memory_space<vmem>>, vector<16xf32>,
        %get3A_303 = arith.index_cast %add3A_286 : i32 to index
        %get3A_304 = arith.constant 32 : index
        %get3A_305 = tpu.vector_load %arg13[%get3A_303, %get3A_304] {strides = array<i32>} : memref<80x128xf32, #tpu.memory_space<vmem>>, vector<16xf32>,
        %mul3A_306 = vector.broadcast %squeeze3A_282 : f32 to vector<16xf32>
        %mul3A_307 = arith.mulf %get3A_305, %mul3A_306 : vector<16xf32>
        %swap3A_308 = arith.index_cast %add3A_286 : i32 to index
        %swap3A_309 = arith.constant 32 : index
        %swap3A_310 = tpu.vector_load %arg13[%swap3A_308, %swap3A_309] {strides = array<i32>} : memref<80x128xf32, #tpu.memory_space<vmem>>, vector<16xf32>,
        tpu.vector_store %arg13[%swap3A_308, %swap3A_309], %mul3A_307 {strides = array<i32>} : memref<80x128xf32, #tpu.memory_space<vmem>>, vector<16xf32>,
        %get3A_311 = arith.index_cast %add3A_286 : i32 to index
        %get3A_312 = arith.constant 48 : index
        %get3A_313 = tpu.vector_load %arg13[%get3A_311, %get3A_312] {strides = array<i32>} : memref<80x128xf32, #tpu.memory_space<vmem>>, vector<16xf32>,
        %mul3A_314 = vector.broadcast %squeeze3A_282 : f32 to vector<16xf32>
        %mul3A_315 = arith.mulf %get3A_313, %mul3A_314 : vector<16xf32>
        %swap3A_316 = arith.index_cast %add3A_286 : i32 to index
        %swap3A_317 = arith.constant 48 : index
        %swap3A_318 = tpu.vector_load %arg13[%swap3A_316, %swap3A_317] {strides = array<i32>} : memref<80x128xf32, #tpu.memory_space<vmem>>, vector<16xf32>,
        tpu.vector_store %arg13[%swap3A_316, %swap3A_317], %mul3A_315 {strides = array<i32>} : memref<80x128xf32, #tpu.memory_space<vmem>>, vector<16xf32>,
        %get3A_319 = arith.index_cast %add3A_286 : i32 to index
        %get3A_320 = arith.constant 64 : index
        %get3A_321 = tpu.vector_load %arg13[%get3A_319, %get3A_320] {strides = array<i32>} : memref<80x128xf32, #tpu.memory_space<vmem>>, vector<16xf32>,
        %mul3A_322 = vector.broadcast %squeeze3A_282 : f32 to vector<16xf32>
        %mul3A_323 = arith.mulf %get3A_321, %mul3A_322 : vector<16xf32>
        %swap3A_324 = arith.index_cast %add3A_286 : i32 to index
        %swap3A_325 = arith.constant 64 : index
        %swap3A_326 = tpu.vector_load %arg13[%swap3A_324, %swap3A_325] {strides = array<i32>} : memref<80x128xf32, #tpu.memory_space<vmem>>, vector<16xf32>,
        tpu.vector_store %arg13[%swap3A_324, %swap3A_325], %mul3A_323 {strides = array<i32>} : memref<80x128xf32, #tpu.memory_space<vmem>>, vector<16xf32>,
        %get3A_327 = arith.index_cast %add3A_286 : i32 to index
        %get3A_328 = arith.constant 80 : index
        %get3A_329 = tpu.vector_load %arg13[%get3A_327, %get3A_328] {strides = array<i32>} : memref<80x128xf32, #tpu.memory_space<vmem>>, vector<16xf32>,
        %mul3A_330 = vector.broadcast %squeeze3A_282 : f32 to vector<16xf32>
        %mul3A_331 = arith.mulf %get3A_329, %mul3A_330 : vector<16xf32>
        %swap3A_332 = arith.index_cast %add3A_286 : i32 to index
        %swap3A_333 = arith.constant 80 : index
        %swap3A_334 = tpu.vector_load %arg13[%swap3A_332, %swap3A_333] {strides = array<i32>} : memref<80x128xf32, #tpu.memory_space<vmem>>, vector<16xf32>,
        tpu.vector_store %arg13[%swap3A_332, %swap3A_333], %mul3A_331 {strides = array<i32>} : memref<80x128xf32, #tpu.memory_space<vmem>>, vector<16xf32>,
        %get3A_335 = arith.index_cast %add3A_286 : i32 to index
        %get3A_336 = arith.constant 96 : index
        %get3A_337 = tpu.vector_load %arg13[%get3A_335, %get3A_336] {strides = array<i32>} : memref<80x128xf32, #tpu.memory_space<vmem>>, vector<16xf32>,
        %mul3A_338 = vector.broadcast %squeeze3A_282 : f32 to vector<16xf32>
        %mul3A_339 = arith.mulf %get3A_337, %mul3A_338 : vector<16xf32>
        %swap3A_340 = arith.index_cast %add3A_286 : i32 to index
        %swap3A_341 = arith.constant 96 : index
        %swap3A_342 = tpu.vector_load %arg13[%swap3A_340, %swap3A_341] {strides = array<i32>} : memref<80x128xf32, #tpu.memory_space<vmem>>, vector<16xf32>,
        tpu.vector_store %arg13[%swap3A_340, %swap3A_341], %mul3A_339 {strides = array<i32>} : memref<80x128xf32, #tpu.memory_space<vmem>>, vector<16xf32>,
        %get3A_343 = arith.index_cast %add3A_286 : i32 to index
        %get3A_344 = arith.constant 112 : index
        %get3A_345 = tpu.vector_load %arg13[%get3A_343, %get3A_344] {strides = array<i32>} : memref<80x128xf32, #tpu.memory_space<vmem>>, vector<16xf32>,
        %mul3A_346 = vector.broadcast %squeeze3A_282 : f32 to vector<16xf32>
        %mul3A_347 = arith.mulf %get3A_345, %mul3A_346 : vector<16xf32>
        %swap3A_348 = arith.index_cast %add3A_286 : i32 to index
        %swap3A_349 = arith.constant 112 : index
        %swap3A_350 = tpu.vector_load %arg13[%swap3A_348, %swap3A_349] {strides = array<i32>} : memref<80x128xf32, #tpu.memory_space<vmem>>, vector<16xf32>,
        tpu.vector_store %arg13[%swap3A_348, %swap3A_349], %mul3A_347 {strides = array<i32>} : memref<80x128xf32, #tpu.memory_space<vmem>>, vector<16xf32>,
        %slice3A_351 = vector.extract_strided_slice %get3A_142 {offsets = [3], sizes = [1], strides = [1]} : vector<16xf32> to vector<1xf32>
        %squeeze3A_352 = vector.extract %slice3A_351[0] : f32 from vector<1xf32>
        %mul3A_353 = arith.constant 16 : i32
        %mul3A_354 = arith.muli %scan3A_138, %mul3A_353 : i32
        %add3A_355 = arith.constant 3 : i32
        %add3A_356 = arith.addi %mul3A_354, %add3A_355 : i32
        %get3A_357 = arith.index_cast %add3A_356 : i32 to index
        %get3A_358 = arith.constant 0 : index
        %get3A_359 = tpu.vector_load %arg13[%get3A_357, %get3A_358] {strides = array<i32>} : memref<80x128xf32, #tpu.memory_space<vmem>>, vector<16xf32>,
        %mul3A_360 = vector.broadcast %squeeze3A_352 : f32 to vector<16xf32>
        %mul3A_361 = arith.mulf %get3A_359, %mul3A_360 : vector<16xf32>
        %swap3A_362 = arith.index_cast %add3A_356 : i32 to index
        %swap3A_363 = arith.constant 0 : index
        %swap3A_364 = tpu.vector_load %arg13[%swap3A_362, %swap3A_363] {strides = array<i32>} : memref<80x128xf32, #tpu.memory_space<vmem>>, vector<16xf32>,
        tpu.vector_store %arg13[%swap3A_362, %swap3A_363], %mul3A_361 {strides = array<i32>} : memref<80x128xf32, #tpu.memory_space<vmem>>, vector<16xf32>,
        %get3A_365 = arith.index_cast %add3A_356 : i32 to index
        %get3A_366 = arith.constant 16 : index
        %get3A_367 = tpu.vector_load %arg13[%get3A_365, %get3A_366] {strides = array<i32>} : memref<80x128xf32, #tpu.memory_space<vmem>>, vector<16xf32>,
        %mul3A_368 = vector.broadcast %squeeze3A_352 : f32 to vector<16xf32>
        %mul3A_369 = arith.mulf %get3A_367, %mul3A_368 : vector<16xf32>
        %swap3A_370 = arith.index_cast %add3A_356 : i32 to index
        %swap3A_371 = arith.constant 16 : index
        %swap3A_372 = tpu.vector_load %arg13[%swap3A_370, %swap3A_371] {strides = array<i32>} : memref<80x128xf32, #tpu.memory_space<vmem>>, vector<16xf32>,
        tpu.vector_store %arg13[%swap3A_370, %swap3A_371], %mul3A_369 {strides = array<i32>} : memref<80x128xf32, #tpu.memory_space<vmem>>, vector<16xf32>,
        %get3A_373 = arith.index_cast %add3A_356 : i32 to index
        %get3A_374 = arith.constant 32 : index
        %get3A_375 = tpu.vector_load %arg13[%get3A_373, %get3A_374] {strides = array<i32>} : memref<80x128xf32, #tpu.memory_space<vmem>>, vector<16xf32>,
        %mul3A_376 = vector.broadcast %squeeze3A_352 : f32 to vector<16xf32>
        %mul3A_377 = arith.mulf %get3A_375, %mul3A_376 : vector<16xf32>
        %swap3A_378 = arith.index_cast %add3A_356 : i32 to index
        %swap3A_379 = arith.constant 32 : index
        %swap3A_380 = tpu.vector_load %arg13[%swap3A_378, %swap3A_379] {strides = array<i32>} : memref<80x128xf32, #tpu.memory_space<vmem>>, vector<16xf32>,
        tpu.vector_store %arg13[%swap3A_378, %swap3A_379], %mul3A_377 {strides = array<i32>} : memref<80x128xf32, #tpu.memory_space<vmem>>, vector<16xf32>,
        %get3A_381 = arith.index_cast %add3A_356 : i32 to index
        %get3A_382 = arith.constant 48 : index
        %get3A_383 = tpu.vector_load %arg13[%get3A_381, %get3A_382] {strides = array<i32>} : memref<80x128xf32, #tpu.memory_space<vmem>>, vector<16xf32>,
        %mul3A_384 = vector.broadcast %squeeze3A_352 : f32 to vector<16xf32>
        %mul3A_385 = arith.mulf %get3A_383, %mul3A_384 : vector<16xf32>
        %swap3A_386 = arith.index_cast %add3A_356 : i32 to index
        %swap3A_387 = arith.constant 48 : index
        %swap3A_388 = tpu.vector_load %arg13[%swap3A_386, %swap3A_387] {strides = array<i32>} : memref<80x128xf32, #tpu.memory_space<vmem>>, vector<16xf32>,
        tpu.vector_store %arg13[%swap3A_386, %swap3A_387], %mul3A_385 {strides = array<i32>} : memref<80x128xf32, #tpu.memory_space<vmem>>, vector<16xf32>,
        %get3A_389 = arith.index_cast %add3A_356 : i32 to index
        %get3A_390 = arith.constant 64 : index
        %get3A_391 = tpu.vector_load %arg13[%get3A_389, %get3A_390] {strides = array<i32>} : memref<80x128xf32, #tpu.memory_space<vmem>>, vector<16xf32>,
        %mul3A_392 = vector.broadcast %squeeze3A_352 : f32 to vector<16xf32>
        %mul3A_393 = arith.mulf %get3A_391, %mul3A_392 : vector<16xf32>
        %swap3A_394 = arith.index_cast %add3A_356 : i32 to index
        %swap3A_395 = arith.constant 64 : index
        %swap3A_396 = tpu.vector_load %arg13[%swap3A_394, %swap3A_395] {strides = array<i32>} : memref<80x128xf32, #tpu.memory_space<vmem>>, vector<16xf32>,
        tpu.vector_store %arg13[%swap3A_394, %swap3A_395], %mul3A_393 {strides = array<i32>} : memref<80x128xf32, #tpu.memory_space<vmem>>, vector<16xf32>,
        %get3A_397 = arith.index_cast %add3A_356 : i32 to index
        %get3A_398 = arith.constant 80 : index
        %get3A_399 = tpu.vector_load %arg13[%get3A_397, %get3A_398] {strides = array<i32>} : memref<80x128xf32, #tpu.memory_space<vmem>>, vector<16xf32>,
        %mul3A_400 = vector.broadcast %squeeze3A_352 : f32 to vector<16xf32>
        %mul3A_401 = arith.mulf %get3A_399, %mul3A_400 : vector<16xf32>
        %swap3A_402 = arith.index_cast %add3A_356 : i32 to index
        %swap3A_403 = arith.constant 80 : index
        %swap3A_404 = tpu.vector_load %arg13[%swap3A_402, %swap3A_403] {strides = array<i32>} : memref<80x128xf32, #tpu.memory_space<vmem>>, vector<16xf32>,
        tpu.vector_store %arg13[%swap3A_402, %swap3A_403], %mul3A_401 {strides = array<i32>} : memref<80x128xf32, #tpu.memory_space<vmem>>, vector<16xf32>,
        %get3A_405 = arith.index_cast %add3A_356 : i32 to index
        %get3A_406 = arith.constant 96 : index
        %get3A_407 = tpu.vector_load %arg13[%get3A_405, %get3A_406] {strides = array<i32>} : memref<80x128xf32, #tpu.memory_space<vmem>>, vector<16xf32>,
        %mul3A_408 = vector.broadcast %squeeze3A_352 : f32 to vector<16xf32>
        %mul3A_409 = arith.mulf %get3A_407, %mul3A_408 : vector<16xf32>
        %swap3A_410 = arith.index_cast %add3A_356 : i32 to index
        %swap3A_411 = arith.constant 96 : index
        %swap3A_412 = tpu.vector_load %arg13[%swap3A_410, %swap3A_411] {strides = array<i32>} : memref<80x128xf32, #tpu.memory_space<vmem>>, vector<16xf32>,
        tpu.vector_store %arg13[%swap3A_410, %swap3A_411], %mul3A_409 {strides = array<i32>} : memref<80x128xf32, #tpu.memory_space<vmem>>, vector<16xf32>,
        %get3A_413 = arith.index_cast %add3A_356 : i32 to index
        %get3A_414 = arith.constant 112 : index
        %get3A_415 = tpu.vector_load %arg13[%get3A_413, %get3A_414] {strides = array<i32>} : memref<80x128xf32, #tpu.memory_space<vmem>>, vector<16xf32>,
        %mul3A_416 = vector.broadcast %squeeze3A_352 : f32 to vector<16xf32>
        %mul3A_417 = arith.mulf %get3A_415, %mul3A_416 : vector<16xf32>
        %swap3A_418 = arith.index_cast %add3A_356 : i32 to index
        %swap3A_419 = arith.constant 112 : index
        %swap3A_420 = tpu.vector_load %arg13[%swap3A_418, %swap3A_419] {strides = array<i32>} : memref<80x128xf32, #tpu.memory_space<vmem>>, vector<16xf32>,
        tpu.vector_store %arg13[%swap3A_418, %swap3A_419], %mul3A_417 {strides = array<i32>} : memref<80x128xf32, #tpu.memory_space<vmem>>, vector<16xf32>,
        %slice3A_421 = vector.extract_strided_slice %get3A_142 {offsets = [4], sizes = [1], strides = [1]} : vector<16xf32> to vector<1xf32>
        %squeeze3A_422 = vector.extract %slice3A_421[0] : f32 from vector<1xf32>
        %mul3A_423 = arith.constant 16 : i32
        %mul3A_424 = arith.muli %scan3A_138, %mul3A_423 : i32
        %add3A_425 = arith.constant 4 : i32
        %add3A_426 = arith.addi %mul3A_424, %add3A_425 : i32
        %get3A_427 = arith.index_cast %add3A_426 : i32 to index
        %get3A_428 = arith.constant 0 : index
        %get3A_429 = tpu.vector_load %arg13[%get3A_427, %get3A_428] {strides = array<i32>} : memref<80x128xf32, #tpu.memory_space<vmem>>, vector<16xf32>,
        %mul3A_430 = vector.broadcast %squeeze3A_422 : f32 to vector<16xf32>
        %mul3A_431 = arith.mulf %get3A_429, %mul3A_430 : vector<16xf32>
        %swap3A_432 = arith.index_cast %add3A_426 : i32 to index
        %swap3A_433 = arith.constant 0 : index
        %swap3A_434 = tpu.vector_load %arg13[%swap3A_432, %swap3A_433] {strides = array<i32>} : memref<80x128xf32, #tpu.memory_space<vmem>>, vector<16xf32>,
        tpu.vector_store %arg13[%swap3A_432, %swap3A_433], %mul3A_431 {strides = array<i32>} : memref<80x128xf32, #tpu.memory_space<vmem>>, vector<16xf32>,
        %get3A_435 = arith.index_cast %add3A_426 : i32 to index
        %get3A_436 = arith.constant 16 : index
        %get3A_437 = tpu.vector_load %arg13[%get3A_435, %get3A_436] {strides = array<i32>} : memref<80x128xf32, #tpu.memory_space<vmem>>, vector<16xf32>,
        %mul3A_438 = vector.broadcast %squeeze3A_422 : f32 to vector<16xf32>
        %mul3A_439 = arith.mulf %get3A_437, %mul3A_438 : vector<16xf32>
        %swap3A_440 = arith.index_cast %add3A_426 : i32 to index
        %swap3A_441 = arith.constant 16 : index
        %swap3A_442 = tpu.vector_load %arg13[%swap3A_440, %swap3A_441] {strides = array<i32>} : memref<80x128xf32, #tpu.memory_space<vmem>>, vector<16xf32>,
        tpu.vector_store %arg13[%swap3A_440, %swap3A_441], %mul3A_439 {strides = array<i32>} : memref<80x128xf32, #tpu.memory_space<vmem>>, vector<16xf32>,
        %get3A_443 = arith.index_cast %add3A_426 : i32 to index
        %get3A_444 = arith.constant 32 : index
        %get3A_445 = tpu.vector_load %arg13[%get3A_443, %get3A_444] {strides = array<i32>} : memref<80x128xf32, #tpu.memory_space<vmem>>, vector<16xf32>,
        %mul3A_446 = vector.broadcast %squeeze3A_422 : f32 to vector<16xf32>
        %mul3A_447 = arith.mulf %get3A_445, %mul3A_446 : vector<16xf32>
        %swap3A_448 = arith.index_cast %add3A_426 : i32 to index
        %swap3A_449 = arith.constant 32 : index
        %swap3A_450 = tpu.vector_load %arg13[%swap3A_448, %swap3A_449] {strides = array<i32>} : memref<80x128xf32, #tpu.memory_space<vmem>>, vector<16xf32>,
        tpu.vector_store %arg13[%swap3A_448, %swap3A_449], %mul3A_447 {strides = array<i32>} : memref<80x128xf32, #tpu.memory_space<vmem>>, vector<16xf32>,
        %get3A_451 = arith.index_cast %add3A_426 : i32 to index
        %get3A_452 = arith.constant 48 : index
        %get3A_453 = tpu.vector_load %arg13[%get3A_451, %get3A_452] {strides = array<i32>} : memref<80x128xf32, #tpu.memory_space<vmem>>, vector<16xf32>,
        %mul3A_454 = vector.broadcast %squeeze3A_422 : f32 to vector<16xf32>
        %mul3A_455 = arith.mulf %get3A_453, %mul3A_454 : vector<16xf32>
        %swap3A_456 = arith.index_cast %add3A_426 : i32 to index
        %swap3A_457 = arith.constant 48 : index
        %swap3A_458 = tpu.vector_load %arg13[%swap3A_456, %swap3A_457] {strides = array<i32>} : memref<80x128xf32, #tpu.memory_space<vmem>>, vector<16xf32>,
        tpu.vector_store %arg13[%swap3A_456, %swap3A_457], %mul3A_455 {strides = array<i32>} : memref<80x128xf32, #tpu.memory_space<vmem>>, vector<16xf32>,
        %get3A_459 = arith.index_cast %add3A_426 : i32 to index
        %get3A_460 = arith.constant 64 : index
        %get3A_461 = tpu.vector_load %arg13[%get3A_459, %get3A_460] {strides = array<i32>} : memref<80x128xf32, #tpu.memory_space<vmem>>, vector<16xf32>,
        %mul3A_462 = vector.broadcast %squeeze3A_422 : f32 to vector<16xf32>
        %mul3A_463 = arith.mulf %get3A_461, %mul3A_462 : vector<16xf32>
        %swap3A_464 = arith.index_cast %add3A_426 : i32 to index
        %swap3A_465 = arith.constant 64 : index
        %swap3A_466 = tpu.vector_load %arg13[%swap3A_464, %swap3A_465] {strides = array<i32>} : memref<80x128xf32, #tpu.memory_space<vmem>>, vector<16xf32>,
        tpu.vector_store %arg13[%swap3A_464, %swap3A_465], %mul3A_463 {strides = array<i32>} : memref<80x128xf32, #tpu.memory_space<vmem>>, vector<16xf32>,
        %get3A_467 = arith.index_cast %add3A_426 : i32 to index
        %get3A_468 = arith.constant 80 : index
        %get3A_469 = tpu.vector_load %arg13[%get3A_467, %get3A_468] {strides = array<i32>} : memref<80x128xf32, #tpu.memory_space<vmem>>, vector<16xf32>,
        %mul3A_470 = vector.broadcast %squeeze3A_422 : f32 to vector<16xf32>
        %mul3A_471 = arith.mulf %get3A_469, %mul3A_470 : vector<16xf32>
        %swap3A_472 = arith.index_cast %add3A_426 : i32 to index
        %swap3A_473 = arith.constant 80 : index
        %swap3A_474 = tpu.vector_load %arg13[%swap3A_472, %swap3A_473] {strides = array<i32>} : memref<80x128xf32, #tpu.memory_space<vmem>>, vector<16xf32>,
        tpu.vector_store %arg13[%swap3A_472, %swap3A_473], %mul3A_471 {strides = array<i32>} : memref<80x128xf32, #tpu.memory_space<vmem>>, vector<16xf32>,
        %get3A_475 = arith.index_cast %add3A_426 : i32 to index
        %get3A_476 = arith.constant 96 : index
        %get3A_477 = tpu.vector_load %arg13[%get3A_475, %get3A_476] {strides = array<i32>} : memref<80x128xf32, #tpu.memory_space<vmem>>, vector<16xf32>,
        %mul3A_478 = vector.broadcast %squeeze3A_422 : f32 to vector<16xf32>
        %mul3A_479 = arith.mulf %get3A_477, %mul3A_478 : vector<16xf32>
        %swap3A_480 = arith.index_cast %add3A_426 : i32 to index
        %swap3A_481 = arith.constant 96 : index
        %swap3A_482 = tpu.vector_load %arg13[%swap3A_480, %swap3A_481] {strides = array<i32>} : memref<80x128xf32, #tpu.memory_space<vmem>>, vector<16xf32>,
        tpu.vector_store %arg13[%swap3A_480, %swap3A_481], %mul3A_479 {strides = array<i32>} : memref<80x128xf32, #tpu.memory_space<vmem>>, vector<16xf32>,
        %get3A_483 = arith.index_cast %add3A_426 : i32 to index
        %get3A_484 = arith.constant 112 : index
        %get3A_485 = tpu.vector_load %arg13[%get3A_483, %get3A_484] {strides = array<i32>} : memref<80x128xf32, #tpu.memory_space<vmem>>, vector<16xf32>,
        %mul3A_486 = vector.broadcast %squeeze3A_422 : f32 to vector<16xf32>
        %mul3A_487 = arith.mulf %get3A_485, %mul3A_486 : vector<16xf32>
        %swap3A_488 = arith.index_cast %add3A_426 : i32 to index
        %swap3A_489 = arith.constant 112 : index
        %swap3A_490 = tpu.vector_load %arg13[%swap3A_488, %swap3A_489] {strides = array<i32>} : memref<80x128xf32, #tpu.memory_space<vmem>>, vector<16xf32>,
        tpu.vector_store %arg13[%swap3A_488, %swap3A_489], %mul3A_487 {strides = array<i32>} : memref<80x128xf32, #tpu.memory_space<vmem>>, vector<16xf32>,
        %slice3A_491 = vector.extract_strided_slice %get3A_142 {offsets = [5], sizes = [1], strides = [1]} : vector<16xf32> to vector<1xf32>
        %squeeze3A_492 = vector.extract %slice3A_491[0] : f32 from vector<1xf32>
        %mul3A_493 = arith.constant 16 : i32
        %mul3A_494 = arith.muli %scan3A_138, %mul3A_493 : i32
        %add3A_495 = arith.constant 5 : i32
        %add3A_496 = arith.addi %mul3A_494, %add3A_495 : i32
        %get3A_497 = arith.index_cast %add3A_496 : i32 to index
        %get3A_498 = arith.constant 0 : index
        %get3A_499 = tpu.vector_load %arg13[%get3A_497, %get3A_498] {strides = array<i32>} : memref<80x128xf32, #tpu.memory_space<vmem>>, vector<16xf32>,
        %mul3A_500 = vector.broadcast %squeeze3A_492 : f32 to vector<16xf32>
        %mul3A_501 = arith.mulf %get3A_499, %mul3A_500 : vector<16xf32>
        %swap3A_502 = arith.index_cast %add3A_496 : i32 to index
        %swap3A_503 = arith.constant 0 : index
        %swap3A_504 = tpu.vector_load %arg13[%swap3A_502, %swap3A_503] {strides = array<i32>} : memref<80x128xf32, #tpu.memory_space<vmem>>, vector<16xf32>,
        tpu.vector_store %arg13[%swap3A_502, %swap3A_503], %mul3A_501 {strides = array<i32>} : memref<80x128xf32, #tpu.memory_space<vmem>>, vector<16xf32>,
        %get3A_505 = arith.index_cast %add3A_496 : i32 to index
        %get3A_506 = arith.constant 16 : index
        %get3A_507 = tpu.vector_load %arg13[%get3A_505, %get3A_506] {strides = array<i32>} : memref<80x128xf32, #tpu.memory_space<vmem>>, vector<16xf32>,
        %mul3A_508 = vector.broadcast %squeeze3A_492 : f32 to vector<16xf32>
        %mul3A_509 = arith.mulf %get3A_507, %mul3A_508 : vector<16xf32>
        %swap3A_510 = arith.index_cast %add3A_496 : i32 to index
        %swap3A_511 = arith.constant 16 : index
        %swap3A_512 = tpu.vector_load %arg13[%swap3A_510, %swap3A_511] {strides = array<i32>} : memref<80x128xf32, #tpu.memory_space<vmem>>, vector<16xf32>,
        tpu.vector_store %arg13[%swap3A_510, %swap3A_511], %mul3A_509 {strides = array<i32>} : memref<80x128xf32, #tpu.memory_space<vmem>>, vector<16xf32>,
        %get3A_513 = arith.index_cast %add3A_496 : i32 to index
        %get3A_514 = arith.constant 32 : index
        %get3A_515 = tpu.vector_load %arg13[%get3A_513, %get3A_514] {strides = array<i32>} : memref<80x128xf32, #tpu.memory_space<vmem>>, vector<16xf32>,
        %mul3A_516 = vector.broadcast %squeeze3A_492 : f32 to vector<16xf32>
        %mul3A_517 = arith.mulf %get3A_515, %mul3A_516 : vector<16xf32>
        %swap3A_518 = arith.index_cast %add3A_496 : i32 to index
        %swap3A_519 = arith.constant 32 : index
        %swap3A_520 = tpu.vector_load %arg13[%swap3A_518, %swap3A_519] {strides = array<i32>} : memref<80x128xf32, #tpu.memory_space<vmem>>, vector<16xf32>,
        tpu.vector_store %arg13[%swap3A_518, %swap3A_519], %mul3A_517 {strides = array<i32>} : memref<80x128xf32, #tpu.memory_space<vmem>>, vector<16xf32>,
        %get3A_521 = arith.index_cast %add3A_496 : i32 to index
        %get3A_522 = arith.constant 48 : index
        %get3A_523 = tpu.vector_load %arg13[%get3A_521, %get3A_522] {strides = array<i32>} : memref<80x128xf32, #tpu.memory_space<vmem>>, vector<16xf32>,
        %mul3A_524 = vector.broadcast %squeeze3A_492 : f32 to vector<16xf32>
        %mul3A_525 = arith.mulf %get3A_523, %mul3A_524 : vector<16xf32>
        %swap3A_526 = arith.index_cast %add3A_496 : i32 to index
        %swap3A_527 = arith.constant 48 : index
        %swap3A_528 = tpu.vector_load %arg13[%swap3A_526, %swap3A_527] {strides = array<i32>} : memref<80x128xf32, #tpu.memory_space<vmem>>, vector<16xf32>,
        tpu.vector_store %arg13[%swap3A_526, %swap3A_527], %mul3A_525 {strides = array<i32>} : memref<80x128xf32, #tpu.memory_space<vmem>>, vector<16xf32>,
        %get3A_529 = arith.index_cast %add3A_496 : i32 to index
        %get3A_530 = arith.constant 64 : index
        %get3A_531 = tpu.vector_load %arg13[%get3A_529, %get3A_530] {strides = array<i32>} : memref<80x128xf32, #tpu.memory_space<vmem>>, vector<16xf32>,
        %mul3A_532 = vector.broadcast %squeeze3A_492 : f32 to vector<16xf32>
        %mul3A_533 = arith.mulf %get3A_531, %mul3A_532 : vector<16xf32>
        %swap3A_534 = arith.index_cast %add3A_496 : i32 to index
        %swap3A_535 = arith.constant 64 : index
        %swap3A_536 = tpu.vector_load %arg13[%swap3A_534, %swap3A_535] {strides = array<i32>} : memref<80x128xf32, #tpu.memory_space<vmem>>, vector<16xf32>,
        tpu.vector_store %arg13[%swap3A_534, %swap3A_535], %mul3A_533 {strides = array<i32>} : memref<80x128xf32, #tpu.memory_space<vmem>>, vector<16xf32>,
        %get3A_537 = arith.index_cast %add3A_496 : i32 to index
        %get3A_538 = arith.constant 80 : index
        %get3A_539 = tpu.vector_load %arg13[%get3A_537, %get3A_538] {strides = array<i32>} : memref<80x128xf32, #tpu.memory_space<vmem>>, vector<16xf32>,
        %mul3A_540 = vector.broadcast %squeeze3A_492 : f32 to vector<16xf32>
        %mul3A_541 = arith.mulf %get3A_539, %mul3A_540 : vector<16xf32>
        %swap3A_542 = arith.index_cast %add3A_496 : i32 to index
        %swap3A_543 = arith.constant 80 : index
        %swap3A_544 = tpu.vector_load %arg13[%swap3A_542, %swap3A_543] {strides = array<i32>} : memref<80x128xf32, #tpu.memory_space<vmem>>, vector<16xf32>,
        tpu.vector_store %arg13[%swap3A_542, %swap3A_543], %mul3A_541 {strides = array<i32>} : memref<80x128xf32, #tpu.memory_space<vmem>>, vector<16xf32>,
        %get3A_545 = arith.index_cast %add3A_496 : i32 to index
        %get3A_546 = arith.constant 96 : index
        %get3A_547 = tpu.vector_load %arg13[%get3A_545, %get3A_546] {strides = array<i32>} : memref<80x128xf32, #tpu.memory_space<vmem>>, vector<16xf32>,
        %mul3A_548 = vector.broadcast %squeeze3A_492 : f32 to vector<16xf32>
        %mul3A_549 = arith.mulf %get3A_547, %mul3A_548 : vector<16xf32>
        %swap3A_550 = arith.index_cast %add3A_496 : i32 to index
        %swap3A_551 = arith.constant 96 : index
        %swap3A_552 = tpu.vector_load %arg13[%swap3A_550, %swap3A_551] {strides = array<i32>} : memref<80x128xf32, #tpu.memory_space<vmem>>, vector<16xf32>,
        tpu.vector_store %arg13[%swap3A_550, %swap3A_551], %mul3A_549 {strides = array<i32>} : memref<80x128xf32, #tpu.memory_space<vmem>>, vector<16xf32>,
        %get3A_553 = arith.index_cast %add3A_496 : i32 to index
        %get3A_554 = arith.constant 112 : index
        %get3A_555 = tpu.vector_load %arg13[%get3A_553, %get3A_554] {strides = array<i32>} : memref<80x128xf32, #tpu.memory_space<vmem>>, vector<16xf32>,
        %mul3A_556 = vector.broadcast %squeeze3A_492 : f32 to vector<16xf32>
        %mul3A_557 = arith.mulf %get3A_555, %mul3A_556 : vector<16xf32>
        %swap3A_558 = arith.index_cast %add3A_496 : i32 to index
        %swap3A_559 = arith.constant 112 : index
        %swap3A_560 = tpu.vector_load %arg13[%swap3A_558, %swap3A_559] {strides = array<i32>} : memref<80x128xf32, #tpu.memory_space<vmem>>, vector<16xf32>,
        tpu.vector_store %arg13[%swap3A_558, %swap3A_559], %mul3A_557 {strides = array<i32>} : memref<80x128xf32, #tpu.memory_space<vmem>>, vector<16xf32>,
        %slice3A_561 = vector.extract_strided_slice %get3A_142 {offsets = [6], sizes = [1], strides = [1]} : vector<16xf32> to vector<1xf32>
        %squeeze3A_562 = vector.extract %slice3A_561[0] : f32 from vector<1xf32>
        %mul3A_563 = arith.constant 16 : i32
        %mul3A_564 = arith.muli %scan3A_138, %mul3A_563 : i32
        %add3A_565 = arith.constant 6 : i32
        %add3A_566 = arith.addi %mul3A_564, %add3A_565 : i32
        %get3A_567 = arith.index_cast %add3A_566 : i32 to index
        %get3A_568 = arith.constant 0 : index
        %get3A_569 = tpu.vector_load %arg13[%get3A_567, %get3A_568] {strides = array<i32>} : memref<80x128xf32, #tpu.memory_space<vmem>>, vector<16xf32>,
        %mul3A_570 = vector.broadcast %squeeze3A_562 : f32 to vector<16xf32>
        %mul3A_571 = arith.mulf %get3A_569, %mul3A_570 : vector<16xf32>
        %swap3A_572 = arith.index_cast %add3A_566 : i32 to index
        %swap3A_573 = arith.constant 0 : index
        %swap3A_574 = tpu.vector_load %arg13[%swap3A_572, %swap3A_573] {strides = array<i32>} : memref<80x128xf32, #tpu.memory_space<vmem>>, vector<16xf32>,
        tpu.vector_store %arg13[%swap3A_572, %swap3A_573], %mul3A_571 {strides = array<i32>} : memref<80x128xf32, #tpu.memory_space<vmem>>, vector<16xf32>,
        %get3A_575 = arith.index_cast %add3A_566 : i32 to index
        %get3A_576 = arith.constant 16 : index
        %get3A_577 = tpu.vector_load %arg13[%get3A_575, %get3A_576] {strides = array<i32>} : memref<80x128xf32, #tpu.memory_space<vmem>>, vector<16xf32>,
        %mul3A_578 = vector.broadcast %squeeze3A_562 : f32 to vector<16xf32>
        %mul3A_579 = arith.mulf %get3A_577, %mul3A_578 : vector<16xf32>
        %swap3A_580 = arith.index_cast %add3A_566 : i32 to index
        %swap3A_581 = arith.constant 16 : index
        %swap3A_582 = tpu.vector_load %arg13[%swap3A_580, %swap3A_581] {strides = array<i32>} : memref<80x128xf32, #tpu.memory_space<vmem>>, vector<16xf32>,
        tpu.vector_store %arg13[%swap3A_580, %swap3A_581], %mul3A_579 {strides = array<i32>} : memref<80x128xf32, #tpu.memory_space<vmem>>, vector<16xf32>,
        %get3A_583 = arith.index_cast %add3A_566 : i32 to index
        %get3A_584 = arith.constant 32 : index
        %get3A_585 = tpu.vector_load %arg13[%get3A_583, %get3A_584] {strides = array<i32>} : memref<80x128xf32, #tpu.memory_space<vmem>>, vector<16xf32>,
        %mul3A_586 = vector.broadcast %squeeze3A_562 : f32 to vector<16xf32>
        %mul3A_587 = arith.mulf %get3A_585, %mul3A_586 : vector<16xf32>
        %swap3A_588 = arith.index_cast %add3A_566 : i32 to index
        %swap3A_589 = arith.constant 32 : index
        %swap3A_590 = tpu.vector_load %arg13[%swap3A_588, %swap3A_589] {strides = array<i32>} : memref<80x128xf32, #tpu.memory_space<vmem>>, vector<16xf32>,
        tpu.vector_store %arg13[%swap3A_588, %swap3A_589], %mul3A_587 {strides = array<i32>} : memref<80x128xf32, #tpu.memory_space<vmem>>, vector<16xf32>,
        %get3A_591 = arith.index_cast %add3A_566 : i32 to index
        %get3A_592 = arith.constant 48 : index
        %get3A_593 = tpu.vector_load %arg13[%get3A_591, %get3A_592] {strides = array<i32>} : memref<80x128xf32, #tpu.memory_space<vmem>>, vector<16xf32>,
        %mul3A_594 = vector.broadcast %squeeze3A_562 : f32 to vector<16xf32>
        %mul3A_595 = arith.mulf %get3A_593, %mul3A_594 : vector<16xf32>
        %swap3A_596 = arith.index_cast %add3A_566 : i32 to index
        %swap3A_597 = arith.constant 48 : index
        %swap3A_598 = tpu.vector_load %arg13[%swap3A_596, %swap3A_597] {strides = array<i32>} : memref<80x128xf32, #tpu.memory_space<vmem>>, vector<16xf32>,
        tpu.vector_store %arg13[%swap3A_596, %swap3A_597], %mul3A_595 {strides = array<i32>} : memref<80x128xf32, #tpu.memory_space<vmem>>, vector<16xf32>,
        %get3A_599 = arith.index_cast %add3A_566 : i32 to index
        %get3A_600 = arith.constant 64 : index
        %get3A_601 = tpu.vector_load %arg13[%get3A_599, %get3A_600] {strides = array<i32>} : memref<80x128xf32, #tpu.memory_space<vmem>>, vector<16xf32>,
        %mul3A_602 = vector.broadcast %squeeze3A_562 : f32 to vector<16xf32>
        %mul3A_603 = arith.mulf %get3A_601, %mul3A_602 : vector<16xf32>
        %swap3A_604 = arith.index_cast %add3A_566 : i32 to index
        %swap3A_605 = arith.constant 64 : index
        %swap3A_606 = tpu.vector_load %arg13[%swap3A_604, %swap3A_605] {strides = array<i32>} : memref<80x128xf32, #tpu.memory_space<vmem>>, vector<16xf32>,
        tpu.vector_store %arg13[%swap3A_604, %swap3A_605], %mul3A_603 {strides = array<i32>} : memref<80x128xf32, #tpu.memory_space<vmem>>, vector<16xf32>,
        %get3A_607 = arith.index_cast %add3A_566 : i32 to index
        %get3A_608 = arith.constant 80 : index
        %get3A_609 = tpu.vector_load %arg13[%get3A_607, %get3A_608] {strides = array<i32>} : memref<80x128xf32, #tpu.memory_space<vmem>>, vector<16xf32>,
        %mul3A_610 = vector.broadcast %squeeze3A_562 : f32 to vector<16xf32>
        %mul3A_611 = arith.mulf %get3A_609, %mul3A_610 : vector<16xf32>
        %swap3A_612 = arith.index_cast %add3A_566 : i32 to index
        %swap3A_613 = arith.constant 80 : index
        %swap3A_614 = tpu.vector_load %arg13[%swap3A_612, %swap3A_613] {strides = array<i32>} : memref<80x128xf32, #tpu.memory_space<vmem>>, vector<16xf32>,
        tpu.vector_store %arg13[%swap3A_612, %swap3A_613], %mul3A_611 {strides = array<i32>} : memref<80x128xf32, #tpu.memory_space<vmem>>, vector<16xf32>,
        %get3A_615 = arith.index_cast %add3A_566 : i32 to index
        %get3A_616 = arith.constant 96 : index
        %get3A_617 = tpu.vector_load %arg13[%get3A_615, %get3A_616] {strides = array<i32>} : memref<80x128xf32, #tpu.memory_space<vmem>>, vector<16xf32>,
        %mul3A_618 = vector.broadcast %squeeze3A_562 : f32 to vector<16xf32>
        %mul3A_619 = arith.mulf %get3A_617, %mul3A_618 : vector<16xf32>
        %swap3A_620 = arith.index_cast %add3A_566 : i32 to index
        %swap3A_621 = arith.constant 96 : index
        %swap3A_622 = tpu.vector_load %arg13[%swap3A_620, %swap3A_621] {strides = array<i32>} : memref<80x128xf32, #tpu.memory_space<vmem>>, vector<16xf32>,
        tpu.vector_store %arg13[%swap3A_620, %swap3A_621], %mul3A_619 {strides = array<i32>} : memref<80x128xf32, #tpu.memory_space<vmem>>, vector<16xf32>,
        %get3A_623 = arith.index_cast %add3A_566 : i32 to index
        %get3A_624 = arith.constant 112 : index
        %get3A_625 = tpu.vector_load %arg13[%get3A_623, %get3A_624] {strides = array<i32>} : memref<80x128xf32, #tpu.memory_space<vmem>>, vector<16xf32>,
        %mul3A_626 = vector.broadcast %squeeze3A_562 : f32 to vector<16xf32>
        %mul3A_627 = arith.mulf %get3A_625, %mul3A_626 : vector<16xf32>
        %swap3A_628 = arith.index_cast %add3A_566 : i32 to index
        %swap3A_629 = arith.constant 112 : index
        %swap3A_630 = tpu.vector_load %arg13[%swap3A_628, %swap3A_629] {strides = array<i32>} : memref<80x128xf32, #tpu.memory_space<vmem>>, vector<16xf32>,
        tpu.vector_store %arg13[%swap3A_628, %swap3A_629], %mul3A_627 {strides = array<i32>} : memref<80x128xf32, #tpu.memory_space<vmem>>, vector<16xf32>,
        %slice3A_631 = vector.extract_strided_slice %get3A_142 {offsets = [7], sizes = [1], strides = [1]} : vector<16xf32> to vector<1xf32>
        %squeeze3A_632 = vector.extract %slice3A_631[0] : f32 from vector<1xf32>
        %mul3A_633 = arith.constant 16 : i32
        %mul3A_634 = arith.muli %scan3A_138, %mul3A_633 : i32
        %add3A_635 = arith.constant 7 : i32
        %add3A_636 = arith.addi %mul3A_634, %add3A_635 : i32
        %get3A_637 = arith.index_cast %add3A_636 : i32 to index
        %get3A_638 = arith.constant 0 : index
        %get3A_639 = tpu.vector_load %arg13[%get3A_637, %get3A_638] {strides = array<i32>} : memref<80x128xf32, #tpu.memory_space<vmem>>, vector<16xf32>,
        %mul3A_640 = vector.broadcast %squeeze3A_632 : f32 to vector<16xf32>
        %mul3A_641 = arith.mulf %get3A_639, %mul3A_640 : vector<16xf32>
        %swap3A_642 = arith.index_cast %add3A_636 : i32 to index
        %swap3A_643 = arith.constant 0 : index
        %swap3A_644 = tpu.vector_load %arg13[%swap3A_642, %swap3A_643] {strides = array<i32>} : memref<80x128xf32, #tpu.memory_space<vmem>>, vector<16xf32>,
        tpu.vector_store %arg13[%swap3A_642, %swap3A_643], %mul3A_641 {strides = array<i32>} : memref<80x128xf32, #tpu.memory_space<vmem>>, vector<16xf32>,
        %get3A_645 = arith.index_cast %add3A_636 : i32 to index
        %get3A_646 = arith.constant 16 : index
        %get3A_647 = tpu.vector_load %arg13[%get3A_645, %get3A_646] {strides = array<i32>} : memref<80x128xf32, #tpu.memory_space<vmem>>, vector<16xf32>,
        %mul3A_648 = vector.broadcast %squeeze3A_632 : f32 to vector<16xf32>
        %mul3A_649 = arith.mulf %get3A_647, %mul3A_648 : vector<16xf32>
        %swap3A_650 = arith.index_cast %add3A_636 : i32 to index
        %swap3A_651 = arith.constant 16 : index
        %swap3A_652 = tpu.vector_load %arg13[%swap3A_650, %swap3A_651] {strides = array<i32>} : memref<80x128xf32, #tpu.memory_space<vmem>>, vector<16xf32>,
        tpu.vector_store %arg13[%swap3A_650, %swap3A_651], %mul3A_649 {strides = array<i32>} : memref<80x128xf32, #tpu.memory_space<vmem>>, vector<16xf32>,
        %get3A_653 = arith.index_cast %add3A_636 : i32 to index
        %get3A_654 = arith.constant 32 : index
        %get3A_655 = tpu.vector_load %arg13[%get3A_653, %get3A_654] {strides = array<i32>} : memref<80x128xf32, #tpu.memory_space<vmem>>, vector<16xf32>,
        %mul3A_656 = vector.broadcast %squeeze3A_632 : f32 to vector<16xf32>
        %mul3A_657 = arith.mulf %get3A_655, %mul3A_656 : vector<16xf32>
        %swap3A_658 = arith.index_cast %add3A_636 : i32 to index
        %swap3A_659 = arith.constant 32 : index
        %swap3A_660 = tpu.vector_load %arg13[%swap3A_658, %swap3A_659] {strides = array<i32>} : memref<80x128xf32, #tpu.memory_space<vmem>>, vector<16xf32>,
        tpu.vector_store %arg13[%swap3A_658, %swap3A_659], %mul3A_657 {strides = array<i32>} : memref<80x128xf32, #tpu.memory_space<vmem>>, vector<16xf32>,
        %get3A_661 = arith.index_cast %add3A_636 : i32 to index
        %get3A_662 = arith.constant 48 : index
        %get3A_663 = tpu.vector_load %arg13[%get3A_661, %get3A_662] {strides = array<i32>} : memref<80x128xf32, #tpu.memory_space<vmem>>, vector<16xf32>,
        %mul3A_664 = vector.broadcast %squeeze3A_632 : f32 to vector<16xf32>
        %mul3A_665 = arith.mulf %get3A_663, %mul3A_664 : vector<16xf32>
        %swap3A_666 = arith.index_cast %add3A_636 : i32 to index
        %swap3A_667 = arith.constant 48 : index
        %swap3A_668 = tpu.vector_load %arg13[%swap3A_666, %swap3A_667] {strides = array<i32>} : memref<80x128xf32, #tpu.memory_space<vmem>>, vector<16xf32>,
        tpu.vector_store %arg13[%swap3A_666, %swap3A_667], %mul3A_665 {strides = array<i32>} : memref<80x128xf32, #tpu.memory_space<vmem>>, vector<16xf32>,
        %get3A_669 = arith.index_cast %add3A_636 : i32 to index
        %get3A_670 = arith.constant 64 : index
        %get3A_671 = tpu.vector_load %arg13[%get3A_669, %get3A_670] {strides = array<i32>} : memref<80x128xf32, #tpu.memory_space<vmem>>, vector<16xf32>,
        %mul3A_672 = vector.broadcast %squeeze3A_632 : f32 to vector<16xf32>
        %mul3A_673 = arith.mulf %get3A_671, %mul3A_672 : vector<16xf32>
        %swap3A_674 = arith.index_cast %add3A_636 : i32 to index
        %swap3A_675 = arith.constant 64 : index
        %swap3A_676 = tpu.vector_load %arg13[%swap3A_674, %swap3A_675] {strides = array<i32>} : memref<80x128xf32, #tpu.memory_space<vmem>>, vector<16xf32>,
        tpu.vector_store %arg13[%swap3A_674, %swap3A_675], %mul3A_673 {strides = array<i32>} : memref<80x128xf32, #tpu.memory_space<vmem>>, vector<16xf32>,
        %get3A_677 = arith.index_cast %add3A_636 : i32 to index
        %get3A_678 = arith.constant 80 : index
        %get3A_679 = tpu.vector_load %arg13[%get3A_677, %get3A_678] {strides = array<i32>} : memref<80x128xf32, #tpu.memory_space<vmem>>, vector<16xf32>,
        %mul3A_680 = vector.broadcast %squeeze3A_632 : f32 to vector<16xf32>
        %mul3A_681 = arith.mulf %get3A_679, %mul3A_680 : vector<16xf32>
        %swap3A_682 = arith.index_cast %add3A_636 : i32 to index
        %swap3A_683 = arith.constant 80 : index
        %swap3A_684 = tpu.vector_load %arg13[%swap3A_682, %swap3A_683] {strides = array<i32>} : memref<80x128xf32, #tpu.memory_space<vmem>>, vector<16xf32>,
        tpu.vector_store %arg13[%swap3A_682, %swap3A_683], %mul3A_681 {strides = array<i32>} : memref<80x128xf32, #tpu.memory_space<vmem>>, vector<16xf32>,
        %get3A_685 = arith.index_cast %add3A_636 : i32 to index
        %get3A_686 = arith.constant 96 : index
        %get3A_687 = tpu.vector_load %arg13[%get3A_685, %get3A_686] {strides = array<i32>} : memref<80x128xf32, #tpu.memory_space<vmem>>, vector<16xf32>,
        %mul3A_688 = vector.broadcast %squeeze3A_632 : f32 to vector<16xf32>
        %mul3A_689 = arith.mulf %get3A_687, %mul3A_688 : vector<16xf32>
        %swap3A_690 = arith.index_cast %add3A_636 : i32 to index
        %swap3A_691 = arith.constant 96 : index
        %swap3A_692 = tpu.vector_load %arg13[%swap3A_690, %swap3A_691] {strides = array<i32>} : memref<80x128xf32, #tpu.memory_space<vmem>>, vector<16xf32>,
        tpu.vector_store %arg13[%swap3A_690, %swap3A_691], %mul3A_689 {strides = array<i32>} : memref<80x128xf32, #tpu.memory_space<vmem>>, vector<16xf32>,
        %get3A_693 = arith.index_cast %add3A_636 : i32 to index
        %get3A_694 = arith.constant 112 : index
        %get3A_695 = tpu.vector_load %arg13[%get3A_693, %get3A_694] {strides = array<i32>} : memref<80x128xf32, #tpu.memory_space<vmem>>, vector<16xf32>,
        %mul3A_696 = vector.broadcast %squeeze3A_632 : f32 to vector<16xf32>
        %mul3A_697 = arith.mulf %get3A_695, %mul3A_696 : vector<16xf32>
        %swap3A_698 = arith.index_cast %add3A_636 : i32 to index
        %swap3A_699 = arith.constant 112 : index
        %swap3A_700 = tpu.vector_load %arg13[%swap3A_698, %swap3A_699] {strides = array<i32>} : memref<80x128xf32, #tpu.memory_space<vmem>>, vector<16xf32>,
        tpu.vector_store %arg13[%swap3A_698, %swap3A_699], %mul3A_697 {strides = array<i32>} : memref<80x128xf32, #tpu.memory_space<vmem>>, vector<16xf32>,
        %slice3A_701 = vector.extract_strided_slice %get3A_142 {offsets = [8], sizes = [1], strides = [1]} : vector<16xf32> to vector<1xf32>
        %squeeze3A_702 = vector.extract %slice3A_701[0] : f32 from vector<1xf32>
        %mul3A_703 = arith.constant 16 : i32
        %mul3A_704 = arith.muli %scan3A_138, %mul3A_703 : i32
        %add3A_705 = arith.constant 8 : i32
        %add3A_706 = arith.addi %mul3A_704, %add3A_705 : i32
        %get3A_707 = arith.index_cast %add3A_706 : i32 to index
        %get3A_708 = arith.constant 0 : index
        %get3A_709 = tpu.vector_load %arg13[%get3A_707, %get3A_708] {strides = array<i32>} : memref<80x128xf32, #tpu.memory_space<vmem>>, vector<16xf32>,
        %mul3A_710 = vector.broadcast %squeeze3A_702 : f32 to vector<16xf32>
        %mul3A_711 = arith.mulf %get3A_709, %mul3A_710 : vector<16xf32>
        %swap3A_712 = arith.index_cast %add3A_706 : i32 to index
        %swap3A_713 = arith.constant 0 : index
        %swap3A_714 = tpu.vector_load %arg13[%swap3A_712, %swap3A_713] {strides = array<i32>} : memref<80x128xf32, #tpu.memory_space<vmem>>, vector<16xf32>,
        tpu.vector_store %arg13[%swap3A_712, %swap3A_713], %mul3A_711 {strides = array<i32>} : memref<80x128xf32, #tpu.memory_space<vmem>>, vector<16xf32>,
        %get3A_715 = arith.index_cast %add3A_706 : i32 to index
        %get3A_716 = arith.constant 16 : index
        %get3A_717 = tpu.vector_load %arg13[%get3A_715, %get3A_716] {strides = array<i32>} : memref<80x128xf32, #tpu.memory_space<vmem>>, vector<16xf32>,
        %mul3A_718 = vector.broadcast %squeeze3A_702 : f32 to vector<16xf32>
        %mul3A_719 = arith.mulf %get3A_717, %mul3A_718 : vector<16xf32>
        %swap3A_720 = arith.index_cast %add3A_706 : i32 to index
        %swap3A_721 = arith.constant 16 : index
        %swap3A_722 = tpu.vector_load %arg13[%swap3A_720, %swap3A_721] {strides = array<i32>} : memref<80x128xf32, #tpu.memory_space<vmem>>, vector<16xf32>,
        tpu.vector_store %arg13[%swap3A_720, %swap3A_721], %mul3A_719 {strides = array<i32>} : memref<80x128xf32, #tpu.memory_space<vmem>>, vector<16xf32>,
        %get3A_723 = arith.index_cast %add3A_706 : i32 to index
        %get3A_724 = arith.constant 32 : index
        %get3A_725 = tpu.vector_load %arg13[%get3A_723, %get3A_724] {strides = array<i32>} : memref<80x128xf32, #tpu.memory_space<vmem>>, vector<16xf32>,
        %mul3A_726 = vector.broadcast %squeeze3A_702 : f32 to vector<16xf32>
        %mul3A_727 = arith.mulf %get3A_725, %mul3A_726 : vector<16xf32>
        %swap3A_728 = arith.index_cast %add3A_706 : i32 to index
        %swap3A_729 = arith.constant 32 : index
        %swap3A_730 = tpu.vector_load %arg13[%swap3A_728, %swap3A_729] {strides = array<i32>} : memref<80x128xf32, #tpu.memory_space<vmem>>, vector<16xf32>,
        tpu.vector_store %arg13[%swap3A_728, %swap3A_729], %mul3A_727 {strides = array<i32>} : memref<80x128xf32, #tpu.memory_space<vmem>>, vector<16xf32>,
        %get3A_731 = arith.index_cast %add3A_706 : i32 to index
        %get3A_732 = arith.constant 48 : index
        %get3A_733 = tpu.vector_load %arg13[%get3A_731, %get3A_732] {strides = array<i32>} : memref<80x128xf32, #tpu.memory_space<vmem>>, vector<16xf32>,
        %mul3A_734 = vector.broadcast %squeeze3A_702 : f32 to vector<16xf32>
        %mul3A_735 = arith.mulf %get3A_733, %mul3A_734 : vector<16xf32>
        %swap3A_736 = arith.index_cast %add3A_706 : i32 to index
        %swap3A_737 = arith.constant 48 : index
        %swap3A_738 = tpu.vector_load %arg13[%swap3A_736, %swap3A_737] {strides = array<i32>} : memref<80x128xf32, #tpu.memory_space<vmem>>, vector<16xf32>,
        tpu.vector_store %arg13[%swap3A_736, %swap3A_737], %mul3A_735 {strides = array<i32>} : memref<80x128xf32, #tpu.memory_space<vmem>>, vector<16xf32>,
        %get3A_739 = arith.index_cast %add3A_706 : i32 to index
        %get3A_740 = arith.constant 64 : index
        %get3A_741 = tpu.vector_load %arg13[%get3A_739, %get3A_740] {strides = array<i32>} : memref<80x128xf32, #tpu.memory_space<vmem>>, vector<16xf32>,
        %mul3A_742 = vector.broadcast %squeeze3A_702 : f32 to vector<16xf32>
        %mul3A_743 = arith.mulf %get3A_741, %mul3A_742 : vector<16xf32>
        %swap3A_744 = arith.index_cast %add3A_706 : i32 to index
        %swap3A_745 = arith.constant 64 : index
        %swap3A_746 = tpu.vector_load %arg13[%swap3A_744, %swap3A_745] {strides = array<i32>} : memref<80x128xf32, #tpu.memory_space<vmem>>, vector<16xf32>,
        tpu.vector_store %arg13[%swap3A_744, %swap3A_745], %mul3A_743 {strides = array<i32>} : memref<80x128xf32, #tpu.memory_space<vmem>>, vector<16xf32>,
        %get3A_747 = arith.index_cast %add3A_706 : i32 to index
        %get3A_748 = arith.constant 80 : index
        %get3A_749 = tpu.vector_load %arg13[%get3A_747, %get3A_748] {strides = array<i32>} : memref<80x128xf32, #tpu.memory_space<vmem>>, vector<16xf32>,
        %mul3A_750 = vector.broadcast %squeeze3A_702 : f32 to vector<16xf32>
        %mul3A_751 = arith.mulf %get3A_749, %mul3A_750 : vector<16xf32>
        %swap3A_752 = arith.index_cast %add3A_706 : i32 to index
        %swap3A_753 = arith.constant 80 : index
        %swap3A_754 = tpu.vector_load %arg13[%swap3A_752, %swap3A_753] {strides = array<i32>} : memref<80x128xf32, #tpu.memory_space<vmem>>, vector<16xf32>,
        tpu.vector_store %arg13[%swap3A_752, %swap3A_753], %mul3A_751 {strides = array<i32>} : memref<80x128xf32, #tpu.memory_space<vmem>>, vector<16xf32>,
        %get3A_755 = arith.index_cast %add3A_706 : i32 to index
        %get3A_756 = arith.constant 96 : index
        %get3A_757 = tpu.vector_load %arg13[%get3A_755, %get3A_756] {strides = array<i32>} : memref<80x128xf32, #tpu.memory_space<vmem>>, vector<16xf32>,
        %mul3A_758 = vector.broadcast %squeeze3A_702 : f32 to vector<16xf32>
        %mul3A_759 = arith.mulf %get3A_757, %mul3A_758 : vector<16xf32>
        %swap3A_760 = arith.index_cast %add3A_706 : i32 to index
        %swap3A_761 = arith.constant 96 : index
        %swap3A_762 = tpu.vector_load %arg13[%swap3A_760, %swap3A_761] {strides = array<i32>} : memref<80x128xf32, #tpu.memory_space<vmem>>, vector<16xf32>,
        tpu.vector_store %arg13[%swap3A_760, %swap3A_761], %mul3A_759 {strides = array<i32>} : memref<80x128xf32, #tpu.memory_space<vmem>>, vector<16xf32>,
        %get3A_763 = arith.index_cast %add3A_706 : i32 to index
        %get3A_764 = arith.constant 112 : index
        %get3A_765 = tpu.vector_load %arg13[%get3A_763, %get3A_764] {strides = array<i32>} : memref<80x128xf32, #tpu.memory_space<vmem>>, vector<16xf32>,
        %mul3A_766 = vector.broadcast %squeeze3A_702 : f32 to vector<16xf32>
        %mul3A_767 = arith.mulf %get3A_765, %mul3A_766 : vector<16xf32>
        %swap3A_768 = arith.index_cast %add3A_706 : i32 to index
        %swap3A_769 = arith.constant 112 : index
        %swap3A_770 = tpu.vector_load %arg13[%swap3A_768, %swap3A_769] {strides = array<i32>} : memref<80x128xf32, #tpu.memory_space<vmem>>, vector<16xf32>,
        tpu.vector_store %arg13[%swap3A_768, %swap3A_769], %mul3A_767 {strides = array<i32>} : memref<80x128xf32, #tpu.memory_space<vmem>>, vector<16xf32>,
        %slice3A_771 = vector.extract_strided_slice %get3A_142 {offsets = [9], sizes = [1], strides = [1]} : vector<16xf32> to vector<1xf32>
        %squeeze3A_772 = vector.extract %slice3A_771[0] : f32 from vector<1xf32>
        %mul3A_773 = arith.constant 16 : i32
        %mul3A_774 = arith.muli %scan3A_138, %mul3A_773 : i32
        %add3A_775 = arith.constant 9 : i32
        %add3A_776 = arith.addi %mul3A_774, %add3A_775 : i32
        %get3A_777 = arith.index_cast %add3A_776 : i32 to index
        %get3A_778 = arith.constant 0 : index
        %get3A_779 = tpu.vector_load %arg13[%get3A_777, %get3A_778] {strides = array<i32>} : memref<80x128xf32, #tpu.memory_space<vmem>>, vector<16xf32>,
        %mul3A_780 = vector.broadcast %squeeze3A_772 : f32 to vector<16xf32>
        %mul3A_781 = arith.mulf %get3A_779, %mul3A_780 : vector<16xf32>
        %swap3A_782 = arith.index_cast %add3A_776 : i32 to index
        %swap3A_783 = arith.constant 0 : index
        %swap3A_784 = tpu.vector_load %arg13[%swap3A_782, %swap3A_783] {strides = array<i32>} : memref<80x128xf32, #tpu.memory_space<vmem>>, vector<16xf32>,
        tpu.vector_store %arg13[%swap3A_782, %swap3A_783], %mul3A_781 {strides = array<i32>} : memref<80x128xf32, #tpu.memory_space<vmem>>, vector<16xf32>,
        %get3A_785 = arith.index_cast %add3A_776 : i32 to index
        %get3A_786 = arith.constant 16 : index
        %get3A_787 = tpu.vector_load %arg13[%get3A_785, %get3A_786] {strides = array<i32>} : memref<80x128xf32, #tpu.memory_space<vmem>>, vector<16xf32>,
        %mul3A_788 = vector.broadcast %squeeze3A_772 : f32 to vector<16xf32>
        %mul3A_789 = arith.mulf %get3A_787, %mul3A_788 : vector<16xf32>
        %swap3A_790 = arith.index_cast %add3A_776 : i32 to index
        %swap3A_791 = arith.constant 16 : index
        %swap3A_792 = tpu.vector_load %arg13[%swap3A_790, %swap3A_791] {strides = array<i32>} : memref<80x128xf32, #tpu.memory_space<vmem>>, vector<16xf32>,
        tpu.vector_store %arg13[%swap3A_790, %swap3A_791], %mul3A_789 {strides = array<i32>} : memref<80x128xf32, #tpu.memory_space<vmem>>, vector<16xf32>,
        %get3A_793 = arith.index_cast %add3A_776 : i32 to index
        %get3A_794 = arith.constant 32 : index
        %get3A_795 = tpu.vector_load %arg13[%get3A_793, %get3A_794] {strides = array<i32>} : memref<80x128xf32, #tpu.memory_space<vmem>>, vector<16xf32>,
        %mul3A_796 = vector.broadcast %squeeze3A_772 : f32 to vector<16xf32>
        %mul3A_797 = arith.mulf %get3A_795, %mul3A_796 : vector<16xf32>
        %swap3A_798 = arith.index_cast %add3A_776 : i32 to index
        %swap3A_799 = arith.constant 32 : index
        %swap3A_800 = tpu.vector_load %arg13[%swap3A_798, %swap3A_799] {strides = array<i32>} : memref<80x128xf32, #tpu.memory_space<vmem>>, vector<16xf32>,
        tpu.vector_store %arg13[%swap3A_798, %swap3A_799], %mul3A_797 {strides = array<i32>} : memref<80x128xf32, #tpu.memory_space<vmem>>, vector<16xf32>,
        %get3A_801 = arith.index_cast %add3A_776 : i32 to index
        %get3A_802 = arith.constant 48 : index
        %get3A_803 = tpu.vector_load %arg13[%get3A_801, %get3A_802] {strides = array<i32>} : memref<80x128xf32, #tpu.memory_space<vmem>>, vector<16xf32>,
        %mul3A_804 = vector.broadcast %squeeze3A_772 : f32 to vector<16xf32>
        %mul3A_805 = arith.mulf %get3A_803, %mul3A_804 : vector<16xf32>
        %swap3A_806 = arith.index_cast %add3A_776 : i32 to index
        %swap3A_807 = arith.constant 48 : index
        %swap3A_808 = tpu.vector_load %arg13[%swap3A_806, %swap3A_807] {strides = array<i32>} : memref<80x128xf32, #tpu.memory_space<vmem>>, vector<16xf32>,
        tpu.vector_store %arg13[%swap3A_806, %swap3A_807], %mul3A_805 {strides = array<i32>} : memref<80x128xf32, #tpu.memory_space<vmem>>, vector<16xf32>,
        %get3A_809 = arith.index_cast %add3A_776 : i32 to index
        %get3A_810 = arith.constant 64 : index
        %get3A_811 = tpu.vector_load %arg13[%get3A_809, %get3A_810] {strides = array<i32>} : memref<80x128xf32, #tpu.memory_space<vmem>>, vector<16xf32>,
        %mul3A_812 = vector.broadcast %squeeze3A_772 : f32 to vector<16xf32>
        %mul3A_813 = arith.mulf %get3A_811, %mul3A_812 : vector<16xf32>
        %swap3A_814 = arith.index_cast %add3A_776 : i32 to index
        %swap3A_815 = arith.constant 64 : index
        %swap3A_816 = tpu.vector_load %arg13[%swap3A_814, %swap3A_815] {strides = array<i32>} : memref<80x128xf32, #tpu.memory_space<vmem>>, vector<16xf32>,
        tpu.vector_store %arg13[%swap3A_814, %swap3A_815], %mul3A_813 {strides = array<i32>} : memref<80x128xf32, #tpu.memory_space<vmem>>, vector<16xf32>,
        %get3A_817 = arith.index_cast %add3A_776 : i32 to index
        %get3A_818 = arith.constant 80 : index
        %get3A_819 = tpu.vector_load %arg13[%get3A_817, %get3A_818] {strides = array<i32>} : memref<80x128xf32, #tpu.memory_space<vmem>>, vector<16xf32>,
        %mul3A_820 = vector.broadcast %squeeze3A_772 : f32 to vector<16xf32>
        %mul3A_821 = arith.mulf %get3A_819, %mul3A_820 : vector<16xf32>
        %swap3A_822 = arith.index_cast %add3A_776 : i32 to index
        %swap3A_823 = arith.constant 80 : index
        %swap3A_824 = tpu.vector_load %arg13[%swap3A_822, %swap3A_823] {strides = array<i32>} : memref<80x128xf32, #tpu.memory_space<vmem>>, vector<16xf32>,
        tpu.vector_store %arg13[%swap3A_822, %swap3A_823], %mul3A_821 {strides = array<i32>} : memref<80x128xf32, #tpu.memory_space<vmem>>, vector<16xf32>,
        %get3A_825 = arith.index_cast %add3A_776 : i32 to index
        %get3A_826 = arith.constant 96 : index
        %get3A_827 = tpu.vector_load %arg13[%get3A_825, %get3A_826] {strides = array<i32>} : memref<80x128xf32, #tpu.memory_space<vmem>>, vector<16xf32>,
        %mul3A_828 = vector.broadcast %squeeze3A_772 : f32 to vector<16xf32>
        %mul3A_829 = arith.mulf %get3A_827, %mul3A_828 : vector<16xf32>
        %swap3A_830 = arith.index_cast %add3A_776 : i32 to index
        %swap3A_831 = arith.constant 96 : index
        %swap3A_832 = tpu.vector_load %arg13[%swap3A_830, %swap3A_831] {strides = array<i32>} : memref<80x128xf32, #tpu.memory_space<vmem>>, vector<16xf32>,
        tpu.vector_store %arg13[%swap3A_830, %swap3A_831], %mul3A_829 {strides = array<i32>} : memref<80x128xf32, #tpu.memory_space<vmem>>, vector<16xf32>,
        %get3A_833 = arith.index_cast %add3A_776 : i32 to index
        %get3A_834 = arith.constant 112 : index
        %get3A_835 = tpu.vector_load %arg13[%get3A_833, %get3A_834] {strides = array<i32>} : memref<80x128xf32, #tpu.memory_space<vmem>>, vector<16xf32>,
        %mul3A_836 = vector.broadcast %squeeze3A_772 : f32 to vector<16xf32>
        %mul3A_837 = arith.mulf %get3A_835, %mul3A_836 : vector<16xf32>
        %swap3A_838 = arith.index_cast %add3A_776 : i32 to index
        %swap3A_839 = arith.constant 112 : index
        %swap3A_840 = tpu.vector_load %arg13[%swap3A_838, %swap3A_839] {strides = array<i32>} : memref<80x128xf32, #tpu.memory_space<vmem>>, vector<16xf32>,
        tpu.vector_store %arg13[%swap3A_838, %swap3A_839], %mul3A_837 {strides = array<i32>} : memref<80x128xf32, #tpu.memory_space<vmem>>, vector<16xf32>,
        %slice3A_841 = vector.extract_strided_slice %get3A_142 {offsets = [10], sizes = [1], strides = [1]} : vector<16xf32> to vector<1xf32>
        %squeeze3A_842 = vector.extract %slice3A_841[0] : f32 from vector<1xf32>
        %mul3A_843 = arith.constant 16 : i32
        %mul3A_844 = arith.muli %scan3A_138, %mul3A_843 : i32
        %add3A_845 = arith.constant 10 : i32
        %add3A_846 = arith.addi %mul3A_844, %add3A_845 : i32
        %get3A_847 = arith.index_cast %add3A_846 : i32 to index
        %get3A_848 = arith.constant 0 : index
        %get3A_849 = tpu.vector_load %arg13[%get3A_847, %get3A_848] {strides = array<i32>} : memref<80x128xf32, #tpu.memory_space<vmem>>, vector<16xf32>,
        %mul3A_850 = vector.broadcast %squeeze3A_842 : f32 to vector<16xf32>
        %mul3A_851 = arith.mulf %get3A_849, %mul3A_850 : vector<16xf32>
        %swap3A_852 = arith.index_cast %add3A_846 : i32 to index
        %swap3A_853 = arith.constant 0 : index
        %swap3A_854 = tpu.vector_load %arg13[%swap3A_852, %swap3A_853] {strides = array<i32>} : memref<80x128xf32, #tpu.memory_space<vmem>>, vector<16xf32>,
        tpu.vector_store %arg13[%swap3A_852, %swap3A_853], %mul3A_851 {strides = array<i32>} : memref<80x128xf32, #tpu.memory_space<vmem>>, vector<16xf32>,
        %get3A_855 = arith.index_cast %add3A_846 : i32 to index
        %get3A_856 = arith.constant 16 : index
        %get3A_857 = tpu.vector_load %arg13[%get3A_855, %get3A_856] {strides = array<i32>} : memref<80x128xf32, #tpu.memory_space<vmem>>, vector<16xf32>,
        %mul3A_858 = vector.broadcast %squeeze3A_842 : f32 to vector<16xf32>
        %mul3A_859 = arith.mulf %get3A_857, %mul3A_858 : vector<16xf32>
        %swap3A_860 = arith.index_cast %add3A_846 : i32 to index
        %swap3A_861 = arith.constant 16 : index
        %swap3A_862 = tpu.vector_load %arg13[%swap3A_860, %swap3A_861] {strides = array<i32>} : memref<80x128xf32, #tpu.memory_space<vmem>>, vector<16xf32>,
        tpu.vector_store %arg13[%swap3A_860, %swap3A_861], %mul3A_859 {strides = array<i32>} : memref<80x128xf32, #tpu.memory_space<vmem>>, vector<16xf32>,
        %get3A_863 = arith.index_cast %add3A_846 : i32 to index
        %get3A_864 = arith.constant 32 : index
        %get3A_865 = tpu.vector_load %arg13[%get3A_863, %get3A_864] {strides = array<i32>} : memref<80x128xf32, #tpu.memory_space<vmem>>, vector<16xf32>,
        %mul3A_866 = vector.broadcast %squeeze3A_842 : f32 to vector<16xf32>
        %mul3A_867 = arith.mulf %get3A_865, %mul3A_866 : vector<16xf32>
        %swap3A_868 = arith.index_cast %add3A_846 : i32 to index
        %swap3A_869 = arith.constant 32 : index
        %swap3A_870 = tpu.vector_load %arg13[%swap3A_868, %swap3A_869] {strides = array<i32>} : memref<80x128xf32, #tpu.memory_space<vmem>>, vector<16xf32>,
        tpu.vector_store %arg13[%swap3A_868, %swap3A_869], %mul3A_867 {strides = array<i32>} : memref<80x128xf32, #tpu.memory_space<vmem>>, vector<16xf32>,
        %get3A_871 = arith.index_cast %add3A_846 : i32 to index
        %get3A_872 = arith.constant 48 : index
        %get3A_873 = tpu.vector_load %arg13[%get3A_871, %get3A_872] {strides = array<i32>} : memref<80x128xf32, #tpu.memory_space<vmem>>, vector<16xf32>,
        %mul3A_874 = vector.broadcast %squeeze3A_842 : f32 to vector<16xf32>
        %mul3A_875 = arith.mulf %get3A_873, %mul3A_874 : vector<16xf32>
        %swap3A_876 = arith.index_cast %add3A_846 : i32 to index
        %swap3A_877 = arith.constant 48 : index
        %swap3A_878 = tpu.vector_load %arg13[%swap3A_876, %swap3A_877] {strides = array<i32>} : memref<80x128xf32, #tpu.memory_space<vmem>>, vector<16xf32>,
        tpu.vector_store %arg13[%swap3A_876, %swap3A_877], %mul3A_875 {strides = array<i32>} : memref<80x128xf32, #tpu.memory_space<vmem>>, vector<16xf32>,
        %get3A_879 = arith.index_cast %add3A_846 : i32 to index
        %get3A_880 = arith.constant 64 : index
        %get3A_881 = tpu.vector_load %arg13[%get3A_879, %get3A_880] {strides = array<i32>} : memref<80x128xf32, #tpu.memory_space<vmem>>, vector<16xf32>,
        %mul3A_882 = vector.broadcast %squeeze3A_842 : f32 to vector<16xf32>
        %mul3A_883 = arith.mulf %get3A_881, %mul3A_882 : vector<16xf32>
        %swap3A_884 = arith.index_cast %add3A_846 : i32 to index
        %swap3A_885 = arith.constant 64 : index
        %swap3A_886 = tpu.vector_load %arg13[%swap3A_884, %swap3A_885] {strides = array<i32>} : memref<80x128xf32, #tpu.memory_space<vmem>>, vector<16xf32>,
        tpu.vector_store %arg13[%swap3A_884, %swap3A_885], %mul3A_883 {strides = array<i32>} : memref<80x128xf32, #tpu.memory_space<vmem>>, vector<16xf32>,
        %get3A_887 = arith.index_cast %add3A_846 : i32 to index
        %get3A_888 = arith.constant 80 : index
        %get3A_889 = tpu.vector_load %arg13[%get3A_887, %get3A_888] {strides = array<i32>} : memref<80x128xf32, #tpu.memory_space<vmem>>, vector<16xf32>,
        %mul3A_890 = vector.broadcast %squeeze3A_842 : f32 to vector<16xf32>
        %mul3A_891 = arith.mulf %get3A_889, %mul3A_890 : vector<16xf32>
        %swap3A_892 = arith.index_cast %add3A_846 : i32 to index
        %swap3A_893 = arith.constant 80 : index
        %swap3A_894 = tpu.vector_load %arg13[%swap3A_892, %swap3A_893] {strides = array<i32>} : memref<80x128xf32, #tpu.memory_space<vmem>>, vector<16xf32>,
        tpu.vector_store %arg13[%swap3A_892, %swap3A_893], %mul3A_891 {strides = array<i32>} : memref<80x128xf32, #tpu.memory_space<vmem>>, vector<16xf32>,
        %get3A_895 = arith.index_cast %add3A_846 : i32 to index
        %get3A_896 = arith.constant 96 : index
        %get3A_897 = tpu.vector_load %arg13[%get3A_895, %get3A_896] {strides = array<i32>} : memref<80x128xf32, #tpu.memory_space<vmem>>, vector<16xf32>,
        %mul3A_898 = vector.broadcast %squeeze3A_842 : f32 to vector<16xf32>
        %mul3A_899 = arith.mulf %get3A_897, %mul3A_898 : vector<16xf32>
        %swap3A_900 = arith.index_cast %add3A_846 : i32 to index
        %swap3A_901 = arith.constant 96 : index
        %swap3A_902 = tpu.vector_load %arg13[%swap3A_900, %swap3A_901] {strides = array<i32>} : memref<80x128xf32, #tpu.memory_space<vmem>>, vector<16xf32>,
        tpu.vector_store %arg13[%swap3A_900, %swap3A_901], %mul3A_899 {strides = array<i32>} : memref<80x128xf32, #tpu.memory_space<vmem>>, vector<16xf32>,
        %get3A_903 = arith.index_cast %add3A_846 : i32 to index
        %get3A_904 = arith.constant 112 : index
        %get3A_905 = tpu.vector_load %arg13[%get3A_903, %get3A_904] {strides = array<i32>} : memref<80x128xf32, #tpu.memory_space<vmem>>, vector<16xf32>,
        %mul3A_906 = vector.broadcast %squeeze3A_842 : f32 to vector<16xf32>
        %mul3A_907 = arith.mulf %get3A_905, %mul3A_906 : vector<16xf32>
        %swap3A_908 = arith.index_cast %add3A_846 : i32 to index
        %swap3A_909 = arith.constant 112 : index
        %swap3A_910 = tpu.vector_load %arg13[%swap3A_908, %swap3A_909] {strides = array<i32>} : memref<80x128xf32, #tpu.memory_space<vmem>>, vector<16xf32>,
        tpu.vector_store %arg13[%swap3A_908, %swap3A_909], %mul3A_907 {strides = array<i32>} : memref<80x128xf32, #tpu.memory_space<vmem>>, vector<16xf32>,
        %slice3A_911 = vector.extract_strided_slice %get3A_142 {offsets = [11], sizes = [1], strides = [1]} : vector<16xf32> to vector<1xf32>
        %squeeze3A_912 = vector.extract %slice3A_911[0] : f32 from vector<1xf32>
        %mul3A_913 = arith.constant 16 : i32
        %mul3A_914 = arith.muli %scan3A_138, %mul3A_913 : i32
        %add3A_915 = arith.constant 11 : i32
        %add3A_916 = arith.addi %mul3A_914, %add3A_915 : i32
        %get3A_917 = arith.index_cast %add3A_916 : i32 to index
        %get3A_918 = arith.constant 0 : index
        %get3A_919 = tpu.vector_load %arg13[%get3A_917, %get3A_918] {strides = array<i32>} : memref<80x128xf32, #tpu.memory_space<vmem>>, vector<16xf32>,
        %mul3A_920 = vector.broadcast %squeeze3A_912 : f32 to vector<16xf32>
        %mul3A_921 = arith.mulf %get3A_919, %mul3A_920 : vector<16xf32>
        %swap3A_922 = arith.index_cast %add3A_916 : i32 to index
        %swap3A_923 = arith.constant 0 : index
        %swap3A_924 = tpu.vector_load %arg13[%swap3A_922, %swap3A_923] {strides = array<i32>} : memref<80x128xf32, #tpu.memory_space<vmem>>, vector<16xf32>,
        tpu.vector_store %arg13[%swap3A_922, %swap3A_923], %mul3A_921 {strides = array<i32>} : memref<80x128xf32, #tpu.memory_space<vmem>>, vector<16xf32>,
        %get3A_925 = arith.index_cast %add3A_916 : i32 to index
        %get3A_926 = arith.constant 16 : index
        %get3A_927 = tpu.vector_load %arg13[%get3A_925, %get3A_926] {strides = array<i32>} : memref<80x128xf32, #tpu.memory_space<vmem>>, vector<16xf32>,
        %mul3A_928 = vector.broadcast %squeeze3A_912 : f32 to vector<16xf32>
        %mul3A_929 = arith.mulf %get3A_927, %mul3A_928 : vector<16xf32>
        %swap3A_930 = arith.index_cast %add3A_916 : i32 to index
        %swap3A_931 = arith.constant 16 : index
        %swap3A_932 = tpu.vector_load %arg13[%swap3A_930, %swap3A_931] {strides = array<i32>} : memref<80x128xf32, #tpu.memory_space<vmem>>, vector<16xf32>,
        tpu.vector_store %arg13[%swap3A_930, %swap3A_931], %mul3A_929 {strides = array<i32>} : memref<80x128xf32, #tpu.memory_space<vmem>>, vector<16xf32>,
        %get3A_933 = arith.index_cast %add3A_916 : i32 to index
        %get3A_934 = arith.constant 32 : index
        %get3A_935 = tpu.vector_load %arg13[%get3A_933, %get3A_934] {strides = array<i32>} : memref<80x128xf32, #tpu.memory_space<vmem>>, vector<16xf32>,
        %mul3A_936 = vector.broadcast %squeeze3A_912 : f32 to vector<16xf32>
        %mul3A_937 = arith.mulf %get3A_935, %mul3A_936 : vector<16xf32>
        %swap3A_938 = arith.index_cast %add3A_916 : i32 to index
        %swap3A_939 = arith.constant 32 : index
        %swap3A_940 = tpu.vector_load %arg13[%swap3A_938, %swap3A_939] {strides = array<i32>} : memref<80x128xf32, #tpu.memory_space<vmem>>, vector<16xf32>,
        tpu.vector_store %arg13[%swap3A_938, %swap3A_939], %mul3A_937 {strides = array<i32>} : memref<80x128xf32, #tpu.memory_space<vmem>>, vector<16xf32>,
        %get3A_941 = arith.index_cast %add3A_916 : i32 to index
        %get3A_942 = arith.constant 48 : index
        %get3A_943 = tpu.vector_load %arg13[%get3A_941, %get3A_942] {strides = array<i32>} : memref<80x128xf32, #tpu.memory_space<vmem>>, vector<16xf32>,
        %mul3A_944 = vector.broadcast %squeeze3A_912 : f32 to vector<16xf32>
        %mul3A_945 = arith.mulf %get3A_943, %mul3A_944 : vector<16xf32>
        %swap3A_946 = arith.index_cast %add3A_916 : i32 to index
        %swap3A_947 = arith.constant 48 : index
        %swap3A_948 = tpu.vector_load %arg13[%swap3A_946, %swap3A_947] {strides = array<i32>} : memref<80x128xf32, #tpu.memory_space<vmem>>, vector<16xf32>,
        tpu.vector_store %arg13[%swap3A_946, %swap3A_947], %mul3A_945 {strides = array<i32>} : memref<80x128xf32, #tpu.memory_space<vmem>>, vector<16xf32>,
        %get3A_949 = arith.index_cast %add3A_916 : i32 to index
        %get3A_950 = arith.constant 64 : index
        %get3A_951 = tpu.vector_load %arg13[%get3A_949, %get3A_950] {strides = array<i32>} : memref<80x128xf32, #tpu.memory_space<vmem>>, vector<16xf32>,
        %mul3A_952 = vector.broadcast %squeeze3A_912 : f32 to vector<16xf32>
        %mul3A_953 = arith.mulf %get3A_951, %mul3A_952 : vector<16xf32>
        %swap3A_954 = arith.index_cast %add3A_916 : i32 to index
        %swap3A_955 = arith.constant 64 : index
        %swap3A_956 = tpu.vector_load %arg13[%swap3A_954, %swap3A_955] {strides = array<i32>} : memref<80x128xf32, #tpu.memory_space<vmem>>, vector<16xf32>,
        tpu.vector_store %arg13[%swap3A_954, %swap3A_955], %mul3A_953 {strides = array<i32>} : memref<80x128xf32, #tpu.memory_space<vmem>>, vector<16xf32>,
        %get3A_957 = arith.index_cast %add3A_916 : i32 to index
        %get3A_958 = arith.constant 80 : index
        %get3A_959 = tpu.vector_load %arg13[%get3A_957, %get3A_958] {strides = array<i32>} : memref<80x128xf32, #tpu.memory_space<vmem>>, vector<16xf32>,
        %mul3A_960 = vector.broadcast %squeeze3A_912 : f32 to vector<16xf32>
        %mul3A_961 = arith.mulf %get3A_959, %mul3A_960 : vector<16xf32>
        %swap3A_962 = arith.index_cast %add3A_916 : i32 to index
        %swap3A_963 = arith.constant 80 : index
        %swap3A_964 = tpu.vector_load %arg13[%swap3A_962, %swap3A_963] {strides = array<i32>} : memref<80x128xf32, #tpu.memory_space<vmem>>, vector<16xf32>,
        tpu.vector_store %arg13[%swap3A_962, %swap3A_963], %mul3A_961 {strides = array<i32>} : memref<80x128xf32, #tpu.memory_space<vmem>>, vector<16xf32>,
        %get3A_965 = arith.index_cast %add3A_916 : i32 to index
        %get3A_966 = arith.constant 96 : index
        %get3A_967 = tpu.vector_load %arg13[%get3A_965, %get3A_966] {strides = array<i32>} : memref<80x128xf32, #tpu.memory_space<vmem>>, vector<16xf32>,
        %mul3A_968 = vector.broadcast %squeeze3A_912 : f32 to vector<16xf32>
        %mul3A_969 = arith.mulf %get3A_967, %mul3A_968 : vector<16xf32>
        %swap3A_970 = arith.index_cast %add3A_916 : i32 to index
        %swap3A_971 = arith.constant 96 : index
        %swap3A_972 = tpu.vector_load %arg13[%swap3A_970, %swap3A_971] {strides = array<i32>} : memref<80x128xf32, #tpu.memory_space<vmem>>, vector<16xf32>,
        tpu.vector_store %arg13[%swap3A_970, %swap3A_971], %mul3A_969 {strides = array<i32>} : memref<80x128xf32, #tpu.memory_space<vmem>>, vector<16xf32>,
        %get3A_973 = arith.index_cast %add3A_916 : i32 to index
        %get3A_974 = arith.constant 112 : index
        %get3A_975 = tpu.vector_load %arg13[%get3A_973, %get3A_974] {strides = array<i32>} : memref<80x128xf32, #tpu.memory_space<vmem>>, vector<16xf32>,
        %mul3A_976 = vector.broadcast %squeeze3A_912 : f32 to vector<16xf32>
        %mul3A_977 = arith.mulf %get3A_975, %mul3A_976 : vector<16xf32>
        %swap3A_978 = arith.index_cast %add3A_916 : i32 to index
        %swap3A_979 = arith.constant 112 : index
        %swap3A_980 = tpu.vector_load %arg13[%swap3A_978, %swap3A_979] {strides = array<i32>} : memref<80x128xf32, #tpu.memory_space<vmem>>, vector<16xf32>,
        tpu.vector_store %arg13[%swap3A_978, %swap3A_979], %mul3A_977 {strides = array<i32>} : memref<80x128xf32, #tpu.memory_space<vmem>>, vector<16xf32>,
        %slice3A_981 = vector.extract_strided_slice %get3A_142 {offsets = [12], sizes = [1], strides = [1]} : vector<16xf32> to vector<1xf32>
        %squeeze3A_982 = vector.extract %slice3A_981[0] : f32 from vector<1xf32>
        %mul3A_983 = arith.constant 16 : i32
        %mul3A_984 = arith.muli %scan3A_138, %mul3A_983 : i32
        %add3A_985 = arith.constant 12 : i32
        %add3A_986 = arith.addi %mul3A_984, %add3A_985 : i32
        %get3A_987 = arith.index_cast %add3A_986 : i32 to index
        %get3A_988 = arith.constant 0 : index
        %get3A_989 = tpu.vector_load %arg13[%get3A_987, %get3A_988] {strides = array<i32>} : memref<80x128xf32, #tpu.memory_space<vmem>>, vector<16xf32>,
        %mul3A_990 = vector.broadcast %squeeze3A_982 : f32 to vector<16xf32>
        %mul3A_991 = arith.mulf %get3A_989, %mul3A_990 : vector<16xf32>
        %swap3A_992 = arith.index_cast %add3A_986 : i32 to index
        %swap3A_993 = arith.constant 0 : index
        %swap3A_994 = tpu.vector_load %arg13[%swap3A_992, %swap3A_993] {strides = array<i32>} : memref<80x128xf32, #tpu.memory_space<vmem>>, vector<16xf32>,
        tpu.vector_store %arg13[%swap3A_992, %swap3A_993], %mul3A_991 {strides = array<i32>} : memref<80x128xf32, #tpu.memory_space<vmem>>, vector<16xf32>,
        %get3A_995 = arith.index_cast %add3A_986 : i32 to index
        %get3A_996 = arith.constant 16 : index
        %get3A_997 = tpu.vector_load %arg13[%get3A_995, %get3A_996] {strides = array<i32>} : memref<80x128xf32, #tpu.memory_space<vmem>>, vector<16xf32>,
        %mul3A_998 = vector.broadcast %squeeze3A_982 : f32 to vector<16xf32>
        %mul3A_999 = arith.mulf %get3A_997, %mul3A_998 : vector<16xf32>
        %swap3A_1000 = arith.index_cast %add3A_986 : i32 to index
        %swap3A_1001 = arith.constant 16 : index
        %swap3A_1002 = tpu.vector_load %arg13[%swap3A_1000, %swap3A_1001] {strides = array<i32>} : memref<80x128xf32, #tpu.memory_space<vmem>>, vector<16xf32>,
        tpu.vector_store %arg13[%swap3A_1000, %swap3A_1001], %mul3A_999 {strides = array<i32>} : memref<80x128xf32, #tpu.memory_space<vmem>>, vector<16xf32>,
        %get3A_1003 = arith.index_cast %add3A_986 : i32 to index
        %get3A_1004 = arith.constant 32 : index
        %get3A_1005 = tpu.vector_load %arg13[%get3A_1003, %get3A_1004] {strides = array<i32>} : memref<80x128xf32, #tpu.memory_space<vmem>>, vector<16xf32>,
        %mul3A_1006 = vector.broadcast %squeeze3A_982 : f32 to vector<16xf32>
        %mul3A_1007 = arith.mulf %get3A_1005, %mul3A_1006 : vector<16xf32>
        %swap3A_1008 = arith.index_cast %add3A_986 : i32 to index
        %swap3A_1009 = arith.constant 32 : index
        %swap3A_1010 = tpu.vector_load %arg13[%swap3A_1008, %swap3A_1009] {strides = array<i32>} : memref<80x128xf32, #tpu.memory_space<vmem>>, vector<16xf32>,
        tpu.vector_store %arg13[%swap3A_1008, %swap3A_1009], %mul3A_1007 {strides = array<i32>} : memref<80x128xf32, #tpu.memory_space<vmem>>, vector<16xf32>,
        %get3A_1011 = arith.index_cast %add3A_986 : i32 to index
        %get3A_1012 = arith.constant 48 : index
        %get3A_1013 = tpu.vector_load %arg13[%get3A_1011, %get3A_1012] {strides = array<i32>} : memref<80x128xf32, #tpu.memory_space<vmem>>, vector<16xf32>,
        %mul3A_1014 = vector.broadcast %squeeze3A_982 : f32 to vector<16xf32>
        %mul3A_1015 = arith.mulf %get3A_1013, %mul3A_1014 : vector<16xf32>
        %swap3A_1016 = arith.index_cast %add3A_986 : i32 to index
        %swap3A_1017 = arith.constant 48 : index
        %swap3A_1018 = tpu.vector_load %arg13[%swap3A_1016, %swap3A_1017] {strides = array<i32>} : memref<80x128xf32, #tpu.memory_space<vmem>>, vector<16xf32>,
        tpu.vector_store %arg13[%swap3A_1016, %swap3A_1017], %mul3A_1015 {strides = array<i32>} : memref<80x128xf32, #tpu.memory_space<vmem>>, vector<16xf32>,
        %get3A_1019 = arith.index_cast %add3A_986 : i32 to index
        %get3A_1020 = arith.constant 64 : index
        %get3A_1021 = tpu.vector_load %arg13[%get3A_1019, %get3A_1020] {strides = array<i32>} : memref<80x128xf32, #tpu.memory_space<vmem>>, vector<16xf32>,
        %mul3A_1022 = vector.broadcast %squeeze3A_982 : f32 to vector<16xf32>
        %mul3A_1023 = arith.mulf %get3A_1021, %mul3A_1022 : vector<16xf32>
        %swap3A_1024 = arith.index_cast %add3A_986 : i32 to index
        %swap3A_1025 = arith.constant 64 : index
        %swap3A_1026 = tpu.vector_load %arg13[%swap3A_1024, %swap3A_1025] {strides = array<i32>} : memref<80x128xf32, #tpu.memory_space<vmem>>, vector<16xf32>,
        tpu.vector_store %arg13[%swap3A_1024, %swap3A_1025], %mul3A_1023 {strides = array<i32>} : memref<80x128xf32, #tpu.memory_space<vmem>>, vector<16xf32>,
        %get3A_1027 = arith.index_cast %add3A_986 : i32 to index
        %get3A_1028 = arith.constant 80 : index
        %get3A_1029 = tpu.vector_load %arg13[%get3A_1027, %get3A_1028] {strides = array<i32>} : memref<80x128xf32, #tpu.memory_space<vmem>>, vector<16xf32>,
        %mul3A_1030 = vector.broadcast %squeeze3A_982 : f32 to vector<16xf32>
        %mul3A_1031 = arith.mulf %get3A_1029, %mul3A_1030 : vector<16xf32>
        %swap3A_1032 = arith.index_cast %add3A_986 : i32 to index
        %swap3A_1033 = arith.constant 80 : index
        %swap3A_1034 = tpu.vector_load %arg13[%swap3A_1032, %swap3A_1033] {strides = array<i32>} : memref<80x128xf32, #tpu.memory_space<vmem>>, vector<16xf32>,
        tpu.vector_store %arg13[%swap3A_1032, %swap3A_1033], %mul3A_1031 {strides = array<i32>} : memref<80x128xf32, #tpu.memory_space<vmem>>, vector<16xf32>,
        %get3A_1035 = arith.index_cast %add3A_986 : i32 to index
        %get3A_1036 = arith.constant 96 : index
        %get3A_1037 = tpu.vector_load %arg13[%get3A_1035, %get3A_1036] {strides = array<i32>} : memref<80x128xf32, #tpu.memory_space<vmem>>, vector<16xf32>,
        %mul3A_1038 = vector.broadcast %squeeze3A_982 : f32 to vector<16xf32>
        %mul3A_1039 = arith.mulf %get3A_1037, %mul3A_1038 : vector<16xf32>
        %swap3A_1040 = arith.index_cast %add3A_986 : i32 to index
        %swap3A_1041 = arith.constant 96 : index
        %swap3A_1042 = tpu.vector_load %arg13[%swap3A_1040, %swap3A_1041] {strides = array<i32>} : memref<80x128xf32, #tpu.memory_space<vmem>>, vector<16xf32>,
        tpu.vector_store %arg13[%swap3A_1040, %swap3A_1041], %mul3A_1039 {strides = array<i32>} : memref<80x128xf32, #tpu.memory_space<vmem>>, vector<16xf32>,
        %get3A_1043 = arith.index_cast %add3A_986 : i32 to index
        %get3A_1044 = arith.constant 112 : index
        %get3A_1045 = tpu.vector_load %arg13[%get3A_1043, %get3A_1044] {strides = array<i32>} : memref<80x128xf32, #tpu.memory_space<vmem>>, vector<16xf32>,
        %mul3A_1046 = vector.broadcast %squeeze3A_982 : f32 to vector<16xf32>
        %mul3A_1047 = arith.mulf %get3A_1045, %mul3A_1046 : vector<16xf32>
        %swap3A_1048 = arith.index_cast %add3A_986 : i32 to index
        %swap3A_1049 = arith.constant 112 : index
        %swap3A_1050 = tpu.vector_load %arg13[%swap3A_1048, %swap3A_1049] {strides = array<i32>} : memref<80x128xf32, #tpu.memory_space<vmem>>, vector<16xf32>,
        tpu.vector_store %arg13[%swap3A_1048, %swap3A_1049], %mul3A_1047 {strides = array<i32>} : memref<80x128xf32, #tpu.memory_space<vmem>>, vector<16xf32>,
        %slice3A_1051 = vector.extract_strided_slice %get3A_142 {offsets = [13], sizes = [1], strides = [1]} : vector<16xf32> to vector<1xf32>
        %squeeze3A_1052 = vector.extract %slice3A_1051[0] : f32 from vector<1xf32>
        %mul3A_1053 = arith.constant 16 : i32
        %mul3A_1054 = arith.muli %scan3A_138, %mul3A_1053 : i32
        %add3A_1055 = arith.constant 13 : i32
        %add3A_1056 = arith.addi %mul3A_1054, %add3A_1055 : i32
        %get3A_1057 = arith.index_cast %add3A_1056 : i32 to index
        %get3A_1058 = arith.constant 0 : index
        %get3A_1059 = tpu.vector_load %arg13[%get3A_1057, %get3A_1058] {strides = array<i32>} : memref<80x128xf32, #tpu.memory_space<vmem>>, vector<16xf32>,
        %mul3A_1060 = vector.broadcast %squeeze3A_1052 : f32 to vector<16xf32>
        %mul3A_1061 = arith.mulf %get3A_1059, %mul3A_1060 : vector<16xf32>
        %swap3A_1062 = arith.index_cast %add3A_1056 : i32 to index
        %swap3A_1063 = arith.constant 0 : index
        %swap3A_1064 = tpu.vector_load %arg13[%swap3A_1062, %swap3A_1063] {strides = array<i32>} : memref<80x128xf32, #tpu.memory_space<vmem>>, vector<16xf32>,
        tpu.vector_store %arg13[%swap3A_1062, %swap3A_1063], %mul3A_1061 {strides = array<i32>} : memref<80x128xf32, #tpu.memory_space<vmem>>, vector<16xf32>,
        %get3A_1065 = arith.index_cast %add3A_1056 : i32 to index
        %get3A_1066 = arith.constant 16 : index
        %get3A_1067 = tpu.vector_load %arg13[%get3A_1065, %get3A_1066] {strides = array<i32>} : memref<80x128xf32, #tpu.memory_space<vmem>>, vector<16xf32>,
        %mul3A_1068 = vector.broadcast %squeeze3A_1052 : f32 to vector<16xf32>
        %mul3A_1069 = arith.mulf %get3A_1067, %mul3A_1068 : vector<16xf32>
        %swap3A_1070 = arith.index_cast %add3A_1056 : i32 to index
        %swap3A_1071 = arith.constant 16 : index
        %swap3A_1072 = tpu.vector_load %arg13[%swap3A_1070, %swap3A_1071] {strides = array<i32>} : memref<80x128xf32, #tpu.memory_space<vmem>>, vector<16xf32>,
        tpu.vector_store %arg13[%swap3A_1070, %swap3A_1071], %mul3A_1069 {strides = array<i32>} : memref<80x128xf32, #tpu.memory_space<vmem>>, vector<16xf32>,
        %get3A_1073 = arith.index_cast %add3A_1056 : i32 to index
        %get3A_1074 = arith.constant 32 : index
        %get3A_1075 = tpu.vector_load %arg13[%get3A_1073, %get3A_1074] {strides = array<i32>} : memref<80x128xf32, #tpu.memory_space<vmem>>, vector<16xf32>,
        %mul3A_1076 = vector.broadcast %squeeze3A_1052 : f32 to vector<16xf32>
        %mul3A_1077 = arith.mulf %get3A_1075, %mul3A_1076 : vector<16xf32>
        %swap3A_1078 = arith.index_cast %add3A_1056 : i32 to index
        %swap3A_1079 = arith.constant 32 : index
        %swap3A_1080 = tpu.vector_load %arg13[%swap3A_1078, %swap3A_1079] {strides = array<i32>} : memref<80x128xf32, #tpu.memory_space<vmem>>, vector<16xf32>,
        tpu.vector_store %arg13[%swap3A_1078, %swap3A_1079], %mul3A_1077 {strides = array<i32>} : memref<80x128xf32, #tpu.memory_space<vmem>>, vector<16xf32>,
        %get3A_1081 = arith.index_cast %add3A_1056 : i32 to index
        %get3A_1082 = arith.constant 48 : index
        %get3A_1083 = tpu.vector_load %arg13[%get3A_1081, %get3A_1082] {strides = array<i32>} : memref<80x128xf32, #tpu.memory_space<vmem>>, vector<16xf32>,
        %mul3A_1084 = vector.broadcast %squeeze3A_1052 : f32 to vector<16xf32>
        %mul3A_1085 = arith.mulf %get3A_1083, %mul3A_1084 : vector<16xf32>
        %swap3A_1086 = arith.index_cast %add3A_1056 : i32 to index
        %swap3A_1087 = arith.constant 48 : index
        %swap3A_1088 = tpu.vector_load %arg13[%swap3A_1086, %swap3A_1087] {strides = array<i32>} : memref<80x128xf32, #tpu.memory_space<vmem>>, vector<16xf32>,
        tpu.vector_store %arg13[%swap3A_1086, %swap3A_1087], %mul3A_1085 {strides = array<i32>} : memref<80x128xf32, #tpu.memory_space<vmem>>, vector<16xf32>,
        %get3A_1089 = arith.index_cast %add3A_1056 : i32 to index
        %get3A_1090 = arith.constant 64 : index
        %get3A_1091 = tpu.vector_load %arg13[%get3A_1089, %get3A_1090] {strides = array<i32>} : memref<80x128xf32, #tpu.memory_space<vmem>>, vector<16xf32>,
        %mul3A_1092 = vector.broadcast %squeeze3A_1052 : f32 to vector<16xf32>
        %mul3A_1093 = arith.mulf %get3A_1091, %mul3A_1092 : vector<16xf32>
        %swap3A_1094 = arith.index_cast %add3A_1056 : i32 to index
        %swap3A_1095 = arith.constant 64 : index
        %swap3A_1096 = tpu.vector_load %arg13[%swap3A_1094, %swap3A_1095] {strides = array<i32>} : memref<80x128xf32, #tpu.memory_space<vmem>>, vector<16xf32>,
        tpu.vector_store %arg13[%swap3A_1094, %swap3A_1095], %mul3A_1093 {strides = array<i32>} : memref<80x128xf32, #tpu.memory_space<vmem>>, vector<16xf32>,
        %get3A_1097 = arith.index_cast %add3A_1056 : i32 to index
        %get3A_1098 = arith.constant 80 : index
        %get3A_1099 = tpu.vector_load %arg13[%get3A_1097, %get3A_1098] {strides = array<i32>} : memref<80x128xf32, #tpu.memory_space<vmem>>, vector<16xf32>,
        %mul3A_1100 = vector.broadcast %squeeze3A_1052 : f32 to vector<16xf32>
        %mul3A_1101 = arith.mulf %get3A_1099, %mul3A_1100 : vector<16xf32>
        %swap3A_1102 = arith.index_cast %add3A_1056 : i32 to index
        %swap3A_1103 = arith.constant 80 : index
        %swap3A_1104 = tpu.vector_load %arg13[%swap3A_1102, %swap3A_1103] {strides = array<i32>} : memref<80x128xf32, #tpu.memory_space<vmem>>, vector<16xf32>,
        tpu.vector_store %arg13[%swap3A_1102, %swap3A_1103], %mul3A_1101 {strides = array<i32>} : memref<80x128xf32, #tpu.memory_space<vmem>>, vector<16xf32>,
        %get3A_1105 = arith.index_cast %add3A_1056 : i32 to index
        %get3A_1106 = arith.constant 96 : index
        %get3A_1107 = tpu.vector_load %arg13[%get3A_1105, %get3A_1106] {strides = array<i32>} : memref<80x128xf32, #tpu.memory_space<vmem>>, vector<16xf32>,
        %mul3A_1108 = vector.broadcast %squeeze3A_1052 : f32 to vector<16xf32>
        %mul3A_1109 = arith.mulf %get3A_1107, %mul3A_1108 : vector<16xf32>
        %swap3A_1110 = arith.index_cast %add3A_1056 : i32 to index
        %swap3A_1111 = arith.constant 96 : index
        %swap3A_1112 = tpu.vector_load %arg13[%swap3A_1110, %swap3A_1111] {strides = array<i32>} : memref<80x128xf32, #tpu.memory_space<vmem>>, vector<16xf32>,
        tpu.vector_store %arg13[%swap3A_1110, %swap3A_1111], %mul3A_1109 {strides = array<i32>} : memref<80x128xf32, #tpu.memory_space<vmem>>, vector<16xf32>,
        %get3A_1113 = arith.index_cast %add3A_1056 : i32 to index
        %get3A_1114 = arith.constant 112 : index
        %get3A_1115 = tpu.vector_load %arg13[%get3A_1113, %get3A_1114] {strides = array<i32>} : memref<80x128xf32, #tpu.memory_space<vmem>>, vector<16xf32>,
        %mul3A_1116 = vector.broadcast %squeeze3A_1052 : f32 to vector<16xf32>
        %mul3A_1117 = arith.mulf %get3A_1115, %mul3A_1116 : vector<16xf32>
        %swap3A_1118 = arith.index_cast %add3A_1056 : i32 to index
        %swap3A_1119 = arith.constant 112 : index
        %swap3A_1120 = tpu.vector_load %arg13[%swap3A_1118, %swap3A_1119] {strides = array<i32>} : memref<80x128xf32, #tpu.memory_space<vmem>>, vector<16xf32>,
        tpu.vector_store %arg13[%swap3A_1118, %swap3A_1119], %mul3A_1117 {strides = array<i32>} : memref<80x128xf32, #tpu.memory_space<vmem>>, vector<16xf32>,
        %slice3A_1121 = vector.extract_strided_slice %get3A_142 {offsets = [14], sizes = [1], strides = [1]} : vector<16xf32> to vector<1xf32>
        %squeeze3A_1122 = vector.extract %slice3A_1121[0] : f32 from vector<1xf32>
        %mul3A_1123 = arith.constant 16 : i32
        %mul3A_1124 = arith.muli %scan3A_138, %mul3A_1123 : i32
        %add3A_1125 = arith.constant 14 : i32
        %add3A_1126 = arith.addi %mul3A_1124, %add3A_1125 : i32
        %get3A_1127 = arith.index_cast %add3A_1126 : i32 to index
        %get3A_1128 = arith.constant 0 : index
        %get3A_1129 = tpu.vector_load %arg13[%get3A_1127, %get3A_1128] {strides = array<i32>} : memref<80x128xf32, #tpu.memory_space<vmem>>, vector<16xf32>,
        %mul3A_1130 = vector.broadcast %squeeze3A_1122 : f32 to vector<16xf32>
        %mul3A_1131 = arith.mulf %get3A_1129, %mul3A_1130 : vector<16xf32>
        %swap3A_1132 = arith.index_cast %add3A_1126 : i32 to index
        %swap3A_1133 = arith.constant 0 : index
        %swap3A_1134 = tpu.vector_load %arg13[%swap3A_1132, %swap3A_1133] {strides = array<i32>} : memref<80x128xf32, #tpu.memory_space<vmem>>, vector<16xf32>,
        tpu.vector_store %arg13[%swap3A_1132, %swap3A_1133], %mul3A_1131 {strides = array<i32>} : memref<80x128xf32, #tpu.memory_space<vmem>>, vector<16xf32>,
        %get3A_1135 = arith.index_cast %add3A_1126 : i32 to index
        %get3A_1136 = arith.constant 16 : index
        %get3A_1137 = tpu.vector_load %arg13[%get3A_1135, %get3A_1136] {strides = array<i32>} : memref<80x128xf32, #tpu.memory_space<vmem>>, vector<16xf32>,
        %mul3A_1138 = vector.broadcast %squeeze3A_1122 : f32 to vector<16xf32>
        %mul3A_1139 = arith.mulf %get3A_1137, %mul3A_1138 : vector<16xf32>
        %swap3A_1140 = arith.index_cast %add3A_1126 : i32 to index
        %swap3A_1141 = arith.constant 16 : index
        %swap3A_1142 = tpu.vector_load %arg13[%swap3A_1140, %swap3A_1141] {strides = array<i32>} : memref<80x128xf32, #tpu.memory_space<vmem>>, vector<16xf32>,
        tpu.vector_store %arg13[%swap3A_1140, %swap3A_1141], %mul3A_1139 {strides = array<i32>} : memref<80x128xf32, #tpu.memory_space<vmem>>, vector<16xf32>,
        %get3A_1143 = arith.index_cast %add3A_1126 : i32 to index
        %get3A_1144 = arith.constant 32 : index
        %get3A_1145 = tpu.vector_load %arg13[%get3A_1143, %get3A_1144] {strides = array<i32>} : memref<80x128xf32, #tpu.memory_space<vmem>>, vector<16xf32>,
        %mul3A_1146 = vector.broadcast %squeeze3A_1122 : f32 to vector<16xf32>
        %mul3A_1147 = arith.mulf %get3A_1145, %mul3A_1146 : vector<16xf32>
        %swap3A_1148 = arith.index_cast %add3A_1126 : i32 to index
        %swap3A_1149 = arith.constant 32 : index
        %swap3A_1150 = tpu.vector_load %arg13[%swap3A_1148, %swap3A_1149] {strides = array<i32>} : memref<80x128xf32, #tpu.memory_space<vmem>>, vector<16xf32>,
        tpu.vector_store %arg13[%swap3A_1148, %swap3A_1149], %mul3A_1147 {strides = array<i32>} : memref<80x128xf32, #tpu.memory_space<vmem>>, vector<16xf32>,
        %get3A_1151 = arith.index_cast %add3A_1126 : i32 to index
        %get3A_1152 = arith.constant 48 : index
        %get3A_1153 = tpu.vector_load %arg13[%get3A_1151, %get3A_1152] {strides = array<i32>} : memref<80x128xf32, #tpu.memory_space<vmem>>, vector<16xf32>,
        %mul3A_1154 = vector.broadcast %squeeze3A_1122 : f32 to vector<16xf32>
        %mul3A_1155 = arith.mulf %get3A_1153, %mul3A_1154 : vector<16xf32>
        %swap3A_1156 = arith.index_cast %add3A_1126 : i32 to index
        %swap3A_1157 = arith.constant 48 : index
        %swap3A_1158 = tpu.vector_load %arg13[%swap3A_1156, %swap3A_1157] {strides = array<i32>} : memref<80x128xf32, #tpu.memory_space<vmem>>, vector<16xf32>,
        tpu.vector_store %arg13[%swap3A_1156, %swap3A_1157], %mul3A_1155 {strides = array<i32>} : memref<80x128xf32, #tpu.memory_space<vmem>>, vector<16xf32>,
        %get3A_1159 = arith.index_cast %add3A_1126 : i32 to index
        %get3A_1160 = arith.constant 64 : index
        %get3A_1161 = tpu.vector_load %arg13[%get3A_1159, %get3A_1160] {strides = array<i32>} : memref<80x128xf32, #tpu.memory_space<vmem>>, vector<16xf32>,
        %mul3A_1162 = vector.broadcast %squeeze3A_1122 : f32 to vector<16xf32>
        %mul3A_1163 = arith.mulf %get3A_1161, %mul3A_1162 : vector<16xf32>
        %swap3A_1164 = arith.index_cast %add3A_1126 : i32 to index
        %swap3A_1165 = arith.constant 64 : index
        %swap3A_1166 = tpu.vector_load %arg13[%swap3A_1164, %swap3A_1165] {strides = array<i32>} : memref<80x128xf32, #tpu.memory_space<vmem>>, vector<16xf32>,
        tpu.vector_store %arg13[%swap3A_1164, %swap3A_1165], %mul3A_1163 {strides = array<i32>} : memref<80x128xf32, #tpu.memory_space<vmem>>, vector<16xf32>,
        %get3A_1167 = arith.index_cast %add3A_1126 : i32 to index
        %get3A_1168 = arith.constant 80 : index
        %get3A_1169 = tpu.vector_load %arg13[%get3A_1167, %get3A_1168] {strides = array<i32>} : memref<80x128xf32, #tpu.memory_space<vmem>>, vector<16xf32>,
        %mul3A_1170 = vector.broadcast %squeeze3A_1122 : f32 to vector<16xf32>
        %mul3A_1171 = arith.mulf %get3A_1169, %mul3A_1170 : vector<16xf32>
        %swap3A_1172 = arith.index_cast %add3A_1126 : i32 to index
        %swap3A_1173 = arith.constant 80 : index
        %swap3A_1174 = tpu.vector_load %arg13[%swap3A_1172, %swap3A_1173] {strides = array<i32>} : memref<80x128xf32, #tpu.memory_space<vmem>>, vector<16xf32>,
        tpu.vector_store %arg13[%swap3A_1172, %swap3A_1173], %mul3A_1171 {strides = array<i32>} : memref<80x128xf32, #tpu.memory_space<vmem>>, vector<16xf32>,
        %get3A_1175 = arith.index_cast %add3A_1126 : i32 to index
        %get3A_1176 = arith.constant 96 : index
        %get3A_1177 = tpu.vector_load %arg13[%get3A_1175, %get3A_1176] {strides = array<i32>} : memref<80x128xf32, #tpu.memory_space<vmem>>, vector<16xf32>,
        %mul3A_1178 = vector.broadcast %squeeze3A_1122 : f32 to vector<16xf32>
        %mul3A_1179 = arith.mulf %get3A_1177, %mul3A_1178 : vector<16xf32>
        %swap3A_1180 = arith.index_cast %add3A_1126 : i32 to index
        %swap3A_1181 = arith.constant 96 : index
        %swap3A_1182 = tpu.vector_load %arg13[%swap3A_1180, %swap3A_1181] {strides = array<i32>} : memref<80x128xf32, #tpu.memory_space<vmem>>, vector<16xf32>,
        tpu.vector_store %arg13[%swap3A_1180, %swap3A_1181], %mul3A_1179 {strides = array<i32>} : memref<80x128xf32, #tpu.memory_space<vmem>>, vector<16xf32>,
        %get3A_1183 = arith.index_cast %add3A_1126 : i32 to index
        %get3A_1184 = arith.constant 112 : index
        %get3A_1185 = tpu.vector_load %arg13[%get3A_1183, %get3A_1184] {strides = array<i32>} : memref<80x128xf32, #tpu.memory_space<vmem>>, vector<16xf32>,
        %mul3A_1186 = vector.broadcast %squeeze3A_1122 : f32 to vector<16xf32>
        %mul3A_1187 = arith.mulf %get3A_1185, %mul3A_1186 : vector<16xf32>
        %swap3A_1188 = arith.index_cast %add3A_1126 : i32 to index
        %swap3A_1189 = arith.constant 112 : index
        %swap3A_1190 = tpu.vector_load %arg13[%swap3A_1188, %swap3A_1189] {strides = array<i32>} : memref<80x128xf32, #tpu.memory_space<vmem>>, vector<16xf32>,
        tpu.vector_store %arg13[%swap3A_1188, %swap3A_1189], %mul3A_1187 {strides = array<i32>} : memref<80x128xf32, #tpu.memory_space<vmem>>, vector<16xf32>,
        %slice3A_1191 = vector.extract_strided_slice %get3A_142 {offsets = [15], sizes = [1], strides = [1]} : vector<16xf32> to vector<1xf32>
        %squeeze3A_1192 = vector.extract %slice3A_1191[0] : f32 from vector<1xf32>
        %mul3A_1193 = arith.constant 16 : i32
        %mul3A_1194 = arith.muli %scan3A_138, %mul3A_1193 : i32
        %add3A_1195 = arith.constant 15 : i32
        %add3A_1196 = arith.addi %mul3A_1194, %add3A_1195 : i32
        %get3A_1197 = arith.index_cast %add3A_1196 : i32 to index
        %get3A_1198 = arith.constant 0 : index
        %get3A_1199 = tpu.vector_load %arg13[%get3A_1197, %get3A_1198] {strides = array<i32>} : memref<80x128xf32, #tpu.memory_space<vmem>>, vector<16xf32>,
        %mul3A_1200 = vector.broadcast %squeeze3A_1192 : f32 to vector<16xf32>
        %mul3A_1201 = arith.mulf %get3A_1199, %mul3A_1200 : vector<16xf32>
        %swap3A_1202 = arith.index_cast %add3A_1196 : i32 to index
        %swap3A_1203 = arith.constant 0 : index
        %swap3A_1204 = tpu.vector_load %arg13[%swap3A_1202, %swap3A_1203] {strides = array<i32>} : memref<80x128xf32, #tpu.memory_space<vmem>>, vector<16xf32>,
        tpu.vector_store %arg13[%swap3A_1202, %swap3A_1203], %mul3A_1201 {strides = array<i32>} : memref<80x128xf32, #tpu.memory_space<vmem>>, vector<16xf32>,
        %get3A_1205 = arith.index_cast %add3A_1196 : i32 to index
        %get3A_1206 = arith.constant 16 : index
        %get3A_1207 = tpu.vector_load %arg13[%get3A_1205, %get3A_1206] {strides = array<i32>} : memref<80x128xf32, #tpu.memory_space<vmem>>, vector<16xf32>,
        %mul3A_1208 = vector.broadcast %squeeze3A_1192 : f32 to vector<16xf32>
        %mul3A_1209 = arith.mulf %get3A_1207, %mul3A_1208 : vector<16xf32>
        %swap3A_1210 = arith.index_cast %add3A_1196 : i32 to index
        %swap3A_1211 = arith.constant 16 : index
        %swap3A_1212 = tpu.vector_load %arg13[%swap3A_1210, %swap3A_1211] {strides = array<i32>} : memref<80x128xf32, #tpu.memory_space<vmem>>, vector<16xf32>,
        tpu.vector_store %arg13[%swap3A_1210, %swap3A_1211], %mul3A_1209 {strides = array<i32>} : memref<80x128xf32, #tpu.memory_space<vmem>>, vector<16xf32>,
        %get3A_1213 = arith.index_cast %add3A_1196 : i32 to index
        %get3A_1214 = arith.constant 32 : index
        %get3A_1215 = tpu.vector_load %arg13[%get3A_1213, %get3A_1214] {strides = array<i32>} : memref<80x128xf32, #tpu.memory_space<vmem>>, vector<16xf32>,
        %mul3A_1216 = vector.broadcast %squeeze3A_1192 : f32 to vector<16xf32>
        %mul3A_1217 = arith.mulf %get3A_1215, %mul3A_1216 : vector<16xf32>
        %swap3A_1218 = arith.index_cast %add3A_1196 : i32 to index
        %swap3A_1219 = arith.constant 32 : index
        %swap3A_1220 = tpu.vector_load %arg13[%swap3A_1218, %swap3A_1219] {strides = array<i32>} : memref<80x128xf32, #tpu.memory_space<vmem>>, vector<16xf32>,
        tpu.vector_store %arg13[%swap3A_1218, %swap3A_1219], %mul3A_1217 {strides = array<i32>} : memref<80x128xf32, #tpu.memory_space<vmem>>, vector<16xf32>,
        %get3A_1221 = arith.index_cast %add3A_1196 : i32 to index
        %get3A_1222 = arith.constant 48 : index
        %get3A_1223 = tpu.vector_load %arg13[%get3A_1221, %get3A_1222] {strides = array<i32>} : memref<80x128xf32, #tpu.memory_space<vmem>>, vector<16xf32>,
        %mul3A_1224 = vector.broadcast %squeeze3A_1192 : f32 to vector<16xf32>
        %mul3A_1225 = arith.mulf %get3A_1223, %mul3A_1224 : vector<16xf32>
        %swap3A_1226 = arith.index_cast %add3A_1196 : i32 to index
        %swap3A_1227 = arith.constant 48 : index
        %swap3A_1228 = tpu.vector_load %arg13[%swap3A_1226, %swap3A_1227] {strides = array<i32>} : memref<80x128xf32, #tpu.memory_space<vmem>>, vector<16xf32>,
        tpu.vector_store %arg13[%swap3A_1226, %swap3A_1227], %mul3A_1225 {strides = array<i32>} : memref<80x128xf32, #tpu.memory_space<vmem>>, vector<16xf32>,
        %get3A_1229 = arith.index_cast %add3A_1196 : i32 to index
        %get3A_1230 = arith.constant 64 : index
        %get3A_1231 = tpu.vector_load %arg13[%get3A_1229, %get3A_1230] {strides = array<i32>} : memref<80x128xf32, #tpu.memory_space<vmem>>, vector<16xf32>,
        %mul3A_1232 = vector.broadcast %squeeze3A_1192 : f32 to vector<16xf32>
        %mul3A_1233 = arith.mulf %get3A_1231, %mul3A_1232 : vector<16xf32>
        %swap3A_1234 = arith.index_cast %add3A_1196 : i32 to index
        %swap3A_1235 = arith.constant 64 : index
        %swap3A_1236 = tpu.vector_load %arg13[%swap3A_1234, %swap3A_1235] {strides = array<i32>} : memref<80x128xf32, #tpu.memory_space<vmem>>, vector<16xf32>,
        tpu.vector_store %arg13[%swap3A_1234, %swap3A_1235], %mul3A_1233 {strides = array<i32>} : memref<80x128xf32, #tpu.memory_space<vmem>>, vector<16xf32>,
        %get3A_1237 = arith.index_cast %add3A_1196 : i32 to index
        %get3A_1238 = arith.constant 80 : index
        %get3A_1239 = tpu.vector_load %arg13[%get3A_1237, %get3A_1238] {strides = array<i32>} : memref<80x128xf32, #tpu.memory_space<vmem>>, vector<16xf32>,
        %mul3A_1240 = vector.broadcast %squeeze3A_1192 : f32 to vector<16xf32>
        %mul3A_1241 = arith.mulf %get3A_1239, %mul3A_1240 : vector<16xf32>
        %swap3A_1242 = arith.index_cast %add3A_1196 : i32 to index
        %swap3A_1243 = arith.constant 80 : index
        %swap3A_1244 = tpu.vector_load %arg13[%swap3A_1242, %swap3A_1243] {strides = array<i32>} : memref<80x128xf32, #tpu.memory_space<vmem>>, vector<16xf32>,
        tpu.vector_store %arg13[%swap3A_1242, %swap3A_1243], %mul3A_1241 {strides = array<i32>} : memref<80x128xf32, #tpu.memory_space<vmem>>, vector<16xf32>,
        %get3A_1245 = arith.index_cast %add3A_1196 : i32 to index
        %get3A_1246 = arith.constant 96 : index
        %get3A_1247 = tpu.vector_load %arg13[%get3A_1245, %get3A_1246] {strides = array<i32>} : memref<80x128xf32, #tpu.memory_space<vmem>>, vector<16xf32>,
        %mul3A_1248 = vector.broadcast %squeeze3A_1192 : f32 to vector<16xf32>
        %mul3A_1249 = arith.mulf %get3A_1247, %mul3A_1248 : vector<16xf32>
        %swap3A_1250 = arith.index_cast %add3A_1196 : i32 to index
        %swap3A_1251 = arith.constant 96 : index
        %swap3A_1252 = tpu.vector_load %arg13[%swap3A_1250, %swap3A_1251] {strides = array<i32>} : memref<80x128xf32, #tpu.memory_space<vmem>>, vector<16xf32>,
        tpu.vector_store %arg13[%swap3A_1250, %swap3A_1251], %mul3A_1249 {strides = array<i32>} : memref<80x128xf32, #tpu.memory_space<vmem>>, vector<16xf32>,
        %get3A_1253 = arith.index_cast %add3A_1196 : i32 to index
        %get3A_1254 = arith.constant 112 : index
        %get3A_1255 = tpu.vector_load %arg13[%get3A_1253, %get3A_1254] {strides = array<i32>} : memref<80x128xf32, #tpu.memory_space<vmem>>, vector<16xf32>,
        %mul3A_1256 = vector.broadcast %squeeze3A_1192 : f32 to vector<16xf32>
        %mul3A_1257 = arith.mulf %get3A_1255, %mul3A_1256 : vector<16xf32>
        %swap3A_1258 = arith.index_cast %add3A_1196 : i32 to index
        %swap3A_1259 = arith.constant 112 : index
        %swap3A_1260 = tpu.vector_load %arg13[%swap3A_1258, %swap3A_1259] {strides = array<i32>} : memref<80x128xf32, #tpu.memory_space<vmem>>, vector<16xf32>,
        tpu.vector_store %arg13[%swap3A_1258, %swap3A_1259], %mul3A_1257 {strides = array<i32>} : memref<80x128xf32, #tpu.memory_space<vmem>>, vector<16xf32>,
      }
      %scan3A_137 = arith.constant 5 : i32
      "tpu.region"() ({
        %run_scoped3A = tpu.sem_alloc : memref<!tpu.dma_semaphore, #tpu.memory_space<semaphore_mem>>
        %dma_start3A_138 = arith.constant 0 : i32
        %dma_start3A_139 = arith.constant 0 : i32
        %dma_start3A_140 = tpu.memref_slice %arg18[%dma_start3A_138, %dma_start3A_139] : memref<10240x128xf32, #tpu.memory_space<vmem_shared>> -> memref<10240x128xf32, #tpu.memory_space<vmem_shared>>
        tpu.enqueue_indirect_dma source(%arg13 : memref<80x128xf32, #tpu.memory_space<vmem>>) target(%dma_start3A_140 : memref<10240x128xf32, #tpu.memory_space<vmem_shared>>) offsets(%arg11 : memref<80xi32, #tpu.memory_space<vmem>>) semaphore(%run_scoped3A : memref<!tpu.dma_semaphore, #tpu.memory_space<semaphore_mem>>) {add = true}
        %dma_wait3A_141 = arith.constant 0 : i32
        %dma_wait3A_142 = arith.constant 0 : i32
        %dma_wait3A_143 = tpu.memref_slice %arg18[%dma_wait3A_141, %dma_wait3A_142] : memref<10240x128xf32, #tpu.memory_space<vmem_shared>> -> memref<10240x128xf32, #tpu.memory_space<vmem_shared>>
        tpu.wait_indirect_dma semaphore(%run_scoped3A : memref<!tpu.dma_semaphore, #tpu.memory_space<semaphore_mem>>) src(%arg13 : memref<80x128xf32, #tpu.memory_space<vmem>>) dst(%dma_wait3A_143 : memref<10240x128xf32, #tpu.memory_space<vmem_shared>>)
        tpu.yield
      }) : () -> ()
    }
    %scan3A_49 = arith.constant 125 : i32
    %barrier3A_50 = arith.constant 0 : index
    tpu.barrier barrier_id(%barrier3A_50)
    "tpu.region"() ({
      %run_scoped3A = tpu.sem_alloc : memref<!tpu.dma_semaphore, #tpu.memory_space<semaphore_mem>>
      %dma_start3A = arith.constant 0 : i32
      %dma_start3A_53 = tpu.memref_slice %arg9[%add3A, %dma_start3A] : memref<32x10000xf32, #tpu.memory_space<hbm>> -> memref<1x10000xf32, #tpu.memory_space<hbm>>
      %dma_start3A_54 = tpu.memref_squeeze %dma_start3A_53 : memref<1x10000xf32, #tpu.memory_space<hbm>> -> memref<10000xf32, #tpu.memory_space<hbm>>
      %dma_start3A_55 = arith.constant 0 : i32
      %dma_start3A_56 = tpu.memref_slice %arg9[%add3A, %dma_start3A_55] : memref<32x10000xf32, #tpu.memory_space<hbm>> -> memref<1x10000xf32, #tpu.memory_space<hbm>>
      %dma_start3A_57 = tpu.memref_squeeze %dma_start3A_56 : memref<1x10000xf32, #tpu.memory_space<hbm>> -> memref<10000xf32, #tpu.memory_space<hbm>>
      tpu.enqueue_dma source(%arg16 : memref<10000xf32, #tpu.memory_space<vmem>>) target(%dma_start3A_57 : memref<10000xf32, #tpu.memory_space<hbm>>) target_semaphore(%run_scoped3A : memref<!tpu.dma_semaphore, #tpu.memory_space<semaphore_mem>>)
      %dma_wait3A = arith.constant 0 : i32
      %dma_wait3A_58 = tpu.memref_slice %arg9[%add3A, %dma_wait3A] : memref<32x10000xf32, #tpu.memory_space<hbm>> -> memref<1x10000xf32, #tpu.memory_space<hbm>>
      %dma_wait3A_59 = tpu.memref_squeeze %dma_wait3A_58 : memref<1x10000xf32, #tpu.memory_space<hbm>> -> memref<10000xf32, #tpu.memory_space<hbm>>
      %dma_wait3A_60 = arith.constant 0 : i32
      %dma_wait3A_61 = tpu.memref_slice %arg9[%add3A, %dma_wait3A_60] : memref<32x10000xf32, #tpu.memory_space<hbm>> -> memref<1x10000xf32, #tpu.memory_space<hbm>>
      %dma_wait3A_62 = tpu.memref_squeeze %dma_wait3A_61 : memref<1x10000xf32, #tpu.memory_space<hbm>> -> memref<10000xf32, #tpu.memory_space<hbm>>
      tpu.wait_dma2 semaphore(%run_scoped3A : memref<!tpu.dma_semaphore, #tpu.memory_space<semaphore_mem>>) src(%arg16 : memref<10000xf32, #tpu.memory_space<vmem>>) dst(%dma_wait3A_62 : memref<10000xf32, #tpu.memory_space<hbm>>)
      tpu.yield
    }) : () -> ()
    %mul3A_51 = arith.constant 640 : i32
    %mul3A_52 = arith.muli %arg1, %mul3A_51 : i32
    "tpu.region"() ({
      %run_scoped3A = tpu.sem_alloc : memref<!tpu.dma_semaphore, #tpu.memory_space<semaphore_mem>>
      %dma_start3A = arith.constant 0 : i32
      %dma_start3A_53 = tpu.memref_slice %arg8[%arg0, %mul3A_52, %dma_start3A] : memref<2x10240x128xf32, #tpu.memory_space<hbm>> -> memref<1x640x128xf32, #tpu.memory_space<hbm>>
      %dma_start3A_54 = tpu.memref_squeeze %dma_start3A_53 : memref<1x640x128xf32, #tpu.memory_space<hbm>> -> memref<640x128xf32, #tpu.memory_space<hbm>>
      %dma_start3A_55 = arith.constant 0 : i32
      %dma_start3A_56 = tpu.memref_slice %arg18[%mul3A_52, %dma_start3A_55] : memref<10240x128xf32, #tpu.memory_space<vmem_shared>> -> memref<640x128xf32, #tpu.memory_space<vmem_shared>>
      tpu.enqueue_dma source(%dma_start3A_56 : memref<640x128xf32, #tpu.memory_space<vmem_shared>>) target(%dma_start3A_54 : memref<640x128xf32, #tpu.memory_space<hbm>>) target_semaphore(%run_scoped3A : memref<!tpu.dma_semaphore, #tpu.memory_space<semaphore_mem>>)
      %dma_wait3A = arith.constant 0 : i32
      %dma_wait3A_57 = tpu.memref_slice %arg8[%arg0, %mul3A_52, %dma_wait3A] : memref<2x10240x128xf32, #tpu.memory_space<hbm>> -> memref<1x640x128xf32, #tpu.memory_space<hbm>>
      %dma_wait3A_58 = tpu.memref_squeeze %dma_wait3A_57 : memref<1x640x128xf32, #tpu.memory_space<hbm>> -> memref<640x128xf32, #tpu.memory_space<hbm>>
      %dma_wait3A_59 = arith.constant 0 : i32
      %dma_wait3A_60 = tpu.memref_slice %arg18[%mul3A_52, %dma_wait3A_59] : memref<10240x128xf32, #tpu.memory_space<vmem_shared>> -> memref<640x128xf32, #tpu.memory_space<vmem_shared>>
      tpu.wait_dma2 semaphore(%run_scoped3A : memref<!tpu.dma_semaphore, #tpu.memory_space<semaphore_mem>>) src(%dma_wait3A_60 : memref<640x128xf32, #tpu.memory_space<vmem_shared>>) dst(%dma_wait3A_58 : memref<640x128xf32, #tpu.memory_space<hbm>>)
      tpu.yield
    }) : () -> ()
    return
  }
}

module attributes {stable_mosaic.version = 14 : i64} {
  func.func @_logits_body(%arg0: memref<10000x128xf32, #tpu.memory_space<vmem>>, %arg1: memref<128x512xf32, #tpu.memory_space<vmem>>, %arg2: memref<512x2xf32, #tpu.memory_space<vmem>>, %arg3: memref<2x10000xf32, #tpu.memory_space<vmem>>, %arg4: memref<8x128xf32, #tpu.memory_space<vmem>>) attributes {dimension_semantics = [], scalar_prefetch = 0 : i64, scratch_operands = 0 : i64, tpu.core_type = #tpu.core_type<tc>} {
    %get3A = arith.constant 0 : index
    %get3A_0 = arith.constant 0 : index
    %get3A_1 = vector.load %arg2[%get3A, %get3A_0] : memref<512x2xf32, #tpu.memory_space<vmem>>, vector<512x2xf32>
    %get3A_2 = arith.constant 0 : index
    %get3A_3 = arith.constant 0 : index
    %get3A_4 = vector.load %arg1[%get3A_2, %get3A_3] : memref<128x512xf32, #tpu.memory_space<vmem>>, vector<128x512xf32>
    %dot_general3A = arith.constant dense<0.000000e+00> : vector<2x128xf32>
    %dot_general3A_5 = tpu.matmul %get3A_1, %get3A_4, %dot_general3A {dimension_numbers = #tpu.dot_dimension_numbers<[0], [1], [1], [0], [0, 1, 1, 0], [], []>, transpose_lhs_hint = false} : vector<512x2xf32>, vector<128x512xf32>, vector<2x128xf32> -> vector<2x128xf32>
    %get3A_6 = arith.constant 0 : index
    %get3A_7 = arith.constant 0 : index
    %get3A_8 = vector.load %arg0[%get3A_6, %get3A_7] : memref<10000x128xf32, #tpu.memory_space<vmem>>, vector<10000x128xf32>
    %dot_general3A_9 = arith.constant dense<0.000000e+00> : vector<2x10000xf32>
    %dot_general3A_10 = tpu.matmul %dot_general3A_5, %get3A_8, %dot_general3A_9 {dimension_numbers = #tpu.dot_dimension_numbers<[1], [1], [0], [0], [0, 0, 1, 0], [], []>, transpose_lhs_hint = false} : vector<2x128xf32>, vector<10000x128xf32>, vector<2x10000xf32> -> vector<2x10000xf32>
    %swap3A = arith.constant 0 : index
    %swap3A_11 = arith.constant 0 : index
    %swap3A_12 = vector.load %arg3[%swap3A, %swap3A_11] : memref<2x10000xf32, #tpu.memory_space<vmem>>, vector<2x10000xf32>
    tpu.vector_store %arg3[%swap3A, %swap3A_11], %dot_general3A_10 {strides = array<i32>} : memref<2x10000xf32, #tpu.memory_space<vmem>>, vector<2x10000xf32>,
    %slice3A = vector.extract_strided_slice %dot_general3A_10 {offsets = [0, 0], sizes = [1, 10000], strides = [1, 1]} : vector<2x10000xf32> to vector<1x10000xf32>
    %squeeze3A = vector.shape_cast %slice3A : vector<1x10000xf32> to vector<10000xf32>
    %reduce_max3A = vector.shape_cast %squeeze3A : vector<10000xf32> to vector<1x10000xf32>
    %reduce_max3A_13 = arith.constant dense<0xFF800000> : vector<1xf32>
    %reduce_max3A_14 = vector.multi_reduction <maximumf>, %reduce_max3A, %reduce_max3A_13 [1] : vector<1x10000xf32> to vector<1xf32>
    %reduce_max3A_15 = vector.shape_cast %reduce_max3A_14 : vector<1xf32> to vector<1x1xf32>
    %reduce_max3A_16 = vector.extract %reduce_max3A_15[0, 0] : f32 from vector<1x1xf32>
    %slice3A_17 = vector.extract_strided_slice %dot_general3A_10 {offsets = [1, 0], sizes = [1, 10000], strides = [1, 1]} : vector<2x10000xf32> to vector<1x10000xf32>
    %squeeze3A_18 = vector.shape_cast %slice3A_17 : vector<1x10000xf32> to vector<10000xf32>
    %reduce_max3A_19 = vector.shape_cast %squeeze3A_18 : vector<10000xf32> to vector<1x10000xf32>
    %reduce_max3A_20 = arith.constant dense<0xFF800000> : vector<1xf32>
    %reduce_max3A_21 = vector.multi_reduction <maximumf>, %reduce_max3A_19, %reduce_max3A_20 [1] : vector<1x10000xf32> to vector<1xf32>
    %reduce_max3A_22 = vector.shape_cast %reduce_max3A_21 : vector<1xf32> to vector<1x1xf32>
    %reduce_max3A_23 = vector.extract %reduce_max3A_22[0, 0] : f32 from vector<1x1xf32>
    %add3A = arith.addf %reduce_max3A_16, %reduce_max3A_23 : f32
    %max3A = arith.constant 0.000000e+00 : f32
    %max3A_24 = arith.maximumf %add3A, %max3A : f32
    %broadcast_in_dim3A = vector.broadcast %max3A_24 : f32 to vector<8x128xf32>
    %swap3A_25 = arith.constant 0 : index
    %swap3A_26 = arith.constant 0 : index
    %swap3A_27 = vector.load %arg4[%swap3A_25, %swap3A_26] : memref<8x128xf32, #tpu.memory_space<vmem>>, vector<8x128xf32>
    tpu.vector_store %arg4[%swap3A_25, %swap3A_26], %broadcast_in_dim3A {strides = array<i32>} : memref<8x128xf32, #tpu.memory_space<vmem>>, vector<8x128xf32>,
    return
  }
}

module attributes {stable_mosaic.version = 14 : i64} {
  func.func @_tail_body(%arg0: i32, %arg1: memref<1000x128xf32, #tpu.memory_space<vmem>>, %arg2: memref<1000x128xf32, #tpu.memory_space<vmem>>, %arg3: memref<1000x32xf32, #tpu.memory_space<vmem>>, %arg4: memref<128x512xf32, #tpu.memory_space<vmem>>, %arg5: memref<512x128xf32, #tpu.memory_space<vmem>>, %arg6: memref<1000x128xf32, #tpu.memory_space<vmem>>) attributes {dimension_semantics = [#tpu.dimension_semantics<arbitrary>], iteration_bounds = array<i64: 10>, scalar_prefetch = 0 : i64, scratch_operands = 0 : i64, tpu.core_type = #tpu.core_type<tc>, window_params = [{transform_indices = @transform_0, window_bounds = array<i64: 1000, 128>}, {transform_indices = @transform_1, window_bounds = array<i64: 1000, 128>}, {transform_indices = @transform_2, window_bounds = array<i64: 1000, 32>}, {pipeline_mode = #tpu.pipeline_mode<synchronous>, transform_indices = @transform_3, window_bounds = array<i64: 128, 512>}, {pipeline_mode = #tpu.pipeline_mode<synchronous>, transform_indices = @transform_4, window_bounds = array<i64: 512, 128>}, {transform_indices = @transform_5, window_bounds = array<i64: 1000, 128>}]} {
    %get3A = arith.constant 0 : index
    %get3A_0 = arith.constant 0 : index
    %get3A_1 = vector.load %arg1[%get3A, %get3A_0] : memref<1000x128xf32, #tpu.memory_space<vmem>>, vector<1000x128xf32>
    %get3A_2 = arith.constant 0 : index
    %get3A_3 = arith.constant 0 : index
    %get3A_4 = vector.load %arg2[%get3A_2, %get3A_3] : memref<1000x128xf32, #tpu.memory_space<vmem>>, vector<1000x128xf32>
    %add3A = arith.addf %get3A_1, %get3A_4 : vector<1000x128xf32>
    %get3A_5 = arith.constant 0 : index
    %get3A_6 = arith.constant 0 : index
    %get3A_7 = vector.load %arg3[%get3A_5, %get3A_6] : memref<1000x32xf32, #tpu.memory_space<vmem>>, vector<1000x32xf32>
    %reduce_sum3A = arith.constant dense<0.000000e+00> : vector<1000xf32>
    %reduce_sum3A_8 = vector.multi_reduction <add>, %get3A_7, %reduce_sum3A [1] : vector<1000x32xf32> to vector<1000xf32>
    %add3A_9 = arith.constant 1.000000e-16 : f32
    %add3A_10 = vector.broadcast %add3A_9 : f32 to vector<1000xf32>
    %add3A_11 = arith.addf %reduce_sum3A_8, %add3A_10 : vector<1000xf32>
    %broadcast_in_dim3A = vector.shape_cast %add3A_11 : vector<1000xf32> to vector<1000x1xf32>
    %div3A = vector.broadcast %broadcast_in_dim3A : vector<1000x1xf32> to vector<1000x128xf32>
    %div3A_12 = arith.divf %add3A, %div3A : vector<1000x128xf32>
    %get3A_13 = arith.constant 0 : index
    %get3A_14 = arith.constant 0 : index
    %get3A_15 = vector.load %arg4[%get3A_13, %get3A_14] : memref<128x512xf32, #tpu.memory_space<vmem>>, vector<128x512xf32>
    %dot_general3A = arith.constant dense<0.000000e+00> : vector<1000x512xf32>
    %dot_general3A_16 = tpu.matmul %div3A_12, %get3A_15, %dot_general3A {dimension_numbers = #tpu.dot_dimension_numbers<[1], [0], [0], [1], [0, 0, 1, 1], [], []>, transpose_lhs_hint = false} : vector<1000x128xf32>, vector<128x512xf32>, vector<1000x512xf32> -> vector<1000x512xf32>
    %gt3A = arith.constant 0.000000e+00 : f32
    %gt3A_17 = vector.broadcast %gt3A : f32 to vector<1000x512xf32>
    %gt3A_18 = arith.cmpf ogt, %dot_general3A_16, %gt3A_17 : vector<1000x512xf32>
    %exp3A = math.exp %dot_general3A_16 : vector<1000x512xf32>
    %sub3A = arith.constant 1.000000e+00 : f32
    %sub3A_19 = vector.broadcast %sub3A : f32 to vector<1000x512xf32>
    %sub3A_20 = arith.subf %exp3A, %sub3A_19 : vector<1000x512xf32>
    %select_n3A = arith.select %gt3A_18, %dot_general3A_16, %sub3A_20 : vector<1000x512xi1>, vector<1000x512xf32>
    %get3A_21 = arith.constant 0 : index
    %get3A_22 = arith.constant 0 : index
    %get3A_23 = vector.load %arg5[%get3A_21, %get3A_22] : memref<512x128xf32, #tpu.memory_space<vmem>>, vector<512x128xf32>
    %dot_general3A_24 = arith.constant dense<0.000000e+00> : vector<1000x128xf32>
    %dot_general3A_25 = tpu.matmul %select_n3A, %get3A_23, %dot_general3A_24 {dimension_numbers = #tpu.dot_dimension_numbers<[1], [0], [0], [1], [0, 0, 1, 1], [], []>, transpose_lhs_hint = false} : vector<1000x512xf32>, vector<512x128xf32>, vector<1000x128xf32> -> vector<1000x128xf32>
    %mul3A = arith.mulf %dot_general3A_25, %dot_general3A_25 : vector<1000x128xf32>
    %reduce_sum3A_26 = arith.constant dense<0.000000e+00> : vector<1000xf32>
    %reduce_sum3A_27 = vector.multi_reduction <add>, %mul3A, %reduce_sum3A_26 [1] : vector<1000x128xf32> to vector<1000xf32>
    %broadcast_in_dim3A_28 = vector.shape_cast %reduce_sum3A_27 : vector<1000xf32> to vector<1000x1xf32>
    %sqrt3A = math.sqrt %broadcast_in_dim3A_28 : vector<1000x1xf32>
    %add3A_29 = arith.constant 9.99999996E-13 : f32
    %add3A_30 = vector.broadcast %add3A_29 : f32 to vector<1000x1xf32>
    %add3A_31 = arith.addf %sqrt3A, %add3A_30 : vector<1000x1xf32>
    %div3A_32 = vector.broadcast %add3A_31 : vector<1000x1xf32> to vector<1000x128xf32>
    %div3A_33 = arith.divf %dot_general3A_25, %div3A_32 : vector<1000x128xf32>
    %swap3A = arith.constant 0 : index
    %swap3A_34 = arith.constant 0 : index
    %swap3A_35 = vector.load %arg6[%swap3A, %swap3A_34] : memref<1000x128xf32, #tpu.memory_space<vmem>>, vector<1000x128xf32>
    tpu.vector_store %arg6[%swap3A, %swap3A_34], %div3A_33 {strides = array<i32>} : memref<1000x128xf32, #tpu.memory_space<vmem>>, vector<1000x128xf32>,
    return
  }
  func.func @transform_0(%arg0: i32) -> (i32, i32) {
    %c0_i32 = arith.constant 0 : i32
    %c0_i32_0 = arith.constant 0 : i32
    return %arg0, %c0_i32 : i32, i32
  }
  func.func @transform_1(%arg0: i32) -> (i32, i32) {
    %c0_i32 = arith.constant 0 : i32
    %c0_i32_0 = arith.constant 0 : i32
    return %arg0, %c0_i32 : i32, i32
  }
  func.func @transform_2(%arg0: i32) -> (i32, i32) {
    %c0_i32 = arith.constant 0 : i32
    %c0_i32_0 = arith.constant 0 : i32
    return %arg0, %c0_i32 : i32, i32
  }
  func.func @transform_3(%arg0: i32) -> (i32, i32) {
    %c0_i32 = arith.constant 0 : i32
    %c0_i32_0 = arith.constant 0 : i32
    %c0_i32_1 = arith.constant 0 : i32
    return %c0_i32, %c0_i32_0 : i32, i32
  }
  func.func @transform_4(%arg0: i32) -> (i32, i32) {
    %c0_i32 = arith.constant 0 : i32
    %c0_i32_0 = arith.constant 0 : i32
    %c0_i32_1 = arith.constant 0 : i32
    return %c0_i32, %c0_i32_0 : i32, i32
  }
  func.func @transform_5(%arg0: i32) -> (i32, i32) {
    %c0_i32 = arith.constant 0 : i32
    %c0_i32_0 = arith.constant 0 : i32
    return %arg0, %c0_i32 : i32, i32
  }
}

</mosaic_0001>

<sc_bundles>
// kernel: kernel.11.cloned.1.call-start
scs
__scs_entry_jumppad:
0x0: {  	(pc) =	sbr.rel $0x88, $3  }
0x1: {  	(tag) =	ssettag $0x0;
	lr =	simm.s32 $0x1  }
0x2: {  	[smem:$0x3F99] =	sst lr;
	_ =	strace $0xD0000000  }
0x3: {  	_ = 	snop  }
0x4: {  	_ = 	snop  }
0x5: {  	_ = 	snop  }
0x6: {  	_ = 	snop  }
0x7: {  	_ = 	snop  }
__scs_overlays_trampoline_lowered:
0x8: {  	[smem:$0x3FA8] =	sst s0  }
0x9: {  	[smem:$0x3FA9] =	sst s1  }
0xa: {  	[smem:$0x3FAA] =	sst s2  }
0xb: {  	[smem:$0x3FAB] =	sst s3  }
0xc: {  	[smem:$0x3FAC] =	sst s4  }
0xd: {  	[smem:$0x3FAD] =	sst s5  }
0xe: {  	[smem:$0x3FAE] =	sst s6  }
0xf: {  	[smem:$0x3FAF] =	sst s7  }
0x10: {  	[smem:$0x3FB0] =	sst s8  }
0x11: {  	[smem:$0x3FB1] =	sst s9;
	s0 =	simm.s32 @!p0 $0x0  }
0x12: {  	s1 =	sld [smem:$0x3F97];
	s0 =	simm.s32 @p0 $0x1  }
0x13: {  	[smem:$0x3FB2] =	sst s0;
	s0 =	simm.s32 @!p1 $0x0  }
0x14: {  	s2 =	sld [smem:$0x3F96];
	s0 =	simm.s32 @p1 $0x1  }
0x15: {  	[smem:$0x3FB3] =	sst s0;
	s0 =	simm.s32 @!p2 $0x0  }
0x16: {  	s3 =	sld [smem:$0x3FDB];
	s0 =	simm.s32 @p2 $0x1  }
0x17: {  	s4 =	simm.s32 $0x1BF5;
	[smem:$0x3FB5] =	sst s0  }
0x18: {  	s0 =	sld [smem:$0x3F98];
	_ =	swait.ge [sflag:s4], $0x0  }
0x19: {  	s7 =	sld [smem:$0x3F99]  }
0x1a: {  	s8 =	sadd.s32 $0xFFFFE003, lr  }
0x1b: {  	s9 =	sadd.s32 $0xFFFFFEF7, lr;
	s5 =	simm.s32 $0xFFFFFFFF;
	p2 =	slt.u32 s8, $0xFFFFF086  }
0x1c: {  	p1 =	slt.u32 s9, $0xF7A;
	s5 =	simm.s32 @!p2 $0x0  }
0x1d: {  	s5 =	simm.s32 @p1 $0x1;
	p0 =	seq.s32 s7, s2  }
0x1e: {  	s7 =	smul.u32 @!p0 $0xF7A, s2;
	p2 =	seq.s32 @!p0 s5, $0x0  }
0x1f: {  	s9 =	smul.u32 $0xF7A, s1;
	s8 =	simm.s32 @!p0 $0x1BF5;
	p2 =	por !p2, p0  }
0x20: {  	[sflag:s8] =	ssyncset.s32 @!p0 $0xFFFFF086;
	s6 =	sadd.s32 @!p0 s3, s7;
	s7 =	simm.s32 @!p0 $0x108  }
0x21: {  	s3 =	sadd.s32 s3, s9;
	s6 =	sadd.s32 @!p0 $0x88, s6;
	s7 =	simm.s32 @p2 $0x1082  }
0x22: {  	[simem:s7], [sflag:s8] =	dma.local @!p0 [hbm:s6], $0xF7A  }
0x23: {  	s9 =	sor.u32 $0xD0000000, s2;
	s6 =	simm.s32 $0x108;
	_ =	swait.ge @!p0 [sflag:s8], $0x0  }
0x24: {  	s3 =	sadd.s32 $0x88, s3;
	s6 =	simm.s32 @!p1 $0x1082;
	[sflag:s4] =	ssyncset.s32 $0xFFFFF086  }
0x25: {  	[simem:s6], [sflag:s4] =	dma.local [hbm:s3], $0xF7A  }
0x26: {  	[smem:$0x3F99] =	sst s1;
	(tag) =	ssettag s2;
	_ =	strace s9  }
0x27: {  	s1 =	sld [smem:$0x3FA9]  }
0x28: {  	s2 =	sld [smem:$0x3FAA]  }
0x29: {  	s4 =	sld [smem:$0x3FAC]  }
0x2a: {  	p0 =	seq.s32 s5, $0x0;
	s5 =	sld [smem:$0x3FAD]  }
0x2b: {  	s6 =	sld [smem:$0x3FAE]  }
0x2c: {  	s7 =	sld [smem:$0x3FAF]  }
0x2d: {  	s3 =	simm.s32 $0x108;
	s8 =	sld [smem:$0x3FB0]  }
0x2e: {  	s3 =	simm.s32 @!p0 $0x1082;
	s9 =	sld [smem:$0x3FB1]  }
0x2f: {  	lr =	sadd.s32 s0, s3;
	s0 =	sld [smem:$0x3FA8]  }
0x30: {  	s3 =	sld [smem:$0x3FAB]  }
0x31: {  	[smem:$0x3FB4] =	sst s10  }
0x32: {  	s10 =	sld [smem:$0x3FB2];
	_ =	sdelay $0x3  }
0x33: {  	p0 =	seq.s32 s10, $0x1;
	s10 =	sld [smem:$0x3FB4];
	_ =	sdelay $0x3  }
0x34: {  	[smem:$0x3FB4] =	sst s10  }
0x35: {  	s10 =	sld [smem:$0x3FB3];
	_ =	sdelay $0x3  }
0x36: {  	p1 =	seq.s32 s10, $0x1;
	s10 =	sld [smem:$0x3FB4];
	_ =	sdelay $0x3  }
0x37: {  	[smem:$0x3FB4] =	sst s10  }
0x38: {  	s10 =	sld [smem:$0x3FB5]  }
0x39: {  	_ = 	snop;
	(pc) =	sbr.ind lr, $3  }
0x3a: {  	_ = 	snop  }
0x3b: {  	_ = 	snop  }
0x3c: {  	p2 =	seq.s32 s10, $0x1;
	s10 =	sld [smem:$0x3FB4]  }
0x3d: {  	_ =	shalt  }
0x3e: {  	_ =	shalt  }
0x3f: {  	_ =	shalt  }
0x40: {  	_ =	shalt  }
0x41: {  	_ =	shalt  }
0x42: {  	_ =	shalt  }
0x43: {  	_ =	shalt  }
0x44: {  	_ =	shalt  }
0x45: {  	_ =	shalt  }
0x46: {  	_ =	shalt  }
0x47: {  	_ =	shalt  }
0x48: {  	_ =	shalt  }
0x49: {  	_ =	shalt  }
0x4a: {  	_ =	shalt  }
0x4b: {  	_ =	shalt  }
0x4c: {  	_ =	shalt  }
0x4d: {  	_ =	shalt  }
0x4e: {  	_ =	shalt  }
0x4f: {  	_ =	shalt  }
0x50: {  	_ =	shalt  }
0x51: {  	_ =	shalt  }
0x52: {  	_ =	shalt  }
0x53: {  	_ =	shalt  }
0x54: {  	_ =	shalt  }
0x55: {  	_ =	shalt  }
0x56: {  	_ =	shalt  }
0x57: {  	_ =	shalt  }
0x58: {  	_ =	shalt  }
0x59: {  	_ =	shalt  }
0x5a: {  	_ =	shalt  }
0x5b: {  	_ =	shalt  }
0x5c: {  	_ =	shalt  }
0x5d: {  	_ =	shalt  }
0x5e: {  	_ =	shalt  }
0x5f: {  	_ =	shalt  }
0x60: {  	_ =	shalt  }
0x61: {  	_ =	shalt  }
0x62: {  	_ =	shalt  }
0x63: {  	_ =	shalt  }
0x64: {  	_ =	shalt  }
0x65: {  	_ =	shalt  }
0x66: {  	_ =	shalt  }
0x67: {  	_ =	shalt  }
0x68: {  	_ =	shalt  }
0x69: {  	_ =	shalt  }
0x6a: {  	_ =	shalt  }
0x6b: {  	_ =	shalt  }
0x6c: {  	_ =	shalt  }
0x6d: {  	_ =	shalt  }
0x6e: {  	_ =	shalt  }
0x6f: {  	_ =	shalt  }
0x70: {  	_ =	shalt  }
0x71: {  	_ =	shalt  }
0x72: {  	_ =	shalt  }
0x73: {  	_ =	shalt  }
0x74: {  	_ =	shalt  }
0x75: {  	_ =	shalt  }
0x76: {  	_ =	shalt  }
0x77: {  	_ =	shalt  }
0x78: {  	_ =	shalt  }
0x79: {  	_ =	shalt  }
0x7a: {  	_ =	shalt  }
0x7b: {  	_ =	shalt  }
0x7c: {  	_ =	shalt  }
0x7d: {  	_ =	shalt  }
0x7e: {  	_ =	shalt  }
0x7f: {  	_ =	shalt  }
0x80: {  	_ =	shalt  }
0x81: {  	_ =	shalt  }
0x82: {  	_ =	shalt  }
0x83: {  	_ =	shalt  }
0x84: {  	_ =	shalt  }
0x85: {  	_ =	shalt  }
0x86: {  	_ =	shalt  }
0x87: {  	_ =	shalt  }
.Lfunc_end0:
.L_simem_size_0:
called_computation.1_lowered:
.L_overlay_start_0:
0x88: {  	s2 =	sld [smem:$0x3FD9]  }
0x89: {  	s3 =	sld [smem:$0x3FFE];
	_ =	sdelay $0x1  }
0x8a: {  	s1 =	srdreg.scid  }
0x8b: {  	s0 =	sand.u32 $0x1, s1  }
0x8c: {  	s14 =	sshll.u32 s0, $0xA;
	s2 =	sadd.s32 s3, s2  }
0x8d: {  	s2 =	sadd.s32 s2, s14  }
0x8e: {  	[smem:$0x3FC0] =	sst s2  }
0x8f: {  	_ = 	snop  }
0x90: {  	s2 =	sld [smem:$0x3FD0];
	_ =	sdelay $0x2  }
0x91: {  	s4 =	simm.s32 $0xB;
	s5 =	simm.s32 $0x10;
	s15 =	sld [smem:$0x3FC6]  }
0x92: {  	[smem:s5], [sflag:s4] =	dma.local [hbm:s2], $0x1  }
0x93: {  	_ =	swait.eq [sflag:s4], $0x1  }
0x94: {  	[sflag:s4] =	ssyncset.done $0x0  }
0x95: {  	[sflag:s4] =	ssyncadd.s32 $0xFFFFFFFF  }
0x96: {  	s16 =	sld [smem:$0x10];
	(tm) =	ssettm $0x1  }
0x97: {  	s17 =	sld [smem:$0x3FFB];
	_ =	sdelay $0x3  }
0x98: {  	_ =	strace s17  }
0x99: {  	s4 =	sld [smem:$0x3FFC];
	_ =	sdelay $0x3  }
0x9a: {  	_ =	strace s4  }
0x9b: {  	s4 =	sld [smem:$0x3FFD];
	_ =	sdelay $0x3  }
0x9c: {  	_ =	strace s4  }
0x9d: {  	_ =	strace $0x8FFFFFFF  }
0x9e: {  	s18 =	sld [smem:$0x3FDB];
	_ =	sdelay $0x1  }
0x9f: {  	s19 =	simm.s32 $_scs_section_size  }
0xa0: {  	s6 =	simm.s32 $_size__tile_overlayer_lowered;
	s7 =	simm.s32 $_tile_overlayer_lowered  }
0xa1: {  	s22 =	simm.s32 $0x1BFF;
	s21 =	sshll.u32 s7, $0x1;
	s4 =	sadd.s32 s19, s18  }
0xa2: {  	s8 =	simm.s32 $0x0;
	s20 =	sshll.u32 s6, $0x1;
	s6 =	sadd.s32 s21, s4  }
0xa3: {  	[timem:s8], [sflag:s22] =	dma.local [hbm:s6], s20  }
0xa4: {  	_ =	swait.ge [sflag:s22], s20  }
0xa5: {  	s5 =	ssub.s32 $0x0, s20;
	[sflag:s22] =	ssyncset.done $0x0  }
0xa6: {  	[sflag:s22] =	ssyncadd.s32 s5;
	_ =	sdelay $0x1  }
0xa7: {  	s23 =	simm.s32 $0x1B8B  }
0xa8: {  	_ =	swait.ge [sflag:s23], $0x1  }
0xa9: {  	[sflag:s23] =	ssyncset.done $0x0  }
0xaa: {  	s25 =	simm.s32 $0x1B8E;
	s24 =	sld [smem:$0x3FFE];
	[sflag:s23] =	ssyncadd.s32 $0xFFFFFFFF  }
0xab: {  	s26 =	simm.s32 $execute0_lowered;
	[smem:$0x3FD2] =	sst s25  }
0xac: {  	s6 =	sshll.u32 s26, $0x1;
	_ =	strace $0x80000046;
	[dreg:$0x1] =	wrdreg $0xFFFFFFFF  }
0xad: {  	s28 =	simm.s32 $_size_execute0_lowered;
	s4 =	sadd.s32 s4, s6;
	[dreg:$0x0] =	wrdreg $0x0  }
0xae: {  	s6 =	sshll.u32 s28, $0x1;
	[dreg:$0x2] =	wrdreg s4  }
0xaf: {  	[dreg:$0x3] =	wrdreg s6  }
0xb0: {  	[dreg:$0x4] =	wrdreg $0xC0  }
0xb1: {  	_ =	task [dreg:s8], $0x5FFFF  }
0xb2: {  	[dreg:$0x1] =	wrdreg $0xFFFFFFFF  }
0xb3: {  	[dreg:$0x0] =	wrdreg $0x60  }
0xb4: {  	[dreg:$0x2] =	wrdreg s24  }
0xb5: {  	[dreg:$0x3] =	wrdreg s15  }
0xb6: {  	[dreg:$0x4] =	wrdreg s16  }
0xb7: {  	[dreg:$0x5] =	wrdreg $0xA4000  }
0xb8: {  	[dreg:$0x6] =	wrdreg $0xA  }
0xb9: {  	_ =	task.clear_ibuf [dreg:s8], $0x7FFFF;
	_ =	strace $0x90000046  }
0xba: {  	s29 =	simm.s32 $0xA;
	_ =	strace $0x80000048  }
0xbb: {  	_ =	swait.ge [sflag:s29], $0x1  }
0xbc: {  	[sflag:s29] =	ssyncadd.s32 $0xFFFFFFFF  }
0xbd: {  	_ =	strace $0x90000048  }
0xbe: {  	_ =	sfence  }
0xbf: {  	s30 =	sld [smem:$0x0];
	_ =	sdelay $0x2  }
0xc0: {  	s31 =	sshll.u32 s1, $0xD;
	s1 =	sshrl.u32 s1, $0x2  }
0xc1: {  	s3 =	sand.u32 $0x4000, s31;
	s1 =	sadd.s32 s1, s30  }
0xc2: {  	s0 =	sor.u32 s3, s0;
	s1 =	sshll.u32 s1, $0x11  }
0xc3: {  	s0 =	sor.u32 s1, s0  }
0xc4: {  	s0 =	sadd.s32 $0x8F2B, s0  }
0xc5: {  	[sflag:s0] =	ssyncadd.remote.s32 $0x1  }
0xc6: {  	_ =	sfence.sel $0xFFFF  }
0xc7: {  	[dreg:$0x0] =	wrdreg $0xFFFFFFFF;
	(pc) =	sbr.abs _section_cstart, $3  }
0xc8: {  	[dreg:$0x1] =	wrdreg $0xFFFFFFFF  }
0xc9: {  	_ =	task.clear_ibuf [dreg:s8], $0x2FFFF;
	_ =	strace $0x9FFFFFFF  }
0xca: {  	(tm) =	ssettm $0x7FFFFFFF  }
0xcb: {  	_ =	shalt  }
tec
execute0_lowered:
.L_overlay_start_1:
0x0: {  	(tag) =	ssettag $0x1  }
0x1: {  	s0 =	rddreg [dreg:$0x0]  }
0x2: {  	s1 =	rddreg [dreg:$0x1]  }
0x3: {  	s3 =	rddreg [dreg:$0x2]  }
0x4: {  	s2 =	rddreg [dreg:$0x3]  }
0x5: {  	s4 =	srdreg.scid;
	s12 =	stileid.u32  }
0x6: {  	s28 =	simm.s32 $0x80;
	s29 =	simm.s32 $0x7880;
	s30 =	simm.s32 $0x50  }
0x7: {  	s31 =	simm.s32 $0x1;
	s7 =	sand.u32 $0x1, s4;
	s4 =	simm.s32 $0x0  }
0x8: {  	s9 =	smul.u32 $0x14000, s12;
	s5 =	sadd.s32 $0xB800, s0;
	s6 =	sadd.s32 $0x1A00, s0  }
0x9: {  	s10 =	sadd.s32 $0x1400, s0;
	s22 =	sadd.s32 $0xE00, s0;
	s11 =	smul.u32 $0x50000, s12  }
0xa: {  	s24 =	sadd.s32 $0xC00, s0;
	s26 =	sshll.u32 s12, $0x1;
	s12 =	sshrl.u32 s12, $0x2  }
0xb: {  	s8 =	smul.u32 $0x140000, s7;
	[smem:$0x7FF] =	sst s4;
	s23 =	ssub.s32 $0x2, s7  }
0xc: {  	s7 =	sor.u32 s7, s26;
	_ =	strace $0x80000047;
	[dreg:$0x5] =	wrdreg s10  }
0xd: {  	s16 =	smul.u32 $0x13C00, s12;
	s26 =	simm.s32 $0x180;
	[dreg:$0x6] =	wrdreg s22  }
0xe: {  	[dreg:$0x7] =	wrdreg s24;
	s25 =	sshrl.u32 s23, $0x1;
	s11 =	sshrl.u32 s11, $0x2  }
0xf: {  	s14 =	sshll.u32 s7, $0x7;
	s22 =	simm.s32 $0x2980;
	s24 =	simm.s32 $0x5100  }
0x10: {  	s8 =	sadd.s32 s9, s8;
	s10 =	sadd.s32 s11, s2;
	s17 =	sand.u32 $0x380, s14  }
0x11: {  	s8 =	sshrl.u32 s8, $0x3;
	s11 =	sadd.s32 $0x2800, s10;
	s12 =	sadd.s32 $0x5000, s10  }
0x12: {  	s13 =	sadd.s32 $0x7800, s10;
	s14 =	sadd.s32 $0xA000, s10;
	s15 =	sadd.s32 $0xC800, s10  }
0x13: {  	s18 =	sor.u32 s16, s17;
	s16 =	sadd.s32 $0xF000, s10;
	s17 =	sadd.s32 $0x11800, s10  }
0x14: {  	s0 =	sadd.s32 s8, s0;
	s8 =	ssub.s32 s23, s25;
	s19 =	sshrl.u32 s18, $0x3  }
0x15: {  	s18 =	smul.u32 $0x2710, s7;
	s23 =	simm.s32 $0x2;
	s25 =	simm.s32 $0x0  }
0x16: {  	v0 =	vimm.f32 $0.0e+00;
	s19 =	sadd.s32 s3, s19;
	s20 =	sadd.s32 $0x15600, s0;
	s21 =	smax.u32 s8, $0x1  }
.LBB2_1:
0x17: {  	s0 =	rddreg [dreg:$0x5]  }
0x18: {  	[tilespmem:s22], [sflag:$0x2] =	stream.linear.gather [hbm4b:s0+s4], $0x2780, $0x38;
	[tilespmem:$0x1E400] =	vst v63  }
0x19: {  	_ =	swait.ge [sflag:s23], $0x2780  }
0x1a: {  	[sflag:s23] =	ssyncset.done $0x0  }
0x1b: {  	s8 =	rddreg [dreg:$0x6];
	[sflag:s23] =	ssyncadd.s32 $0xFFFFD880  }
0x1c: {  	[tilespmem:s24], [sflag:$0x2] =	stream.linear.gather [hbm4b:s8+s4], $0x2780, $0x38;
	[tilespmem:$0x1E400] =	vst v63  }
0x1d: {  	_ =	swait.ge [sflag:s23], $0x2780  }
0x1e: {  	[sflag:s23] =	ssyncset.done $0x0  }
0x1f: {  	s3 =	simm.s32 $0xA000;
	s9 =	rddreg [dreg:$0x7];
	[sflag:s23] =	ssyncadd.s32 $0xFFFFD880  }
0x20: {  	[tilespmem:s3], [sflag:$0x2] =	stream.linear.gather [hbm4b:s9+s4], $0x400, $0x38;
	[tilespmem:$0x1E400] =	vst v63  }
0x21: {  	_ =	swait.ge [sflag:s23], $0x400  }
0x22: {  	[sflag:s23] =	ssyncset.done $0x0  }
0x23: {  	[sflag:s23] =	ssyncadd.s32 $0xFFFFFC00  }
0x24: {  	s0 =	simm.s32 $0x0;
	v1 =	vld [tilespmem:$0xA000]  }
.LBB2_2:
0x25: {  	p0 =	sne.s32 s0, $0x9C00  }
.Ltmp0:
0x26: {  	_ = 	snop;
	(pc) =	sbr.rel @p0 .LBB2_2-.Ltmp0, $3  }
0x27: {  	_ =	sdelay $0x1  }
0x28: {  	s3 =	sshra.s32 s0, $0x2  }
0x29: {  	s0 =	sadd.s32 $0x40, s0;
	[tilespmem:s3+$0x7880] =	vst v0  }
0x2a: {  	s0 =	simm.s32 $0x0;
	s3 =	simm.s32 $0x200  }
.LBB2_4:
0x2b: {  	p0 =	sne.s32 s3, $0x9E00;
	[tilespmem:s0+$0x1F0] =	vst v0  }
0x2c: {  	[tilespmem:s0+$0x180] =	vst v0  }
0x2d: {  	[tilespmem:s0+$0x190] =	vst v0  }
.Ltmp1:
0x2e: {  	[tilespmem:s0+$0x1A0] =	vst v0;
	(pc) =	sbr.rel @p0 .LBB2_4-.Ltmp1, $4  }
0x2f: {  	[tilespmem:s0+$0x1B0] =	vst v0  }
0x30: {  	[tilespmem:s0+$0x1C0] =	vst v0  }
0x31: {  	[tilespmem:s0+$0x1D0] =	vst v0  }
0x32: {  	[tilespmem:s0+$0x1E0] =	vst v0;
	s0 =	sshra.s32 s3, $0x2;
	s3 =	sadd.s32 $0x200, s3  }
0x33: {  	[tilespmem:s0+$0x1F0] =	vst v0  }
0x34: {  	[tilespmem:s0+$0x180] =	vst v0  }
0x35: {  	[tilespmem:s0+$0x190] =	vst v0  }
0x36: {  	[tilespmem:s0+$0x1A0] =	vst v0  }
0x37: {  	[tilespmem:s0+$0x1B0] =	vst v0  }
0x38: {  	[tilespmem:s0+$0x1C0] =	vst v0  }
0x39: {  	[tilespmem:s0+$0x1D0] =	vst v0  }
0x3a: {  	[tilespmem:s0+$0x1E0] =	vst v0  }
0x3b: {  	[spmem:s10] =	stream.linear.scatter [tilespmem:s26], [sflag:$0x2], $0x2800, $0x38;
	[tilespmem:$0x1E400] =	vst v63  }
0x3c: {  	_ =	swait.ge [sflag:s23], $0x2800  }
0x3d: {  	[sflag:s23] =	ssyncset.done $0x0  }
0x3e: {  	[sflag:s23] =	ssyncadd.s32 $0xFFFFD800  }
0x3f: {  	[spmem:s11] =	stream.linear.scatter [tilespmem:s26], [sflag:$0x2], $0x2800, $0x38;
	[tilespmem:$0x1E400] =	vst v63  }
0x40: {  	_ =	swait.ge [sflag:s23], $0x2800  }
0x41: {  	[sflag:s23] =	ssyncset.done $0x0  }
0x42: {  	[sflag:s23] =	ssyncadd.s32 $0xFFFFD800  }
0x43: {  	[spmem:s12] =	stream.linear.scatter [tilespmem:s26], [sflag:$0x2], $0x2800, $0x38;
	[tilespmem:$0x1E400] =	vst v63  }
0x44: {  	_ =	swait.ge [sflag:s23], $0x2800  }
0x45: {  	[sflag:s23] =	ssyncset.done $0x0  }
0x46: {  	[sflag:s23] =	ssyncadd.s32 $0xFFFFD800  }
0x47: {  	[spmem:s13] =	stream.linear.scatter [tilespmem:s26], [sflag:$0x2], $0x2800, $0x38;
	[tilespmem:$0x1E400] =	vst v63  }
0x48: {  	_ =	swait.ge [sflag:s23], $0x2800  }
0x49: {  	[sflag:s23] =	ssyncset.done $0x0  }
0x4a: {  	[sflag:s23] =	ssyncadd.s32 $0xFFFFD800  }
0x4b: {  	[spmem:s14] =	stream.linear.scatter [tilespmem:s26], [sflag:$0x2], $0x2800, $0x38;
	[tilespmem:$0x1E400] =	vst v63  }
0x4c: {  	_ =	swait.ge [sflag:s23], $0x2800  }
0x4d: {  	[sflag:s23] =	ssyncset.done $0x0  }
0x4e: {  	[sflag:s23] =	ssyncadd.s32 $0xFFFFD800  }
0x4f: {  	[spmem:s15] =	stream.linear.scatter [tilespmem:s26], [sflag:$0x2], $0x2800, $0x38;
	[tilespmem:$0x1E400] =	vst v63  }
0x50: {  	_ =	swait.ge [sflag:s23], $0x2800  }
0x51: {  	[sflag:s23] =	ssyncset.done $0x0  }
0x52: {  	[sflag:s23] =	ssyncadd.s32 $0xFFFFD800  }
0x53: {  	[spmem:s16] =	stream.linear.scatter [tilespmem:s26], [sflag:$0x2], $0x2800, $0x38;
	[tilespmem:$0x1E400] =	vst v63  }
0x54: {  	_ =	swait.ge [sflag:s23], $0x2800  }
0x55: {  	[sflag:s23] =	ssyncset.done $0x0  }
0x56: {  	[sflag:s23] =	ssyncadd.s32 $0xFFFFD800  }
0x57: {  	[spmem:s17] =	stream.linear.scatter [tilespmem:s26], [sflag:$0x2], $0x2800, $0x38;
	[tilespmem:$0x1E400] =	vst v63  }
0x58: {  	_ =	swait.ge [sflag:s23], $0x2800  }
0x59: {  	[sflag:s23] =	ssyncset.done $0x0  }
0x5a: {  	[sflag:s23] =	ssyncadd.s32 $0xFFFFD800  }
0x5b: {  	s0 =	simm.s32 $0x0;
	s3 =	simm.s32 $0x0;
	[bflag:$0x0] =	sbarrier.arrive $0xFFFF  }
.LBB2_6:
0x5c: {  	s7 =	smul.u32 $0x50, s3;
	_ =	sdelay $0x1  }
0x5d: {  	s7 =	sadd.s32 s18, s7  }
0x5e: {  	s7 =	sshrl.u32 s7, $0x3  }
0x5f: {  	s8 =	sadd.s32 s5, s7  }
0x60: {  	[tilespmem:s0], [sflag:$0x2] =	stream.linear.gather [hbm4b:s8+s0], $0x50, $0x38;
	[tilespmem:$0x1E400] =	vst v63  }
0x61: {  	_ =	swait.ge [sflag:s23], $0x50  }
0x62: {  	[sflag:s23] =	ssyncset.done $0x0  }
0x63: {  	s7 =	sadd.s32 s6, s7;
	[sflag:s23] =	ssyncadd.s32 $0xFFFFFFB0  }
0x64: {  	[tilespmem:s28], [sflag:$0x2] =	stream.linear.gather [hbm4b:s7+s0], $0x50, $0x38;
	[tilespmem:$0x1E400] =	vst v63  }
0x65: {  	_ =	swait.ge [sflag:s23], $0x50  }
0x66: {  	[sflag:s23] =	ssyncset.done $0x0  }
0x67: {  	[sflag:s23] =	ssyncadd.s32 $0xFFFFFFB0  }
0x68: {  	v2 =	vld [tilespmem:$0x0]  }
0x69: {  	v3 =	vld [tilespmem:$0x80];
	_ =	sdelay $0x6  }
0x6a: {  	v2 =	vld.idx.msk [tilespmem:v2+s22+$0x0], $0xffff  }
0x6b: {  	v4 =	vld.idx.msk [tilespmem:v3+s24+$0x0], $0xffff;
	_ =	sdelay $0x4  }
0x6c: {  	v2 =	vadd.f32 v4, v2;
	_ =	sdelay $0x1  }
0x6d: {  	v4 =	vmul.f32 $2.000000030e-01, v2;
	_ =	sdelay $0x1  }
0x6e: {  	v2 =	vmax.f32 v2, v4  }
0x6f: {  	v2 =	vsub.f32 v2, v1;
	_ =	sdelay $0x1  }
0x70: {  	v2 =	vmul.f32 $1.442695020e+00, v2;
	_ =	sdelay $0x1  }
0x71: {  	(erf) = vpow2.f32 v2;
	_ =	sdelay $0x8  }
0x72: {  	v2 =	vpop (erf)  }
0x73: {  	[tilespmem:$0x100] =	vst v2  }
0x74: {  	[tilespmem:v3+s29+$0x0] =	vst.idx.add.f32.msk $0xffff, v2  }
0x75: {  	v2 =	vld [tilespmem:$0x10]  }
0x76: {  	v3 =	vld [tilespmem:$0x90];
	_ =	sdelay $0x6  }
0x77: {  	v2 =	vld.idx.msk [tilespmem:v2+s22+$0x0], $0xffff  }
0x78: {  	v4 =	vld.idx.msk [tilespmem:v3+s24+$0x0], $0xffff;
	_ =	sdelay $0x4  }
0x79: {  	v2 =	vadd.f32 v4, v2;
	_ =	sdelay $0x1  }
0x7a: {  	v4 =	vmul.f32 $2.000000030e-01, v2;
	_ =	sdelay $0x1  }
0x7b: {  	v2 =	vmax.f32 v2, v4  }
0x7c: {  	v2 =	vsub.f32 v2, v1;
	_ =	sdelay $0x1  }
0x7d: {  	v2 =	vmul.f32 $1.442695020e+00, v2;
	_ =	sdelay $0x1  }
0x7e: {  	(erf) = vpow2.f32 v2;
	_ =	sdelay $0x8  }
0x7f: {  	v2 =	vpop (erf)  }
0x80: {  	[tilespmem:$0x110] =	vst v2  }
0x81: {  	[tilespmem:v3+s29+$0x0] =	vst.idx.add.f32.msk $0xffff, v2  }
0x82: {  	v2 =	vld [tilespmem:$0x20]  }
0x83: {  	v3 =	vld [tilespmem:$0xA0];
	_ =	sdelay $0x6  }
0x84: {  	v2 =	vld.idx.msk [tilespmem:v2+s22+$0x0], $0xffff  }
0x85: {  	v4 =	vld.idx.msk [tilespmem:v3+s24+$0x0], $0xffff;
	_ =	sdelay $0x4  }
0x86: {  	v2 =	vadd.f32 v4, v2;
	_ =	sdelay $0x1  }
0x87: {  	v4 =	vmul.f32 $2.000000030e-01, v2;
	_ =	sdelay $0x1  }
0x88: {  	v2 =	vmax.f32 v2, v4  }
0x89: {  	v2 =	vsub.f32 v2, v1;
	_ =	sdelay $0x1  }
0x8a: {  	v2 =	vmul.f32 $1.442695020e+00, v2;
	_ =	sdelay $0x1  }
0x8b: {  	(erf) = vpow2.f32 v2;
	_ =	sdelay $0x8  }
0x8c: {  	v2 =	vpop (erf)  }
0x8d: {  	[tilespmem:$0x120] =	vst v2  }
0x8e: {  	[tilespmem:v3+s29+$0x0] =	vst.idx.add.f32.msk $0xffff, v2  }
0x8f: {  	v2 =	vld [tilespmem:$0x30]  }
0x90: {  	v3 =	vld [tilespmem:$0xB0];
	_ =	sdelay $0x6  }
0x91: {  	v2 =	vld.idx.msk [tilespmem:v2+s22+$0x0], $0xffff  }
0x92: {  	v4 =	vld.idx.msk [tilespmem:v3+s24+$0x0], $0xffff;
	_ =	sdelay $0x4  }
0x93: {  	v2 =	vadd.f32 v4, v2;
	_ =	sdelay $0x1  }
0x94: {  	v4 =	vmul.f32 $2.000000030e-01, v2;
	_ =	sdelay $0x1  }
0x95: {  	v2 =	vmax.f32 v2, v4  }
0x96: {  	v2 =	vsub.f32 v2, v1;
	_ =	sdelay $0x1  }
0x97: {  	v2 =	vmul.f32 $1.442695020e+00, v2;
	_ =	sdelay $0x1  }
0x98: {  	(erf) = vpow2.f32 v2;
	_ =	sdelay $0x8  }
0x99: {  	v2 =	vpop (erf)  }
0x9a: {  	[tilespmem:$0x130] =	vst v2  }
0x9b: {  	[tilespmem:v3+s29+$0x0] =	vst.idx.add.f32.msk $0xffff, v2  }
0x9c: {  	v2 =	vld [tilespmem:$0x40]  }
0x9d: {  	v3 =	vld [tilespmem:$0xC0];
	_ =	sdelay $0x6  }
0x9e: {  	v2 =	vld.idx.msk [tilespmem:v2+s22+$0x0], $0xffff  }
0x9f: {  	v4 =	vld.idx.msk [tilespmem:v3+s24+$0x0], $0xffff;
	_ =	sdelay $0x4  }
0xa0: {  	v2 =	vadd.f32 v4, v2;
	_ =	sdelay $0x1  }
0xa1: {  	v4 =	vmul.f32 $2.000000030e-01, v2;
	_ =	sdelay $0x1  }
0xa2: {  	v2 =	vmax.f32 v2, v4  }
0xa3: {  	v2 =	vsub.f32 v2, v1;
	_ =	sdelay $0x1  }
0xa4: {  	v2 =	vmul.f32 $1.442695020e+00, v2;
	_ =	sdelay $0x1  }
0xa5: {  	(erf) = vpow2.f32 v2;
	_ =	sdelay $0x8  }
0xa6: {  	v2 =	vpop (erf)  }
0xa7: {  	[tilespmem:$0x140] =	vst v2  }
0xa8: {  	[tilespmem:v3+s29+$0x0] =	vst.idx.add.f32.msk $0xffff, v2  }
0xa9: {  	[tilespmem:s26], [sflag:$0x1] =	stream.indirect.gather [hbm4b:s1+s30], $0x80, s0, s30, $0xb8;
	[tilespmem:$0x1E400] =	vst v63  }
0xaa: {  	_ =	swait.ge [sflag:s31], $0x2800  }
0xab: {  	s8 =	simm.s32 $0x0;
	[sflag:s31] =	ssyncset.done $0x0  }
0xac: {  	s9 =	simm.s32 $0x0;
	s7 =	sand.u32 $0x3FFFFFF0, s8;
	[sflag:s31] =	ssyncadd.s32 $0xFFFFD800  }
0xad: {  	v2 =	vld [tilespmem:s7+$0x100];
	s7 =	sand.u32 $0x3FFFF800, s9  }
0xae: {  	v8 =	vld [tilespmem:s7+$0x240]  }
0xaf: {  	v4 =	vld [tilespmem:s7+$0x1A0]  }
0xb0: {  	v5 =	vld [tilespmem:s7+$0x1B0]  }
0xb1: {  	v11 =	vld [tilespmem:s7+$0x1E0]  }
0xb2: {  	v12 =	vld [tilespmem:s7+$0x1F0];
	v3 =	vbroadcast v2, $0x0  }
0xb3: {  	v13 =	vld [tilespmem:s7+$0x200]  }
0xb4: {  	v14 =	vld [tilespmem:s7+$0x210];
	v4 =	vmul.f32 v4, v3  }
0xb5: {  	v15 =	vld [tilespmem:s7+$0x220];
	v5 =	vmul.f32 v5, v3  }
0xb6: {  	v10 =	vld [tilespmem:s7+$0x230];
	v21 =	vbroadcast v2, $0x1;
	v20 =	vmul.f32 v11, v3;
	[tilespmem:s7+$0x1A0] =	vst v4  }
0xb7: {  	v9 =	vld [tilespmem:s7+$0x250];
	v12 =	vmul.f32 v12, v3;
	[tilespmem:s7+$0x1B0] =	vst v5  }
0xb8: {  	v7 =	vld [tilespmem:s7+$0x6F0];
	v13 =	vmul.f32 v13, v21;
	[tilespmem:s7+$0x1E0] =	vst v20  }
0xb9: {  	v23 =	vld [tilespmem:s7+$0x270];
	v14 =	vmul.f32 v14, v21;
	[tilespmem:s7+$0x1F0] =	vst v12  }
0xba: {  	v24 =	vld [tilespmem:s7+$0x280];
	v15 =	vmul.f32 v15, v21;
	[tilespmem:s7+$0x200] =	vst v13  }
0xbb: {  	v25 =	vld [tilespmem:s7+$0x290];
	v10 =	vmul.f32 v10, v21;
	[tilespmem:s7+$0x210] =	vst v14  }
0xbc: {  	v22 =	vld [tilespmem:s7+$0x260];
	v8 =	vmul.f32 v8, v21;
	[tilespmem:s7+$0x220] =	vst v15  }
0xbd: {  	v26 =	vld [tilespmem:s7+$0x2A0];
	v16 =	vbroadcast v2, $0x2;
	v9 =	vmul.f32 v9, v21;
	[tilespmem:s7+$0x230] =	vst v10  }
0xbe: {  	v27 =	vld [tilespmem:s7+$0x2B0];
	v11 =	vmul.f32 v23, v21;
	[tilespmem:s7+$0x240] =	vst v8  }
0xbf: {  	v28 =	vld [tilespmem:s7+$0x2C0];
	v6 =	vbroadcast v2, $0xA;
	v30 =	vmul.f32 v24, v16;
	[tilespmem:s7+$0x250] =	vst v9  }
0xc0: {  	v29 =	vld [tilespmem:s7+$0x2D0];
	v32 =	vmul.f32 v25, v16;
	[tilespmem:s7+$0x270] =	vst v11  }
0xc1: {  	v31 =	vld [tilespmem:s7+$0x2E0];
	v4 =	vmul.f32 v7, v6;
	[tilespmem:s7+$0x280] =	vst v30  }
0xc2: {  	v33 =	vld [tilespmem:s7+$0x2F0];
	v12 =	vmul.f32 v22, v21;
	[tilespmem:s7+$0x290] =	vst v32  }
0xc3: {  	v34 =	vld [tilespmem:s7+$0x300];
	v10 =	vmul.f32 v26, v16;
	[tilespmem:s7+$0x6F0] =	vst v4  }
0xc4: {  	v35 =	vld [tilespmem:s7+$0x310];
	v8 =	vmul.f32 v27, v16;
	[tilespmem:s7+$0x260] =	vst v12  }
0xc5: {  	v36 =	vld [tilespmem:s7+$0x320];
	v9 =	vmul.f32 v28, v16;
	[tilespmem:s7+$0x2A0] =	vst v10  }
0xc6: {  	v37 =	vld [tilespmem:s7+$0x330];
	v39 =	vbroadcast v2, $0x3;
	v11 =	vmul.f32 v31, v16;
	[tilespmem:s7+$0x2B0] =	vst v8  }
0xc7: {  	v38 =	vld [tilespmem:s7+$0x340];
	v13 =	vmul.f32 v33, v16;
	[tilespmem:s7+$0x2C0] =	vst v9  }
0xc8: {  	v40 =	vld [tilespmem:s7+$0x350];
	v14 =	vmul.f32 v34, v39;
	[tilespmem:s7+$0x2E0] =	vst v11  }
0xc9: {  	v41 =	vld [tilespmem:s7+$0x360];
	v12 =	vmul.f32 v29, v16;
	[tilespmem:s7+$0x2F0] =	vst v13  }
0xca: {  	v42 =	vld [tilespmem:s7+$0x370];
	v10 =	vmul.f32 v35, v39;
	[tilespmem:s7+$0x300] =	vst v14  }
0xcb: {  	v43 =	vld [tilespmem:s7+$0x380];
	v8 =	vmul.f32 v36, v39;
	[tilespmem:s7+$0x2D0] =	vst v12  }
0xcc: {  	v44 =	vld [tilespmem:s7+$0x390];
	v9 =	vmul.f32 v37, v39;
	[tilespmem:s7+$0x310] =	vst v10  }
0xcd: {  	v45 =	vld [tilespmem:s7+$0x3A0];
	v11 =	vmul.f32 v40, v39;
	[tilespmem:s7+$0x320] =	vst v8  }
0xce: {  	v46 =	vld [tilespmem:s7+$0x3B0];
	v13 =	vmul.f32 v41, v39;
	[tilespmem:s7+$0x330] =	vst v9  }
0xcf: {  	v47 =	vld [tilespmem:s7+$0x3C0];
	v48 =	vbroadcast v2, $0x4;
	v14 =	vmul.f32 v42, v39;
	[tilespmem:s7+$0x350] =	vst v11  }
0xd0: {  	v49 =	vld [tilespmem:s7+$0x3D0];
	v12 =	vmul.f32 v38, v39;
	[tilespmem:s7+$0x360] =	vst v13  }
0xd1: {  	v50 =	vld [tilespmem:s7+$0x3E0];
	v10 =	vmul.f32 v43, v48;
	[tilespmem:s7+$0x370] =	vst v14  }
0xd2: {  	v51 =	vld [tilespmem:s7+$0x3F0];
	v8 =	vmul.f32 v44, v48;
	[tilespmem:s7+$0x340] =	vst v12  }
0xd3: {  	v52 =	vld [tilespmem:s7+$0x400];
	v9 =	vmul.f32 v45, v48;
	[tilespmem:s7+$0x380] =	vst v10  }
0xd4: {  	v53 =	vld [tilespmem:s7+$0x410];
	v11 =	vmul.f32 v47, v48;
	[tilespmem:s7+$0x390] =	vst v8  }
0xd5: {  	v54 =	vld [tilespmem:s7+$0x420];
	v13 =	vmul.f32 v49, v48;
	[tilespmem:s7+$0x3A0] =	vst v9  }
0xd6: {  	v55 =	vld [tilespmem:s7+$0x430];
	v14 =	vmul.f32 v50, v48;
	[tilespmem:s7+$0x3C0] =	vst v11  }
0xd7: {  	v56 =	vld [tilespmem:s7+$0x440];
	v57 =	vbroadcast v2, $0x5;
	v12 =	vmul.f32 v46, v48;
	[tilespmem:s7+$0x3D0] =	vst v13  }
0xd8: {  	v58 =	vld [tilespmem:s7+$0x450];
	v10 =	vmul.f32 v51, v48;
	[tilespmem:s7+$0x3E0] =	vst v14  }
0xd9: {  	v59 =	vld [tilespmem:s7+$0x460];
	v8 =	vmul.f32 v52, v57;
	[tilespmem:s7+$0x3B0] =	vst v12  }
0xda: {  	v60 =	vld [tilespmem:s7+$0x470];
	v9 =	vmul.f32 v53, v57;
	[tilespmem:s7+$0x3F0] =	vst v10  }
0xdb: {  	v61 =	vld [tilespmem:s7+$0x480];
	v11 =	vmul.f32 v55, v57;
	[tilespmem:s7+$0x400] =	vst v8  }
0xdc: {  	v62 =	vld [tilespmem:s7+$0x490];
	v13 =	vmul.f32 v56, v57;
	[tilespmem:s7+$0x410] =	vst v9  }
0xdd: {  	v63 =	vld [tilespmem:s7+$0x4A0];
	v14 =	vmul.f32 v58, v57;
	[tilespmem:s7+$0x430] =	vst v11  }
0xde: {  	v20 =	vld [tilespmem:s7+$0x4B0];
	v12 =	vmul.f32 v54, v57;
	[tilespmem:s7+$0x440] =	vst v13  }
0xdf: {  	v21 =	vld [tilespmem:s7+$0x4C0];
	v22 =	vbroadcast v2, $0x6;
	v10 =	vmul.f32 v59, v57;
	[tilespmem:s7+$0x450] =	vst v14  }
0xe0: {  	v23 =	vld [tilespmem:s7+$0x4D0];
	v8 =	vmul.f32 v60, v57;
	[tilespmem:s7+$0x420] =	vst v12  }
0xe1: {  	v24 =	vld [tilespmem:s7+$0x4E0];
	v9 =	vmul.f32 v61, v22;
	[tilespmem:s7+$0x460] =	vst v10  }
0xe2: {  	v25 =	vld [tilespmem:s7+$0x4F0];
	v11 =	vmul.f32 v63, v22;
	[tilespmem:s7+$0x470] =	vst v8  }
0xe3: {  	v5 =	vld [tilespmem:s7+$0x700];
	v13 =	vmul.f32 v20, v22;
	[tilespmem:s7+$0x480] =	vst v9  }
0xe4: {  	v27 =	vld [tilespmem:s7+$0x510];
	v14 =	vmul.f32 v21, v22;
	[tilespmem:s7+$0x4A0] =	vst v11  }
0xe5: {  	v28 =	vld [tilespmem:s7+$0x520];
	v12 =	vmul.f32 v62, v22;
	[tilespmem:s7+$0x4B0] =	vst v13  }
0xe6: {  	v29 =	vld [tilespmem:s7+$0x530];
	v10 =	vmul.f32 v23, v22;
	[tilespmem:s7+$0x4C0] =	vst v14  }
0xe7: {  	v31 =	vbroadcast v2, $0x7;
	v53 =	vld [tilespmem:s7+$0x680];
	v8 =	vmul.f32 v24, v22;
	[tilespmem:s7+$0x490] =	vst v12  }
0xe8: {  	v58 =	vld [tilespmem:s7+$0x6D0];
	v9 =	vmul.f32 v25, v22;
	[tilespmem:s7+$0x4D0] =	vst v10  }
0xe9: {  	v26 =	vld [tilespmem:s7+$0x500];
	v11 =	vmul.f32 v27, v31;
	[tilespmem:s7+$0x4E0] =	vst v8  }
0xea: {  	v30 =	vld [tilespmem:s7+$0x540];
	v13 =	vmul.f32 v28, v31;
	[tilespmem:s7+$0x4F0] =	vst v9  }
0xeb: {  	v32 =	vld [tilespmem:s7+$0x550];
	v14 =	vmul.f32 v29, v31;
	[tilespmem:s7+$0x510] =	vst v11  }
0xec: {  	v33 =	vld [tilespmem:s7+$0x560];
	v59 =	vmul.f32 v53, v6;
	[tilespmem:s7+$0x520] =	vst v13  }
0xed: {  	v35 =	vld [tilespmem:s7+$0x580];
	v21 =	vmul.f32 v58, v6;
	[tilespmem:s7+$0x530] =	vst v14  }
0xee: {  	v36 =	vld [tilespmem:s7+$0x590];
	v12 =	vmul.f32 v26, v31;
	[tilespmem:s7+$0x680] =	vst v59  }
0xef: {  	v37 =	vld [tilespmem:s7+$0x5A0];
	v10 =	vmul.f32 v30, v31;
	[tilespmem:s7+$0x6D0] =	vst v21  }
0xf0: {  	v7 =	vld [tilespmem:s7+$0x710];
	v40 =	vbroadcast v2, $0x8;
	v8 =	vmul.f32 v32, v31;
	[tilespmem:s7+$0x500] =	vst v12  }
0xf1: {  	v34 =	vld [tilespmem:s7+$0x570];
	v9 =	vmul.f32 v33, v31;
	[tilespmem:s7+$0x540] =	vst v10  }
0xf2: {  	v57 =	vld [tilespmem:s7+$0x6C0];
	v11 =	vmul.f32 v35, v40;
	[tilespmem:s7+$0x550] =	vst v8  }
0xf3: {  	v61 =	vld [tilespmem:s7+$0x180];
	v24 =	vbroadcast v2, $0xB;
	v13 =	vmul.f32 v36, v40;
	[tilespmem:s7+$0x560] =	vst v9  }
0xf4: {  	v4 =	vld [tilespmem:s7+$0x950];
	v14 =	vmul.f32 v37, v40;
	[tilespmem:s7+$0x580] =	vst v11  }
0xf5: {  	v38 =	vld [tilespmem:s7+$0x5B0];
	v5 =	vmul.f32 v5, v24;
	[tilespmem:s7+$0x590] =	vst v13  }
0xf6: {  	v39 =	vld [tilespmem:s7+$0x5C0];
	v7 =	vmul.f32 v7, v24;
	[tilespmem:s7+$0x5A0] =	vst v14  }
0xf7: {  	v41 =	vld [tilespmem:s7+$0x5D0];
	v19 =	vmul.f32 v57, v6;
	[tilespmem:s7+$0x700] =	vst v5  }
0xf8: {  	v43 =	vld [tilespmem:s7+$0x5F0];
	v25 =	vmul.f32 v3, v61;
	[tilespmem:s7+$0x710] =	vst v7  }
0xf9: {  	v44 =	vld [tilespmem:s7+$0x600];
	v12 =	vmul.f32 v34, v31;
	[tilespmem:s7+$0x6C0] =	vst v19  }
0xfa: {  	v45 =	vld [tilespmem:s7+$0x610];
	v10 =	vmul.f32 v38, v40;
	[tilespmem:s7+$0x180] =	vst v25  }
0xfb: {  	v27 =	vld [tilespmem:s7+$0x750];
	v8 =	vmul.f32 v39, v40;
	[tilespmem:s7+$0x570] =	vst v12  }
0xfc: {  	v49 =	vbroadcast v2, $0x9;
	v29 =	vld [tilespmem:s7+$0x770];
	v9 =	vmul.f32 v41, v40;
	[tilespmem:s7+$0x5B0] =	vst v10  }
0xfd: {  	v42 =	vld [tilespmem:s7+$0x5E0];
	v11 =	vmul.f32 v43, v40;
	[tilespmem:s7+$0x5C0] =	vst v8  }
0xfe: {  	v46 =	vld [tilespmem:s7+$0x620];
	v13 =	vmul.f32 v44, v49;
	[tilespmem:s7+$0x5D0] =	vst v9  }
0xff: {  	v47 =	vld [tilespmem:s7+$0x630];
	v14 =	vmul.f32 v45, v49;
	[tilespmem:s7+$0x5F0] =	vst v11  }
0x100: {  	v48 =	vld [tilespmem:s7+$0x640];
	v32 =	vmul.f32 v27, v24;
	[tilespmem:s7+$0x600] =	vst v13  }
0x101: {  	v51 =	vld [tilespmem:s7+$0x660];
	v7 =	vmul.f32 v29, v24;
	[tilespmem:s7+$0x610] =	vst v14  }
0x102: {  	v52 =	vld [tilespmem:s7+$0x670];
	v12 =	vmul.f32 v42, v40;
	[tilespmem:s7+$0x750] =	vst v32  }
0x103: {  	v10 =	vmul.f32 v46, v49;
	[tilespmem:s7+$0x770] =	vst v7  }
0x104: {  	v28 =	vld [tilespmem:s7+$0x760];
	v8 =	vmul.f32 v47, v49;
	[tilespmem:s7+$0x5E0] =	vst v12  }
0x105: {  	v30 =	vld [tilespmem:s7+$0x780];
	v9 =	vmul.f32 v48, v49;
	[tilespmem:s7+$0x620] =	vst v10  }
0x106: {  	v50 =	vld [tilespmem:s7+$0x650];
	v5 =	vbroadcast v2, $0xF;
	v11 =	vmul.f32 v51, v49;
	[tilespmem:s7+$0x630] =	vst v8  }
0x107: {  	v54 =	vld [tilespmem:s7+$0x690];
	v13 =	vmul.f32 v52, v49;
	[tilespmem:s7+$0x640] =	vst v9  }
0x108: {  	v55 =	vld [tilespmem:s7+$0x6A0];
	v35 =	vbroadcast v2, $0xC;
	v4 =	vmul.f32 v4, v5;
	[tilespmem:s7+$0x660] =	vst v11  }
0x109: {  	v56 =	vld [tilespmem:s7+$0x6B0];
	v40 =	vmul.f32 v28, v24;
	[tilespmem:s7+$0x670] =	vst v13  }
0x10a: {  	v60 =	vld [tilespmem:s7+$0x6E0];
	v16 =	vmul.f32 v30, v35;
	[tilespmem:s7+$0x950] =	vst v4  }
0x10b: {  	v62 =	vld [tilespmem:s7+$0x190];
	v12 =	vmul.f32 v50, v49;
	[tilespmem:s7+$0x760] =	vst v40  }
0x10c: {  	v63 =	vld [tilespmem:s7+$0x1C0];
	v10 =	vmul.f32 v54, v6;
	[tilespmem:s7+$0x780] =	vst v16  }
0x10d: {  	v20 =	vld [tilespmem:s7+$0x1D0];
	v8 =	vmul.f32 v55, v6;
	[tilespmem:s7+$0x650] =	vst v12  }
0x10e: {  	v33 =	vld [tilespmem:s7+$0x7B0];
	v9 =	vmul.f32 v56, v6;
	[tilespmem:s7+$0x690] =	vst v10  }
0x10f: {  	v61 =	vld [tilespmem:s7+$0x970];
	v6 =	vmul.f32 v60, v6;
	[tilespmem:s7+$0x6A0] =	vst v8  }
0x110: {  	v38 =	vld [tilespmem:s7+$0x7F0];
	v13 =	vmul.f32 v62, v3;
	[tilespmem:s7+$0x6B0] =	vst v9  }
0x111: {  	v22 =	vld [tilespmem:s7+$0x720];
	v4 =	vmul.f32 v63, v3;
	[tilespmem:s7+$0x6E0] =	vst v6  }
0x112: {  	v23 =	vld [tilespmem:s7+$0x730];
	v3 =	vmul.f32 v20, v3;
	[tilespmem:s7+$0x190] =	vst v13  }
0x113: {  	v26 =	vld [tilespmem:s7+$0x740];
	v62 =	vmul.f32 v33, v35;
	[tilespmem:s7+$0x1C0] =	vst v4  }
0x114: {  	v31 =	vld [tilespmem:s7+$0x790];
	v63 =	vmul.f32 v61, v5;
	[tilespmem:s7+$0x1D0] =	vst v3  }
0x115: {  	v34 =	vld [tilespmem:s7+$0x7C0];
	v16 =	vmul.f32 v38, v35;
	[tilespmem:s7+$0x7B0] =	vst v62  }
0x116: {  	v41 =	vld [tilespmem:s7+$0x820];
	v8 =	vmul.f32 v22, v24;
	[tilespmem:s7+$0x970] =	vst v63  }
0x117: {  	v46 =	vld [tilespmem:s7+$0x860];
	v9 =	vmul.f32 v23, v24;
	[tilespmem:s7+$0x7F0] =	vst v16  }
0x118: {  	v6 =	vmul.f32 v26, v24;
	v3 =	vld [tilespmem:s7+$0x810];
	[tilespmem:s7+$0x720] =	vst v8  }
0x119: {  	v36 =	vld [tilespmem:s7+$0x7D0];
	v44 =	vbroadcast v2, $0xD;
	v10 =	vmul.f32 v31, v35;
	[tilespmem:s7+$0x730] =	vst v9  }
0x11a: {  	v37 =	vld [tilespmem:s7+$0x7E0];
	v13 =	vmul.f32 v34, v35;
	[tilespmem:s7+$0x740] =	vst v6  }
0x11b: {  	v39 =	vld [tilespmem:s7+$0x800];
	v12 =	vmul.f32 v41, v44;
	[tilespmem:s7+$0x790] =	vst v10  }
0x11c: {  	v42 =	vld [tilespmem:s7+$0x830];
	v51 =	vmul.f32 v46, v44;
	[tilespmem:s7+$0x7C0] =	vst v13  }
0x11d: {  	v48 =	vld [tilespmem:s7+$0x890];
	[tilespmem:s7+$0x820] =	vst v12;
	v3 =	vmul.f32 v3, v44  }
0x11e: {  	v49 =	vld [tilespmem:s7+$0x8A0];
	v9 =	vmul.f32 v36, v35;
	[tilespmem:s7+$0x860] =	vst v51  }
0x11f: {  	v6 =	vmul.f32 v37, v35;
	[tilespmem:s7+$0x810] =	vst v3;
	v3 =	vld [tilespmem:s7+$0x880]  }
0x120: {  	v2 =	vbroadcast v2, $0xE;
	v50 =	vld [tilespmem:s7+$0x8B0];
	v10 =	vmul.f32 v39, v44;
	[tilespmem:s7+$0x7D0] =	vst v9  }
0x121: {  	v45 =	vld [tilespmem:s7+$0x850];
	v13 =	vmul.f32 v42, v44;
	[tilespmem:s7+$0x7E0] =	vst v6  }
0x122: {  	v47 =	vld [tilespmem:s7+$0x870];
	v12 =	vmul.f32 v48, v2;
	[tilespmem:s7+$0x800] =	vst v10  }
0x123: {  	v43 =	vld [tilespmem:s7+$0x840];
	v11 =	vmul.f32 v49, v2;
	[tilespmem:s7+$0x830] =	vst v13  }
0x124: {  	v55 =	vld [tilespmem:s7+$0x900];
	[tilespmem:s7+$0x890] =	vst v12;
	v3 =	vmul.f32 v3, v2  }
0x125: {  	v57 =	vld [tilespmem:s7+$0x920];
	v7 =	vmul.f32 v50, v2;
	[tilespmem:s7+$0x8A0] =	vst v11  }
0x126: {  	v6 =	vmul.f32 v45, v44;
	[tilespmem:s7+$0x880] =	vst v3;
	v3 =	vld [tilespmem:s7+$0x8F0]  }
0x127: {  	v52 =	vld [tilespmem:s7+$0x8C0];
	v10 =	vmul.f32 v47, v44;
	[tilespmem:s7+$0x8B0] =	vst v7  }
0x128: {  	v56 =	vld [tilespmem:s7+$0x910];
	v9 =	vmul.f32 v43, v44;
	[tilespmem:s7+$0x850] =	vst v6  }
0x129: {  	v54 =	vld [tilespmem:s7+$0x8E0];
	v12 =	vmul.f32 v55, v5;
	[tilespmem:s7+$0x870] =	vst v10  }
0x12a: {  	v58 =	vld [tilespmem:s7+$0x930];
	v7 =	vmul.f32 v57, v5;
	[tilespmem:s7+$0x840] =	vst v9  }
0x12b: {  	v53 =	vld [tilespmem:s7+$0x8D0];
	[tilespmem:s7+$0x900] =	vst v12;
	v3 =	vmul.f32 v3, v2  }
0x12c: {  	v59 =	vld [tilespmem:s7+$0x940];
	v6 =	vmul.f32 v52, v2;
	[tilespmem:s7+$0x920] =	vst v7  }
0x12d: {  	v60 =	vld [tilespmem:s7+$0x960];
	[tilespmem:s7+$0x8F0] =	vst v3;
	v3 =	vmul.f32 v56, v5  }
0x12e: {  	v10 =	vmul.f32 v54, v2;
	[tilespmem:s7+$0x8C0] =	vst v6  }
0x12f: {  	v4 =	vld [tilespmem:s7+$0x7A0];
	[tilespmem:s7+$0x910] =	vst v3;
	v3 =	vmul.f32 v58, v5  }
0x130: {  	[tilespmem:s7+$0x8E0] =	vst v10;
	v2 =	vmul.f32 v53, v2  }
0x131: {  	[tilespmem:s7+$0x930] =	vst v3;
	v3 =	vmul.f32 v59, v5  }
0x132: {  	[tilespmem:s7+$0x8D0] =	vst v2;
	v5 =	vmul.f32 v60, v5  }
0x133: {  	[tilespmem:s7+$0x940] =	vst v3  }
0x134: {  	s8 =	simm.s32 $0x1;
	v3 =	vmul.f32 v4, v35;
	[tilespmem:s7+$0x960] =	vst v5  }
.LBB2_7:
0x135: {  	s9 =	sshll.u32 s8, $0x4  }
0x136: {  	p0 =	sne.s32 s8, $0x4;
	[tilespmem:s7+$0x7A0] =	vst v3;
	s7 =	smov.u32 s8;
	s8 =	sadd.s32 $0x1, s8  }
0x137: {  	s9 =	sand.u32 $0x3FFFFFF0, s9  }
0x138: {  	s7 =	sshll.u32 s7, $0xB;
	v2 =	vld [tilespmem:s9+$0x100]  }
0x139: {  	s7 =	sand.u32 $0x3FFFF800, s7  }
0x13a: {  	v9 =	vld [tilespmem:s7+$0x240]  }
0x13b: {  	v10 =	vld [tilespmem:s7+$0x250]  }
0x13c: {  	v11 =	vld [tilespmem:s7+$0x230]  }
0x13d: {  	v3 =	vbroadcast v2, $0x0;
	v4 =	vld [tilespmem:s7+$0x1A0];
	v8 =	vbroadcast v2, $0x4  }
0x13e: {  	v6 =	vld [tilespmem:s7+$0x1B0]  }
0x13f: {  	v7 =	vld [tilespmem:s7+$0x6F0]  }
0x140: {  	v12 =	vld [tilespmem:s7+$0x1E0]  }
0x141: {  	v13 =	vld [tilespmem:s7+$0x1F0]  }
0x142: {  	v5 =	vbroadcast v2, $0xA;
	v4 =	vmul.f32 v4, v3;
	v14 =	vld [tilespmem:s7+$0x200]  }
0x143: {  	v6 =	vmul.f32 v6, v3;
	v15 =	vld [tilespmem:s7+$0x210]  }
0x144: {  	[tilespmem:s7+$0x1A0] =	vst v4;
	v16 =	vld [tilespmem:s7+$0x220];
	v4 =	vmul.f32 v7, v5  }
0x145: {  	[tilespmem:s7+$0x1B0] =	vst v6;
	v7 =	vmul.f32 v12, v3;
	v12 =	vbroadcast v2, $0x1;
	v6 =	vld [tilespmem:s7+$0x700]  }
0x146: {  	v13 =	vmul.f32 v13, v3;
	[tilespmem:s7+$0x6F0] =	vst v4;
	v4 =	vld [tilespmem:s7+$0x950]  }
0x147: {  	[tilespmem:s7+$0x1E0] =	vst v7;
	v14 =	vmul.f32 v14, v12;
	v7 =	vld [tilespmem:s7+$0x710]  }
0x148: {  	[tilespmem:s7+$0x1F0] =	vst v13;
	v13 =	vmul.f32 v15, v12;
	v15 =	vld [tilespmem:s7+$0x260]  }
0x149: {  	[tilespmem:s7+$0x200] =	vst v14;
	v14 =	vmul.f32 v16, v12;
	v16 =	vld [tilespmem:s7+$0x270]  }
0x14a: {  	v11 =	vmul.f32 v11, v12;
	[tilespmem:s7+$0x210] =	vst v13;
	v13 =	vld [tilespmem:s7+$0x280]  }
0x14b: {  	v9 =	vmul.f32 v9, v12;
	[tilespmem:s7+$0x220] =	vst v14;
	v14 =	vld [tilespmem:s7+$0x290]  }
0x14c: {  	v10 =	vmul.f32 v10, v12;
	[tilespmem:s7+$0x230] =	vst v11;
	v11 =	vld [tilespmem:s7+$0x2A0]  }
0x14d: {  	[tilespmem:s7+$0x240] =	vst v9;
	v9 =	vmul.f32 v15, v12;
	v15 =	vbroadcast v2, $0x2;
	v17 =	vld [tilespmem:s7+$0x2B0]  }
0x14e: {  	[tilespmem:s7+$0x250] =	vst v10;
	v10 =	vmul.f32 v16, v12;
	v12 =	vld [tilespmem:s7+$0x2C0]  }
0x14f: {  	[tilespmem:s7+$0x260] =	vst v9;
	v9 =	vmul.f32 v13, v15;
	v13 =	vld [tilespmem:s7+$0x2D0]  }
0x150: {  	[tilespmem:s7+$0x270] =	vst v10;
	v10 =	vmul.f32 v14, v15;
	v14 =	vld [tilespmem:s7+$0x2E0]  }
0x151: {  	[tilespmem:s7+$0x280] =	vst v9;
	v9 =	vmul.f32 v11, v15;
	v11 =	vld [tilespmem:s7+$0x2F0]  }
0x152: {  	[tilespmem:s7+$0x290] =	vst v10;
	v10 =	vmul.f32 v17, v15;
	v16 =	vld [tilespmem:s7+$0x300]  }
0x153: {  	[tilespmem:s7+$0x2A0] =	vst v9;
	v9 =	vmul.f32 v12, v15;
	v12 =	vld [tilespmem:s7+$0x310]  }
0x154: {  	[tilespmem:s7+$0x2B0] =	vst v10;
	v10 =	vmul.f32 v13, v15;
	v13 =	vld [tilespmem:s7+$0x320]  }
0x155: {  	[tilespmem:s7+$0x2C0] =	vst v9;
	v9 =	vmul.f32 v14, v15;
	v14 =	vbroadcast v2, $0x3;
	v17 =	vld [tilespmem:s7+$0x330]  }
0x156: {  	[tilespmem:s7+$0x2D0] =	vst v10;
	v10 =	vmul.f32 v11, v15;
	v11 =	vld [tilespmem:s7+$0x340]  }
0x157: {  	[tilespmem:s7+$0x2E0] =	vst v9;
	v9 =	vmul.f32 v16, v14;
	v15 =	vld [tilespmem:s7+$0x350]  }
0x158: {  	[tilespmem:s7+$0x2F0] =	vst v10;
	v10 =	vmul.f32 v12, v14;
	v12 =	vld [tilespmem:s7+$0x360]  }
0x159: {  	[tilespmem:s7+$0x300] =	vst v9;
	v9 =	vmul.f32 v13, v14;
	v13 =	vld [tilespmem:s7+$0x370]  }
0x15a: {  	[tilespmem:s7+$0x310] =	vst v10;
	v10 =	vmul.f32 v17, v14;
	v16 =	vld [tilespmem:s7+$0x380]  }
0x15b: {  	[tilespmem:s7+$0x320] =	vst v9;
	v9 =	vmul.f32 v11, v14;
	v11 =	vld [tilespmem:s7+$0x390]  }
0x15c: {  	[tilespmem:s7+$0x330] =	vst v10;
	v10 =	vmul.f32 v15, v14;
	v15 =	vld [tilespmem:s7+$0x3A0]  }
0x15d: {  	[tilespmem:s7+$0x340] =	vst v9;
	v9 =	vmul.f32 v12, v14;
	v12 =	vld [tilespmem:s7+$0x3B0]  }
0x15e: {  	[tilespmem:s7+$0x350] =	vst v10;
	v10 =	vmul.f32 v13, v14;
	v13 =	vld [tilespmem:s7+$0x3C0]  }
0x15f: {  	[tilespmem:s7+$0x360] =	vst v9;
	v9 =	vmul.f32 v16, v8;
	v14 =	vld [tilespmem:s7+$0x3D0]  }
0x160: {  	[tilespmem:s7+$0x370] =	vst v10;
	v10 =	vmul.f32 v11, v8;
	v11 =	vld [tilespmem:s7+$0x3E0]  }
0x161: {  	[tilespmem:s7+$0x380] =	vst v9;
	v9 =	vmul.f32 v15, v8;
	v15 =	vld [tilespmem:s7+$0x3F0]  }
0x162: {  	[tilespmem:s7+$0x390] =	vst v10;
	v10 =	vmul.f32 v12, v8;
	v12 =	vld [tilespmem:s7+$0x400]  }
0x163: {  	[tilespmem:s7+$0x3A0] =	vst v9;
	v9 =	vmul.f32 v13, v8;
	v13 =	vld [tilespmem:s7+$0x410]  }
0x164: {  	[tilespmem:s7+$0x3B0] =	vst v10;
	v10 =	vmul.f32 v14, v8;
	v14 =	vld [tilespmem:s7+$0x420]  }
0x165: {  	[tilespmem:s7+$0x3C0] =	vst v9;
	v9 =	vmul.f32 v11, v8;
	v11 =	vbroadcast v2, $0x5;
	v16 =	vld [tilespmem:s7+$0x430]  }
0x166: {  	[tilespmem:s7+$0x3D0] =	vst v10;
	v8 =	vmul.f32 v15, v8;
	v10 =	vld [tilespmem:s7+$0x440]  }
0x167: {  	[tilespmem:s7+$0x3E0] =	vst v9;
	v9 =	vmul.f32 v12, v11;
	v12 =	vld [tilespmem:s7+$0x450]  }
0x168: {  	[tilespmem:s7+$0x3F0] =	vst v8;
	v8 =	vmul.f32 v13, v11;
	v13 =	vld [tilespmem:s7+$0x460]  }
0x169: {  	[tilespmem:s7+$0x400] =	vst v9;
	v9 =	vmul.f32 v14, v11;
	v14 =	vld [tilespmem:s7+$0x470]  }
0x16a: {  	[tilespmem:s7+$0x410] =	vst v8;
	v8 =	vmul.f32 v16, v11;
	v15 =	vld [tilespmem:s7+$0x480]  }
0x16b: {  	[tilespmem:s7+$0x420] =	vst v9;
	v9 =	vmul.f32 v10, v11;
	v10 =	vld [tilespmem:s7+$0x490]  }
0x16c: {  	[tilespmem:s7+$0x430] =	vst v8;
	v8 =	vmul.f32 v12, v11;
	v12 =	vld [tilespmem:s7+$0x4A0]  }
0x16d: {  	[tilespmem:s7+$0x440] =	vst v9;
	v9 =	vmul.f32 v13, v11;
	v13 =	vbroadcast v2, $0x6;
	v16 =	vld [tilespmem:s7+$0x4B0]  }
0x16e: {  	[tilespmem:s7+$0x450] =	vst v8;
	v8 =	vmul.f32 v14, v11;
	v11 =	vld [tilespmem:s7+$0x4C0]  }
0x16f: {  	[tilespmem:s7+$0x460] =	vst v9;
	v9 =	vmul.f32 v15, v13;
	v14 =	vld [tilespmem:s7+$0x4D0]  }
0x170: {  	[tilespmem:s7+$0x470] =	vst v8;
	v8 =	vmul.f32 v10, v13;
	v10 =	vld [tilespmem:s7+$0x4E0]  }
0x171: {  	[tilespmem:s7+$0x480] =	vst v9;
	v9 =	vmul.f32 v12, v13;
	v12 =	vld [tilespmem:s7+$0x4F0]  }
0x172: {  	[tilespmem:s7+$0x490] =	vst v8;
	v8 =	vmul.f32 v16, v13;
	v15 =	vld [tilespmem:s7+$0x500]  }
0x173: {  	[tilespmem:s7+$0x4A0] =	vst v9;
	v9 =	vmul.f32 v11, v13;
	v11 =	vld [tilespmem:s7+$0x510]  }
0x174: {  	[tilespmem:s7+$0x4B0] =	vst v8;
	v8 =	vmul.f32 v14, v13;
	v14 =	vld [tilespmem:s7+$0x520]  }
0x175: {  	[tilespmem:s7+$0x4C0] =	vst v9;
	v9 =	vmul.f32 v10, v13;
	v10 =	vbroadcast v2, $0x7;
	v16 =	vld [tilespmem:s7+$0x530]  }
0x176: {  	[tilespmem:s7+$0x4D0] =	vst v8;
	v8 =	vmul.f32 v12, v13;
	v12 =	vld [tilespmem:s7+$0x540]  }
0x177: {  	[tilespmem:s7+$0x4E0] =	vst v9;
	v9 =	vmul.f32 v15, v10;
	v13 =	vld [tilespmem:s7+$0x550]  }
0x178: {  	[tilespmem:s7+$0x4F0] =	vst v8;
	v8 =	vmul.f32 v11, v10;
	v11 =	vld [tilespmem:s7+$0x560]  }
0x179: {  	[tilespmem:s7+$0x500] =	vst v9;
	v9 =	vmul.f32 v14, v10;
	v14 =	vld [tilespmem:s7+$0x570]  }
0x17a: {  	[tilespmem:s7+$0x510] =	vst v8;
	v8 =	vmul.f32 v16, v10;
	v15 =	vld [tilespmem:s7+$0x580]  }
0x17b: {  	[tilespmem:s7+$0x520] =	vst v9;
	v9 =	vmul.f32 v12, v10;
	v12 =	vld [tilespmem:s7+$0x590]  }
0x17c: {  	[tilespmem:s7+$0x530] =	vst v8;
	v8 =	vmul.f32 v13, v10;
	v13 =	vld [tilespmem:s7+$0x5A0]  }
0x17d: {  	[tilespmem:s7+$0x540] =	vst v9;
	v9 =	vmul.f32 v11, v10;
	v11 =	vbroadcast v2, $0x8;
	v16 =	vld [tilespmem:s7+$0x5B0]  }
0x17e: {  	[tilespmem:s7+$0x550] =	vst v8;
	v8 =	vmul.f32 v14, v10;
	v10 =	vld [tilespmem:s7+$0x5C0]  }
0x17f: {  	[tilespmem:s7+$0x560] =	vst v9;
	v9 =	vmul.f32 v15, v11;
	v14 =	vld [tilespmem:s7+$0x5D0]  }
0x180: {  	[tilespmem:s7+$0x570] =	vst v8;
	v8 =	vmul.f32 v12, v11;
	v12 =	vld [tilespmem:s7+$0x5E0]  }
0x181: {  	[tilespmem:s7+$0x580] =	vst v9;
	v9 =	vmul.f32 v13, v11;
	v13 =	vld [tilespmem:s7+$0x5F0]  }
0x182: {  	[tilespmem:s7+$0x590] =	vst v8;
	v8 =	vmul.f32 v16, v11;
	v15 =	vld [tilespmem:s7+$0x600]  }
0x183: {  	[tilespmem:s7+$0x5A0] =	vst v9;
	v9 =	vmul.f32 v10, v11;
	v10 =	vld [tilespmem:s7+$0x610]  }
0x184: {  	[tilespmem:s7+$0x5B0] =	vst v8;
	v8 =	vmul.f32 v14, v11;
	v14 =	vld [tilespmem:s7+$0x620]  }
0x185: {  	[tilespmem:s7+$0x5C0] =	vst v9;
	v9 =	vmul.f32 v12, v11;
	v12 =	vbroadcast v2, $0x9;
	v16 =	vld [tilespmem:s7+$0x630]  }
0x186: {  	[tilespmem:s7+$0x5D0] =	vst v8;
	v8 =	vmul.f32 v13, v11;
	v11 =	vld [tilespmem:s7+$0x640]  }
0x187: {  	[tilespmem:s7+$0x5E0] =	vst v9;
	v9 =	vmul.f32 v15, v12;
	v13 =	vld [tilespmem:s7+$0x650]  }
0x188: {  	[tilespmem:s7+$0x5F0] =	vst v8;
	v8 =	vmul.f32 v10, v12;
	v10 =	vld [tilespmem:s7+$0x660]  }
0x189: {  	[tilespmem:s7+$0x600] =	vst v9;
	v9 =	vmul.f32 v14, v12;
	v14 =	vld [tilespmem:s7+$0x670]  }
0x18a: {  	[tilespmem:s7+$0x610] =	vst v8;
	v8 =	vmul.f32 v16, v12;
	v15 =	vld [tilespmem:s7+$0x680]  }
0x18b: {  	[tilespmem:s7+$0x620] =	vst v9;
	v9 =	vmul.f32 v11, v12;
	v11 =	vld [tilespmem:s7+$0x690]  }
0x18c: {  	[tilespmem:s7+$0x630] =	vst v8;
	v8 =	vmul.f32 v13, v12;
	v13 =	vld [tilespmem:s7+$0x6A0]  }
0x18d: {  	[tilespmem:s7+$0x640] =	vst v9;
	v9 =	vmul.f32 v10, v12;
	v10 =	vld [tilespmem:s7+$0x6B0]  }
0x18e: {  	[tilespmem:s7+$0x650] =	vst v8;
	v8 =	vmul.f32 v14, v12;
	v12 =	vld [tilespmem:s7+$0x6C0]  }
0x18f: {  	[tilespmem:s7+$0x660] =	vst v9;
	v9 =	vmul.f32 v15, v5;
	v14 =	vld [tilespmem:s7+$0x6D0]  }
0x190: {  	[tilespmem:s7+$0x670] =	vst v8;
	v8 =	vmul.f32 v11, v5;
	v11 =	vld [tilespmem:s7+$0x6E0]  }
0x191: {  	v15 =	vld [tilespmem:s7+$0x180];
	[tilespmem:s7+$0x680] =	vst v9;
	v9 =	vmul.f32 v13, v5  }
0x192: {  	v13 =	vld [tilespmem:s7+$0x190];
	[tilespmem:s7+$0x690] =	vst v8;
	v8 =	vmul.f32 v10, v5  }
0x193: {  	v10 =	vld [tilespmem:s7+$0x1C0];
	[tilespmem:s7+$0x6A0] =	vst v9;
	v9 =	vmul.f32 v12, v5  }
0x194: {  	v12 =	vld [tilespmem:s7+$0x1D0];
	[tilespmem:s7+$0x6B0] =	vst v8;
	v8 =	vmul.f32 v14, v5  }
0x195: {  	[tilespmem:s7+$0x6C0] =	vst v9;
	v9 =	vmul.f32 v11, v5;
	v11 =	vbroadcast v2, $0xB;
	v14 =	vld [tilespmem:s7+$0x720]  }
0x196: {  	v5 =	vbroadcast v2, $0xF;
	v15 =	vmul.f32 v3, v15;
	[tilespmem:s7+$0x6D0] =	vst v8;
	v8 =	vld [tilespmem:s7+$0x730]  }
0x197: {  	v13 =	vmul.f32 v13, v3;
	[tilespmem:s7+$0x6E0] =	vst v9;
	v6 =	vmul.f32 v6, v11;
	v9 =	vld [tilespmem:s7+$0x740]  }
0x198: {  	v7 =	vmul.f32 v7, v11;
	[tilespmem:s7+$0x180] =	vst v15;
	v10 =	vmul.f32 v10, v3;
	v15 =	vld [tilespmem:s7+$0x750]  }
0x199: {  	v4 =	vmul.f32 v4, v5;
	v12 =	vmul.f32 v12, v3;
	[tilespmem:s7+$0x700] =	vst v6;
	v3 =	vld [tilespmem:s7+$0x760]  }
0x19a: {  	[tilespmem:s7+$0x710] =	vst v7;
	v6 =	vmul.f32 v14, v11;
	v7 =	vld [tilespmem:s7+$0x770]  }
0x19b: {  	v8 =	vmul.f32 v8, v11;
	v14 =	vld [tilespmem:s7+$0x780];
	[tilespmem:s7+$0x950] =	vst v4  }
0x19c: {  	[tilespmem:s7+$0x190] =	vst v13;
	v4 =	vmul.f32 v9, v11;
	v9 =	vld [tilespmem:s7+$0x790]  }
0x19d: {  	[tilespmem:s7+$0x1C0] =	vst v10;
	v10 =	vmul.f32 v15, v11;
	v13 =	vld [tilespmem:s7+$0x7A0]  }
0x19e: {  	v15 =	vbroadcast v2, $0xC;
	[tilespmem:s7+$0x720] =	vst v6;
	v6 =	vmul.f32 v3, v11;
	v16 =	vld [tilespmem:s7+$0x7B0]  }
0x19f: {  	[tilespmem:s7+$0x750] =	vst v10;
	v7 =	vmul.f32 v7, v11;
	v10 =	vld [tilespmem:s7+$0x7C0]  }
0x1a0: {  	[tilespmem:s7+$0x730] =	vst v8;
	v3 =	vmul.f32 v14, v15;
	v8 =	vld [tilespmem:s7+$0x7D0]  }
0x1a1: {  	[tilespmem:s7+$0x740] =	vst v4;
	v4 =	vmul.f32 v9, v15;
	v9 =	vld [tilespmem:s7+$0x7E0]  }
0x1a2: {  	[tilespmem:s7+$0x780] =	vst v3;
	v3 =	vmul.f32 v13, v15;
	v11 =	vld [tilespmem:s7+$0x7F0]  }
0x1a3: {  	[tilespmem:s7+$0x790] =	vst v4;
	v4 =	vld [tilespmem:s7+$0x800]  }
0x1a4: {  	[tilespmem:s7+$0x1D0] =	vst v12;
	v10 =	vmul.f32 v10, v15;
	v12 =	vld [tilespmem:s7+$0x810]  }
0x1a5: {  	[tilespmem:s7+$0x760] =	vst v6;
	v6 =	vmul.f32 v8, v15;
	v8 =	vld [tilespmem:s7+$0x820]  }
0x1a6: {  	[tilespmem:s7+$0x7C0] =	vst v10;
	v9 =	vmul.f32 v9, v15;
	v10 =	vbroadcast v2, $0xD;
	v13 =	vld [tilespmem:s7+$0x830]  }
0x1a7: {  	[tilespmem:s7+$0x7D0] =	vst v6;
	v6 =	vmul.f32 v11, v15;
	v11 =	vld [tilespmem:s7+$0x840]  }
0x1a8: {  	[tilespmem:s7+$0x7E0] =	vst v9;
	v4 =	vmul.f32 v4, v10;
	v9 =	vld [tilespmem:s7+$0x850]  }
0x1a9: {  	[tilespmem:s7+$0x7F0] =	vst v6;
	v6 =	vmul.f32 v12, v10;
	v12 =	vld [tilespmem:s7+$0x860]  }
0x1aa: {  	[tilespmem:s7+$0x800] =	vst v4;
	v4 =	vmul.f32 v8, v10;
	v8 =	vld [tilespmem:s7+$0x870]  }
0x1ab: {  	[tilespmem:s7+$0x810] =	vst v6;
	v6 =	vmul.f32 v13, v10;
	v13 =	vld [tilespmem:s7+$0x880]  }
0x1ac: {  	[tilespmem:s7+$0x820] =	vst v4;
	v4 =	vmul.f32 v11, v10;
	v11 =	vld [tilespmem:s7+$0x890]  }
0x1ad: {  	[tilespmem:s7+$0x830] =	vst v6;
	v6 =	vmul.f32 v9, v10;
	v9 =	vld [tilespmem:s7+$0x8A0]  }
0x1ae: {  	v2 =	vbroadcast v2, $0xE;
	[tilespmem:s7+$0x770] =	vst v7;
	v7 =	vmul.f32 v12, v10;
	v12 =	vld [tilespmem:s7+$0x8B0]  }
0x1af: {  	[tilespmem:s7+$0x850] =	vst v6;
	v6 =	vmul.f32 v8, v10;
	v8 =	vld [tilespmem:s7+$0x8C0]  }
0x1b0: {  	[tilespmem:s7+$0x860] =	vst v7;
	v7 =	vmul.f32 v13, v2;
	v10 =	vld [tilespmem:s7+$0x8D0]  }
0x1b1: {  	[tilespmem:s7+$0x870] =	vst v6;
	v6 =	vmul.f32 v11, v2;
	v11 =	vld [tilespmem:s7+$0x8E0]  }
0x1b2: {  	[tilespmem:s7+$0x880] =	vst v7;
	v7 =	vmul.f32 v9, v2;
	v9 =	vld [tilespmem:s7+$0x8F0]  }
0x1b3: {  	[tilespmem:s7+$0x890] =	vst v6;
	v6 =	vmul.f32 v12, v2;
	v12 =	vld [tilespmem:s7+$0x900]  }
0x1b4: {  	[tilespmem:s7+$0x8A0] =	vst v7;
	v7 =	vmul.f32 v8, v2;
	v8 =	vld [tilespmem:s7+$0x910]  }
0x1b5: {  	[tilespmem:s7+$0x8B0] =	vst v6;
	v6 =	vmul.f32 v10, v2;
	v10 =	vld [tilespmem:s7+$0x920]  }
0x1b6: {  	[tilespmem:s7+$0x8C0] =	vst v7;
	v7 =	vmul.f32 v11, v2;
	v11 =	vld [tilespmem:s7+$0x930]  }
0x1b7: {  	[tilespmem:s7+$0x840] =	vst v4;
	v2 =	vmul.f32 v9, v2;
	v4 =	vld [tilespmem:s7+$0x940]  }
0x1b8: {  	[tilespmem:s7+$0x8E0] =	vst v7;
	v7 =	vmul.f32 v12, v5;
	v9 =	vld [tilespmem:s7+$0x960]  }
0x1b9: {  	[tilespmem:s7+$0x8F0] =	vst v2;
	v2 =	vmul.f32 v8, v5;
	v8 =	vld [tilespmem:s7+$0x970]  }
0x1ba: {  	[tilespmem:s7+$0x900] =	vst v7;
	v7 =	vmul.f32 v10, v5  }
0x1bb: {  	[tilespmem:s7+$0x910] =	vst v2;
	v2 =	vmul.f32 v11, v5  }
0x1bc: {  	v10 =	vmul.f32 v16, v15;
	[tilespmem:s7+$0x920] =	vst v7  }
0x1bd: {  	[tilespmem:s7+$0x930] =	vst v2;
	v2 =	vmul.f32 v4, v5  }
.Ltmp2:
0x1be: {  	[tilespmem:s7+$0x7B0] =	vst v10;
	v4 =	vmul.f32 v8, v5;
	(pc) =	sbr.rel @p0 .LBB2_7-.Ltmp2, $4  }
0x1bf: {  	[tilespmem:s7+$0x940] =	vst v2  }
0x1c0: {  	v2 =	vmul.f32 v9, v5;
	[tilespmem:s7+$0x970] =	vst v4  }
0x1c1: {  	[tilespmem:s7+$0x8D0] =	vst v6  }
0x1c2: {  	[tilespmem:s7+$0x960] =	vst v2  }
0x1c3: {  	s3 =	sadd.s32 $0x1, s3  }
0x1c4: {  	p0 =	sne.s32 s3, $0x7D  }
.Ltmp3:
0x1c5: {  	[tilespmem:s7+$0x7A0] =	vst v3;
	(pc) =	sbr.rel @p0 .LBB2_6-.Ltmp3, $4  }
0x1c6: {  	[spmem:s2] =	stream.indirect.scatter.add.f32 [tilespmem:s26], [sflag:$0x2], $0x80, s28, s30, $0xb8;
	[tilespmem:$0x1E400] =	vst v63  }
0x1c7: {  	_ =	swait.ge [sflag:s23], $0x2800  }
0x1c8: {  	[sflag:s23] =	ssyncset.done $0x0  }
0x1c9: {  	[sflag:s23] =	ssyncadd.s32 $0xFFFFD800  }
0x1ca: {  	[bflag:$0x0] =	sbarrier.arrive $0xFFFF;
	s0 =	simm.s32 $0x400;
	s9 =	stileid.u32  }
0x1cb: {  	[hbm4b:s19+s28] =	stream.strided.scatter [tilespmem:s29], [sflag:$0x2], $0x2780, s0, s28, $0x38;
	[tilespmem:$0x1E400] =	vst v63  }
0x1cc: {  	s3 =	sshrl.u32 s10, $0x3;
	s25 =	sadd.s32 $0x1, s25;
	_ =	swait.ge [sflag:s23], $0x2780  }
0x1cd: {  	s0 =	sshll.u32 s9, $0x6;
	p0 =	sne.s32 s25, s21;
	[sflag:s23] =	ssyncset.done $0x0  }
.Ltmp4:
0x1ce: {  	s0 =	sor.u32 $0x1C02, s0;
	[sflag:s23] =	ssyncadd.s32 $0xFFFFD880;
	(pc) =	sbr.rel @p0 .LBB2_1-.Ltmp4, $4  }
0x1cf: {  	[hbm:s20], [sflag:s0] =	dma.local [spmem:s3], $0x2800  }
0x1d0: {  	_ =	swait.ge [sflag:s23], $0x2800  }
0x1d1: {  	[sflag:s23] =	ssyncset.done $0x0  }
0x1d2: {  	[sflag:s23] =	ssyncadd.s32 $0xFFFFD800  }
0x1d3: {  	_ =	sfence.sel $0x180000  }
0x1d4: {  	[bflag:$0x0] =	sbarrier.arrive $0xFFFF  }
0x1d5: {  	_ =	strace $0x90000047  }
0x1d6: {  	s0 =	stileid.u32;
	[bflag:$0x2] =	sbarrier.arrive $0xFFFF  }
0x1d7: {  	p0 =	sne.s32 s0, $0x0;
	s0 =	rddreg [dreg:$0x4]  }
0x1d8: {  	s0 =	sadd.s32 @!p0 $0x100000, s0  }
0x1d9: {  	[sflag:s0] =	ssyncadd.tile.s32 @!p0 $0x1;
	_ =	shalt  }
.Lfunc_end2:
_tile_overlayer_lowered:
.L_overlay_start_2:
0x1da: {  	(tag) =	ssettag $0x2  }
0x1db: {  	s0 =	rddreg [dreg:$0x0];
	s2 =	stileid.u32  }
0x1dc: {  	s1 =	rddreg [dreg:$0x1];
	p0 =	sne.s32 s2, $0x0  }
0x1dd: {  	s3 =	rddreg [dreg:$0x2];
	[bflag:$0x3] =	sbarrier.arrive $0xFFFF;
	s2 =	simm.s32 @!p0 $0x1C02  }
0x1de: {  	[timem:s3], [sflag:s2] =	dma.local @!p0 [hbm:s0], s1  }
0x1df: {  	s0 =	simm.s32 @!p0 $0x2  }
0x1e0: {  	_ =	swait.ge @!p0 [sflag:s0], s1  }
0x1e1: {  	s1 =	ssub.s32 @!p0 $0x0, s1;
	[sflag:s0] =	ssyncset.done @!p0 $0x0  }
0x1e2: {  	[sflag:s0] =	ssyncadd.s32 @!p0 s1  }
0x1e3: {  	[bflag:$0x3] =	sbarrier.arrive $0xFFFF  }
0x1e4: {  	_ =	shalt  }

// kernel: kernel.8.cloned.1.call-start
scs
__scs_entry_jumppad:
0x0: {  	(pc) =	sbr.rel $0x88, $3  }
0x1: {  	(tag) =	ssettag $0x0;
	lr =	simm.s32 $0x1  }
0x2: {  	[smem:$0x3F99] =	sst lr;
	_ =	strace $0xD0000000  }
0x3: {  	_ = 	snop  }
0x4: {  	_ = 	snop  }
0x5: {  	_ = 	snop  }
0x6: {  	_ = 	snop  }
0x7: {  	_ = 	snop  }
__scs_overlays_trampoline_lowered:
0x8: {  	[smem:$0x3FA8] =	sst s0  }
0x9: {  	[smem:$0x3FA9] =	sst s1  }
0xa: {  	[smem:$0x3FAA] =	sst s2  }
0xb: {  	[smem:$0x3FAB] =	sst s3  }
0xc: {  	[smem:$0x3FAC] =	sst s4  }
0xd: {  	[smem:$0x3FAD] =	sst s5  }
0xe: {  	[smem:$0x3FAE] =	sst s6  }
0xf: {  	[smem:$0x3FAF] =	sst s7  }
0x10: {  	[smem:$0x3FB0] =	sst s8  }
0x11: {  	[smem:$0x3FB1] =	sst s9;
	s0 =	simm.s32 @!p0 $0x0  }
0x12: {  	s1 =	sld [smem:$0x3F97];
	s0 =	simm.s32 @p0 $0x1  }
0x13: {  	[smem:$0x3FB2] =	sst s0;
	s0 =	simm.s32 @!p1 $0x0  }
0x14: {  	s2 =	sld [smem:$0x3F96];
	s0 =	simm.s32 @p1 $0x1  }
0x15: {  	[smem:$0x3FB3] =	sst s0;
	s0 =	simm.s32 @!p2 $0x0  }
0x16: {  	s3 =	sld [smem:$0x3FDB];
	s0 =	simm.s32 @p2 $0x1  }
0x17: {  	s4 =	simm.s32 $0x1BF5;
	[smem:$0x3FB5] =	sst s0  }
0x18: {  	s0 =	sld [smem:$0x3F98];
	_ =	swait.ge [sflag:s4], $0x0  }
0x19: {  	s7 =	sld [smem:$0x3F99]  }
0x1a: {  	s8 =	sadd.s32 $0xFFFFE003, lr  }
0x1b: {  	s9 =	sadd.s32 $0xFFFFFEF7, lr;
	s5 =	simm.s32 $0xFFFFFFFF;
	p2 =	slt.u32 s8, $0xFFFFF086  }
0x1c: {  	p1 =	slt.u32 s9, $0xF7A;
	s5 =	simm.s32 @!p2 $0x0  }
0x1d: {  	s5 =	simm.s32 @p1 $0x1;
	p0 =	seq.s32 s7, s2  }
0x1e: {  	s7 =	smul.u32 @!p0 $0xF7A, s2;
	p2 =	seq.s32 @!p0 s5, $0x0  }
0x1f: {  	s9 =	smul.u32 $0xF7A, s1;
	s8 =	simm.s32 @!p0 $0x1BF5;
	p2 =	por !p2, p0  }
0x20: {  	[sflag:s8] =	ssyncset.s32 @!p0 $0xFFFFF086;
	s6 =	sadd.s32 @!p0 s3, s7;
	s7 =	simm.s32 @!p0 $0x108  }
0x21: {  	s3 =	sadd.s32 s3, s9;
	s6 =	sadd.s32 @!p0 $0x88, s6;
	s7 =	simm.s32 @p2 $0x1082  }
0x22: {  	[simem:s7], [sflag:s8] =	dma.local @!p0 [hbm:s6], $0xF7A  }
0x23: {  	s9 =	sor.u32 $0xD0000000, s2;
	s6 =	simm.s32 $0x108;
	_ =	swait.ge @!p0 [sflag:s8], $0x0  }
0x24: {  	s3 =	sadd.s32 $0x88, s3;
	s6 =	simm.s32 @!p1 $0x1082;
	[sflag:s4] =	ssyncset.s32 $0xFFFFF086  }
0x25: {  	[simem:s6], [sflag:s4] =	dma.local [hbm:s3], $0xF7A  }
0x26: {  	[smem:$0x3F99] =	sst s1;
	(tag) =	ssettag s2;
	_ =	strace s9  }
0x27: {  	s1 =	sld [smem:$0x3FA9]  }
0x28: {  	s2 =	sld [smem:$0x3FAA]  }
0x29: {  	s4 =	sld [smem:$0x3FAC]  }
0x2a: {  	p0 =	seq.s32 s5, $0x0;
	s5 =	sld [smem:$0x3FAD]  }
0x2b: {  	s6 =	sld [smem:$0x3FAE]  }
0x2c: {  	s7 =	sld [smem:$0x3FAF]  }
0x2d: {  	s3 =	simm.s32 $0x108;
	s8 =	sld [smem:$0x3FB0]  }
0x2e: {  	s3 =	simm.s32 @!p0 $0x1082;
	s9 =	sld [smem:$0x3FB1]  }
0x2f: {  	lr =	sadd.s32 s0, s3;
	s0 =	sld [smem:$0x3FA8]  }
0x30: {  	s3 =	sld [smem:$0x3FAB]  }
0x31: {  	[smem:$0x3FB4] =	sst s10  }
0x32: {  	s10 =	sld [smem:$0x3FB2];
	_ =	sdelay $0x3  }
0x33: {  	p0 =	seq.s32 s10, $0x1;
	s10 =	sld [smem:$0x3FB4];
	_ =	sdelay $0x3  }
0x34: {  	[smem:$0x3FB4] =	sst s10  }
0x35: {  	s10 =	sld [smem:$0x3FB3];
	_ =	sdelay $0x3  }
0x36: {  	p1 =	seq.s32 s10, $0x1;
	s10 =	sld [smem:$0x3FB4];
	_ =	sdelay $0x3  }
0x37: {  	[smem:$0x3FB4] =	sst s10  }
0x38: {  	s10 =	sld [smem:$0x3FB5]  }
0x39: {  	_ = 	snop;
	(pc) =	sbr.ind lr, $3  }
0x3a: {  	_ = 	snop  }
0x3b: {  	_ = 	snop  }
0x3c: {  	p2 =	seq.s32 s10, $0x1;
	s10 =	sld [smem:$0x3FB4]  }
0x3d: {  	_ =	shalt  }
0x3e: {  	_ =	shalt  }
0x3f: {  	_ =	shalt  }
0x40: {  	_ =	shalt  }
0x41: {  	_ =	shalt  }
0x42: {  	_ =	shalt  }
0x43: {  	_ =	shalt  }
0x44: {  	_ =	shalt  }
0x45: {  	_ =	shalt  }
0x46: {  	_ =	shalt  }
0x47: {  	_ =	shalt  }
0x48: {  	_ =	shalt  }
0x49: {  	_ =	shalt  }
0x4a: {  	_ =	shalt  }
0x4b: {  	_ =	shalt  }
0x4c: {  	_ =	shalt  }
0x4d: {  	_ =	shalt  }
0x4e: {  	_ =	shalt  }
0x4f: {  	_ =	shalt  }
0x50: {  	_ =	shalt  }
0x51: {  	_ =	shalt  }
0x52: {  	_ =	shalt  }
0x53: {  	_ =	shalt  }
0x54: {  	_ =	shalt  }
0x55: {  	_ =	shalt  }
0x56: {  	_ =	shalt  }
0x57: {  	_ =	shalt  }
0x58: {  	_ =	shalt  }
0x59: {  	_ =	shalt  }
0x5a: {  	_ =	shalt  }
0x5b: {  	_ =	shalt  }
0x5c: {  	_ =	shalt  }
0x5d: {  	_ =	shalt  }
0x5e: {  	_ =	shalt  }
0x5f: {  	_ =	shalt  }
0x60: {  	_ =	shalt  }
0x61: {  	_ =	shalt  }
0x62: {  	_ =	shalt  }
0x63: {  	_ =	shalt  }
0x64: {  	_ =	shalt  }
0x65: {  	_ =	shalt  }
0x66: {  	_ =	shalt  }
0x67: {  	_ =	shalt  }
0x68: {  	_ =	shalt  }
0x69: {  	_ =	shalt  }
0x6a: {  	_ =	shalt  }
0x6b: {  	_ =	shalt  }
0x6c: {  	_ =	shalt  }
0x6d: {  	_ =	shalt  }
0x6e: {  	_ =	shalt  }
0x6f: {  	_ =	shalt  }
0x70: {  	_ =	shalt  }
0x71: {  	_ =	shalt  }
0x72: {  	_ =	shalt  }
0x73: {  	_ =	shalt  }
0x74: {  	_ =	shalt  }
0x75: {  	_ =	shalt  }
0x76: {  	_ =	shalt  }
0x77: {  	_ =	shalt  }
0x78: {  	_ =	shalt  }
0x79: {  	_ =	shalt  }
0x7a: {  	_ =	shalt  }
0x7b: {  	_ =	shalt  }
0x7c: {  	_ =	shalt  }
0x7d: {  	_ =	shalt  }
0x7e: {  	_ =	shalt  }
0x7f: {  	_ =	shalt  }
0x80: {  	_ =	shalt  }
0x81: {  	_ =	shalt  }
0x82: {  	_ =	shalt  }
0x83: {  	_ =	shalt  }
0x84: {  	_ =	shalt  }
0x85: {  	_ =	shalt  }
0x86: {  	_ =	shalt  }
0x87: {  	_ =	shalt  }
.Lfunc_end0:
.L_simem_size_0:
called_computation_lowered:
.L_overlay_start_0:
0x88: {  	s2 =	sld [smem:$0x3FD9]  }
0x89: {  	s3 =	sld [smem:$0x3FFE];
	_ =	sdelay $0x1  }
0x8a: {  	s1 =	srdreg.scid  }
0x8b: {  	s0 =	sand.u32 $0x1, s1  }
0x8c: {  	s15 =	sshll.u32 s0, $0xA;
	s2 =	sadd.s32 s3, s2  }
0x8d: {  	s2 =	sadd.s32 s2, s15  }
0x8e: {  	[smem:$0x3FC0] =	sst s2  }
0x8f: {  	_ = 	snop  }
0x90: {  	s16 =	sld [smem:$0x3FD0];
	_ =	sdelay $0x2  }
0x91: {  	s4 =	simm.s32 $0xB;
	s5 =	simm.s32 $0x10;
	s2 =	sld [smem:$0x3FC8]  }
0x92: {  	[smem:s5], [sflag:s4] =	dma.local [hbm:s16], $0x1  }
0x93: {  	_ =	swait.eq [sflag:s4], $0x1  }
0x94: {  	[sflag:s4] =	ssyncset.done $0x0  }
0x95: {  	[sflag:s4] =	ssyncadd.s32 $0xFFFFFFFF  }
0x96: {  	s17 =	sld [smem:$0x11];
	(tm) =	ssettm $0x1  }
0x97: {  	s18 =	sld [smem:$0x3FFB];
	_ =	sdelay $0x3  }
0x98: {  	_ =	strace s18  }
0x99: {  	s3 =	sld [smem:$0x3FFC];
	_ =	sdelay $0x3  }
0x9a: {  	_ =	strace s3  }
0x9b: {  	s3 =	sld [smem:$0x3FFD];
	_ =	sdelay $0x3  }
0x9c: {  	_ =	strace s3  }
0x9d: {  	_ =	strace $0x8FFFFFFF  }
0x9e: {  	s19 =	sld [smem:$0x3FDB];
	_ =	sdelay $0x1  }
0x9f: {  	s20 =	simm.s32 $_scs_section_size  }
0xa0: {  	s6 =	simm.s32 $_size__tile_overlayer_lowered;
	s7 =	simm.s32 $_tile_overlayer_lowered  }
0xa1: {  	s8 =	simm.s32 $0x1BFF;
	s21 =	sshll.u32 s7, $0x1;
	s5 =	sadd.s32 s20, s19  }
0xa2: {  	s22 =	simm.s32 $0x0;
	s6 =	sshll.u32 s6, $0x1;
	s7 =	sadd.s32 s21, s5  }
0xa3: {  	[timem:s22], [sflag:s8] =	dma.local [hbm:s7], s6  }
0xa4: {  	_ =	swait.ge [sflag:s8], s6  }
0xa5: {  	s6 =	ssub.s32 $0x0, s6;
	[sflag:s8] =	ssyncset.done $0x0  }
0xa6: {  	[sflag:s8] =	ssyncadd.s32 s6;
	_ =	sdelay $0x1  }
0xa7: {  	s23 =	simm.s32 $0x1B8B  }
0xa8: {  	_ =	swait.ge [sflag:s23], $0x1  }
0xa9: {  	[sflag:s23] =	ssyncset.done $0x0  }
0xaa: {  	[sflag:s23] =	ssyncadd.s32 $0xFFFFFFFF  }
0xab: {  	s6 =	sld [smem:$0x0]  }
0xac: {  	s7 =	sand.u32 $0xFFFFFFFE, s1  }
0xad: {  	p0 =	sne.s32 s1, s7  }
0xae: {  	s7 =	sshll.u32 @p0 s7, $0xE  }
0xaf: {  	s7 =	sadd.s32 @p0 $0x11B8D, s7;
	s8 =	sshll.u32 @p0 s6, $0x11  }
0xb0: {  	s7 =	sor.u32 @p0 s8, s7  }
0xb1: {  	[sflag:s7] =	ssyncadd.remote.s32 @p0 $0x1;
	_ =	sdelay $0x1  }
0xb2: {  	s7 =	simm.s32 @p0 $0x1B8D  }
0xb3: {  	_ =	swait.eq @p0 [sflag:s7], $0x1  }
0xb4: {  	[sflag:s7] =	ssyncadd.s32 @p0 $0xFFFFFFFF  }
0xb5: {  	s8 =	sshll.u32 @!p0 s1, $0xE  }
0xb6: {  	s8 =	sor.u32 @!p0 $0x4000, s8;
	s7 =	simm.s32 @!p0 $0x1B8D  }
0xb7: {  	s6 =	sshll.u32 @!p0 s6, $0x11;
	s8 =	sadd.s32 @!p0 $0x11B8D, s8;
	_ =	swait.eq @!p0 [sflag:s7], $0x1  }
0xb8: {  	s6 =	sor.u32 @!p0 s6, s8;
	[sflag:s7] =	ssyncadd.s32 @!p0 $0xFFFFFFFF  }
0xb9: {  	s25 =	simm.s32 $0x1B8E;
	s24 =	sld [smem:$0x3FFE];
	[sflag:s6] =	ssyncadd.remote.s32 @!p0 $0x1  }
0xba: {  	s26 =	simm.s32 $execute0_lowered;
	[smem:$0x3FD2] =	sst s25  }
0xbb: {  	s7 =	sshll.u32 s26, $0x1;
	_ =	strace $0x80000049;
	[dreg:$0x1] =	wrdreg $0xFFFFFFFF  }
0xbc: {  	s28 =	simm.s32 $_size_execute0_lowered;
	s5 =	sadd.s32 s5, s7;
	[dreg:$0x0] =	wrdreg $0x0  }
0xbd: {  	s7 =	sshll.u32 s28, $0x1;
	[dreg:$0x2] =	wrdreg s5  }
0xbe: {  	[dreg:$0x3] =	wrdreg s7  }
0xbf: {  	[dreg:$0x4] =	wrdreg $0xC0  }
0xc0: {  	_ =	task [dreg:s22], $0x5FFFF  }
0xc1: {  	[dreg:$0x1] =	wrdreg $0xFFFFFFFF  }
0xc2: {  	[dreg:$0x0] =	wrdreg $0x60  }
0xc3: {  	[dreg:$0x2] =	wrdreg s24  }
0xc4: {  	[dreg:$0x3] =	wrdreg s2  }
0xc5: {  	[dreg:$0x4] =	wrdreg s17  }
0xc6: {  	[dreg:$0x5] =	wrdreg $0xA4000  }
0xc7: {  	[dreg:$0x6] =	wrdreg $0x9  }
0xc8: {  	_ =	task.clear_ibuf [dreg:s22], $0x7FFFF;
	_ =	strace $0x90000049  }
0xc9: {  	s29 =	simm.s32 $0x9;
	_ =	strace $0x8000004B  }
0xca: {  	_ =	swait.ge [sflag:s29], $0x1  }
0xcb: {  	[sflag:s29] =	ssyncadd.s32 $0xFFFFFFFF  }
0xcc: {  	_ =	strace $0x9000004B  }
0xcd: {  	_ =	sfence  }
0xce: {  	s30 =	sld [smem:$0x0];
	_ =	sdelay $0x2  }
0xcf: {  	s31 =	sshll.u32 s1, $0xD;
	s1 =	sshrl.u32 s1, $0x2  }
0xd0: {  	s4 =	sand.u32 $0x4000, s31;
	s1 =	sadd.s32 s1, s30  }
0xd1: {  	s0 =	sor.u32 s4, s0;
	s1 =	sshll.u32 s1, $0x11  }
0xd2: {  	s0 =	sor.u32 s1, s0  }
0xd3: {  	s0 =	sadd.s32 $0x8F2B, s0  }
0xd4: {  	[sflag:s0] =	ssyncadd.remote.s32 $0x1  }
0xd5: {  	_ =	sfence.sel $0xFFFF  }
0xd6: {  	[dreg:$0x0] =	wrdreg $0xFFFFFFFF;
	(pc) =	sbr.abs _section_cstart, $3  }
0xd7: {  	[dreg:$0x1] =	wrdreg $0xFFFFFFFF  }
0xd8: {  	_ =	task.clear_ibuf [dreg:s22], $0x2FFFF;
	_ =	strace $0x9FFFFFFF  }
0xd9: {  	(tm) =	ssettm $0x7FFFFFFF  }
tec
execute0_lowered:
.L_overlay_start_1:
0x0: {  	(tag) =	ssettag $0x1  }
0x1: {  	s0 =	rddreg [dreg:$0x0]  }
0x2: {  	s1 =	rddreg [dreg:$0x1]  }
0x3: {  	s3 =	rddreg [dreg:$0x2]  }
0x4: {  	s2 =	rddreg [dreg:$0x3]  }
0x5: {  	s4 =	srdreg.scid;
	s12 =	stileid.u32  }
0x6: {  	s28 =	simm.s32 $0x80;
	s29 =	simm.s32 $0x7880;
	s30 =	simm.s32 $0x50  }
0x7: {  	s31 =	simm.s32 $0x1;
	s7 =	sand.u32 $0x1, s4;
	s4 =	simm.s32 $0x0  }
0x8: {  	s9 =	smul.u32 $0x14000, s12;
	s5 =	sadd.s32 $0x70200, s0;
	s6 =	sadd.s32 $0x66400, s0  }
0x9: {  	s10 =	sadd.s32 $0x65E00, s0;
	s22 =	sadd.s32 $0x65800, s0;
	s11 =	smul.u32 $0x50000, s12  }
0xa: {  	s24 =	sadd.s32 $0x65600, s0;
	s26 =	sshll.u32 s12, $0x1;
	s12 =	sshrl.u32 s12, $0x2  }
0xb: {  	s8 =	smul.u32 $0x140000, s7;
	[smem:$0x7FF] =	sst s4;
	s23 =	ssub.s32 $0x2, s7  }
0xc: {  	s7 =	sor.u32 s7, s26;
	_ =	strace $0x8000004A;
	[dreg:$0x5] =	wrdreg s10  }
0xd: {  	s16 =	smul.u32 $0x13C00, s12;
	s26 =	simm.s32 $0x180;
	[dreg:$0x6] =	wrdreg s22  }
0xe: {  	[dreg:$0x7] =	wrdreg s24;
	s25 =	sshrl.u32 s23, $0x1;
	s11 =	sshrl.u32 s11, $0x2  }
0xf: {  	s14 =	sshll.u32 s7, $0x7;
	s22 =	simm.s32 $0x2980;
	s24 =	simm.s32 $0x5100  }
0x10: {  	s8 =	sadd.s32 s9, s8;
	s10 =	sadd.s32 s11, s2;
	s17 =	sand.u32 $0x380, s14  }
0x11: {  	s8 =	sshrl.u32 s8, $0x3;
	s11 =	sadd.s32 $0x2800, s10;
	s12 =	sadd.s32 $0x5000, s10  }
0x12: {  	s13 =	sadd.s32 $0x7800, s10;
	s14 =	sadd.s32 $0xA000, s10;
	s15 =	sadd.s32 $0xC800, s10  }
0x13: {  	s18 =	sor.u32 s16, s17;
	s16 =	sadd.s32 $0xF000, s10;
	s17 =	sadd.s32 $0x11800, s10  }
0x14: {  	s0 =	sadd.s32 s8, s0;
	s8 =	ssub.s32 s23, s25;
	s19 =	sshrl.u32 s18, $0x3  }
0x15: {  	s18 =	smul.u32 $0x2710, s7;
	s23 =	simm.s32 $0x2;
	s25 =	simm.s32 $0x0  }
0x16: {  	v0 =	vimm.f32 $0.0e+00;
	s19 =	sadd.s32 s3, s19;
	s20 =	sadd.s32 $0x7A000, s0;
	s21 =	smax.u32 s8, $0x1  }
.LBB2_1:
0x17: {  	s0 =	rddreg [dreg:$0x5]  }
0x18: {  	[tilespmem:s22], [sflag:$0x2] =	stream.linear.gather [hbm4b:s0+s4], $0x2780, $0x38;
	[tilespmem:$0x1E400] =	vst v63  }
0x19: {  	_ =	swait.ge [sflag:s23], $0x2780  }
0x1a: {  	[sflag:s23] =	ssyncset.done $0x0  }
0x1b: {  	s8 =	rddreg [dreg:$0x6];
	[sflag:s23] =	ssyncadd.s32 $0xFFFFD880  }
0x1c: {  	[tilespmem:s24], [sflag:$0x2] =	stream.linear.gather [hbm4b:s8+s4], $0x2780, $0x38;
	[tilespmem:$0x1E400] =	vst v63  }
0x1d: {  	_ =	swait.ge [sflag:s23], $0x2780  }
0x1e: {  	[sflag:s23] =	ssyncset.done $0x0  }
0x1f: {  	s3 =	simm.s32 $0xA000;
	s9 =	rddreg [dreg:$0x7];
	[sflag:s23] =	ssyncadd.s32 $0xFFFFD880  }
0x20: {  	[tilespmem:s3], [sflag:$0x2] =	stream.linear.gather [hbm4b:s9+s4], $0x400, $0x38;
	[tilespmem:$0x1E400] =	vst v63  }
0x21: {  	_ =	swait.ge [sflag:s23], $0x400  }
0x22: {  	[sflag:s23] =	ssyncset.done $0x0  }
0x23: {  	[sflag:s23] =	ssyncadd.s32 $0xFFFFFC00  }
0x24: {  	s0 =	simm.s32 $0x0;
	v1 =	vld [tilespmem:$0xA000]  }
.LBB2_2:
0x25: {  	p0 =	sne.s32 s0, $0x9C00  }
.Ltmp0:
0x26: {  	_ = 	snop;
	(pc) =	sbr.rel @p0 .LBB2_2-.Ltmp0, $3  }
0x27: {  	_ =	sdelay $0x1  }
0x28: {  	s3 =	sshra.s32 s0, $0x2  }
0x29: {  	s0 =	sadd.s32 $0x40, s0;
	[tilespmem:s3+$0x7880] =	vst v0  }
0x2a: {  	s0 =	simm.s32 $0x0;
	s3 =	simm.s32 $0x200  }
.LBB2_4:
0x2b: {  	p0 =	sne.s32 s3, $0x9E00;
	[tilespmem:s0+$0x1F0] =	vst v0  }
0x2c: {  	[tilespmem:s0+$0x180] =	vst v0  }
0x2d: {  	[tilespmem:s0+$0x190] =	vst v0  }
.Ltmp1:
0x2e: {  	[tilespmem:s0+$0x1A0] =	vst v0;
	(pc) =	sbr.rel @p0 .LBB2_4-.Ltmp1, $4  }
0x2f: {  	[tilespmem:s0+$0x1B0] =	vst v0  }
0x30: {  	[tilespmem:s0+$0x1C0] =	vst v0  }
0x31: {  	[tilespmem:s0+$0x1D0] =	vst v0  }
0x32: {  	[tilespmem:s0+$0x1E0] =	vst v0;
	s0 =	sshra.s32 s3, $0x2;
	s3 =	sadd.s32 $0x200, s3  }
0x33: {  	[tilespmem:s0+$0x1F0] =	vst v0  }
0x34: {  	[tilespmem:s0+$0x180] =	vst v0  }
0x35: {  	[tilespmem:s0+$0x190] =	vst v0  }
0x36: {  	[tilespmem:s0+$0x1A0] =	vst v0  }
0x37: {  	[tilespmem:s0+$0x1B0] =	vst v0  }
0x38: {  	[tilespmem:s0+$0x1C0] =	vst v0  }
0x39: {  	[tilespmem:s0+$0x1D0] =	vst v0  }
0x3a: {  	[tilespmem:s0+$0x1E0] =	vst v0  }
0x3b: {  	[spmem:s10] =	stream.linear.scatter [tilespmem:s26], [sflag:$0x2], $0x2800, $0x38;
	[tilespmem:$0x1E400] =	vst v63  }
0x3c: {  	_ =	swait.ge [sflag:s23], $0x2800  }
0x3d: {  	[sflag:s23] =	ssyncset.done $0x0  }
0x3e: {  	[sflag:s23] =	ssyncadd.s32 $0xFFFFD800  }
0x3f: {  	[spmem:s11] =	stream.linear.scatter [tilespmem:s26], [sflag:$0x2], $0x2800, $0x38;
	[tilespmem:$0x1E400] =	vst v63  }
0x40: {  	_ =	swait.ge [sflag:s23], $0x2800  }
0x41: {  	[sflag:s23] =	ssyncset.done $0x0  }
0x42: {  	[sflag:s23] =	ssyncadd.s32 $0xFFFFD800  }
0x43: {  	[spmem:s12] =	stream.linear.scatter [tilespmem:s26], [sflag:$0x2], $0x2800, $0x38;
	[tilespmem:$0x1E400] =	vst v63  }
0x44: {  	_ =	swait.ge [sflag:s23], $0x2800  }
0x45: {  	[sflag:s23] =	ssyncset.done $0x0  }
0x46: {  	[sflag:s23] =	ssyncadd.s32 $0xFFFFD800  }
0x47: {  	[spmem:s13] =	stream.linear.scatter [tilespmem:s26], [sflag:$0x2], $0x2800, $0x38;
	[tilespmem:$0x1E400] =	vst v63  }
0x48: {  	_ =	swait.ge [sflag:s23], $0x2800  }
0x49: {  	[sflag:s23] =	ssyncset.done $0x0  }
0x4a: {  	[sflag:s23] =	ssyncadd.s32 $0xFFFFD800  }
0x4b: {  	[spmem:s14] =	stream.linear.scatter [tilespmem:s26], [sflag:$0x2], $0x2800, $0x38;
	[tilespmem:$0x1E400] =	vst v63  }
0x4c: {  	_ =	swait.ge [sflag:s23], $0x2800  }
0x4d: {  	[sflag:s23] =	ssyncset.done $0x0  }
0x4e: {  	[sflag:s23] =	ssyncadd.s32 $0xFFFFD800  }
0x4f: {  	[spmem:s15] =	stream.linear.scatter [tilespmem:s26], [sflag:$0x2], $0x2800, $0x38;
	[tilespmem:$0x1E400] =	vst v63  }
0x50: {  	_ =	swait.ge [sflag:s23], $0x2800  }
0x51: {  	[sflag:s23] =	ssyncset.done $0x0  }
0x52: {  	[sflag:s23] =	ssyncadd.s32 $0xFFFFD800  }
0x53: {  	[spmem:s16] =	stream.linear.scatter [tilespmem:s26], [sflag:$0x2], $0x2800, $0x38;
	[tilespmem:$0x1E400] =	vst v63  }
0x54: {  	_ =	swait.ge [sflag:s23], $0x2800  }
0x55: {  	[sflag:s23] =	ssyncset.done $0x0  }
0x56: {  	[sflag:s23] =	ssyncadd.s32 $0xFFFFD800  }
0x57: {  	[spmem:s17] =	stream.linear.scatter [tilespmem:s26], [sflag:$0x2], $0x2800, $0x38;
	[tilespmem:$0x1E400] =	vst v63  }
0x58: {  	_ =	swait.ge [sflag:s23], $0x2800  }
0x59: {  	[sflag:s23] =	ssyncset.done $0x0  }
0x5a: {  	[sflag:s23] =	ssyncadd.s32 $0xFFFFD800  }
0x5b: {  	s0 =	simm.s32 $0x0;
	s3 =	simm.s32 $0x0;
	[bflag:$0x0] =	sbarrier.arrive $0xFFFF  }
.LBB2_6:
0x5c: {  	s7 =	smul.u32 $0x50, s3;
	_ =	sdelay $0x1  }
0x5d: {  	s7 =	sadd.s32 s18, s7  }
0x5e: {  	s7 =	sshrl.u32 s7, $0x3  }
0x5f: {  	s8 =	sadd.s32 s5, s7  }
0x60: {  	[tilespmem:s0], [sflag:$0x2] =	stream.linear.gather [hbm4b:s8+s0], $0x50, $0x38;
	[tilespmem:$0x1E400] =	vst v63  }
0x61: {  	_ =	swait.ge [sflag:s23], $0x50  }
0x62: {  	[sflag:s23] =	ssyncset.done $0x0  }
0x63: {  	s7 =	sadd.s32 s6, s7;
	[sflag:s23] =	ssyncadd.s32 $0xFFFFFFB0  }
0x64: {  	[tilespmem:s28], [sflag:$0x2] =	stream.linear.gather [hbm4b:s7+s0], $0x50, $0x38;
	[tilespmem:$0x1E400] =	vst v63  }
0x65: {  	_ =	swait.ge [sflag:s23], $0x50  }
0x66: {  	[sflag:s23] =	ssyncset.done $0x0  }
0x67: {  	[sflag:s23] =	ssyncadd.s32 $0xFFFFFFB0  }
0x68: {  	v2 =	vld [tilespmem:$0x0]  }
0x69: {  	v3 =	vld [tilespmem:$0x80];
	_ =	sdelay $0x6  }
0x6a: {  	v2 =	vld.idx.msk [tilespmem:v2+s22+$0x0], $0xffff  }
0x6b: {  	v4 =	vld.idx.msk [tilespmem:v3+s24+$0x0], $0xffff;
	_ =	sdelay $0x4  }
0x6c: {  	v2 =	vadd.f32 v4, v2;
	_ =	sdelay $0x1  }
0x6d: {  	v4 =	vmul.f32 $2.000000030e-01, v2;
	_ =	sdelay $0x1  }
0x6e: {  	v2 =	vmax.f32 v2, v4  }
0x6f: {  	v2 =	vsub.f32 v2, v1;
	_ =	sdelay $0x1  }
0x70: {  	v2 =	vmul.f32 $1.442695020e+00, v2;
	_ =	sdelay $0x1  }
0x71: {  	(erf) = vpow2.f32 v2;
	_ =	sdelay $0x8  }
0x72: {  	v2 =	vpop (erf)  }
0x73: {  	[tilespmem:$0x100] =	vst v2  }
0x74: {  	[tilespmem:v3+s29+$0x0] =	vst.idx.add.f32.msk $0xffff, v2  }
0x75: {  	v2 =	vld [tilespmem:$0x10]  }
0x76: {  	v3 =	vld [tilespmem:$0x90];
	_ =	sdelay $0x6  }
0x77: {  	v2 =	vld.idx.msk [tilespmem:v2+s22+$0x0], $0xffff  }
0x78: {  	v4 =	vld.idx.msk [tilespmem:v3+s24+$0x0], $0xffff;
	_ =	sdelay $0x4  }
0x79: {  	v2 =	vadd.f32 v4, v2;
	_ =	sdelay $0x1  }
0x7a: {  	v4 =	vmul.f32 $2.000000030e-01, v2;
	_ =	sdelay $0x1  }
0x7b: {  	v2 =	vmax.f32 v2, v4  }
0x7c: {  	v2 =	vsub.f32 v2, v1;
	_ =	sdelay $0x1  }
0x7d: {  	v2 =	vmul.f32 $1.442695020e+00, v2;
	_ =	sdelay $0x1  }
0x7e: {  	(erf) = vpow2.f32 v2;
	_ =	sdelay $0x8  }
0x7f: {  	v2 =	vpop (erf)  }
0x80: {  	[tilespmem:$0x110] =	vst v2  }
0x81: {  	[tilespmem:v3+s29+$0x0] =	vst.idx.add.f32.msk $0xffff, v2  }
0x82: {  	v2 =	vld [tilespmem:$0x20]  }
0x83: {  	v3 =	vld [tilespmem:$0xA0];
	_ =	sdelay $0x6  }
0x84: {  	v2 =	vld.idx.msk [tilespmem:v2+s22+$0x0], $0xffff  }
0x85: {  	v4 =	vld.idx.msk [tilespmem:v3+s24+$0x0], $0xffff;
	_ =	sdelay $0x4  }
0x86: {  	v2 =	vadd.f32 v4, v2;
	_ =	sdelay $0x1  }
0x87: {  	v4 =	vmul.f32 $2.000000030e-01, v2;
	_ =	sdelay $0x1  }
0x88: {  	v2 =	vmax.f32 v2, v4  }
0x89: {  	v2 =	vsub.f32 v2, v1;
	_ =	sdelay $0x1  }
0x8a: {  	v2 =	vmul.f32 $1.442695020e+00, v2;
	_ =	sdelay $0x1  }
0x8b: {  	(erf) = vpow2.f32 v2;
	_ =	sdelay $0x8  }
0x8c: {  	v2 =	vpop (erf)  }
0x8d: {  	[tilespmem:$0x120] =	vst v2  }
0x8e: {  	[tilespmem:v3+s29+$0x0] =	vst.idx.add.f32.msk $0xffff, v2  }
0x8f: {  	v2 =	vld [tilespmem:$0x30]  }
0x90: {  	v3 =	vld [tilespmem:$0xB0];
	_ =	sdelay $0x6  }
0x91: {  	v2 =	vld.idx.msk [tilespmem:v2+s22+$0x0], $0xffff  }
0x92: {  	v4 =	vld.idx.msk [tilespmem:v3+s24+$0x0], $0xffff;
	_ =	sdelay $0x4  }
0x93: {  	v2 =	vadd.f32 v4, v2;
	_ =	sdelay $0x1  }
0x94: {  	v4 =	vmul.f32 $2.000000030e-01, v2;
	_ =	sdelay $0x1  }
0x95: {  	v2 =	vmax.f32 v2, v4  }
0x96: {  	v2 =	vsub.f32 v2, v1;
	_ =	sdelay $0x1  }
0x97: {  	v2 =	vmul.f32 $1.442695020e+00, v2;
	_ =	sdelay $0x1  }
0x98: {  	(erf) = vpow2.f32 v2;
	_ =	sdelay $0x8  }
0x99: {  	v2 =	vpop (erf)  }
0x9a: {  	[tilespmem:$0x130] =	vst v2  }
0x9b: {  	[tilespmem:v3+s29+$0x0] =	vst.idx.add.f32.msk $0xffff, v2  }
0x9c: {  	v2 =	vld [tilespmem:$0x40]  }
0x9d: {  	v3 =	vld [tilespmem:$0xC0];
	_ =	sdelay $0x6  }
0x9e: {  	v2 =	vld.idx.msk [tilespmem:v2+s22+$0x0], $0xffff  }
0x9f: {  	v4 =	vld.idx.msk [tilespmem:v3+s24+$0x0], $0xffff;
	_ =	sdelay $0x4  }
0xa0: {  	v2 =	vadd.f32 v4, v2;
	_ =	sdelay $0x1  }
0xa1: {  	v4 =	vmul.f32 $2.000000030e-01, v2;
	_ =	sdelay $0x1  }
0xa2: {  	v2 =	vmax.f32 v2, v4  }
0xa3: {  	v2 =	vsub.f32 v2, v1;
	_ =	sdelay $0x1  }
0xa4: {  	v2 =	vmul.f32 $1.442695020e+00, v2;
	_ =	sdelay $0x1  }
0xa5: {  	(erf) = vpow2.f32 v2;
	_ =	sdelay $0x8  }
0xa6: {  	v2 =	vpop (erf)  }
0xa7: {  	[tilespmem:$0x140] =	vst v2  }
0xa8: {  	[tilespmem:v3+s29+$0x0] =	vst.idx.add.f32.msk $0xffff, v2  }
0xa9: {  	[tilespmem:s26], [sflag:$0x1] =	stream.indirect.gather [hbm4b:s1+s30], $0x80, s0, s30, $0xb8;
	[tilespmem:$0x1E400] =	vst v63  }
0xaa: {  	_ =	swait.ge [sflag:s31], $0x2800  }
0xab: {  	s8 =	simm.s32 $0x0;
	[sflag:s31] =	ssyncset.done $0x0  }
0xac: {  	s9 =	simm.s32 $0x0;
	s7 =	sand.u32 $0x3FFFFFF0, s8;
	[sflag:s31] =	ssyncadd.s32 $0xFFFFD800  }
0xad: {  	v2 =	vld [tilespmem:s7+$0x100];
	s7 =	sand.u32 $0x3FFFF800, s9  }
0xae: {  	v8 =	vld [tilespmem:s7+$0x240]  }
0xaf: {  	v4 =	vld [tilespmem:s7+$0x1A0]  }
0xb0: {  	v5 =	vld [tilespmem:s7+$0x1B0]  }
0xb1: {  	v11 =	vld [tilespmem:s7+$0x1E0]  }
0xb2: {  	v12 =	vld [tilespmem:s7+$0x1F0];
	v3 =	vbroadcast v2, $0x0  }
0xb3: {  	v13 =	vld [tilespmem:s7+$0x200]  }
0xb4: {  	v14 =	vld [tilespmem:s7+$0x210];
	v4 =	vmul.f32 v4, v3  }
0xb5: {  	v15 =	vld [tilespmem:s7+$0x220];
	v5 =	vmul.f32 v5, v3  }
0xb6: {  	v10 =	vld [tilespmem:s7+$0x230];
	v21 =	vbroadcast v2, $0x1;
	v20 =	vmul.f32 v11, v3;
	[tilespmem:s7+$0x1A0] =	vst v4  }
0xb7: {  	v9 =	vld [tilespmem:s7+$0x250];
	v12 =	vmul.f32 v12, v3;
	[tilespmem:s7+$0x1B0] =	vst v5  }
0xb8: {  	v7 =	vld [tilespmem:s7+$0x6F0];
	v13 =	vmul.f32 v13, v21;
	[tilespmem:s7+$0x1E0] =	vst v20  }
0xb9: {  	v23 =	vld [tilespmem:s7+$0x270];
	v14 =	vmul.f32 v14, v21;
	[tilespmem:s7+$0x1F0] =	vst v12  }
0xba: {  	v24 =	vld [tilespmem:s7+$0x280];
	v15 =	vmul.f32 v15, v21;
	[tilespmem:s7+$0x200] =	vst v13  }
0xbb: {  	v25 =	vld [tilespmem:s7+$0x290];
	v10 =	vmul.f32 v10, v21;
	[tilespmem:s7+$0x210] =	vst v14  }
0xbc: {  	v22 =	vld [tilespmem:s7+$0x260];
	v8 =	vmul.f32 v8, v21;
	[tilespmem:s7+$0x220] =	vst v15  }
0xbd: {  	v26 =	vld [tilespmem:s7+$0x2A0];
	v16 =	vbroadcast v2, $0x2;
	v9 =	vmul.f32 v9, v21;
	[tilespmem:s7+$0x230] =	vst v10  }
0xbe: {  	v27 =	vld [tilespmem:s7+$0x2B0];
	v11 =	vmul.f32 v23, v21;
	[tilespmem:s7+$0x240] =	vst v8  }
0xbf: {  	v28 =	vld [tilespmem:s7+$0x2C0];
	v6 =	vbroadcast v2, $0xA;
	v30 =	vmul.f32 v24, v16;
	[tilespmem:s7+$0x250] =	vst v9  }
0xc0: {  	v29 =	vld [tilespmem:s7+$0x2D0];
	v32 =	vmul.f32 v25, v16;
	[tilespmem:s7+$0x270] =	vst v11  }
0xc1: {  	v31 =	vld [tilespmem:s7+$0x2E0];
	v4 =	vmul.f32 v7, v6;
	[tilespmem:s7+$0x280] =	vst v30  }
0xc2: {  	v33 =	vld [tilespmem:s7+$0x2F0];
	v12 =	vmul.f32 v22, v21;
	[tilespmem:s7+$0x290] =	vst v32  }
0xc3: {  	v34 =	vld [tilespmem:s7+$0x300];
	v10 =	vmul.f32 v26, v16;
	[tilespmem:s7+$0x6F0] =	vst v4  }
0xc4: {  	v35 =	vld [tilespmem:s7+$0x310];
	v8 =	vmul.f32 v27, v16;
	[tilespmem:s7+$0x260] =	vst v12  }
0xc5: {  	v36 =	vld [tilespmem:s7+$0x320];
	v9 =	vmul.f32 v28, v16;
	[tilespmem:s7+$0x2A0] =	vst v10  }
0xc6: {  	v37 =	vld [tilespmem:s7+$0x330];
	v39 =	vbroadcast v2, $0x3;
	v11 =	vmul.f32 v31, v16;
	[tilespmem:s7+$0x2B0] =	vst v8  }
0xc7: {  	v38 =	vld [tilespmem:s7+$0x340];
	v13 =	vmul.f32 v33, v16;
	[tilespmem:s7+$0x2C0] =	vst v9  }
0xc8: {  	v40 =	vld [tilespmem:s7+$0x350];
	v14 =	vmul.f32 v34, v39;
	[tilespmem:s7+$0x2E0] =	vst v11  }
0xc9: {  	v41 =	vld [tilespmem:s7+$0x360];
	v12 =	vmul.f32 v29, v16;
	[tilespmem:s7+$0x2F0] =	vst v13  }
0xca: {  	v42 =	vld [tilespmem:s7+$0x370];
	v10 =	vmul.f32 v35, v39;
	[tilespmem:s7+$0x300] =	vst v14  }
0xcb: {  	v43 =	vld [tilespmem:s7+$0x380];
	v8 =	vmul.f32 v36, v39;
	[tilespmem:s7+$0x2D0] =	vst v12  }
0xcc: {  	v44 =	vld [tilespmem:s7+$0x390];
	v9 =	vmul.f32 v37, v39;
	[tilespmem:s7+$0x310] =	vst v10  }
0xcd: {  	v45 =	vld [tilespmem:s7+$0x3A0];
	v11 =	vmul.f32 v40, v39;
	[tilespmem:s7+$0x320] =	vst v8  }
0xce: {  	v46 =	vld [tilespmem:s7+$0x3B0];
	v13 =	vmul.f32 v41, v39;
	[tilespmem:s7+$0x330] =	vst v9  }
0xcf: {  	v47 =	vld [tilespmem:s7+$0x3C0];
	v48 =	vbroadcast v2, $0x4;
	v14 =	vmul.f32 v42, v39;
	[tilespmem:s7+$0x350] =	vst v11  }
0xd0: {  	v49 =	vld [tilespmem:s7+$0x3D0];
	v12 =	vmul.f32 v38, v39;
	[tilespmem:s7+$0x360] =	vst v13  }
0xd1: {  	v50 =	vld [tilespmem:s7+$0x3E0];
	v10 =	vmul.f32 v43, v48;
	[tilespmem:s7+$0x370] =	vst v14  }
0xd2: {  	v51 =	vld [tilespmem:s7+$0x3F0];
	v8 =	vmul.f32 v44, v48;
	[tilespmem:s7+$0x340] =	vst v12  }
0xd3: {  	v52 =	vld [tilespmem:s7+$0x400];
	v9 =	vmul.f32 v45, v48;
	[tilespmem:s7+$0x380] =	vst v10  }
0xd4: {  	v53 =	vld [tilespmem:s7+$0x410];
	v11 =	vmul.f32 v47, v48;
	[tilespmem:s7+$0x390] =	vst v8  }
0xd5: {  	v54 =	vld [tilespmem:s7+$0x420];
	v13 =	vmul.f32 v49, v48;
	[tilespmem:s7+$0x3A0] =	vst v9  }
0xd6: {  	v55 =	vld [tilespmem:s7+$0x430];
	v14 =	vmul.f32 v50, v48;
	[tilespmem:s7+$0x3C0] =	vst v11  }
0xd7: {  	v56 =	vld [tilespmem:s7+$0x440];
	v57 =	vbroadcast v2, $0x5;
	v12 =	vmul.f32 v46, v48;
	[tilespmem:s7+$0x3D0] =	vst v13  }
0xd8: {  	v58 =	vld [tilespmem:s7+$0x450];
	v10 =	vmul.f32 v51, v48;
	[tilespmem:s7+$0x3E0] =	vst v14  }
0xd9: {  	v59 =	vld [tilespmem:s7+$0x460];
	v8 =	vmul.f32 v52, v57;
	[tilespmem:s7+$0x3B0] =	vst v12  }
0xda: {  	v60 =	vld [tilespmem:s7+$0x470];
	v9 =	vmul.f32 v53, v57;
	[tilespmem:s7+$0x3F0] =	vst v10  }
0xdb: {  	v61 =	vld [tilespmem:s7+$0x480];
	v11 =	vmul.f32 v55, v57;
	[tilespmem:s7+$0x400] =	vst v8  }
0xdc: {  	v62 =	vld [tilespmem:s7+$0x490];
	v13 =	vmul.f32 v56, v57;
	[tilespmem:s7+$0x410] =	vst v9  }
0xdd: {  	v63 =	vld [tilespmem:s7+$0x4A0];
	v14 =	vmul.f32 v58, v57;
	[tilespmem:s7+$0x430] =	vst v11  }
0xde: {  	v20 =	vld [tilespmem:s7+$0x4B0];
	v12 =	vmul.f32 v54, v57;
	[tilespmem:s7+$0x440] =	vst v13  }
0xdf: {  	v21 =	vld [tilespmem:s7+$0x4C0];
	v22 =	vbroadcast v2, $0x6;
	v10 =	vmul.f32 v59, v57;
	[tilespmem:s7+$0x450] =	vst v14  }
0xe0: {  	v23 =	vld [tilespmem:s7+$0x4D0];
	v8 =	vmul.f32 v60, v57;
	[tilespmem:s7+$0x420] =	vst v12  }
0xe1: {  	v24 =	vld [tilespmem:s7+$0x4E0];
	v9 =	vmul.f32 v61, v22;
	[tilespmem:s7+$0x460] =	vst v10  }
0xe2: {  	v25 =	vld [tilespmem:s7+$0x4F0];
	v11 =	vmul.f32 v63, v22;
	[tilespmem:s7+$0x470] =	vst v8  }
0xe3: {  	v5 =	vld [tilespmem:s7+$0x700];
	v13 =	vmul.f32 v20, v22;
	[tilespmem:s7+$0x480] =	vst v9  }
0xe4: {  	v27 =	vld [tilespmem:s7+$0x510];
	v14 =	vmul.f32 v21, v22;
	[tilespmem:s7+$0x4A0] =	vst v11  }
0xe5: {  	v28 =	vld [tilespmem:s7+$0x520];
	v12 =	vmul.f32 v62, v22;
	[tilespmem:s7+$0x4B0] =	vst v13  }
0xe6: {  	v29 =	vld [tilespmem:s7+$0x530];
	v10 =	vmul.f32 v23, v22;
	[tilespmem:s7+$0x4C0] =	vst v14  }
0xe7: {  	v31 =	vbroadcast v2, $0x7;
	v53 =	vld [tilespmem:s7+$0x680];
	v8 =	vmul.f32 v24, v22;
	[tilespmem:s7+$0x490] =	vst v12  }
0xe8: {  	v58 =	vld [tilespmem:s7+$0x6D0];
	v9 =	vmul.f32 v25, v22;
	[tilespmem:s7+$0x4D0] =	vst v10  }
0xe9: {  	v26 =	vld [tilespmem:s7+$0x500];
	v11 =	vmul.f32 v27, v31;
	[tilespmem:s7+$0x4E0] =	vst v8  }
0xea: {  	v30 =	vld [tilespmem:s7+$0x540];
	v13 =	vmul.f32 v28, v31;
	[tilespmem:s7+$0x4F0] =	vst v9  }
0xeb: {  	v32 =	vld [tilespmem:s7+$0x550];
	v14 =	vmul.f32 v29, v31;
	[tilespmem:s7+$0x510] =	vst v11  }
0xec: {  	v33 =	vld [tilespmem:s7+$0x560];
	v59 =	vmul.f32 v53, v6;
	[tilespmem:s7+$0x520] =	vst v13  }
0xed: {  	v35 =	vld [tilespmem:s7+$0x580];
	v21 =	vmul.f32 v58, v6;
	[tilespmem:s7+$0x530] =	vst v14  }
0xee: {  	v36 =	vld [tilespmem:s7+$0x590];
	v12 =	vmul.f32 v26, v31;
	[tilespmem:s7+$0x680] =	vst v59  }
0xef: {  	v37 =	vld [tilespmem:s7+$0x5A0];
	v10 =	vmul.f32 v30, v31;
	[tilespmem:s7+$0x6D0] =	vst v21  }
0xf0: {  	v7 =	vld [tilespmem:s7+$0x710];
	v40 =	vbroadcast v2, $0x8;
	v8 =	vmul.f32 v32, v31;
	[tilespmem:s7+$0x500] =	vst v12  }
0xf1: {  	v34 =	vld [tilespmem:s7+$0x570];
	v9 =	vmul.f32 v33, v31;
	[tilespmem:s7+$0x540] =	vst v10  }
0xf2: {  	v57 =	vld [tilespmem:s7+$0x6C0];
	v11 =	vmul.f32 v35, v40;
	[tilespmem:s7+$0x550] =	vst v8  }
0xf3: {  	v61 =	vld [tilespmem:s7+$0x180];
	v24 =	vbroadcast v2, $0xB;
	v13 =	vmul.f32 v36, v40;
	[tilespmem:s7+$0x560] =	vst v9  }
0xf4: {  	v4 =	vld [tilespmem:s7+$0x950];
	v14 =	vmul.f32 v37, v40;
	[tilespmem:s7+$0x580] =	vst v11  }
0xf5: {  	v38 =	vld [tilespmem:s7+$0x5B0];
	v5 =	vmul.f32 v5, v24;
	[tilespmem:s7+$0x590] =	vst v13  }
0xf6: {  	v39 =	vld [tilespmem:s7+$0x5C0];
	v7 =	vmul.f32 v7, v24;
	[tilespmem:s7+$0x5A0] =	vst v14  }
0xf7: {  	v41 =	vld [tilespmem:s7+$0x5D0];
	v19 =	vmul.f32 v57, v6;
	[tilespmem:s7+$0x700] =	vst v5  }
0xf8: {  	v43 =	vld [tilespmem:s7+$0x5F0];
	v25 =	vmul.f32 v3, v61;
	[tilespmem:s7+$0x710] =	vst v7  }
0xf9: {  	v44 =	vld [tilespmem:s7+$0x600];
	v12 =	vmul.f32 v34, v31;
	[tilespmem:s7+$0x6C0] =	vst v19  }
0xfa: {  	v45 =	vld [tilespmem:s7+$0x610];
	v10 =	vmul.f32 v38, v40;
	[tilespmem:s7+$0x180] =	vst v25  }
0xfb: {  	v27 =	vld [tilespmem:s7+$0x750];
	v8 =	vmul.f32 v39, v40;
	[tilespmem:s7+$0x570] =	vst v12  }
0xfc: {  	v49 =	vbroadcast v2, $0x9;
	v29 =	vld [tilespmem:s7+$0x770];
	v9 =	vmul.f32 v41, v40;
	[tilespmem:s7+$0x5B0] =	vst v10  }
0xfd: {  	v42 =	vld [tilespmem:s7+$0x5E0];
	v11 =	vmul.f32 v43, v40;
	[tilespmem:s7+$0x5C0] =	vst v8  }
0xfe: {  	v46 =	vld [tilespmem:s7+$0x620];
	v13 =	vmul.f32 v44, v49;
	[tilespmem:s7+$0x5D0] =	vst v9  }
0xff: {  	v47 =	vld [tilespmem:s7+$0x630];
	v14 =	vmul.f32 v45, v49;
	[tilespmem:s7+$0x5F0] =	vst v11  }
0x100: {  	v48 =	vld [tilespmem:s7+$0x640];
	v32 =	vmul.f32 v27, v24;
	[tilespmem:s7+$0x600] =	vst v13  }
0x101: {  	v51 =	vld [tilespmem:s7+$0x660];
	v7 =	vmul.f32 v29, v24;
	[tilespmem:s7+$0x610] =	vst v14  }
0x102: {  	v52 =	vld [tilespmem:s7+$0x670];
	v12 =	vmul.f32 v42, v40;
	[tilespmem:s7+$0x750] =	vst v32  }
0x103: {  	v10 =	vmul.f32 v46, v49;
	[tilespmem:s7+$0x770] =	vst v7  }
0x104: {  	v28 =	vld [tilespmem:s7+$0x760];
	v8 =	vmul.f32 v47, v49;
	[tilespmem:s7+$0x5E0] =	vst v12  }
0x105: {  	v30 =	vld [tilespmem:s7+$0x780];
	v9 =	vmul.f32 v48, v49;
	[tilespmem:s7+$0x620] =	vst v10  }
0x106: {  	v50 =	vld [tilespmem:s7+$0x650];
	v5 =	vbroadcast v2, $0xF;
	v11 =	vmul.f32 v51, v49;
	[tilespmem:s7+$0x630] =	vst v8  }
0x107: {  	v54 =	vld [tilespmem:s7+$0x690];
	v13 =	vmul.f32 v52, v49;
	[tilespmem:s7+$0x640] =	vst v9  }
0x108: {  	v55 =	vld [tilespmem:s7+$0x6A0];
	v35 =	vbroadcast v2, $0xC;
	v4 =	vmul.f32 v4, v5;
	[tilespmem:s7+$0x660] =	vst v11  }
0x109: {  	v56 =	vld [tilespmem:s7+$0x6B0];
	v40 =	vmul.f32 v28, v24;
	[tilespmem:s7+$0x670] =	vst v13  }
0x10a: {  	v60 =	vld [tilespmem:s7+$0x6E0];
	v16 =	vmul.f32 v30, v35;
	[tilespmem:s7+$0x950] =	vst v4  }
0x10b: {  	v62 =	vld [tilespmem:s7+$0x190];
	v12 =	vmul.f32 v50, v49;
	[tilespmem:s7+$0x760] =	vst v40  }
0x10c: {  	v63 =	vld [tilespmem:s7+$0x1C0];
	v10 =	vmul.f32 v54, v6;
	[tilespmem:s7+$0x780] =	vst v16  }
0x10d: {  	v20 =	vld [tilespmem:s7+$0x1D0];
	v8 =	vmul.f32 v55, v6;
	[tilespmem:s7+$0x650] =	vst v12  }
0x10e: {  	v33 =	vld [tilespmem:s7+$0x7B0];
	v9 =	vmul.f32 v56, v6;
	[tilespmem:s7+$0x690] =	vst v10  }
0x10f: {  	v61 =	vld [tilespmem:s7+$0x970];
	v6 =	vmul.f32 v60, v6;
	[tilespmem:s7+$0x6A0] =	vst v8  }
0x110: {  	v38 =	vld [tilespmem:s7+$0x7F0];
	v13 =	vmul.f32 v62, v3;
	[tilespmem:s7+$0x6B0] =	vst v9  }
0x111: {  	v22 =	vld [tilespmem:s7+$0x720];
	v4 =	vmul.f32 v63, v3;
	[tilespmem:s7+$0x6E0] =	vst v6  }
0x112: {  	v23 =	vld [tilespmem:s7+$0x730];
	v3 =	vmul.f32 v20, v3;
	[tilespmem:s7+$0x190] =	vst v13  }
0x113: {  	v26 =	vld [tilespmem:s7+$0x740];
	v62 =	vmul.f32 v33, v35;
	[tilespmem:s7+$0x1C0] =	vst v4  }
0x114: {  	v31 =	vld [tilespmem:s7+$0x790];
	v63 =	vmul.f32 v61, v5;
	[tilespmem:s7+$0x1D0] =	vst v3  }
0x115: {  	v34 =	vld [tilespmem:s7+$0x7C0];
	v16 =	vmul.f32 v38, v35;
	[tilespmem:s7+$0x7B0] =	vst v62  }
0x116: {  	v41 =	vld [tilespmem:s7+$0x820];
	v8 =	vmul.f32 v22, v24;
	[tilespmem:s7+$0x970] =	vst v63  }
0x117: {  	v46 =	vld [tilespmem:s7+$0x860];
	v9 =	vmul.f32 v23, v24;
	[tilespmem:s7+$0x7F0] =	vst v16  }
0x118: {  	v6 =	vmul.f32 v26, v24;
	v3 =	vld [tilespmem:s7+$0x810];
	[tilespmem:s7+$0x720] =	vst v8  }
0x119: {  	v36 =	vld [tilespmem:s7+$0x7D0];
	v44 =	vbroadcast v2, $0xD;
	v10 =	vmul.f32 v31, v35;
	[tilespmem:s7+$0x730] =	vst v9  }
0x11a: {  	v37 =	vld [tilespmem:s7+$0x7E0];
	v13 =	vmul.f32 v34, v35;
	[tilespmem:s7+$0x740] =	vst v6  }
0x11b: {  	v39 =	vld [tilespmem:s7+$0x800];
	v12 =	vmul.f32 v41, v44;
	[tilespmem:s7+$0x790] =	vst v10  }
0x11c: {  	v42 =	vld [tilespmem:s7+$0x830];
	v51 =	vmul.f32 v46, v44;
	[tilespmem:s7+$0x7C0] =	vst v13  }
0x11d: {  	v48 =	vld [tilespmem:s7+$0x890];
	[tilespmem:s7+$0x820] =	vst v12;
	v3 =	vmul.f32 v3, v44  }
0x11e: {  	v49 =	vld [tilespmem:s7+$0x8A0];
	v9 =	vmul.f32 v36, v35;
	[tilespmem:s7+$0x860] =	vst v51  }
0x11f: {  	v6 =	vmul.f32 v37, v35;
	[tilespmem:s7+$0x810] =	vst v3;
	v3 =	vld [tilespmem:s7+$0x880]  }
0x120: {  	v2 =	vbroadcast v2, $0xE;
	v50 =	vld [tilespmem:s7+$0x8B0];
	v10 =	vmul.f32 v39, v44;
	[tilespmem:s7+$0x7D0] =	vst v9  }
0x121: {  	v45 =	vld [tilespmem:s7+$0x850];
	v13 =	vmul.f32 v42, v44;
	[tilespmem:s7+$0x7E0] =	vst v6  }
0x122: {  	v47 =	vld [tilespmem:s7+$0x870];
	v12 =	vmul.f32 v48, v2;
	[tilespmem:s7+$0x800] =	vst v10  }
0x123: {  	v43 =	vld [tilespmem:s7+$0x840];
	v11 =	vmul.f32 v49, v2;
	[tilespmem:s7+$0x830] =	vst v13  }
0x124: {  	v55 =	vld [tilespmem:s7+$0x900];
	[tilespmem:s7+$0x890] =	vst v12;
	v3 =	vmul.f32 v3, v2  }
0x125: {  	v57 =	vld [tilespmem:s7+$0x920];
	v7 =	vmul.f32 v50, v2;
	[tilespmem:s7+$0x8A0] =	vst v11  }
0x126: {  	v6 =	vmul.f32 v45, v44;
	[tilespmem:s7+$0x880] =	vst v3;
	v3 =	vld [tilespmem:s7+$0x8F0]  }
0x127: {  	v52 =	vld [tilespmem:s7+$0x8C0];
	v10 =	vmul.f32 v47, v44;
	[tilespmem:s7+$0x8B0] =	vst v7  }
0x128: {  	v56 =	vld [tilespmem:s7+$0x910];
	v9 =	vmul.f32 v43, v44;
	[tilespmem:s7+$0x850] =	vst v6  }
0x129: {  	v54 =	vld [tilespmem:s7+$0x8E0];
	v12 =	vmul.f32 v55, v5;
	[tilespmem:s7+$0x870] =	vst v10  }
0x12a: {  	v58 =	vld [tilespmem:s7+$0x930];
	v7 =	vmul.f32 v57, v5;
	[tilespmem:s7+$0x840] =	vst v9  }
0x12b: {  	v53 =	vld [tilespmem:s7+$0x8D0];
	[tilespmem:s7+$0x900] =	vst v12;
	v3 =	vmul.f32 v3, v2  }
0x12c: {  	v59 =	vld [tilespmem:s7+$0x940];
	v6 =	vmul.f32 v52, v2;
	[tilespmem:s7+$0x920] =	vst v7  }
0x12d: {  	v60 =	vld [tilespmem:s7+$0x960];
	[tilespmem:s7+$0x8F0] =	vst v3;
	v3 =	vmul.f32 v56, v5  }
0x12e: {  	v10 =	vmul.f32 v54, v2;
	[tilespmem:s7+$0x8C0] =	vst v6  }
0x12f: {  	v4 =	vld [tilespmem:s7+$0x7A0];
	[tilespmem:s7+$0x910] =	vst v3;
	v3 =	vmul.f32 v58, v5  }
0x130: {  	[tilespmem:s7+$0x8E0] =	vst v10;
	v2 =	vmul.f32 v53, v2  }
0x131: {  	[tilespmem:s7+$0x930] =	vst v3;
	v3 =	vmul.f32 v59, v5  }
0x132: {  	[tilespmem:s7+$0x8D0] =	vst v2;
	v5 =	vmul.f32 v60, v5  }
0x133: {  	[tilespmem:s7+$0x940] =	vst v3  }
0x134: {  	s8 =	simm.s32 $0x1;
	v3 =	vmul.f32 v4, v35;
	[tilespmem:s7+$0x960] =	vst v5  }
.LBB2_7:
0x135: {  	s9 =	sshll.u32 s8, $0x4  }
0x136: {  	p0 =	sne.s32 s8, $0x4;
	[tilespmem:s7+$0x7A0] =	vst v3;
	s7 =	smov.u32 s8;
	s8 =	sadd.s32 $0x1, s8  }
0x137: {  	s9 =	sand.u32 $0x3FFFFFF0, s9  }
0x138: {  	s7 =	sshll.u32 s7, $0xB;
	v2 =	vld [tilespmem:s9+$0x100]  }
0x139: {  	s7 =	sand.u32 $0x3FFFF800, s7  }
0x13a: {  	v9 =	vld [tilespmem:s7+$0x240]  }
0x13b: {  	v10 =	vld [tilespmem:s7+$0x250]  }
0x13c: {  	v11 =	vld [tilespmem:s7+$0x230]  }
0x13d: {  	v3 =	vbroadcast v2, $0x0;
	v4 =	vld [tilespmem:s7+$0x1A0];
	v8 =	vbroadcast v2, $0x4  }
0x13e: {  	v6 =	vld [tilespmem:s7+$0x1B0]  }
0x13f: {  	v7 =	vld [tilespmem:s7+$0x6F0]  }
0x140: {  	v12 =	vld [tilespmem:s7+$0x1E0]  }
0x141: {  	v13 =	vld [tilespmem:s7+$0x1F0]  }
0x142: {  	v5 =	vbroadcast v2, $0xA;
	v4 =	vmul.f32 v4, v3;
	v14 =	vld [tilespmem:s7+$0x200]  }
0x143: {  	v6 =	vmul.f32 v6, v3;
	v15 =	vld [tilespmem:s7+$0x210]  }
0x144: {  	[tilespmem:s7+$0x1A0] =	vst v4;
	v16 =	vld [tilespmem:s7+$0x220];
	v4 =	vmul.f32 v7, v5  }
0x145: {  	[tilespmem:s7+$0x1B0] =	vst v6;
	v7 =	vmul.f32 v12, v3;
	v12 =	vbroadcast v2, $0x1;
	v6 =	vld [tilespmem:s7+$0x700]  }
0x146: {  	v13 =	vmul.f32 v13, v3;
	[tilespmem:s7+$0x6F0] =	vst v4;
	v4 =	vld [tilespmem:s7+$0x950]  }
0x147: {  	[tilespmem:s7+$0x1E0] =	vst v7;
	v14 =	vmul.f32 v14, v12;
	v7 =	vld [tilespmem:s7+$0x710]  }
0x148: {  	[tilespmem:s7+$0x1F0] =	vst v13;
	v13 =	vmul.f32 v15, v12;
	v15 =	vld [tilespmem:s7+$0x260]  }
0x149: {  	[tilespmem:s7+$0x200] =	vst v14;
	v14 =	vmul.f32 v16, v12;
	v16 =	vld [tilespmem:s7+$0x270]  }
0x14a: {  	v11 =	vmul.f32 v11, v12;
	[tilespmem:s7+$0x210] =	vst v13;
	v13 =	vld [tilespmem:s7+$0x280]  }
0x14b: {  	v9 =	vmul.f32 v9, v12;
	[tilespmem:s7+$0x220] =	vst v14;
	v14 =	vld [tilespmem:s7+$0x290]  }
0x14c: {  	v10 =	vmul.f32 v10, v12;
	[tilespmem:s7+$0x230] =	vst v11;
	v11 =	vld [tilespmem:s7+$0x2A0]  }
0x14d: {  	[tilespmem:s7+$0x240] =	vst v9;
	v9 =	vmul.f32 v15, v12;
	v15 =	vbroadcast v2, $0x2;
	v17 =	vld [tilespmem:s7+$0x2B0]  }
0x14e: {  	[tilespmem:s7+$0x250] =	vst v10;
	v10 =	vmul.f32 v16, v12;
	v12 =	vld [tilespmem:s7+$0x2C0]  }
0x14f: {  	[tilespmem:s7+$0x260] =	vst v9;
	v9 =	vmul.f32 v13, v15;
	v13 =	vld [tilespmem:s7+$0x2D0]  }
0x150: {  	[tilespmem:s7+$0x270] =	vst v10;
	v10 =	vmul.f32 v14, v15;
	v14 =	vld [tilespmem:s7+$0x2E0]  }
0x151: {  	[tilespmem:s7+$0x280] =	vst v9;
	v9 =	vmul.f32 v11, v15;
	v11 =	vld [tilespmem:s7+$0x2F0]  }
0x152: {  	[tilespmem:s7+$0x290] =	vst v10;
	v10 =	vmul.f32 v17, v15;
	v16 =	vld [tilespmem:s7+$0x300]  }
0x153: {  	[tilespmem:s7+$0x2A0] =	vst v9;
	v9 =	vmul.f32 v12, v15;
	v12 =	vld [tilespmem:s7+$0x310]  }
0x154: {  	[tilespmem:s7+$0x2B0] =	vst v10;
	v10 =	vmul.f32 v13, v15;
	v13 =	vld [tilespmem:s7+$0x320]  }
0x155: {  	[tilespmem:s7+$0x2C0] =	vst v9;
	v9 =	vmul.f32 v14, v15;
	v14 =	vbroadcast v2, $0x3;
	v17 =	vld [tilespmem:s7+$0x330]  }
0x156: {  	[tilespmem:s7+$0x2D0] =	vst v10;
	v10 =	vmul.f32 v11, v15;
	v11 =	vld [tilespmem:s7+$0x340]  }
0x157: {  	[tilespmem:s7+$0x2E0] =	vst v9;
	v9 =	vmul.f32 v16, v14;
	v15 =	vld [tilespmem:s7+$0x350]  }
0x158: {  	[tilespmem:s7+$0x2F0] =	vst v10;
	v10 =	vmul.f32 v12, v14;
	v12 =	vld [tilespmem:s7+$0x360]  }
0x159: {  	[tilespmem:s7+$0x300] =	vst v9;
	v9 =	vmul.f32 v13, v14;
	v13 =	vld [tilespmem:s7+$0x370]  }
0x15a: {  	[tilespmem:s7+$0x310] =	vst v10;
	v10 =	vmul.f32 v17, v14;
	v16 =	vld [tilespmem:s7+$0x380]  }
0x15b: {  	[tilespmem:s7+$0x320] =	vst v9;
	v9 =	vmul.f32 v11, v14;
	v11 =	vld [tilespmem:s7+$0x390]  }
0x15c: {  	[tilespmem:s7+$0x330] =	vst v10;
	v10 =	vmul.f32 v15, v14;
	v15 =	vld [tilespmem:s7+$0x3A0]  }
0x15d: {  	[tilespmem:s7+$0x340] =	vst v9;
	v9 =	vmul.f32 v12, v14;
	v12 =	vld [tilespmem:s7+$0x3B0]  }
0x15e: {  	[tilespmem:s7+$0x350] =	vst v10;
	v10 =	vmul.f32 v13, v14;
	v13 =	vld [tilespmem:s7+$0x3C0]  }
0x15f: {  	[tilespmem:s7+$0x360] =	vst v9;
	v9 =	vmul.f32 v16, v8;
	v14 =	vld [tilespmem:s7+$0x3D0]  }
0x160: {  	[tilespmem:s7+$0x370] =	vst v10;
	v10 =	vmul.f32 v11, v8;
	v11 =	vld [tilespmem:s7+$0x3E0]  }
0x161: {  	[tilespmem:s7+$0x380] =	vst v9;
	v9 =	vmul.f32 v15, v8;
	v15 =	vld [tilespmem:s7+$0x3F0]  }
0x162: {  	[tilespmem:s7+$0x390] =	vst v10;
	v10 =	vmul.f32 v12, v8;
	v12 =	vld [tilespmem:s7+$0x400]  }
0x163: {  	[tilespmem:s7+$0x3A0] =	vst v9;
	v9 =	vmul.f32 v13, v8;
	v13 =	vld [tilespmem:s7+$0x410]  }
0x164: {  	[tilespmem:s7+$0x3B0] =	vst v10;
	v10 =	vmul.f32 v14, v8;
	v14 =	vld [tilespmem:s7+$0x420]  }
0x165: {  	[tilespmem:s7+$0x3C0] =	vst v9;
	v9 =	vmul.f32 v11, v8;
	v11 =	vbroadcast v2, $0x5;
	v16 =	vld [tilespmem:s7+$0x430]  }
0x166: {  	[tilespmem:s7+$0x3D0] =	vst v10;
	v8 =	vmul.f32 v15, v8;
	v10 =	vld [tilespmem:s7+$0x440]  }
0x167: {  	[tilespmem:s7+$0x3E0] =	vst v9;
	v9 =	vmul.f32 v12, v11;
	v12 =	vld [tilespmem:s7+$0x450]  }
0x168: {  	[tilespmem:s7+$0x3F0] =	vst v8;
	v8 =	vmul.f32 v13, v11;
	v13 =	vld [tilespmem:s7+$0x460]  }
0x169: {  	[tilespmem:s7+$0x400] =	vst v9;
	v9 =	vmul.f32 v14, v11;
	v14 =	vld [tilespmem:s7+$0x470]  }
0x16a: {  	[tilespmem:s7+$0x410] =	vst v8;
	v8 =	vmul.f32 v16, v11;
	v15 =	vld [tilespmem:s7+$0x480]  }
0x16b: {  	[tilespmem:s7+$0x420] =	vst v9;
	v9 =	vmul.f32 v10, v11;
	v10 =	vld [tilespmem:s7+$0x490]  }
0x16c: {  	[tilespmem:s7+$0x430] =	vst v8;
	v8 =	vmul.f32 v12, v11;
	v12 =	vld [tilespmem:s7+$0x4A0]  }
0x16d: {  	[tilespmem:s7+$0x440] =	vst v9;
	v9 =	vmul.f32 v13, v11;
	v13 =	vbroadcast v2, $0x6;
	v16 =	vld [tilespmem:s7+$0x4B0]  }
0x16e: {  	[tilespmem:s7+$0x450] =	vst v8;
	v8 =	vmul.f32 v14, v11;
	v11 =	vld [tilespmem:s7+$0x4C0]  }
0x16f: {  	[tilespmem:s7+$0x460] =	vst v9;
	v9 =	vmul.f32 v15, v13;
	v14 =	vld [tilespmem:s7+$0x4D0]  }
0x170: {  	[tilespmem:s7+$0x470] =	vst v8;
	v8 =	vmul.f32 v10, v13;
	v10 =	vld [tilespmem:s7+$0x4E0]  }
0x171: {  	[tilespmem:s7+$0x480] =	vst v9;
	v9 =	vmul.f32 v12, v13;
	v12 =	vld [tilespmem:s7+$0x4F0]  }
0x172: {  	[tilespmem:s7+$0x490] =	vst v8;
	v8 =	vmul.f32 v16, v13;
	v15 =	vld [tilespmem:s7+$0x500]  }
0x173: {  	[tilespmem:s7+$0x4A0] =	vst v9;
	v9 =	vmul.f32 v11, v13;
	v11 =	vld [tilespmem:s7+$0x510]  }
0x174: {  	[tilespmem:s7+$0x4B0] =	vst v8;
	v8 =	vmul.f32 v14, v13;
	v14 =	vld [tilespmem:s7+$0x520]  }
0x175: {  	[tilespmem:s7+$0x4C0] =	vst v9;
	v9 =	vmul.f32 v10, v13;
	v10 =	vbroadcast v2, $0x7;
	v16 =	vld [tilespmem:s7+$0x530]  }
0x176: {  	[tilespmem:s7+$0x4D0] =	vst v8;
	v8 =	vmul.f32 v12, v13;
	v12 =	vld [tilespmem:s7+$0x540]  }
0x177: {  	[tilespmem:s7+$0x4E0] =	vst v9;
	v9 =	vmul.f32 v15, v10;
	v13 =	vld [tilespmem:s7+$0x550]  }
0x178: {  	[tilespmem:s7+$0x4F0] =	vst v8;
	v8 =	vmul.f32 v11, v10;
	v11 =	vld [tilespmem:s7+$0x560]  }
0x179: {  	[tilespmem:s7+$0x500] =	vst v9;
	v9 =	vmul.f32 v14, v10;
	v14 =	vld [tilespmem:s7+$0x570]  }
0x17a: {  	[tilespmem:s7+$0x510] =	vst v8;
	v8 =	vmul.f32 v16, v10;
	v15 =	vld [tilespmem:s7+$0x580]  }
0x17b: {  	[tilespmem:s7+$0x520] =	vst v9;
	v9 =	vmul.f32 v12, v10;
	v12 =	vld [tilespmem:s7+$0x590]  }
0x17c: {  	[tilespmem:s7+$0x530] =	vst v8;
	v8 =	vmul.f32 v13, v10;
	v13 =	vld [tilespmem:s7+$0x5A0]  }
0x17d: {  	[tilespmem:s7+$0x540] =	vst v9;
	v9 =	vmul.f32 v11, v10;
	v11 =	vbroadcast v2, $0x8;
	v16 =	vld [tilespmem:s7+$0x5B0]  }
0x17e: {  	[tilespmem:s7+$0x550] =	vst v8;
	v8 =	vmul.f32 v14, v10;
	v10 =	vld [tilespmem:s7+$0x5C0]  }
0x17f: {  	[tilespmem:s7+$0x560] =	vst v9;
	v9 =	vmul.f32 v15, v11;
	v14 =	vld [tilespmem:s7+$0x5D0]  }
0x180: {  	[tilespmem:s7+$0x570] =	vst v8;
	v8 =	vmul.f32 v12, v11;
	v12 =	vld [tilespmem:s7+$0x5E0]  }
0x181: {  	[tilespmem:s7+$0x580] =	vst v9;
	v9 =	vmul.f32 v13, v11;
	v13 =	vld [tilespmem:s7+$0x5F0]  }
0x182: {  	[tilespmem:s7+$0x590] =	vst v8;
	v8 =	vmul.f32 v16, v11;
	v15 =	vld [tilespmem:s7+$0x600]  }
0x183: {  	[tilespmem:s7+$0x5A0] =	vst v9;
	v9 =	vmul.f32 v10, v11;
	v10 =	vld [tilespmem:s7+$0x610]  }
0x184: {  	[tilespmem:s7+$0x5B0] =	vst v8;
	v8 =	vmul.f32 v14, v11;
	v14 =	vld [tilespmem:s7+$0x620]  }
0x185: {  	[tilespmem:s7+$0x5C0] =	vst v9;
	v9 =	vmul.f32 v12, v11;
	v12 =	vbroadcast v2, $0x9;
	v16 =	vld [tilespmem:s7+$0x630]  }
0x186: {  	[tilespmem:s7+$0x5D0] =	vst v8;
	v8 =	vmul.f32 v13, v11;
	v11 =	vld [tilespmem:s7+$0x640]  }
0x187: {  	[tilespmem:s7+$0x5E0] =	vst v9;
	v9 =	vmul.f32 v15, v12;
	v13 =	vld [tilespmem:s7+$0x650]  }
0x188: {  	[tilespmem:s7+$0x5F0] =	vst v8;
	v8 =	vmul.f32 v10, v12;
	v10 =	vld [tilespmem:s7+$0x660]  }
0x189: {  	[tilespmem:s7+$0x600] =	vst v9;
	v9 =	vmul.f32 v14, v12;
	v14 =	vld [tilespmem:s7+$0x670]  }
0x18a: {  	[tilespmem:s7+$0x610] =	vst v8;
	v8 =	vmul.f32 v16, v12;
	v15 =	vld [tilespmem:s7+$0x680]  }
0x18b: {  	[tilespmem:s7+$0x620] =	vst v9;
	v9 =	vmul.f32 v11, v12;
	v11 =	vld [tilespmem:s7+$0x690]  }
0x18c: {  	[tilespmem:s7+$0x630] =	vst v8;
	v8 =	vmul.f32 v13, v12;
	v13 =	vld [tilespmem:s7+$0x6A0]  }
0x18d: {  	[tilespmem:s7+$0x640] =	vst v9;
	v9 =	vmul.f32 v10, v12;
	v10 =	vld [tilespmem:s7+$0x6B0]  }
0x18e: {  	[tilespmem:s7+$0x650] =	vst v8;
	v8 =	vmul.f32 v14, v12;
	v12 =	vld [tilespmem:s7+$0x6C0]  }
0x18f: {  	[tilespmem:s7+$0x660] =	vst v9;
	v9 =	vmul.f32 v15, v5;
	v14 =	vld [tilespmem:s7+$0x6D0]  }
0x190: {  	[tilespmem:s7+$0x670] =	vst v8;
	v8 =	vmul.f32 v11, v5;
	v11 =	vld [tilespmem:s7+$0x6E0]  }
0x191: {  	v15 =	vld [tilespmem:s7+$0x180];
	[tilespmem:s7+$0x680] =	vst v9;
	v9 =	vmul.f32 v13, v5  }
0x192: {  	v13 =	vld [tilespmem:s7+$0x190];
	[tilespmem:s7+$0x690] =	vst v8;
	v8 =	vmul.f32 v10, v5  }
0x193: {  	v10 =	vld [tilespmem:s7+$0x1C0];
	[tilespmem:s7+$0x6A0] =	vst v9;
	v9 =	vmul.f32 v12, v5  }
0x194: {  	v12 =	vld [tilespmem:s7+$0x1D0];
	[tilespmem:s7+$0x6B0] =	vst v8;
	v8 =	vmul.f32 v14, v5  }
0x195: {  	[tilespmem:s7+$0x6C0] =	vst v9;
	v9 =	vmul.f32 v11, v5;
	v11 =	vbroadcast v2, $0xB;
	v14 =	vld [tilespmem:s7+$0x720]  }
0x196: {  	v5 =	vbroadcast v2, $0xF;
	v15 =	vmul.f32 v3, v15;
	[tilespmem:s7+$0x6D0] =	vst v8;
	v8 =	vld [tilespmem:s7+$0x730]  }
0x197: {  	v13 =	vmul.f32 v13, v3;
	[tilespmem:s7+$0x6E0] =	vst v9;
	v6 =	vmul.f32 v6, v11;
	v9 =	vld [tilespmem:s7+$0x740]  }
0x198: {  	v7 =	vmul.f32 v7, v11;
	[tilespmem:s7+$0x180] =	vst v15;
	v10 =	vmul.f32 v10, v3;
	v15 =	vld [tilespmem:s7+$0x750]  }
0x199: {  	v4 =	vmul.f32 v4, v5;
	v12 =	vmul.f32 v12, v3;
	[tilespmem:s7+$0x700] =	vst v6;
	v3 =	vld [tilespmem:s7+$0x760]  }
0x19a: {  	[tilespmem:s7+$0x710] =	vst v7;
	v6 =	vmul.f32 v14, v11;
	v7 =	vld [tilespmem:s7+$0x770]  }
0x19b: {  	v8 =	vmul.f32 v8, v11;
	v14 =	vld [tilespmem:s7+$0x780];
	[tilespmem:s7+$0x950] =	vst v4  }
0x19c: {  	[tilespmem:s7+$0x190] =	vst v13;
	v4 =	vmul.f32 v9, v11;
	v9 =	vld [tilespmem:s7+$0x790]  }
0x19d: {  	[tilespmem:s7+$0x1C0] =	vst v10;
	v10 =	vmul.f32 v15, v11;
	v13 =	vld [tilespmem:s7+$0x7A0]  }
0x19e: {  	v15 =	vbroadcast v2, $0xC;
	[tilespmem:s7+$0x720] =	vst v6;
	v6 =	vmul.f32 v3, v11;
	v16 =	vld [tilespmem:s7+$0x7B0]  }
0x19f: {  	[tilespmem:s7+$0x750] =	vst v10;
	v7 =	vmul.f32 v7, v11;
	v10 =	vld [tilespmem:s7+$0x7C0]  }
0x1a0: {  	[tilespmem:s7+$0x730] =	vst v8;
	v3 =	vmul.f32 v14, v15;
	v8 =	vld [tilespmem:s7+$0x7D0]  }
0x1a1: {  	[tilespmem:s7+$0x740] =	vst v4;
	v4 =	vmul.f32 v9, v15;
	v9 =	vld [tilespmem:s7+$0x7E0]  }
0x1a2: {  	[tilespmem:s7+$0x780] =	vst v3;
	v3 =	vmul.f32 v13, v15;
	v11 =	vld [tilespmem:s7+$0x7F0]  }
0x1a3: {  	[tilespmem:s7+$0x790] =	vst v4;
	v4 =	vld [tilespmem:s7+$0x800]  }
0x1a4: {  	[tilespmem:s7+$0x1D0] =	vst v12;
	v10 =	vmul.f32 v10, v15;
	v12 =	vld [tilespmem:s7+$0x810]  }
0x1a5: {  	[tilespmem:s7+$0x760] =	vst v6;
	v6 =	vmul.f32 v8, v15;
	v8 =	vld [tilespmem:s7+$0x820]  }
0x1a6: {  	[tilespmem:s7+$0x7C0] =	vst v10;
	v9 =	vmul.f32 v9, v15;
	v10 =	vbroadcast v2, $0xD;
	v13 =	vld [tilespmem:s7+$0x830]  }
0x1a7: {  	[tilespmem:s7+$0x7D0] =	vst v6;
	v6 =	vmul.f32 v11, v15;
	v11 =	vld [tilespmem:s7+$0x840]  }
0x1a8: {  	[tilespmem:s7+$0x7E0] =	vst v9;
	v4 =	vmul.f32 v4, v10;
	v9 =	vld [tilespmem:s7+$0x850]  }
0x1a9: {  	[tilespmem:s7+$0x7F0] =	vst v6;
	v6 =	vmul.f32 v12, v10;
	v12 =	vld [tilespmem:s7+$0x860]  }
0x1aa: {  	[tilespmem:s7+$0x800] =	vst v4;
	v4 =	vmul.f32 v8, v10;
	v8 =	vld [tilespmem:s7+$0x870]  }
0x1ab: {  	[tilespmem:s7+$0x810] =	vst v6;
	v6 =	vmul.f32 v13, v10;
	v13 =	vld [tilespmem:s7+$0x880]  }
0x1ac: {  	[tilespmem:s7+$0x820] =	vst v4;
	v4 =	vmul.f32 v11, v10;
	v11 =	vld [tilespmem:s7+$0x890]  }
0x1ad: {  	[tilespmem:s7+$0x830] =	vst v6;
	v6 =	vmul.f32 v9, v10;
	v9 =	vld [tilespmem:s7+$0x8A0]  }
0x1ae: {  	v2 =	vbroadcast v2, $0xE;
	[tilespmem:s7+$0x770] =	vst v7;
	v7 =	vmul.f32 v12, v10;
	v12 =	vld [tilespmem:s7+$0x8B0]  }
0x1af: {  	[tilespmem:s7+$0x850] =	vst v6;
	v6 =	vmul.f32 v8, v10;
	v8 =	vld [tilespmem:s7+$0x8C0]  }
0x1b0: {  	[tilespmem:s7+$0x860] =	vst v7;
	v7 =	vmul.f32 v13, v2;
	v10 =	vld [tilespmem:s7+$0x8D0]  }
0x1b1: {  	[tilespmem:s7+$0x870] =	vst v6;
	v6 =	vmul.f32 v11, v2;
	v11 =	vld [tilespmem:s7+$0x8E0]  }
0x1b2: {  	[tilespmem:s7+$0x880] =	vst v7;
	v7 =	vmul.f32 v9, v2;
	v9 =	vld [tilespmem:s7+$0x8F0]  }
0x1b3: {  	[tilespmem:s7+$0x890] =	vst v6;
	v6 =	vmul.f32 v12, v2;
	v12 =	vld [tilespmem:s7+$0x900]  }
0x1b4: {  	[tilespmem:s7+$0x8A0] =	vst v7;
	v7 =	vmul.f32 v8, v2;
	v8 =	vld [tilespmem:s7+$0x910]  }
0x1b5: {  	[tilespmem:s7+$0x8B0] =	vst v6;
	v6 =	vmul.f32 v10, v2;
	v10 =	vld [tilespmem:s7+$0x920]  }
0x1b6: {  	[tilespmem:s7+$0x8C0] =	vst v7;
	v7 =	vmul.f32 v11, v2;
	v11 =	vld [tilespmem:s7+$0x930]  }
0x1b7: {  	[tilespmem:s7+$0x840] =	vst v4;
	v2 =	vmul.f32 v9, v2;
	v4 =	vld [tilespmem:s7+$0x940]  }
0x1b8: {  	[tilespmem:s7+$0x8E0] =	vst v7;
	v7 =	vmul.f32 v12, v5;
	v9 =	vld [tilespmem:s7+$0x960]  }
0x1b9: {  	[tilespmem:s7+$0x8F0] =	vst v2;
	v2 =	vmul.f32 v8, v5;
	v8 =	vld [tilespmem:s7+$0x970]  }
0x1ba: {  	[tilespmem:s7+$0x900] =	vst v7;
	v7 =	vmul.f32 v10, v5  }
0x1bb: {  	[tilespmem:s7+$0x910] =	vst v2;
	v2 =	vmul.f32 v11, v5  }
0x1bc: {  	v10 =	vmul.f32 v16, v15;
	[tilespmem:s7+$0x920] =	vst v7  }
0x1bd: {  	[tilespmem:s7+$0x930] =	vst v2;
	v2 =	vmul.f32 v4, v5  }
.Ltmp2:
0x1be: {  	[tilespmem:s7+$0x7B0] =	vst v10;
	v4 =	vmul.f32 v8, v5;
	(pc) =	sbr.rel @p0 .LBB2_7-.Ltmp2, $4  }
0x1bf: {  	[tilespmem:s7+$0x940] =	vst v2  }
0x1c0: {  	v2 =	vmul.f32 v9, v5;
	[tilespmem:s7+$0x970] =	vst v4  }
0x1c1: {  	[tilespmem:s7+$0x8D0] =	vst v6  }
0x1c2: {  	[tilespmem:s7+$0x960] =	vst v2  }
0x1c3: {  	s3 =	sadd.s32 $0x1, s3  }
0x1c4: {  	p0 =	sne.s32 s3, $0x7D  }
.Ltmp3:
0x1c5: {  	[tilespmem:s7+$0x7A0] =	vst v3;
	(pc) =	sbr.rel @p0 .LBB2_6-.Ltmp3, $4  }
0x1c6: {  	[spmem:s2] =	stream.indirect.scatter.add.f32 [tilespmem:s26], [sflag:$0x2], $0x80, s28, s30, $0xb8;
	[tilespmem:$0x1E400] =	vst v63  }
0x1c7: {  	_ =	swait.ge [sflag:s23], $0x2800  }
0x1c8: {  	[sflag:s23] =	ssyncset.done $0x0  }
0x1c9: {  	[sflag:s23] =	ssyncadd.s32 $0xFFFFD800  }
0x1ca: {  	[bflag:$0x0] =	sbarrier.arrive $0xFFFF;
	s0 =	simm.s32 $0x400;
	s9 =	stileid.u32  }
0x1cb: {  	[hbm4b:s19+s28] =	stream.strided.scatter [tilespmem:s29], [sflag:$0x2], $0x2780, s0, s28, $0x38;
	[tilespmem:$0x1E400] =	vst v63  }
0x1cc: {  	s3 =	sshrl.u32 s10, $0x3;
	s25 =	sadd.s32 $0x1, s25;
	_ =	swait.ge [sflag:s23], $0x2780  }
0x1cd: {  	s0 =	sshll.u32 s9, $0x6;
	p0 =	sne.s32 s25, s21;
	[sflag:s23] =	ssyncset.done $0x0  }
.Ltmp4:
0x1ce: {  	s0 =	sor.u32 $0x1C02, s0;
	[sflag:s23] =	ssyncadd.s32 $0xFFFFD880;
	(pc) =	sbr.rel @p0 .LBB2_1-.Ltmp4, $4  }
0x1cf: {  	[hbm:s20], [sflag:s0] =	dma.local [spmem:s3], $0x2800  }
0x1d0: {  	_ =	swait.ge [sflag:s23], $0x2800  }
0x1d1: {  	[sflag:s23] =	ssyncset.done $0x0  }
0x1d2: {  	[sflag:s23] =	ssyncadd.s32 $0xFFFFD800  }
0x1d3: {  	_ =	sfence.sel $0x180000  }
0x1d4: {  	[bflag:$0x0] =	sbarrier.arrive $0xFFFF  }
0x1d5: {  	_ =	strace $0x9000004A  }
0x1d6: {  	s0 =	stileid.u32;
	[bflag:$0x2] =	sbarrier.arrive $0xFFFF  }
0x1d7: {  	p0 =	sne.s32 s0, $0x0;
	s0 =	rddreg [dreg:$0x4]  }
0x1d8: {  	s0 =	sadd.s32 @!p0 $0x100000, s0  }
0x1d9: {  	[sflag:s0] =	ssyncadd.tile.s32 @!p0 $0x1;
	_ =	shalt  }
.Lfunc_end2:
_tile_overlayer_lowered:
.L_overlay_start_2:
0x1da: {  	(tag) =	ssettag $0x2  }
0x1db: {  	s0 =	rddreg [dreg:$0x0];
	s2 =	stileid.u32  }
0x1dc: {  	s1 =	rddreg [dreg:$0x1];
	p0 =	sne.s32 s2, $0x0  }
0x1dd: {  	s3 =	rddreg [dreg:$0x2];
	[bflag:$0x3] =	sbarrier.arrive $0xFFFF;
	s2 =	simm.s32 @!p0 $0x1C02  }
0x1de: {  	[timem:s3], [sflag:s2] =	dma.local @!p0 [hbm:s0], s1  }
0x1df: {  	s0 =	simm.s32 @!p0 $0x2  }
0x1e0: {  	_ =	swait.ge @!p0 [sflag:s0], s1  }
0x1e1: {  	s1 =	ssub.s32 @!p0 $0x0, s1;
	[sflag:s0] =	ssyncset.done @!p0 $0x0  }
0x1e2: {  	[sflag:s0] =	ssyncadd.s32 @!p0 s1  }
0x1e3: {  	[bflag:$0x3] =	sbarrier.arrive $0xFFFF  }
0x1e4: {  	_ =	shalt  }

</sc_bundles>
